<compile_context>
chip_gen: v7x
topology: tpu7x:2x2x1
jax: 0.10.2.dev20260603
libtpu: 0.0.44.dev20260713+nightly
codegen_flags: <defaults>
</compile_context>

<pallas_src>
import functools

import jax
import jax.numpy as jnp
from jax import lax
from jax.experimental import pallas as pl
from jax.experimental.pallas import tpu as pltpu
from jax.experimental.pallas import tpu_sc as plsc

_N_VOCAB = 1000000
_EMBED_DIM = 64
_BATCH = 16384

_NC = 2
_NS = 16
_NW = _NC * _NS
_BPW = _BATCH // _NW
_CH = 64
_NCH = _BPW // _CH
_BCHUNK = 128


def _w_kernel(idx_hbm, w_hbm, w_out, idx_v, rows_v, sem):
    wid = lax.axis_index("s") * _NC + lax.axis_index("c")
    base = wid * _BPW
    pltpu.sync_copy(idx_hbm.at[pl.ds(base, _BPW)], idx_v)

    for c in range(_NCH):
        def fire(g, _):
            off = pl.multiple_of(c * _CH + g * 16, 16)
            grp = idx_v[pl.ds(off, 16)]
            for k in range(16):
                r = lax.squeeze(lax.slice(grp, (k,), (k + 1,)), (0,))
                pltpu.async_copy(
                    w_hbm.at[pl.ds(r, 1)], rows_v.at[pl.ds(off + k, 1)], sem)
            return 0
        lax.fori_loop(0, _CH // 16, fire, 0)

        def drain(k, _):
            slot = c * _CH + k
            pltpu.make_async_copy(
                w_hbm.at[pl.ds(0, 1)], rows_v.at[pl.ds(slot, 1)], sem).wait()
            return 0
        lax.fori_loop(0, _CH, drain, 0)

    pltpu.sync_copy(rows_v, w_out.at[pl.ds(base, _BPW)])


def _b_kernel(idx_hbm, b_hbm, b_out, idx_v, bvals_v, sem):
    wid = lax.axis_index("s") * _NC + lax.axis_index("c")
    base = wid * _BPW
    pltpu.sync_copy(idx_hbm.at[pl.ds(base, _BPW)], idx_v)
    copies = []
    for j in range(_BPW // _BCHUNK):
        sl = pl.ds(j * _BCHUNK, _BCHUNK)
        copies.append(pltpu.async_copy(b_hbm.at[idx_v.at[sl]], bvals_v.at[sl], sem))
    for c in copies:
        c.wait()
    pltpu.sync_copy(bvals_v, b_out.at[pl.ds(base, _BPW)])


def _run_w(idx, W):
    mesh = plsc.VectorSubcoreMesh(core_axis_name="c", subcore_axis_name="s")
    run = functools.partial(
        pl.kernel,
        mesh=mesh,
        out_type=jax.ShapeDtypeStruct((_BATCH, _EMBED_DIM), jnp.float32),
        scratch_types=[
            pltpu.VMEM((_BPW,), jnp.int32),
            pltpu.VMEM((_BPW, _EMBED_DIM), jnp.float32),
            pltpu.SemaphoreType.DMA,
        ],
    )(_w_kernel)
    return run(idx, W)


def _run_b(idx, b_flat):
    mesh = plsc.VectorSubcoreMesh(core_axis_name="c", subcore_axis_name="s")
    run = functools.partial(
        pl.kernel,
        mesh=mesh,
        out_type=jax.ShapeDtypeStruct((_BATCH,), jnp.float32),
        scratch_types=[
            pltpu.VMEM((_BPW,), jnp.int32),
            pltpu.VMEM((_BPW,), jnp.float32),
            pltpu.SemaphoreType.DMA,
        ],
        compiler_params=pltpu.CompilerParams(use_tc_tiling_on_sc=False),
    )(_b_kernel)
    return run(idx, b_flat)


@jax.jit
def kernel(idx, W, b):
    idx = idx.astype(jnp.int32)
    b_out = _run_b(idx, jnp.sum(b, axis=1))
    w_out = _run_w(idx, W)
    return w_out, b_out.reshape(_BATCH, 1)

# --- scband reference (transcript-rebuilt; emitter-appended) ---
"""Pipeline reference for scband-embedding-with-bias-32066225832352 (READ-ONLY COPY).

The authoritative reference and input builder live on the scoring server;
editing this copy changes nothing except your own understanding.
"""

import jax, jax.numpy as jnp
import numpy as np

N_VOCAB = 1000000
EMBED_DIM = 64
BATCH = 16384

def setup_inputs(seed: int = 0) -> dict:
    key = jax.random.key(seed)
    k1, k2, k3 = jax.random.split(key, 3)
    idx = jax.random.randint(k1, (BATCH,), 0, N_VOCAB)
    W = jax.random.normal(k2, (N_VOCAB, EMBED_DIM), dtype=jnp.float32)
    b = jax.random.normal(k3, (N_VOCAB, 1), dtype=jnp.float32)
    return {"idx": idx, "W": W, "b": b}

def reference(idx, W, b):
    # Faithful translation of EmbeddingWithBias.forward: two embedding lookups
    w_out = jnp.take(W, idx, axis=0)
    b_out = jnp.take(b, idx, axis=0)
    return (w_out, b_out)

if __name__ == "__main__":
    import jax
    _d = setup_inputs()
    print(jax.jit(kernel)(*tuple(_d.values())))

</pallas_src>

<mosaic_0001>
#map = affine_map<(d0, d1) -> (0)>
#map1 = affine_map<(d0, d1) -> (0, 0)>
module attributes {stable_mosaic.version = 14 : i64} {
  func.func @_w_kernel(%arg0: i32, %arg1: i32, %arg2: memref<16384xi32, #tpu.memory_space<hbm>>, %arg3: memref<1000000x64xf32, #tpu.memory_space<hbm>>, %arg4: memref<16384x64xf32, #tpu.memory_space<hbm>>, %arg5: memref<512xi32, #tpu.memory_space<vmem>>, %arg6: memref<512x64xf32, #tpu.memory_space<vmem>>, %arg7: memref<!tpu.dma_semaphore, #tpu.memory_space<semaphore_mem>>) attributes {dimension_semantics = [#tpu.dimension_semantics<core_parallel>, #tpu.dimension_semantics<subcore_parallel>], iteration_bounds = array<i64: 2, 16>, scalar_prefetch = 0 : i64, scratch_operands = 3 : i64, tpu.core_type = #tpu.core_type<sc_vector_subcore>, window_params = [{transform_indices = #map}, {transform_indices = #map1}, {transform_indices = #map1}]} {
    %mul3A = arith.constant 2 : i32
    %mul3A_0 = arith.muli %arg1, %mul3A : i32
    %add3A = arith.addi %mul3A_0, %arg0 : i32
    %mul3A_1 = arith.constant 512 : i32
    %mul3A_2 = arith.muli %add3A, %mul3A_1 : i32
    "tpu.region"() ({
      %run_scoped3A = tpu.sem_alloc : memref<!tpu.dma_semaphore, #tpu.memory_space<semaphore_mem>>
      %dma_start3A = tpu.memref_slice %arg2[%mul3A_2] : memref<16384xi32, #tpu.memory_space<hbm>> -> memref<512xi32, #tpu.memory_space<hbm>>
      %dma_start3A_114 = tpu.memref_slice %arg2[%mul3A_2] : memref<16384xi32, #tpu.memory_space<hbm>> -> memref<512xi32, #tpu.memory_space<hbm>>
      tpu.enqueue_dma source(%dma_start3A_114 : memref<512xi32, #tpu.memory_space<hbm>>) target(%arg5 : memref<512xi32, #tpu.memory_space<vmem>>) target_semaphore(%run_scoped3A : memref<!tpu.dma_semaphore, #tpu.memory_space<semaphore_mem>>)
      %dma_wait3A = tpu.memref_slice %arg2[%mul3A_2] : memref<16384xi32, #tpu.memory_space<hbm>> -> memref<512xi32, #tpu.memory_space<hbm>>
      %dma_wait3A_115 = tpu.memref_slice %arg2[%mul3A_2] : memref<16384xi32, #tpu.memory_space<hbm>> -> memref<512xi32, #tpu.memory_space<hbm>>
      tpu.wait_dma2 semaphore(%run_scoped3A : memref<!tpu.dma_semaphore, #tpu.memory_space<semaphore_mem>>) src(%dma_wait3A_115 : memref<512xi32, #tpu.memory_space<hbm>>) dst(%arg5 : memref<512xi32, #tpu.memory_space<vmem>>)
      tpu.yield
    }) : () -> ()
    %scan3A = arith.constant 0 : i32
    %scan3A_3 = arith.constant 0 : i32
    %scan3A_4 = arith.constant 4 : i32
    %scan3A_5 = arith.addi %scan3A_3, %scan3A_4 : i32
    %scan3A_6 = arith.constant 1 : i32
    %scan3A_7 = scf.for %scan3A_114 = %scan3A_3 to %scan3A_5 step %scan3A_6 iter_args(%scan3A_115 = %scan3A) -> (i32)  : i32 {
      %mul3A_116 = arith.constant 16 : i32
      %mul3A_117 = arith.muli %scan3A_114, %mul3A_116 : i32
      %add3A_118 = arith.constant 0 : i32
      %add3A_119 = arith.addi %add3A_118, %mul3A_117 : i32
      %multiple_of3A = tpu.assume_multiple %add3A_119, 16 : i32
      %get3A = arith.index_cast %multiple_of3A : i32 to index
      %get3A_120 = tpu.vector_load %arg5[%get3A] {strides = array<i32>} : memref<512xi32, #tpu.memory_space<vmem>>, vector<16xi32>,
      %get3A_121 = vector.shape_cast %get3A_120 : vector<16xi32> to vector<16xi32>
      %slice3A = vector.extract_strided_slice %get3A_121 {offsets = [0], sizes = [1], strides = [1]} : vector<16xi32> to vector<1xi32>
      %squeeze3A = vector.extract %slice3A[0] : i32 from vector<1xi32>
      %add3A_122 = arith.constant 0 : i32
      %add3A_123 = arith.addi %multiple_of3A, %add3A_122 : i32
      %dma_start3A = arith.constant 0 : i32
      %dma_start3A_124 = tpu.memref_slice %arg6[%add3A_123, %dma_start3A] : memref<512x64xf32, #tpu.memory_space<vmem>> -> memref<1x64xf32, #tpu.memory_space<vmem>>
      %dma_start3A_125 = arith.constant 0 : i32
      %dma_start3A_126 = tpu.memref_slice %arg3[%squeeze3A, %dma_start3A_125] : memref<1000000x64xf32, #tpu.memory_space<hbm>> -> memref<1x64xf32, #tpu.memory_space<hbm>>
      %dma_start3A_127 = arith.constant 0 : i32
      %dma_start3A_128 = tpu.memref_slice %arg6[%add3A_123, %dma_start3A_127] : memref<512x64xf32, #tpu.memory_space<vmem>> -> memref<1x64xf32, #tpu.memory_space<vmem>>
      %dma_start3A_129 = arith.constant 0 : i32
      %dma_start3A_130 = tpu.memref_slice %arg3[%squeeze3A, %dma_start3A_129] : memref<1000000x64xf32, #tpu.memory_space<hbm>> -> memref<1x64xf32, #tpu.memory_space<hbm>>
      tpu.enqueue_dma source(%dma_start3A_130 : memref<1x64xf32, #tpu.memory_space<hbm>>) target(%dma_start3A_128 : memref<1x64xf32, #tpu.memory_space<vmem>>) target_semaphore(%arg7 : memref<!tpu.dma_semaphore, #tpu.memory_space<semaphore_mem>>)
      %slice3A_131 = vector.extract_strided_slice %get3A_121 {offsets = [1], sizes = [1], strides = [1]} : vector<16xi32> to vector<1xi32>
      %squeeze3A_132 = vector.extract %slice3A_131[0] : i32 from vector<1xi32>
      %add3A_133 = arith.constant 1 : i32
      %add3A_134 = arith.addi %multiple_of3A, %add3A_133 : i32
      %dma_start3A_135 = arith.constant 0 : i32
      %dma_start3A_136 = tpu.memref_slice %arg6[%add3A_134, %dma_start3A_135] : memref<512x64xf32, #tpu.memory_space<vmem>> -> memref<1x64xf32, #tpu.memory_space<vmem>>
      %dma_start3A_137 = arith.constant 0 : i32
      %dma_start3A_138 = tpu.memref_slice %arg3[%squeeze3A_132, %dma_start3A_137] : memref<1000000x64xf32, #tpu.memory_space<hbm>> -> memref<1x64xf32, #tpu.memory_space<hbm>>
      %dma_start3A_139 = arith.constant 0 : i32
      %dma_start3A_140 = tpu.memref_slice %arg6[%add3A_134, %dma_start3A_139] : memref<512x64xf32, #tpu.memory_space<vmem>> -> memref<1x64xf32, #tpu.memory_space<vmem>>
      %dma_start3A_141 = arith.constant 0 : i32
      %dma_start3A_142 = tpu.memref_slice %arg3[%squeeze3A_132, %dma_start3A_141] : memref<1000000x64xf32, #tpu.memory_space<hbm>> -> memref<1x64xf32, #tpu.memory_space<hbm>>
      tpu.enqueue_dma source(%dma_start3A_142 : memref<1x64xf32, #tpu.memory_space<hbm>>) target(%dma_start3A_140 : memref<1x64xf32, #tpu.memory_space<vmem>>) target_semaphore(%arg7 : memref<!tpu.dma_semaphore, #tpu.memory_space<semaphore_mem>>)
      %slice3A_143 = vector.extract_strided_slice %get3A_121 {offsets = [2], sizes = [1], strides = [1]} : vector<16xi32> to vector<1xi32>
      %squeeze3A_144 = vector.extract %slice3A_143[0] : i32 from vector<1xi32>
      %add3A_145 = arith.constant 2 : i32
      %add3A_146 = arith.addi %multiple_of3A, %add3A_145 : i32
      %dma_start3A_147 = arith.constant 0 : i32
      %dma_start3A_148 = tpu.memref_slice %arg6[%add3A_146, %dma_start3A_147] : memref<512x64xf32, #tpu.memory_space<vmem>> -> memref<1x64xf32, #tpu.memory_space<vmem>>
      %dma_start3A_149 = arith.constant 0 : i32
      %dma_start3A_150 = tpu.memref_slice %arg3[%squeeze3A_144, %dma_start3A_149] : memref<1000000x64xf32, #tpu.memory_space<hbm>> -> memref<1x64xf32, #tpu.memory_space<hbm>>
      %dma_start3A_151 = arith.constant 0 : i32
      %dma_start3A_152 = tpu.memref_slice %arg6[%add3A_146, %dma_start3A_151] : memref<512x64xf32, #tpu.memory_space<vmem>> -> memref<1x64xf32, #tpu.memory_space<vmem>>
      %dma_start3A_153 = arith.constant 0 : i32
      %dma_start3A_154 = tpu.memref_slice %arg3[%squeeze3A_144, %dma_start3A_153] : memref<1000000x64xf32, #tpu.memory_space<hbm>> -> memref<1x64xf32, #tpu.memory_space<hbm>>
      tpu.enqueue_dma source(%dma_start3A_154 : memref<1x64xf32, #tpu.memory_space<hbm>>) target(%dma_start3A_152 : memref<1x64xf32, #tpu.memory_space<vmem>>) target_semaphore(%arg7 : memref<!tpu.dma_semaphore, #tpu.memory_space<semaphore_mem>>)
      %slice3A_155 = vector.extract_strided_slice %get3A_121 {offsets = [3], sizes = [1], strides = [1]} : vector<16xi32> to vector<1xi32>
      %squeeze3A_156 = vector.extract %slice3A_155[0] : i32 from vector<1xi32>
      %add3A_157 = arith.constant 3 : i32
      %add3A_158 = arith.addi %multiple_of3A, %add3A_157 : i32
      %dma_start3A_159 = arith.constant 0 : i32
      %dma_start3A_160 = tpu.memref_slice %arg6[%add3A_158, %dma_start3A_159] : memref<512x64xf32, #tpu.memory_space<vmem>> -> memref<1x64xf32, #tpu.memory_space<vmem>>
      %dma_start3A_161 = arith.constant 0 : i32
      %dma_start3A_162 = tpu.memref_slice %arg3[%squeeze3A_156, %dma_start3A_161] : memref<1000000x64xf32, #tpu.memory_space<hbm>> -> memref<1x64xf32, #tpu.memory_space<hbm>>
      %dma_start3A_163 = arith.constant 0 : i32
      %dma_start3A_164 = tpu.memref_slice %arg6[%add3A_158, %dma_start3A_163] : memref<512x64xf32, #tpu.memory_space<vmem>> -> memref<1x64xf32, #tpu.memory_space<vmem>>
      %dma_start3A_165 = arith.constant 0 : i32
      %dma_start3A_166 = tpu.memref_slice %arg3[%squeeze3A_156, %dma_start3A_165] : memref<1000000x64xf32, #tpu.memory_space<hbm>> -> memref<1x64xf32, #tpu.memory_space<hbm>>
      tpu.enqueue_dma source(%dma_start3A_166 : memref<1x64xf32, #tpu.memory_space<hbm>>) target(%dma_start3A_164 : memref<1x64xf32, #tpu.memory_space<vmem>>) target_semaphore(%arg7 : memref<!tpu.dma_semaphore, #tpu.memory_space<semaphore_mem>>)
      %slice3A_167 = vector.extract_strided_slice %get3A_121 {offsets = [4], sizes = [1], strides = [1]} : vector<16xi32> to vector<1xi32>
      %squeeze3A_168 = vector.extract %slice3A_167[0] : i32 from vector<1xi32>
      %add3A_169 = arith.constant 4 : i32
      %add3A_170 = arith.addi %multiple_of3A, %add3A_169 : i32
      %dma_start3A_171 = arith.constant 0 : i32
      %dma_start3A_172 = tpu.memref_slice %arg6[%add3A_170, %dma_start3A_171] : memref<512x64xf32, #tpu.memory_space<vmem>> -> memref<1x64xf32, #tpu.memory_space<vmem>>
      %dma_start3A_173 = arith.constant 0 : i32
      %dma_start3A_174 = tpu.memref_slice %arg3[%squeeze3A_168, %dma_start3A_173] : memref<1000000x64xf32, #tpu.memory_space<hbm>> -> memref<1x64xf32, #tpu.memory_space<hbm>>
      %dma_start3A_175 = arith.constant 0 : i32
      %dma_start3A_176 = tpu.memref_slice %arg6[%add3A_170, %dma_start3A_175] : memref<512x64xf32, #tpu.memory_space<vmem>> -> memref<1x64xf32, #tpu.memory_space<vmem>>
      %dma_start3A_177 = arith.constant 0 : i32
      %dma_start3A_178 = tpu.memref_slice %arg3[%squeeze3A_168, %dma_start3A_177] : memref<1000000x64xf32, #tpu.memory_space<hbm>> -> memref<1x64xf32, #tpu.memory_space<hbm>>
      tpu.enqueue_dma source(%dma_start3A_178 : memref<1x64xf32, #tpu.memory_space<hbm>>) target(%dma_start3A_176 : memref<1x64xf32, #tpu.memory_space<vmem>>) target_semaphore(%arg7 : memref<!tpu.dma_semaphore, #tpu.memory_space<semaphore_mem>>)
      %slice3A_179 = vector.extract_strided_slice %get3A_121 {offsets = [5], sizes = [1], strides = [1]} : vector<16xi32> to vector<1xi32>
      %squeeze3A_180 = vector.extract %slice3A_179[0] : i32 from vector<1xi32>
      %add3A_181 = arith.constant 5 : i32
      %add3A_182 = arith.addi %multiple_of3A, %add3A_181 : i32
      %dma_start3A_183 = arith.constant 0 : i32
      %dma_start3A_184 = tpu.memref_slice %arg6[%add3A_182, %dma_start3A_183] : memref<512x64xf32, #tpu.memory_space<vmem>> -> memref<1x64xf32, #tpu.memory_space<vmem>>
      %dma_start3A_185 = arith.constant 0 : i32
      %dma_start3A_186 = tpu.memref_slice %arg3[%squeeze3A_180, %dma_start3A_185] : memref<1000000x64xf32, #tpu.memory_space<hbm>> -> memref<1x64xf32, #tpu.memory_space<hbm>>
      %dma_start3A_187 = arith.constant 0 : i32
      %dma_start3A_188 = tpu.memref_slice %arg6[%add3A_182, %dma_start3A_187] : memref<512x64xf32, #tpu.memory_space<vmem>> -> memref<1x64xf32, #tpu.memory_space<vmem>>
      %dma_start3A_189 = arith.constant 0 : i32
      %dma_start3A_190 = tpu.memref_slice %arg3[%squeeze3A_180, %dma_start3A_189] : memref<1000000x64xf32, #tpu.memory_space<hbm>> -> memref<1x64xf32, #tpu.memory_space<hbm>>
      tpu.enqueue_dma source(%dma_start3A_190 : memref<1x64xf32, #tpu.memory_space<hbm>>) target(%dma_start3A_188 : memref<1x64xf32, #tpu.memory_space<vmem>>) target_semaphore(%arg7 : memref<!tpu.dma_semaphore, #tpu.memory_space<semaphore_mem>>)
      %slice3A_191 = vector.extract_strided_slice %get3A_121 {offsets = [6], sizes = [1], strides = [1]} : vector<16xi32> to vector<1xi32>
      %squeeze3A_192 = vector.extract %slice3A_191[0] : i32 from vector<1xi32>
      %add3A_193 = arith.constant 6 : i32
      %add3A_194 = arith.addi %multiple_of3A, %add3A_193 : i32
      %dma_start3A_195 = arith.constant 0 : i32
      %dma_start3A_196 = tpu.memref_slice %arg6[%add3A_194, %dma_start3A_195] : memref<512x64xf32, #tpu.memory_space<vmem>> -> memref<1x64xf32, #tpu.memory_space<vmem>>
      %dma_start3A_197 = arith.constant 0 : i32
      %dma_start3A_198 = tpu.memref_slice %arg3[%squeeze3A_192, %dma_start3A_197] : memref<1000000x64xf32, #tpu.memory_space<hbm>> -> memref<1x64xf32, #tpu.memory_space<hbm>>
      %dma_start3A_199 = arith.constant 0 : i32
      %dma_start3A_200 = tpu.memref_slice %arg6[%add3A_194, %dma_start3A_199] : memref<512x64xf32, #tpu.memory_space<vmem>> -> memref<1x64xf32, #tpu.memory_space<vmem>>
      %dma_start3A_201 = arith.constant 0 : i32
      %dma_start3A_202 = tpu.memref_slice %arg3[%squeeze3A_192, %dma_start3A_201] : memref<1000000x64xf32, #tpu.memory_space<hbm>> -> memref<1x64xf32, #tpu.memory_space<hbm>>
      tpu.enqueue_dma source(%dma_start3A_202 : memref<1x64xf32, #tpu.memory_space<hbm>>) target(%dma_start3A_200 : memref<1x64xf32, #tpu.memory_space<vmem>>) target_semaphore(%arg7 : memref<!tpu.dma_semaphore, #tpu.memory_space<semaphore_mem>>)
      %slice3A_203 = vector.extract_strided_slice %get3A_121 {offsets = [7], sizes = [1], strides = [1]} : vector<16xi32> to vector<1xi32>
      %squeeze3A_204 = vector.extract %slice3A_203[0] : i32 from vector<1xi32>
      %add3A_205 = arith.constant 7 : i32
      %add3A_206 = arith.addi %multiple_of3A, %add3A_205 : i32
      %dma_start3A_207 = arith.constant 0 : i32
      %dma_start3A_208 = tpu.memref_slice %arg6[%add3A_206, %dma_start3A_207] : memref<512x64xf32, #tpu.memory_space<vmem>> -> memref<1x64xf32, #tpu.memory_space<vmem>>
      %dma_start3A_209 = arith.constant 0 : i32
      %dma_start3A_210 = tpu.memref_slice %arg3[%squeeze3A_204, %dma_start3A_209] : memref<1000000x64xf32, #tpu.memory_space<hbm>> -> memref<1x64xf32, #tpu.memory_space<hbm>>
      %dma_start3A_211 = arith.constant 0 : i32
      %dma_start3A_212 = tpu.memref_slice %arg6[%add3A_206, %dma_start3A_211] : memref<512x64xf32, #tpu.memory_space<vmem>> -> memref<1x64xf32, #tpu.memory_space<vmem>>
      %dma_start3A_213 = arith.constant 0 : i32
      %dma_start3A_214 = tpu.memref_slice %arg3[%squeeze3A_204, %dma_start3A_213] : memref<1000000x64xf32, #tpu.memory_space<hbm>> -> memref<1x64xf32, #tpu.memory_space<hbm>>
      tpu.enqueue_dma source(%dma_start3A_214 : memref<1x64xf32, #tpu.memory_space<hbm>>) target(%dma_start3A_212 : memref<1x64xf32, #tpu.memory_space<vmem>>) target_semaphore(%arg7 : memref<!tpu.dma_semaphore, #tpu.memory_space<semaphore_mem>>)
      %slice3A_215 = vector.extract_strided_slice %get3A_121 {offsets = [8], sizes = [1], strides = [1]} : vector<16xi32> to vector<1xi32>
      %squeeze3A_216 = vector.extract %slice3A_215[0] : i32 from vector<1xi32>
      %add3A_217 = arith.constant 8 : i32
      %add3A_218 = arith.addi %multiple_of3A, %add3A_217 : i32
      %dma_start3A_219 = arith.constant 0 : i32
      %dma_start3A_220 = tpu.memref_slice %arg6[%add3A_218, %dma_start3A_219] : memref<512x64xf32, #tpu.memory_space<vmem>> -> memref<1x64xf32, #tpu.memory_space<vmem>>
      %dma_start3A_221 = arith.constant 0 : i32
      %dma_start3A_222 = tpu.memref_slice %arg3[%squeeze3A_216, %dma_start3A_221] : memref<1000000x64xf32, #tpu.memory_space<hbm>> -> memref<1x64xf32, #tpu.memory_space<hbm>>
      %dma_start3A_223 = arith.constant 0 : i32
      %dma_start3A_224 = tpu.memref_slice %arg6[%add3A_218, %dma_start3A_223] : memref<512x64xf32, #tpu.memory_space<vmem>> -> memref<1x64xf32, #tpu.memory_space<vmem>>
      %dma_start3A_225 = arith.constant 0 : i32
      %dma_start3A_226 = tpu.memref_slice %arg3[%squeeze3A_216, %dma_start3A_225] : memref<1000000x64xf32, #tpu.memory_space<hbm>> -> memref<1x64xf32, #tpu.memory_space<hbm>>
      tpu.enqueue_dma source(%dma_start3A_226 : memref<1x64xf32, #tpu.memory_space<hbm>>) target(%dma_start3A_224 : memref<1x64xf32, #tpu.memory_space<vmem>>) target_semaphore(%arg7 : memref<!tpu.dma_semaphore, #tpu.memory_space<semaphore_mem>>)
      %slice3A_227 = vector.extract_strided_slice %get3A_121 {offsets = [9], sizes = [1], strides = [1]} : vector<16xi32> to vector<1xi32>
      %squeeze3A_228 = vector.extract %slice3A_227[0] : i32 from vector<1xi32>
      %add3A_229 = arith.constant 9 : i32
      %add3A_230 = arith.addi %multiple_of3A, %add3A_229 : i32
      %dma_start3A_231 = arith.constant 0 : i32
      %dma_start3A_232 = tpu.memref_slice %arg6[%add3A_230, %dma_start3A_231] : memref<512x64xf32, #tpu.memory_space<vmem>> -> memref<1x64xf32, #tpu.memory_space<vmem>>
      %dma_start3A_233 = arith.constant 0 : i32
      %dma_start3A_234 = tpu.memref_slice %arg3[%squeeze3A_228, %dma_start3A_233] : memref<1000000x64xf32, #tpu.memory_space<hbm>> -> memref<1x64xf32, #tpu.memory_space<hbm>>
      %dma_start3A_235 = arith.constant 0 : i32
      %dma_start3A_236 = tpu.memref_slice %arg6[%add3A_230, %dma_start3A_235] : memref<512x64xf32, #tpu.memory_space<vmem>> -> memref<1x64xf32, #tpu.memory_space<vmem>>
      %dma_start3A_237 = arith.constant 0 : i32
      %dma_start3A_238 = tpu.memref_slice %arg3[%squeeze3A_228, %dma_start3A_237] : memref<1000000x64xf32, #tpu.memory_space<hbm>> -> memref<1x64xf32, #tpu.memory_space<hbm>>
      tpu.enqueue_dma source(%dma_start3A_238 : memref<1x64xf32, #tpu.memory_space<hbm>>) target(%dma_start3A_236 : memref<1x64xf32, #tpu.memory_space<vmem>>) target_semaphore(%arg7 : memref<!tpu.dma_semaphore, #tpu.memory_space<semaphore_mem>>)
      %slice3A_239 = vector.extract_strided_slice %get3A_121 {offsets = [10], sizes = [1], strides = [1]} : vector<16xi32> to vector<1xi32>
      %squeeze3A_240 = vector.extract %slice3A_239[0] : i32 from vector<1xi32>
      %add3A_241 = arith.constant 10 : i32
      %add3A_242 = arith.addi %multiple_of3A, %add3A_241 : i32
      %dma_start3A_243 = arith.constant 0 : i32
      %dma_start3A_244 = tpu.memref_slice %arg6[%add3A_242, %dma_start3A_243] : memref<512x64xf32, #tpu.memory_space<vmem>> -> memref<1x64xf32, #tpu.memory_space<vmem>>
      %dma_start3A_245 = arith.constant 0 : i32
      %dma_start3A_246 = tpu.memref_slice %arg3[%squeeze3A_240, %dma_start3A_245] : memref<1000000x64xf32, #tpu.memory_space<hbm>> -> memref<1x64xf32, #tpu.memory_space<hbm>>
      %dma_start3A_247 = arith.constant 0 : i32
      %dma_start3A_248 = tpu.memref_slice %arg6[%add3A_242, %dma_start3A_247] : memref<512x64xf32, #tpu.memory_space<vmem>> -> memref<1x64xf32, #tpu.memory_space<vmem>>
      %dma_start3A_249 = arith.constant 0 : i32
      %dma_start3A_250 = tpu.memref_slice %arg3[%squeeze3A_240, %dma_start3A_249] : memref<1000000x64xf32, #tpu.memory_space<hbm>> -> memref<1x64xf32, #tpu.memory_space<hbm>>
      tpu.enqueue_dma source(%dma_start3A_250 : memref<1x64xf32, #tpu.memory_space<hbm>>) target(%dma_start3A_248 : memref<1x64xf32, #tpu.memory_space<vmem>>) target_semaphore(%arg7 : memref<!tpu.dma_semaphore, #tpu.memory_space<semaphore_mem>>)
      %slice3A_251 = vector.extract_strided_slice %get3A_121 {offsets = [11], sizes = [1], strides = [1]} : vector<16xi32> to vector<1xi32>
      %squeeze3A_252 = vector.extract %slice3A_251[0] : i32 from vector<1xi32>
      %add3A_253 = arith.constant 11 : i32
      %add3A_254 = arith.addi %multiple_of3A, %add3A_253 : i32
      %dma_start3A_255 = arith.constant 0 : i32
      %dma_start3A_256 = tpu.memref_slice %arg6[%add3A_254, %dma_start3A_255] : memref<512x64xf32, #tpu.memory_space<vmem>> -> memref<1x64xf32, #tpu.memory_space<vmem>>
      %dma_start3A_257 = arith.constant 0 : i32
      %dma_start3A_258 = tpu.memref_slice %arg3[%squeeze3A_252, %dma_start3A_257] : memref<1000000x64xf32, #tpu.memory_space<hbm>> -> memref<1x64xf32, #tpu.memory_space<hbm>>
      %dma_start3A_259 = arith.constant 0 : i32
      %dma_start3A_260 = tpu.memref_slice %arg6[%add3A_254, %dma_start3A_259] : memref<512x64xf32, #tpu.memory_space<vmem>> -> memref<1x64xf32, #tpu.memory_space<vmem>>
      %dma_start3A_261 = arith.constant 0 : i32
      %dma_start3A_262 = tpu.memref_slice %arg3[%squeeze3A_252, %dma_start3A_261] : memref<1000000x64xf32, #tpu.memory_space<hbm>> -> memref<1x64xf32, #tpu.memory_space<hbm>>
      tpu.enqueue_dma source(%dma_start3A_262 : memref<1x64xf32, #tpu.memory_space<hbm>>) target(%dma_start3A_260 : memref<1x64xf32, #tpu.memory_space<vmem>>) target_semaphore(%arg7 : memref<!tpu.dma_semaphore, #tpu.memory_space<semaphore_mem>>)
      %slice3A_263 = vector.extract_strided_slice %get3A_121 {offsets = [12], sizes = [1], strides = [1]} : vector<16xi32> to vector<1xi32>
      %squeeze3A_264 = vector.extract %slice3A_263[0] : i32 from vector<1xi32>
      %add3A_265 = arith.constant 12 : i32
      %add3A_266 = arith.addi %multiple_of3A, %add3A_265 : i32
      %dma_start3A_267 = arith.constant 0 : i32
      %dma_start3A_268 = tpu.memref_slice %arg6[%add3A_266, %dma_start3A_267] : memref<512x64xf32, #tpu.memory_space<vmem>> -> memref<1x64xf32, #tpu.memory_space<vmem>>
      %dma_start3A_269 = arith.constant 0 : i32
      %dma_start3A_270 = tpu.memref_slice %arg3[%squeeze3A_264, %dma_start3A_269] : memref<1000000x64xf32, #tpu.memory_space<hbm>> -> memref<1x64xf32, #tpu.memory_space<hbm>>
      %dma_start3A_271 = arith.constant 0 : i32
      %dma_start3A_272 = tpu.memref_slice %arg6[%add3A_266, %dma_start3A_271] : memref<512x64xf32, #tpu.memory_space<vmem>> -> memref<1x64xf32, #tpu.memory_space<vmem>>
      %dma_start3A_273 = arith.constant 0 : i32
      %dma_start3A_274 = tpu.memref_slice %arg3[%squeeze3A_264, %dma_start3A_273] : memref<1000000x64xf32, #tpu.memory_space<hbm>> -> memref<1x64xf32, #tpu.memory_space<hbm>>
      tpu.enqueue_dma source(%dma_start3A_274 : memref<1x64xf32, #tpu.memory_space<hbm>>) target(%dma_start3A_272 : memref<1x64xf32, #tpu.memory_space<vmem>>) target_semaphore(%arg7 : memref<!tpu.dma_semaphore, #tpu.memory_space<semaphore_mem>>)
      %slice3A_275 = vector.extract_strided_slice %get3A_121 {offsets = [13], sizes = [1], strides = [1]} : vector<16xi32> to vector<1xi32>
      %squeeze3A_276 = vector.extract %slice3A_275[0] : i32 from vector<1xi32>
      %add3A_277 = arith.constant 13 : i32
      %add3A_278 = arith.addi %multiple_of3A, %add3A_277 : i32
      %dma_start3A_279 = arith.constant 0 : i32
      %dma_start3A_280 = tpu.memref_slice %arg6[%add3A_278, %dma_start3A_279] : memref<512x64xf32, #tpu.memory_space<vmem>> -> memref<1x64xf32, #tpu.memory_space<vmem>>
      %dma_start3A_281 = arith.constant 0 : i32
      %dma_start3A_282 = tpu.memref_slice %arg3[%squeeze3A_276, %dma_start3A_281] : memref<1000000x64xf32, #tpu.memory_space<hbm>> -> memref<1x64xf32, #tpu.memory_space<hbm>>
      %dma_start3A_283 = arith.constant 0 : i32
      %dma_start3A_284 = tpu.memref_slice %arg6[%add3A_278, %dma_start3A_283] : memref<512x64xf32, #tpu.memory_space<vmem>> -> memref<1x64xf32, #tpu.memory_space<vmem>>
      %dma_start3A_285 = arith.constant 0 : i32
      %dma_start3A_286 = tpu.memref_slice %arg3[%squeeze3A_276, %dma_start3A_285] : memref<1000000x64xf32, #tpu.memory_space<hbm>> -> memref<1x64xf32, #tpu.memory_space<hbm>>
      tpu.enqueue_dma source(%dma_start3A_286 : memref<1x64xf32, #tpu.memory_space<hbm>>) target(%dma_start3A_284 : memref<1x64xf32, #tpu.memory_space<vmem>>) target_semaphore(%arg7 : memref<!tpu.dma_semaphore, #tpu.memory_space<semaphore_mem>>)
      %slice3A_287 = vector.extract_strided_slice %get3A_121 {offsets = [14], sizes = [1], strides = [1]} : vector<16xi32> to vector<1xi32>
      %squeeze3A_288 = vector.extract %slice3A_287[0] : i32 from vector<1xi32>
      %add3A_289 = arith.constant 14 : i32
      %add3A_290 = arith.addi %multiple_of3A, %add3A_289 : i32
      %dma_start3A_291 = arith.constant 0 : i32
      %dma_start3A_292 = tpu.memref_slice %arg6[%add3A_290, %dma_start3A_291] : memref<512x64xf32, #tpu.memory_space<vmem>> -> memref<1x64xf32, #tpu.memory_space<vmem>>
      %dma_start3A_293 = arith.constant 0 : i32
      %dma_start3A_294 = tpu.memref_slice %arg3[%squeeze3A_288, %dma_start3A_293] : memref<1000000x64xf32, #tpu.memory_space<hbm>> -> memref<1x64xf32, #tpu.memory_space<hbm>>
      %dma_start3A_295 = arith.constant 0 : i32
      %dma_start3A_296 = tpu.memref_slice %arg6[%add3A_290, %dma_start3A_295] : memref<512x64xf32, #tpu.memory_space<vmem>> -> memref<1x64xf32, #tpu.memory_space<vmem>>
      %dma_start3A_297 = arith.constant 0 : i32
      %dma_start3A_298 = tpu.memref_slice %arg3[%squeeze3A_288, %dma_start3A_297] : memref<1000000x64xf32, #tpu.memory_space<hbm>> -> memref<1x64xf32, #tpu.memory_space<hbm>>
      tpu.enqueue_dma source(%dma_start3A_298 : memref<1x64xf32, #tpu.memory_space<hbm>>) target(%dma_start3A_296 : memref<1x64xf32, #tpu.memory_space<vmem>>) target_semaphore(%arg7 : memref<!tpu.dma_semaphore, #tpu.memory_space<semaphore_mem>>)
      %slice3A_299 = vector.extract_strided_slice %get3A_121 {offsets = [15], sizes = [1], strides = [1]} : vector<16xi32> to vector<1xi32>
      %squeeze3A_300 = vector.extract %slice3A_299[0] : i32 from vector<1xi32>
      %add3A_301 = arith.constant 15 : i32
      %add3A_302 = arith.addi %multiple_of3A, %add3A_301 : i32
      %dma_start3A_303 = arith.constant 0 : i32
      %dma_start3A_304 = tpu.memref_slice %arg6[%add3A_302, %dma_start3A_303] : memref<512x64xf32, #tpu.memory_space<vmem>> -> memref<1x64xf32, #tpu.memory_space<vmem>>
      %dma_start3A_305 = arith.constant 0 : i32
      %dma_start3A_306 = tpu.memref_slice %arg3[%squeeze3A_300, %dma_start3A_305] : memref<1000000x64xf32, #tpu.memory_space<hbm>> -> memref<1x64xf32, #tpu.memory_space<hbm>>
      %dma_start3A_307 = arith.constant 0 : i32
      %dma_start3A_308 = tpu.memref_slice %arg6[%add3A_302, %dma_start3A_307] : memref<512x64xf32, #tpu.memory_space<vmem>> -> memref<1x64xf32, #tpu.memory_space<vmem>>
      %dma_start3A_309 = arith.constant 0 : i32
      %dma_start3A_310 = tpu.memref_slice %arg3[%squeeze3A_300, %dma_start3A_309] : memref<1000000x64xf32, #tpu.memory_space<hbm>> -> memref<1x64xf32, #tpu.memory_space<hbm>>
      tpu.enqueue_dma source(%dma_start3A_310 : memref<1x64xf32, #tpu.memory_space<hbm>>) target(%dma_start3A_308 : memref<1x64xf32, #tpu.memory_space<vmem>>) target_semaphore(%arg7 : memref<!tpu.dma_semaphore, #tpu.memory_space<semaphore_mem>>)
      %scan3A_311 = arith.constant 0 : i32
      scf.yield %scan3A_311 : i32
    }
    %scan3A_8 = arith.constant 4 : i32
    %scan3A_9 = arith.constant 0 : i32
    %scan3A_10 = arith.constant 0 : i32
    %scan3A_11 = arith.constant 64 : i32
    %scan3A_12 = arith.addi %scan3A_10, %scan3A_11 : i32
    %scan3A_13 = arith.constant 1 : i32
    %scan3A_14 = scf.for %scan3A_114 = %scan3A_10 to %scan3A_12 step %scan3A_13 iter_args(%scan3A_115 = %scan3A_9) -> (i32)  : i32 {
      %add3A_116 = arith.constant 0 : i32
      %add3A_117 = arith.addi %add3A_116, %scan3A_114 : i32
      %dma_wait3A = arith.constant 0 : i32
      %dma_wait3A_118 = tpu.memref_slice %arg6[%add3A_117, %dma_wait3A] : memref<512x64xf32, #tpu.memory_space<vmem>> -> memref<1x64xf32, #tpu.memory_space<vmem>>
      %dma_wait3A_119 = arith.constant 0 : i32
      %dma_wait3A_120 = arith.constant 0 : i32
      %dma_wait3A_121 = tpu.memref_slice %arg3[%dma_wait3A_119, %dma_wait3A_120] : memref<1000000x64xf32, #tpu.memory_space<hbm>> -> memref<1x64xf32, #tpu.memory_space<hbm>>
      %dma_wait3A_122 = arith.constant 0 : i32
      %dma_wait3A_123 = tpu.memref_slice %arg6[%add3A_117, %dma_wait3A_122] : memref<512x64xf32, #tpu.memory_space<vmem>> -> memref<1x64xf32, #tpu.memory_space<vmem>>
      %dma_wait3A_124 = arith.constant 0 : i32
      %dma_wait3A_125 = arith.constant 0 : i32
      %dma_wait3A_126 = tpu.memref_slice %arg3[%dma_wait3A_124, %dma_wait3A_125] : memref<1000000x64xf32, #tpu.memory_space<hbm>> -> memref<1x64xf32, #tpu.memory_space<hbm>>
      tpu.wait_dma2 semaphore(%arg7 : memref<!tpu.dma_semaphore, #tpu.memory_space<semaphore_mem>>) src(%dma_wait3A_126 : memref<1x64xf32, #tpu.memory_space<hbm>>) dst(%dma_wait3A_123 : memref<1x64xf32, #tpu.memory_space<vmem>>)
      %scan3A_127 = arith.constant 0 : i32
      scf.yield %scan3A_127 : i32
    }
    %scan3A_15 = arith.constant 64 : i32
    %scan3A_16 = arith.constant 0 : i32
    %scan3A_17 = arith.constant 0 : i32
    %scan3A_18 = arith.constant 4 : i32
    %scan3A_19 = arith.addi %scan3A_17, %scan3A_18 : i32
    %scan3A_20 = arith.constant 1 : i32
    %scan3A_21 = scf.for %scan3A_114 = %scan3A_17 to %scan3A_19 step %scan3A_20 iter_args(%scan3A_115 = %scan3A_16) -> (i32)  : i32 {
      %mul3A_116 = arith.constant 16 : i32
      %mul3A_117 = arith.muli %scan3A_114, %mul3A_116 : i32
      %add3A_118 = arith.constant 64 : i32
      %add3A_119 = arith.addi %add3A_118, %mul3A_117 : i32
      %multiple_of3A = tpu.assume_multiple %add3A_119, 16 : i32
      %get3A = arith.index_cast %multiple_of3A : i32 to index
      %get3A_120 = tpu.vector_load %arg5[%get3A] {strides = array<i32>} : memref<512xi32, #tpu.memory_space<vmem>>, vector<16xi32>,
      %get3A_121 = vector.shape_cast %get3A_120 : vector<16xi32> to vector<16xi32>
      %slice3A = vector.extract_strided_slice %get3A_121 {offsets = [0], sizes = [1], strides = [1]} : vector<16xi32> to vector<1xi32>
      %squeeze3A = vector.extract %slice3A[0] : i32 from vector<1xi32>
      %add3A_122 = arith.constant 0 : i32
      %add3A_123 = arith.addi %multiple_of3A, %add3A_122 : i32
      %dma_start3A = arith.constant 0 : i32
      %dma_start3A_124 = tpu.memref_slice %arg6[%add3A_123, %dma_start3A] : memref<512x64xf32, #tpu.memory_space<vmem>> -> memref<1x64xf32, #tpu.memory_space<vmem>>
      %dma_start3A_125 = arith.constant 0 : i32
      %dma_start3A_126 = tpu.memref_slice %arg3[%squeeze3A, %dma_start3A_125] : memref<1000000x64xf32, #tpu.memory_space<hbm>> -> memref<1x64xf32, #tpu.memory_space<hbm>>
      %dma_start3A_127 = arith.constant 0 : i32
      %dma_start3A_128 = tpu.memref_slice %arg6[%add3A_123, %dma_start3A_127] : memref<512x64xf32, #tpu.memory_space<vmem>> -> memref<1x64xf32, #tpu.memory_space<vmem>>
      %dma_start3A_129 = arith.constant 0 : i32
      %dma_start3A_130 = tpu.memref_slice %arg3[%squeeze3A, %dma_start3A_129] : memref<1000000x64xf32, #tpu.memory_space<hbm>> -> memref<1x64xf32, #tpu.memory_space<hbm>>
      tpu.enqueue_dma source(%dma_start3A_130 : memref<1x64xf32, #tpu.memory_space<hbm>>) target(%dma_start3A_128 : memref<1x64xf32, #tpu.memory_space<vmem>>) target_semaphore(%arg7 : memref<!tpu.dma_semaphore, #tpu.memory_space<semaphore_mem>>)
      %slice3A_131 = vector.extract_strided_slice %get3A_121 {offsets = [1], sizes = [1], strides = [1]} : vector<16xi32> to vector<1xi32>
      %squeeze3A_132 = vector.extract %slice3A_131[0] : i32 from vector<1xi32>
      %add3A_133 = arith.constant 1 : i32
      %add3A_134 = arith.addi %multiple_of3A, %add3A_133 : i32
      %dma_start3A_135 = arith.constant 0 : i32
      %dma_start3A_136 = tpu.memref_slice %arg6[%add3A_134, %dma_start3A_135] : memref<512x64xf32, #tpu.memory_space<vmem>> -> memref<1x64xf32, #tpu.memory_space<vmem>>
      %dma_start3A_137 = arith.constant 0 : i32
      %dma_start3A_138 = tpu.memref_slice %arg3[%squeeze3A_132, %dma_start3A_137] : memref<1000000x64xf32, #tpu.memory_space<hbm>> -> memref<1x64xf32, #tpu.memory_space<hbm>>
      %dma_start3A_139 = arith.constant 0 : i32
      %dma_start3A_140 = tpu.memref_slice %arg6[%add3A_134, %dma_start3A_139] : memref<512x64xf32, #tpu.memory_space<vmem>> -> memref<1x64xf32, #tpu.memory_space<vmem>>
      %dma_start3A_141 = arith.constant 0 : i32
      %dma_start3A_142 = tpu.memref_slice %arg3[%squeeze3A_132, %dma_start3A_141] : memref<1000000x64xf32, #tpu.memory_space<hbm>> -> memref<1x64xf32, #tpu.memory_space<hbm>>
      tpu.enqueue_dma source(%dma_start3A_142 : memref<1x64xf32, #tpu.memory_space<hbm>>) target(%dma_start3A_140 : memref<1x64xf32, #tpu.memory_space<vmem>>) target_semaphore(%arg7 : memref<!tpu.dma_semaphore, #tpu.memory_space<semaphore_mem>>)
      %slice3A_143 = vector.extract_strided_slice %get3A_121 {offsets = [2], sizes = [1], strides = [1]} : vector<16xi32> to vector<1xi32>
      %squeeze3A_144 = vector.extract %slice3A_143[0] : i32 from vector<1xi32>
      %add3A_145 = arith.constant 2 : i32
      %add3A_146 = arith.addi %multiple_of3A, %add3A_145 : i32
      %dma_start3A_147 = arith.constant 0 : i32
      %dma_start3A_148 = tpu.memref_slice %arg6[%add3A_146, %dma_start3A_147] : memref<512x64xf32, #tpu.memory_space<vmem>> -> memref<1x64xf32, #tpu.memory_space<vmem>>
      %dma_start3A_149 = arith.constant 0 : i32
      %dma_start3A_150 = tpu.memref_slice %arg3[%squeeze3A_144, %dma_start3A_149] : memref<1000000x64xf32, #tpu.memory_space<hbm>> -> memref<1x64xf32, #tpu.memory_space<hbm>>
      %dma_start3A_151 = arith.constant 0 : i32
      %dma_start3A_152 = tpu.memref_slice %arg6[%add3A_146, %dma_start3A_151] : memref<512x64xf32, #tpu.memory_space<vmem>> -> memref<1x64xf32, #tpu.memory_space<vmem>>
      %dma_start3A_153 = arith.constant 0 : i32
      %dma_start3A_154 = tpu.memref_slice %arg3[%squeeze3A_144, %dma_start3A_153] : memref<1000000x64xf32, #tpu.memory_space<hbm>> -> memref<1x64xf32, #tpu.memory_space<hbm>>
      tpu.enqueue_dma source(%dma_start3A_154 : memref<1x64xf32, #tpu.memory_space<hbm>>) target(%dma_start3A_152 : memref<1x64xf32, #tpu.memory_space<vmem>>) target_semaphore(%arg7 : memref<!tpu.dma_semaphore, #tpu.memory_space<semaphore_mem>>)
      %slice3A_155 = vector.extract_strided_slice %get3A_121 {offsets = [3], sizes = [1], strides = [1]} : vector<16xi32> to vector<1xi32>
      %squeeze3A_156 = vector.extract %slice3A_155[0] : i32 from vector<1xi32>
      %add3A_157 = arith.constant 3 : i32
      %add3A_158 = arith.addi %multiple_of3A, %add3A_157 : i32
      %dma_start3A_159 = arith.constant 0 : i32
      %dma_start3A_160 = tpu.memref_slice %arg6[%add3A_158, %dma_start3A_159] : memref<512x64xf32, #tpu.memory_space<vmem>> -> memref<1x64xf32, #tpu.memory_space<vmem>>
      %dma_start3A_161 = arith.constant 0 : i32
      %dma_start3A_162 = tpu.memref_slice %arg3[%squeeze3A_156, %dma_start3A_161] : memref<1000000x64xf32, #tpu.memory_space<hbm>> -> memref<1x64xf32, #tpu.memory_space<hbm>>
      %dma_start3A_163 = arith.constant 0 : i32
      %dma_start3A_164 = tpu.memref_slice %arg6[%add3A_158, %dma_start3A_163] : memref<512x64xf32, #tpu.memory_space<vmem>> -> memref<1x64xf32, #tpu.memory_space<vmem>>
      %dma_start3A_165 = arith.constant 0 : i32
      %dma_start3A_166 = tpu.memref_slice %arg3[%squeeze3A_156, %dma_start3A_165] : memref<1000000x64xf32, #tpu.memory_space<hbm>> -> memref<1x64xf32, #tpu.memory_space<hbm>>
      tpu.enqueue_dma source(%dma_start3A_166 : memref<1x64xf32, #tpu.memory_space<hbm>>) target(%dma_start3A_164 : memref<1x64xf32, #tpu.memory_space<vmem>>) target_semaphore(%arg7 : memref<!tpu.dma_semaphore, #tpu.memory_space<semaphore_mem>>)
      %slice3A_167 = vector.extract_strided_slice %get3A_121 {offsets = [4], sizes = [1], strides = [1]} : vector<16xi32> to vector<1xi32>
      %squeeze3A_168 = vector.extract %slice3A_167[0] : i32 from vector<1xi32>
      %add3A_169 = arith.constant 4 : i32
      %add3A_170 = arith.addi %multiple_of3A, %add3A_169 : i32
      %dma_start3A_171 = arith.constant 0 : i32
      %dma_start3A_172 = tpu.memref_slice %arg6[%add3A_170, %dma_start3A_171] : memref<512x64xf32, #tpu.memory_space<vmem>> -> memref<1x64xf32, #tpu.memory_space<vmem>>
      %dma_start3A_173 = arith.constant 0 : i32
      %dma_start3A_174 = tpu.memref_slice %arg3[%squeeze3A_168, %dma_start3A_173] : memref<1000000x64xf32, #tpu.memory_space<hbm>> -> memref<1x64xf32, #tpu.memory_space<hbm>>
      %dma_start3A_175 = arith.constant 0 : i32
      %dma_start3A_176 = tpu.memref_slice %arg6[%add3A_170, %dma_start3A_175] : memref<512x64xf32, #tpu.memory_space<vmem>> -> memref<1x64xf32, #tpu.memory_space<vmem>>
      %dma_start3A_177 = arith.constant 0 : i32
      %dma_start3A_178 = tpu.memref_slice %arg3[%squeeze3A_168, %dma_start3A_177] : memref<1000000x64xf32, #tpu.memory_space<hbm>> -> memref<1x64xf32, #tpu.memory_space<hbm>>
      tpu.enqueue_dma source(%dma_start3A_178 : memref<1x64xf32, #tpu.memory_space<hbm>>) target(%dma_start3A_176 : memref<1x64xf32, #tpu.memory_space<vmem>>) target_semaphore(%arg7 : memref<!tpu.dma_semaphore, #tpu.memory_space<semaphore_mem>>)
      %slice3A_179 = vector.extract_strided_slice %get3A_121 {offsets = [5], sizes = [1], strides = [1]} : vector<16xi32> to vector<1xi32>
      %squeeze3A_180 = vector.extract %slice3A_179[0] : i32 from vector<1xi32>
      %add3A_181 = arith.constant 5 : i32
      %add3A_182 = arith.addi %multiple_of3A, %add3A_181 : i32
      %dma_start3A_183 = arith.constant 0 : i32
      %dma_start3A_184 = tpu.memref_slice %arg6[%add3A_182, %dma_start3A_183] : memref<512x64xf32, #tpu.memory_space<vmem>> -> memref<1x64xf32, #tpu.memory_space<vmem>>
      %dma_start3A_185 = arith.constant 0 : i32
      %dma_start3A_186 = tpu.memref_slice %arg3[%squeeze3A_180, %dma_start3A_185] : memref<1000000x64xf32, #tpu.memory_space<hbm>> -> memref<1x64xf32, #tpu.memory_space<hbm>>
      %dma_start3A_187 = arith.constant 0 : i32
      %dma_start3A_188 = tpu.memref_slice %arg6[%add3A_182, %dma_start3A_187] : memref<512x64xf32, #tpu.memory_space<vmem>> -> memref<1x64xf32, #tpu.memory_space<vmem>>
      %dma_start3A_189 = arith.constant 0 : i32
      %dma_start3A_190 = tpu.memref_slice %arg3[%squeeze3A_180, %dma_start3A_189] : memref<1000000x64xf32, #tpu.memory_space<hbm>> -> memref<1x64xf32, #tpu.memory_space<hbm>>
      tpu.enqueue_dma source(%dma_start3A_190 : memref<1x64xf32, #tpu.memory_space<hbm>>) target(%dma_start3A_188 : memref<1x64xf32, #tpu.memory_space<vmem>>) target_semaphore(%arg7 : memref<!tpu.dma_semaphore, #tpu.memory_space<semaphore_mem>>)
      %slice3A_191 = vector.extract_strided_slice %get3A_121 {offsets = [6], sizes = [1], strides = [1]} : vector<16xi32> to vector<1xi32>
      %squeeze3A_192 = vector.extract %slice3A_191[0] : i32 from vector<1xi32>
      %add3A_193 = arith.constant 6 : i32
      %add3A_194 = arith.addi %multiple_of3A, %add3A_193 : i32
      %dma_start3A_195 = arith.constant 0 : i32
      %dma_start3A_196 = tpu.memref_slice %arg6[%add3A_194, %dma_start3A_195] : memref<512x64xf32, #tpu.memory_space<vmem>> -> memref<1x64xf32, #tpu.memory_space<vmem>>
      %dma_start3A_197 = arith.constant 0 : i32
      %dma_start3A_198 = tpu.memref_slice %arg3[%squeeze3A_192, %dma_start3A_197] : memref<1000000x64xf32, #tpu.memory_space<hbm>> -> memref<1x64xf32, #tpu.memory_space<hbm>>
      %dma_start3A_199 = arith.constant 0 : i32
      %dma_start3A_200 = tpu.memref_slice %arg6[%add3A_194, %dma_start3A_199] : memref<512x64xf32, #tpu.memory_space<vmem>> -> memref<1x64xf32, #tpu.memory_space<vmem>>
      %dma_start3A_201 = arith.constant 0 : i32
      %dma_start3A_202 = tpu.memref_slice %arg3[%squeeze3A_192, %dma_start3A_201] : memref<1000000x64xf32, #tpu.memory_space<hbm>> -> memref<1x64xf32, #tpu.memory_space<hbm>>
      tpu.enqueue_dma source(%dma_start3A_202 : memref<1x64xf32, #tpu.memory_space<hbm>>) target(%dma_start3A_200 : memref<1x64xf32, #tpu.memory_space<vmem>>) target_semaphore(%arg7 : memref<!tpu.dma_semaphore, #tpu.memory_space<semaphore_mem>>)
      %slice3A_203 = vector.extract_strided_slice %get3A_121 {offsets = [7], sizes = [1], strides = [1]} : vector<16xi32> to vector<1xi32>
      %squeeze3A_204 = vector.extract %slice3A_203[0] : i32 from vector<1xi32>
      %add3A_205 = arith.constant 7 : i32
      %add3A_206 = arith.addi %multiple_of3A, %add3A_205 : i32
      %dma_start3A_207 = arith.constant 0 : i32
      %dma_start3A_208 = tpu.memref_slice %arg6[%add3A_206, %dma_start3A_207] : memref<512x64xf32, #tpu.memory_space<vmem>> -> memref<1x64xf32, #tpu.memory_space<vmem>>
      %dma_start3A_209 = arith.constant 0 : i32
      %dma_start3A_210 = tpu.memref_slice %arg3[%squeeze3A_204, %dma_start3A_209] : memref<1000000x64xf32, #tpu.memory_space<hbm>> -> memref<1x64xf32, #tpu.memory_space<hbm>>
      %dma_start3A_211 = arith.constant 0 : i32
      %dma_start3A_212 = tpu.memref_slice %arg6[%add3A_206, %dma_start3A_211] : memref<512x64xf32, #tpu.memory_space<vmem>> -> memref<1x64xf32, #tpu.memory_space<vmem>>
      %dma_start3A_213 = arith.constant 0 : i32
      %dma_start3A_214 = tpu.memref_slice %arg3[%squeeze3A_204, %dma_start3A_213] : memref<1000000x64xf32, #tpu.memory_space<hbm>> -> memref<1x64xf32, #tpu.memory_space<hbm>>
      tpu.enqueue_dma source(%dma_start3A_214 : memref<1x64xf32, #tpu.memory_space<hbm>>) target(%dma_start3A_212 : memref<1x64xf32, #tpu.memory_space<vmem>>) target_semaphore(%arg7 : memref<!tpu.dma_semaphore, #tpu.memory_space<semaphore_mem>>)
      %slice3A_215 = vector.extract_strided_slice %get3A_121 {offsets = [8], sizes = [1], strides = [1]} : vector<16xi32> to vector<1xi32>
      %squeeze3A_216 = vector.extract %slice3A_215[0] : i32 from vector<1xi32>
      %add3A_217 = arith.constant 8 : i32
      %add3A_218 = arith.addi %multiple_of3A, %add3A_217 : i32
      %dma_start3A_219 = arith.constant 0 : i32
      %dma_start3A_220 = tpu.memref_slice %arg6[%add3A_218, %dma_start3A_219] : memref<512x64xf32, #tpu.memory_space<vmem>> -> memref<1x64xf32, #tpu.memory_space<vmem>>
      %dma_start3A_221 = arith.constant 0 : i32
      %dma_start3A_222 = tpu.memref_slice %arg3[%squeeze3A_216, %dma_start3A_221] : memref<1000000x64xf32, #tpu.memory_space<hbm>> -> memref<1x64xf32, #tpu.memory_space<hbm>>
      %dma_start3A_223 = arith.constant 0 : i32
      %dma_start3A_224 = tpu.memref_slice %arg6[%add3A_218, %dma_start3A_223] : memref<512x64xf32, #tpu.memory_space<vmem>> -> memref<1x64xf32, #tpu.memory_space<vmem>>
      %dma_start3A_225 = arith.constant 0 : i32
      %dma_start3A_226 = tpu.memref_slice %arg3[%squeeze3A_216, %dma_start3A_225] : memref<1000000x64xf32, #tpu.memory_space<hbm>> -> memref<1x64xf32, #tpu.memory_space<hbm>>
      tpu.enqueue_dma source(%dma_start3A_226 : memref<1x64xf32, #tpu.memory_space<hbm>>) target(%dma_start3A_224 : memref<1x64xf32, #tpu.memory_space<vmem>>) target_semaphore(%arg7 : memref<!tpu.dma_semaphore, #tpu.memory_space<semaphore_mem>>)
      %slice3A_227 = vector.extract_strided_slice %get3A_121 {offsets = [9], sizes = [1], strides = [1]} : vector<16xi32> to vector<1xi32>
      %squeeze3A_228 = vector.extract %slice3A_227[0] : i32 from vector<1xi32>
      %add3A_229 = arith.constant 9 : i32
      %add3A_230 = arith.addi %multiple_of3A, %add3A_229 : i32
      %dma_start3A_231 = arith.constant 0 : i32
      %dma_start3A_232 = tpu.memref_slice %arg6[%add3A_230, %dma_start3A_231] : memref<512x64xf32, #tpu.memory_space<vmem>> -> memref<1x64xf32, #tpu.memory_space<vmem>>
      %dma_start3A_233 = arith.constant 0 : i32
      %dma_start3A_234 = tpu.memref_slice %arg3[%squeeze3A_228, %dma_start3A_233] : memref<1000000x64xf32, #tpu.memory_space<hbm>> -> memref<1x64xf32, #tpu.memory_space<hbm>>
      %dma_start3A_235 = arith.constant 0 : i32
      %dma_start3A_236 = tpu.memref_slice %arg6[%add3A_230, %dma_start3A_235] : memref<512x64xf32, #tpu.memory_space<vmem>> -> memref<1x64xf32, #tpu.memory_space<vmem>>
      %dma_start3A_237 = arith.constant 0 : i32
      %dma_start3A_238 = tpu.memref_slice %arg3[%squeeze3A_228, %dma_start3A_237] : memref<1000000x64xf32, #tpu.memory_space<hbm>> -> memref<1x64xf32, #tpu.memory_space<hbm>>
      tpu.enqueue_dma source(%dma_start3A_238 : memref<1x64xf32, #tpu.memory_space<hbm>>) target(%dma_start3A_236 : memref<1x64xf32, #tpu.memory_space<vmem>>) target_semaphore(%arg7 : memref<!tpu.dma_semaphore, #tpu.memory_space<semaphore_mem>>)
      %slice3A_239 = vector.extract_strided_slice %get3A_121 {offsets = [10], sizes = [1], strides = [1]} : vector<16xi32> to vector<1xi32>
      %squeeze3A_240 = vector.extract %slice3A_239[0] : i32 from vector<1xi32>
      %add3A_241 = arith.constant 10 : i32
      %add3A_242 = arith.addi %multiple_of3A, %add3A_241 : i32
      %dma_start3A_243 = arith.constant 0 : i32
      %dma_start3A_244 = tpu.memref_slice %arg6[%add3A_242, %dma_start3A_243] : memref<512x64xf32, #tpu.memory_space<vmem>> -> memref<1x64xf32, #tpu.memory_space<vmem>>
      %dma_start3A_245 = arith.constant 0 : i32
      %dma_start3A_246 = tpu.memref_slice %arg3[%squeeze3A_240, %dma_start3A_245] : memref<1000000x64xf32, #tpu.memory_space<hbm>> -> memref<1x64xf32, #tpu.memory_space<hbm>>
      %dma_start3A_247 = arith.constant 0 : i32
      %dma_start3A_248 = tpu.memref_slice %arg6[%add3A_242, %dma_start3A_247] : memref<512x64xf32, #tpu.memory_space<vmem>> -> memref<1x64xf32, #tpu.memory_space<vmem>>
      %dma_start3A_249 = arith.constant 0 : i32
      %dma_start3A_250 = tpu.memref_slice %arg3[%squeeze3A_240, %dma_start3A_249] : memref<1000000x64xf32, #tpu.memory_space<hbm>> -> memref<1x64xf32, #tpu.memory_space<hbm>>
      tpu.enqueue_dma source(%dma_start3A_250 : memref<1x64xf32, #tpu.memory_space<hbm>>) target(%dma_start3A_248 : memref<1x64xf32, #tpu.memory_space<vmem>>) target_semaphore(%arg7 : memref<!tpu.dma_semaphore, #tpu.memory_space<semaphore_mem>>)
      %slice3A_251 = vector.extract_strided_slice %get3A_121 {offsets = [11], sizes = [1], strides = [1]} : vector<16xi32> to vector<1xi32>
      %squeeze3A_252 = vector.extract %slice3A_251[0] : i32 from vector<1xi32>
      %add3A_253 = arith.constant 11 : i32
      %add3A_254 = arith.addi %multiple_of3A, %add3A_253 : i32
      %dma_start3A_255 = arith.constant 0 : i32
      %dma_start3A_256 = tpu.memref_slice %arg6[%add3A_254, %dma_start3A_255] : memref<512x64xf32, #tpu.memory_space<vmem>> -> memref<1x64xf32, #tpu.memory_space<vmem>>
      %dma_start3A_257 = arith.constant 0 : i32
      %dma_start3A_258 = tpu.memref_slice %arg3[%squeeze3A_252, %dma_start3A_257] : memref<1000000x64xf32, #tpu.memory_space<hbm>> -> memref<1x64xf32, #tpu.memory_space<hbm>>
      %dma_start3A_259 = arith.constant 0 : i32
      %dma_start3A_260 = tpu.memref_slice %arg6[%add3A_254, %dma_start3A_259] : memref<512x64xf32, #tpu.memory_space<vmem>> -> memref<1x64xf32, #tpu.memory_space<vmem>>
      %dma_start3A_261 = arith.constant 0 : i32
      %dma_start3A_262 = tpu.memref_slice %arg3[%squeeze3A_252, %dma_start3A_261] : memref<1000000x64xf32, #tpu.memory_space<hbm>> -> memref<1x64xf32, #tpu.memory_space<hbm>>
      tpu.enqueue_dma source(%dma_start3A_262 : memref<1x64xf32, #tpu.memory_space<hbm>>) target(%dma_start3A_260 : memref<1x64xf32, #tpu.memory_space<vmem>>) target_semaphore(%arg7 : memref<!tpu.dma_semaphore, #tpu.memory_space<semaphore_mem>>)
      %slice3A_263 = vector.extract_strided_slice %get3A_121 {offsets = [12], sizes = [1], strides = [1]} : vector<16xi32> to vector<1xi32>
      %squeeze3A_264 = vector.extract %slice3A_263[0] : i32 from vector<1xi32>
      %add3A_265 = arith.constant 12 : i32
      %add3A_266 = arith.addi %multiple_of3A, %add3A_265 : i32
      %dma_start3A_267 = arith.constant 0 : i32
      %dma_start3A_268 = tpu.memref_slice %arg6[%add3A_266, %dma_start3A_267] : memref<512x64xf32, #tpu.memory_space<vmem>> -> memref<1x64xf32, #tpu.memory_space<vmem>>
      %dma_start3A_269 = arith.constant 0 : i32
      %dma_start3A_270 = tpu.memref_slice %arg3[%squeeze3A_264, %dma_start3A_269] : memref<1000000x64xf32, #tpu.memory_space<hbm>> -> memref<1x64xf32, #tpu.memory_space<hbm>>
      %dma_start3A_271 = arith.constant 0 : i32
      %dma_start3A_272 = tpu.memref_slice %arg6[%add3A_266, %dma_start3A_271] : memref<512x64xf32, #tpu.memory_space<vmem>> -> memref<1x64xf32, #tpu.memory_space<vmem>>
      %dma_start3A_273 = arith.constant 0 : i32
      %dma_start3A_274 = tpu.memref_slice %arg3[%squeeze3A_264, %dma_start3A_273] : memref<1000000x64xf32, #tpu.memory_space<hbm>> -> memref<1x64xf32, #tpu.memory_space<hbm>>
      tpu.enqueue_dma source(%dma_start3A_274 : memref<1x64xf32, #tpu.memory_space<hbm>>) target(%dma_start3A_272 : memref<1x64xf32, #tpu.memory_space<vmem>>) target_semaphore(%arg7 : memref<!tpu.dma_semaphore, #tpu.memory_space<semaphore_mem>>)
      %slice3A_275 = vector.extract_strided_slice %get3A_121 {offsets = [13], sizes = [1], strides = [1]} : vector<16xi32> to vector<1xi32>
      %squeeze3A_276 = vector.extract %slice3A_275[0] : i32 from vector<1xi32>
      %add3A_277 = arith.constant 13 : i32
      %add3A_278 = arith.addi %multiple_of3A, %add3A_277 : i32
      %dma_start3A_279 = arith.constant 0 : i32
      %dma_start3A_280 = tpu.memref_slice %arg6[%add3A_278, %dma_start3A_279] : memref<512x64xf32, #tpu.memory_space<vmem>> -> memref<1x64xf32, #tpu.memory_space<vmem>>
      %dma_start3A_281 = arith.constant 0 : i32
      %dma_start3A_282 = tpu.memref_slice %arg3[%squeeze3A_276, %dma_start3A_281] : memref<1000000x64xf32, #tpu.memory_space<hbm>> -> memref<1x64xf32, #tpu.memory_space<hbm>>
      %dma_start3A_283 = arith.constant 0 : i32
      %dma_start3A_284 = tpu.memref_slice %arg6[%add3A_278, %dma_start3A_283] : memref<512x64xf32, #tpu.memory_space<vmem>> -> memref<1x64xf32, #tpu.memory_space<vmem>>
      %dma_start3A_285 = arith.constant 0 : i32
      %dma_start3A_286 = tpu.memref_slice %arg3[%squeeze3A_276, %dma_start3A_285] : memref<1000000x64xf32, #tpu.memory_space<hbm>> -> memref<1x64xf32, #tpu.memory_space<hbm>>
      tpu.enqueue_dma source(%dma_start3A_286 : memref<1x64xf32, #tpu.memory_space<hbm>>) target(%dma_start3A_284 : memref<1x64xf32, #tpu.memory_space<vmem>>) target_semaphore(%arg7 : memref<!tpu.dma_semaphore, #tpu.memory_space<semaphore_mem>>)
      %slice3A_287 = vector.extract_strided_slice %get3A_121 {offsets = [14], sizes = [1], strides = [1]} : vector<16xi32> to vector<1xi32>
      %squeeze3A_288 = vector.extract %slice3A_287[0] : i32 from vector<1xi32>
      %add3A_289 = arith.constant 14 : i32
      %add3A_290 = arith.addi %multiple_of3A, %add3A_289 : i32
      %dma_start3A_291 = arith.constant 0 : i32
      %dma_start3A_292 = tpu.memref_slice %arg6[%add3A_290, %dma_start3A_291] : memref<512x64xf32, #tpu.memory_space<vmem>> -> memref<1x64xf32, #tpu.memory_space<vmem>>
      %dma_start3A_293 = arith.constant 0 : i32
      %dma_start3A_294 = tpu.memref_slice %arg3[%squeeze3A_288, %dma_start3A_293] : memref<1000000x64xf32, #tpu.memory_space<hbm>> -> memref<1x64xf32, #tpu.memory_space<hbm>>
      %dma_start3A_295 = arith.constant 0 : i32
      %dma_start3A_296 = tpu.memref_slice %arg6[%add3A_290, %dma_start3A_295] : memref<512x64xf32, #tpu.memory_space<vmem>> -> memref<1x64xf32, #tpu.memory_space<vmem>>
      %dma_start3A_297 = arith.constant 0 : i32
      %dma_start3A_298 = tpu.memref_slice %arg3[%squeeze3A_288, %dma_start3A_297] : memref<1000000x64xf32, #tpu.memory_space<hbm>> -> memref<1x64xf32, #tpu.memory_space<hbm>>
      tpu.enqueue_dma source(%dma_start3A_298 : memref<1x64xf32, #tpu.memory_space<hbm>>) target(%dma_start3A_296 : memref<1x64xf32, #tpu.memory_space<vmem>>) target_semaphore(%arg7 : memref<!tpu.dma_semaphore, #tpu.memory_space<semaphore_mem>>)
      %slice3A_299 = vector.extract_strided_slice %get3A_121 {offsets = [15], sizes = [1], strides = [1]} : vector<16xi32> to vector<1xi32>
      %squeeze3A_300 = vector.extract %slice3A_299[0] : i32 from vector<1xi32>
      %add3A_301 = arith.constant 15 : i32
      %add3A_302 = arith.addi %multiple_of3A, %add3A_301 : i32
      %dma_start3A_303 = arith.constant 0 : i32
      %dma_start3A_304 = tpu.memref_slice %arg6[%add3A_302, %dma_start3A_303] : memref<512x64xf32, #tpu.memory_space<vmem>> -> memref<1x64xf32, #tpu.memory_space<vmem>>
      %dma_start3A_305 = arith.constant 0 : i32
      %dma_start3A_306 = tpu.memref_slice %arg3[%squeeze3A_300, %dma_start3A_305] : memref<1000000x64xf32, #tpu.memory_space<hbm>> -> memref<1x64xf32, #tpu.memory_space<hbm>>
      %dma_start3A_307 = arith.constant 0 : i32
      %dma_start3A_308 = tpu.memref_slice %arg6[%add3A_302, %dma_start3A_307] : memref<512x64xf32, #tpu.memory_space<vmem>> -> memref<1x64xf32, #tpu.memory_space<vmem>>
      %dma_start3A_309 = arith.constant 0 : i32
      %dma_start3A_310 = tpu.memref_slice %arg3[%squeeze3A_300, %dma_start3A_309] : memref<1000000x64xf32, #tpu.memory_space<hbm>> -> memref<1x64xf32, #tpu.memory_space<hbm>>
      tpu.enqueue_dma source(%dma_start3A_310 : memref<1x64xf32, #tpu.memory_space<hbm>>) target(%dma_start3A_308 : memref<1x64xf32, #tpu.memory_space<vmem>>) target_semaphore(%arg7 : memref<!tpu.dma_semaphore, #tpu.memory_space<semaphore_mem>>)
      %scan3A_311 = arith.constant 0 : i32
      scf.yield %scan3A_311 : i32
    }
    %scan3A_22 = arith.constant 4 : i32
    %scan3A_23 = arith.constant 0 : i32
    %scan3A_24 = arith.constant 0 : i32
    %scan3A_25 = arith.constant 64 : i32
    %scan3A_26 = arith.addi %scan3A_24, %scan3A_25 : i32
    %scan3A_27 = arith.constant 1 : i32
    %scan3A_28 = scf.for %scan3A_114 = %scan3A_24 to %scan3A_26 step %scan3A_27 iter_args(%scan3A_115 = %scan3A_23) -> (i32)  : i32 {
      %add3A_116 = arith.constant 64 : i32
      %add3A_117 = arith.addi %add3A_116, %scan3A_114 : i32
      %dma_wait3A = arith.constant 0 : i32
      %dma_wait3A_118 = tpu.memref_slice %arg6[%add3A_117, %dma_wait3A] : memref<512x64xf32, #tpu.memory_space<vmem>> -> memref<1x64xf32, #tpu.memory_space<vmem>>
      %dma_wait3A_119 = arith.constant 0 : i32
      %dma_wait3A_120 = arith.constant 0 : i32
      %dma_wait3A_121 = tpu.memref_slice %arg3[%dma_wait3A_119, %dma_wait3A_120] : memref<1000000x64xf32, #tpu.memory_space<hbm>> -> memref<1x64xf32, #tpu.memory_space<hbm>>
      %dma_wait3A_122 = arith.constant 0 : i32
      %dma_wait3A_123 = tpu.memref_slice %arg6[%add3A_117, %dma_wait3A_122] : memref<512x64xf32, #tpu.memory_space<vmem>> -> memref<1x64xf32, #tpu.memory_space<vmem>>
      %dma_wait3A_124 = arith.constant 0 : i32
      %dma_wait3A_125 = arith.constant 0 : i32
      %dma_wait3A_126 = tpu.memref_slice %arg3[%dma_wait3A_124, %dma_wait3A_125] : memref<1000000x64xf32, #tpu.memory_space<hbm>> -> memref<1x64xf32, #tpu.memory_space<hbm>>
      tpu.wait_dma2 semaphore(%arg7 : memref<!tpu.dma_semaphore, #tpu.memory_space<semaphore_mem>>) src(%dma_wait3A_126 : memref<1x64xf32, #tpu.memory_space<hbm>>) dst(%dma_wait3A_123 : memref<1x64xf32, #tpu.memory_space<vmem>>)
      %scan3A_127 = arith.constant 0 : i32
      scf.yield %scan3A_127 : i32
    }
    %scan3A_29 = arith.constant 64 : i32
    %scan3A_30 = arith.constant 0 : i32
    %scan3A_31 = arith.constant 0 : i32
    %scan3A_32 = arith.constant 4 : i32
    %scan3A_33 = arith.addi %scan3A_31, %scan3A_32 : i32
    %scan3A_34 = arith.constant 1 : i32
    %scan3A_35 = scf.for %scan3A_114 = %scan3A_31 to %scan3A_33 step %scan3A_34 iter_args(%scan3A_115 = %scan3A_30) -> (i32)  : i32 {
      %mul3A_116 = arith.constant 16 : i32
      %mul3A_117 = arith.muli %scan3A_114, %mul3A_116 : i32
      %add3A_118 = arith.constant 128 : i32
      %add3A_119 = arith.addi %add3A_118, %mul3A_117 : i32
      %multiple_of3A = tpu.assume_multiple %add3A_119, 16 : i32
      %get3A = arith.index_cast %multiple_of3A : i32 to index
      %get3A_120 = tpu.vector_load %arg5[%get3A] {strides = array<i32>} : memref<512xi32, #tpu.memory_space<vmem>>, vector<16xi32>,
      %get3A_121 = vector.shape_cast %get3A_120 : vector<16xi32> to vector<16xi32>
      %slice3A = vector.extract_strided_slice %get3A_121 {offsets = [0], sizes = [1], strides = [1]} : vector<16xi32> to vector<1xi32>
      %squeeze3A = vector.extract %slice3A[0] : i32 from vector<1xi32>
      %add3A_122 = arith.constant 0 : i32
      %add3A_123 = arith.addi %multiple_of3A, %add3A_122 : i32
      %dma_start3A = arith.constant 0 : i32
      %dma_start3A_124 = tpu.memref_slice %arg6[%add3A_123, %dma_start3A] : memref<512x64xf32, #tpu.memory_space<vmem>> -> memref<1x64xf32, #tpu.memory_space<vmem>>
      %dma_start3A_125 = arith.constant 0 : i32
      %dma_start3A_126 = tpu.memref_slice %arg3[%squeeze3A, %dma_start3A_125] : memref<1000000x64xf32, #tpu.memory_space<hbm>> -> memref<1x64xf32, #tpu.memory_space<hbm>>
      %dma_start3A_127 = arith.constant 0 : i32
      %dma_start3A_128 = tpu.memref_slice %arg6[%add3A_123, %dma_start3A_127] : memref<512x64xf32, #tpu.memory_space<vmem>> -> memref<1x64xf32, #tpu.memory_space<vmem>>
      %dma_start3A_129 = arith.constant 0 : i32
      %dma_start3A_130 = tpu.memref_slice %arg3[%squeeze3A, %dma_start3A_129] : memref<1000000x64xf32, #tpu.memory_space<hbm>> -> memref<1x64xf32, #tpu.memory_space<hbm>>
      tpu.enqueue_dma source(%dma_start3A_130 : memref<1x64xf32, #tpu.memory_space<hbm>>) target(%dma_start3A_128 : memref<1x64xf32, #tpu.memory_space<vmem>>) target_semaphore(%arg7 : memref<!tpu.dma_semaphore, #tpu.memory_space<semaphore_mem>>)
      %slice3A_131 = vector.extract_strided_slice %get3A_121 {offsets = [1], sizes = [1], strides = [1]} : vector<16xi32> to vector<1xi32>
      %squeeze3A_132 = vector.extract %slice3A_131[0] : i32 from vector<1xi32>
      %add3A_133 = arith.constant 1 : i32
      %add3A_134 = arith.addi %multiple_of3A, %add3A_133 : i32
      %dma_start3A_135 = arith.constant 0 : i32
      %dma_start3A_136 = tpu.memref_slice %arg6[%add3A_134, %dma_start3A_135] : memref<512x64xf32, #tpu.memory_space<vmem>> -> memref<1x64xf32, #tpu.memory_space<vmem>>
      %dma_start3A_137 = arith.constant 0 : i32
      %dma_start3A_138 = tpu.memref_slice %arg3[%squeeze3A_132, %dma_start3A_137] : memref<1000000x64xf32, #tpu.memory_space<hbm>> -> memref<1x64xf32, #tpu.memory_space<hbm>>
      %dma_start3A_139 = arith.constant 0 : i32
      %dma_start3A_140 = tpu.memref_slice %arg6[%add3A_134, %dma_start3A_139] : memref<512x64xf32, #tpu.memory_space<vmem>> -> memref<1x64xf32, #tpu.memory_space<vmem>>
      %dma_start3A_141 = arith.constant 0 : i32
      %dma_start3A_142 = tpu.memref_slice %arg3[%squeeze3A_132, %dma_start3A_141] : memref<1000000x64xf32, #tpu.memory_space<hbm>> -> memref<1x64xf32, #tpu.memory_space<hbm>>
      tpu.enqueue_dma source(%dma_start3A_142 : memref<1x64xf32, #tpu.memory_space<hbm>>) target(%dma_start3A_140 : memref<1x64xf32, #tpu.memory_space<vmem>>) target_semaphore(%arg7 : memref<!tpu.dma_semaphore, #tpu.memory_space<semaphore_mem>>)
      %slice3A_143 = vector.extract_strided_slice %get3A_121 {offsets = [2], sizes = [1], strides = [1]} : vector<16xi32> to vector<1xi32>
      %squeeze3A_144 = vector.extract %slice3A_143[0] : i32 from vector<1xi32>
      %add3A_145 = arith.constant 2 : i32
      %add3A_146 = arith.addi %multiple_of3A, %add3A_145 : i32
      %dma_start3A_147 = arith.constant 0 : i32
      %dma_start3A_148 = tpu.memref_slice %arg6[%add3A_146, %dma_start3A_147] : memref<512x64xf32, #tpu.memory_space<vmem>> -> memref<1x64xf32, #tpu.memory_space<vmem>>
      %dma_start3A_149 = arith.constant 0 : i32
      %dma_start3A_150 = tpu.memref_slice %arg3[%squeeze3A_144, %dma_start3A_149] : memref<1000000x64xf32, #tpu.memory_space<hbm>> -> memref<1x64xf32, #tpu.memory_space<hbm>>
      %dma_start3A_151 = arith.constant 0 : i32
      %dma_start3A_152 = tpu.memref_slice %arg6[%add3A_146, %dma_start3A_151] : memref<512x64xf32, #tpu.memory_space<vmem>> -> memref<1x64xf32, #tpu.memory_space<vmem>>
      %dma_start3A_153 = arith.constant 0 : i32
      %dma_start3A_154 = tpu.memref_slice %arg3[%squeeze3A_144, %dma_start3A_153] : memref<1000000x64xf32, #tpu.memory_space<hbm>> -> memref<1x64xf32, #tpu.memory_space<hbm>>
      tpu.enqueue_dma source(%dma_start3A_154 : memref<1x64xf32, #tpu.memory_space<hbm>>) target(%dma_start3A_152 : memref<1x64xf32, #tpu.memory_space<vmem>>) target_semaphore(%arg7 : memref<!tpu.dma_semaphore, #tpu.memory_space<semaphore_mem>>)
      %slice3A_155 = vector.extract_strided_slice %get3A_121 {offsets = [3], sizes = [1], strides = [1]} : vector<16xi32> to vector<1xi32>
      %squeeze3A_156 = vector.extract %slice3A_155[0] : i32 from vector<1xi32>
      %add3A_157 = arith.constant 3 : i32
      %add3A_158 = arith.addi %multiple_of3A, %add3A_157 : i32
      %dma_start3A_159 = arith.constant 0 : i32
      %dma_start3A_160 = tpu.memref_slice %arg6[%add3A_158, %dma_start3A_159] : memref<512x64xf32, #tpu.memory_space<vmem>> -> memref<1x64xf32, #tpu.memory_space<vmem>>
      %dma_start3A_161 = arith.constant 0 : i32
      %dma_start3A_162 = tpu.memref_slice %arg3[%squeeze3A_156, %dma_start3A_161] : memref<1000000x64xf32, #tpu.memory_space<hbm>> -> memref<1x64xf32, #tpu.memory_space<hbm>>
      %dma_start3A_163 = arith.constant 0 : i32
      %dma_start3A_164 = tpu.memref_slice %arg6[%add3A_158, %dma_start3A_163] : memref<512x64xf32, #tpu.memory_space<vmem>> -> memref<1x64xf32, #tpu.memory_space<vmem>>
      %dma_start3A_165 = arith.constant 0 : i32
      %dma_start3A_166 = tpu.memref_slice %arg3[%squeeze3A_156, %dma_start3A_165] : memref<1000000x64xf32, #tpu.memory_space<hbm>> -> memref<1x64xf32, #tpu.memory_space<hbm>>
      tpu.enqueue_dma source(%dma_start3A_166 : memref<1x64xf32, #tpu.memory_space<hbm>>) target(%dma_start3A_164 : memref<1x64xf32, #tpu.memory_space<vmem>>) target_semaphore(%arg7 : memref<!tpu.dma_semaphore, #tpu.memory_space<semaphore_mem>>)
      %slice3A_167 = vector.extract_strided_slice %get3A_121 {offsets = [4], sizes = [1], strides = [1]} : vector<16xi32> to vector<1xi32>
      %squeeze3A_168 = vector.extract %slice3A_167[0] : i32 from vector<1xi32>
      %add3A_169 = arith.constant 4 : i32
      %add3A_170 = arith.addi %multiple_of3A, %add3A_169 : i32
      %dma_start3A_171 = arith.constant 0 : i32
      %dma_start3A_172 = tpu.memref_slice %arg6[%add3A_170, %dma_start3A_171] : memref<512x64xf32, #tpu.memory_space<vmem>> -> memref<1x64xf32, #tpu.memory_space<vmem>>
      %dma_start3A_173 = arith.constant 0 : i32
      %dma_start3A_174 = tpu.memref_slice %arg3[%squeeze3A_168, %dma_start3A_173] : memref<1000000x64xf32, #tpu.memory_space<hbm>> -> memref<1x64xf32, #tpu.memory_space<hbm>>
      %dma_start3A_175 = arith.constant 0 : i32
      %dma_start3A_176 = tpu.memref_slice %arg6[%add3A_170, %dma_start3A_175] : memref<512x64xf32, #tpu.memory_space<vmem>> -> memref<1x64xf32, #tpu.memory_space<vmem>>
      %dma_start3A_177 = arith.constant 0 : i32
      %dma_start3A_178 = tpu.memref_slice %arg3[%squeeze3A_168, %dma_start3A_177] : memref<1000000x64xf32, #tpu.memory_space<hbm>> -> memref<1x64xf32, #tpu.memory_space<hbm>>
      tpu.enqueue_dma source(%dma_start3A_178 : memref<1x64xf32, #tpu.memory_space<hbm>>) target(%dma_start3A_176 : memref<1x64xf32, #tpu.memory_space<vmem>>) target_semaphore(%arg7 : memref<!tpu.dma_semaphore, #tpu.memory_space<semaphore_mem>>)
      %slice3A_179 = vector.extract_strided_slice %get3A_121 {offsets = [5], sizes = [1], strides = [1]} : vector<16xi32> to vector<1xi32>
      %squeeze3A_180 = vector.extract %slice3A_179[0] : i32 from vector<1xi32>
      %add3A_181 = arith.constant 5 : i32
      %add3A_182 = arith.addi %multiple_of3A, %add3A_181 : i32
      %dma_start3A_183 = arith.constant 0 : i32
      %dma_start3A_184 = tpu.memref_slice %arg6[%add3A_182, %dma_start3A_183] : memref<512x64xf32, #tpu.memory_space<vmem>> -> memref<1x64xf32, #tpu.memory_space<vmem>>
      %dma_start3A_185 = arith.constant 0 : i32
      %dma_start3A_186 = tpu.memref_slice %arg3[%squeeze3A_180, %dma_start3A_185] : memref<1000000x64xf32, #tpu.memory_space<hbm>> -> memref<1x64xf32, #tpu.memory_space<hbm>>
      %dma_start3A_187 = arith.constant 0 : i32
      %dma_start3A_188 = tpu.memref_slice %arg6[%add3A_182, %dma_start3A_187] : memref<512x64xf32, #tpu.memory_space<vmem>> -> memref<1x64xf32, #tpu.memory_space<vmem>>
      %dma_start3A_189 = arith.constant 0 : i32
      %dma_start3A_190 = tpu.memref_slice %arg3[%squeeze3A_180, %dma_start3A_189] : memref<1000000x64xf32, #tpu.memory_space<hbm>> -> memref<1x64xf32, #tpu.memory_space<hbm>>
      tpu.enqueue_dma source(%dma_start3A_190 : memref<1x64xf32, #tpu.memory_space<hbm>>) target(%dma_start3A_188 : memref<1x64xf32, #tpu.memory_space<vmem>>) target_semaphore(%arg7 : memref<!tpu.dma_semaphore, #tpu.memory_space<semaphore_mem>>)
      %slice3A_191 = vector.extract_strided_slice %get3A_121 {offsets = [6], sizes = [1], strides = [1]} : vector<16xi32> to vector<1xi32>
      %squeeze3A_192 = vector.extract %slice3A_191[0] : i32 from vector<1xi32>
      %add3A_193 = arith.constant 6 : i32
      %add3A_194 = arith.addi %multiple_of3A, %add3A_193 : i32
      %dma_start3A_195 = arith.constant 0 : i32
      %dma_start3A_196 = tpu.memref_slice %arg6[%add3A_194, %dma_start3A_195] : memref<512x64xf32, #tpu.memory_space<vmem>> -> memref<1x64xf32, #tpu.memory_space<vmem>>
      %dma_start3A_197 = arith.constant 0 : i32
      %dma_start3A_198 = tpu.memref_slice %arg3[%squeeze3A_192, %dma_start3A_197] : memref<1000000x64xf32, #tpu.memory_space<hbm>> -> memref<1x64xf32, #tpu.memory_space<hbm>>
      %dma_start3A_199 = arith.constant 0 : i32
      %dma_start3A_200 = tpu.memref_slice %arg6[%add3A_194, %dma_start3A_199] : memref<512x64xf32, #tpu.memory_space<vmem>> -> memref<1x64xf32, #tpu.memory_space<vmem>>
      %dma_start3A_201 = arith.constant 0 : i32
      %dma_start3A_202 = tpu.memref_slice %arg3[%squeeze3A_192, %dma_start3A_201] : memref<1000000x64xf32, #tpu.memory_space<hbm>> -> memref<1x64xf32, #tpu.memory_space<hbm>>
      tpu.enqueue_dma source(%dma_start3A_202 : memref<1x64xf32, #tpu.memory_space<hbm>>) target(%dma_start3A_200 : memref<1x64xf32, #tpu.memory_space<vmem>>) target_semaphore(%arg7 : memref<!tpu.dma_semaphore, #tpu.memory_space<semaphore_mem>>)
      %slice3A_203 = vector.extract_strided_slice %get3A_121 {offsets = [7], sizes = [1], strides = [1]} : vector<16xi32> to vector<1xi32>
      %squeeze3A_204 = vector.extract %slice3A_203[0] : i32 from vector<1xi32>
      %add3A_205 = arith.constant 7 : i32
      %add3A_206 = arith.addi %multiple_of3A, %add3A_205 : i32
      %dma_start3A_207 = arith.constant 0 : i32
      %dma_start3A_208 = tpu.memref_slice %arg6[%add3A_206, %dma_start3A_207] : memref<512x64xf32, #tpu.memory_space<vmem>> -> memref<1x64xf32, #tpu.memory_space<vmem>>
      %dma_start3A_209 = arith.constant 0 : i32
      %dma_start3A_210 = tpu.memref_slice %arg3[%squeeze3A_204, %dma_start3A_209] : memref<1000000x64xf32, #tpu.memory_space<hbm>> -> memref<1x64xf32, #tpu.memory_space<hbm>>
      %dma_start3A_211 = arith.constant 0 : i32
      %dma_start3A_212 = tpu.memref_slice %arg6[%add3A_206, %dma_start3A_211] : memref<512x64xf32, #tpu.memory_space<vmem>> -> memref<1x64xf32, #tpu.memory_space<vmem>>
      %dma_start3A_213 = arith.constant 0 : i32
      %dma_start3A_214 = tpu.memref_slice %arg3[%squeeze3A_204, %dma_start3A_213] : memref<1000000x64xf32, #tpu.memory_space<hbm>> -> memref<1x64xf32, #tpu.memory_space<hbm>>
      tpu.enqueue_dma source(%dma_start3A_214 : memref<1x64xf32, #tpu.memory_space<hbm>>) target(%dma_start3A_212 : memref<1x64xf32, #tpu.memory_space<vmem>>) target_semaphore(%arg7 : memref<!tpu.dma_semaphore, #tpu.memory_space<semaphore_mem>>)
      %slice3A_215 = vector.extract_strided_slice %get3A_121 {offsets = [8], sizes = [1], strides = [1]} : vector<16xi32> to vector<1xi32>
      %squeeze3A_216 = vector.extract %slice3A_215[0] : i32 from vector<1xi32>
      %add3A_217 = arith.constant 8 : i32
      %add3A_218 = arith.addi %multiple_of3A, %add3A_217 : i32
      %dma_start3A_219 = arith.constant 0 : i32
      %dma_start3A_220 = tpu.memref_slice %arg6[%add3A_218, %dma_start3A_219] : memref<512x64xf32, #tpu.memory_space<vmem>> -> memref<1x64xf32, #tpu.memory_space<vmem>>
      %dma_start3A_221 = arith.constant 0 : i32
      %dma_start3A_222 = tpu.memref_slice %arg3[%squeeze3A_216, %dma_start3A_221] : memref<1000000x64xf32, #tpu.memory_space<hbm>> -> memref<1x64xf32, #tpu.memory_space<hbm>>
      %dma_start3A_223 = arith.constant 0 : i32
      %dma_start3A_224 = tpu.memref_slice %arg6[%add3A_218, %dma_start3A_223] : memref<512x64xf32, #tpu.memory_space<vmem>> -> memref<1x64xf32, #tpu.memory_space<vmem>>
      %dma_start3A_225 = arith.constant 0 : i32
      %dma_start3A_226 = tpu.memref_slice %arg3[%squeeze3A_216, %dma_start3A_225] : memref<1000000x64xf32, #tpu.memory_space<hbm>> -> memref<1x64xf32, #tpu.memory_space<hbm>>
      tpu.enqueue_dma source(%dma_start3A_226 : memref<1x64xf32, #tpu.memory_space<hbm>>) target(%dma_start3A_224 : memref<1x64xf32, #tpu.memory_space<vmem>>) target_semaphore(%arg7 : memref<!tpu.dma_semaphore, #tpu.memory_space<semaphore_mem>>)
      %slice3A_227 = vector.extract_strided_slice %get3A_121 {offsets = [9], sizes = [1], strides = [1]} : vector<16xi32> to vector<1xi32>
      %squeeze3A_228 = vector.extract %slice3A_227[0] : i32 from vector<1xi32>
      %add3A_229 = arith.constant 9 : i32
      %add3A_230 = arith.addi %multiple_of3A, %add3A_229 : i32
      %dma_start3A_231 = arith.constant 0 : i32
      %dma_start3A_232 = tpu.memref_slice %arg6[%add3A_230, %dma_start3A_231] : memref<512x64xf32, #tpu.memory_space<vmem>> -> memref<1x64xf32, #tpu.memory_space<vmem>>
      %dma_start3A_233 = arith.constant 0 : i32
      %dma_start3A_234 = tpu.memref_slice %arg3[%squeeze3A_228, %dma_start3A_233] : memref<1000000x64xf32, #tpu.memory_space<hbm>> -> memref<1x64xf32, #tpu.memory_space<hbm>>
      %dma_start3A_235 = arith.constant 0 : i32
      %dma_start3A_236 = tpu.memref_slice %arg6[%add3A_230, %dma_start3A_235] : memref<512x64xf32, #tpu.memory_space<vmem>> -> memref<1x64xf32, #tpu.memory_space<vmem>>
      %dma_start3A_237 = arith.constant 0 : i32
      %dma_start3A_238 = tpu.memref_slice %arg3[%squeeze3A_228, %dma_start3A_237] : memref<1000000x64xf32, #tpu.memory_space<hbm>> -> memref<1x64xf32, #tpu.memory_space<hbm>>
      tpu.enqueue_dma source(%dma_start3A_238 : memref<1x64xf32, #tpu.memory_space<hbm>>) target(%dma_start3A_236 : memref<1x64xf32, #tpu.memory_space<vmem>>) target_semaphore(%arg7 : memref<!tpu.dma_semaphore, #tpu.memory_space<semaphore_mem>>)
      %slice3A_239 = vector.extract_strided_slice %get3A_121 {offsets = [10], sizes = [1], strides = [1]} : vector<16xi32> to vector<1xi32>
      %squeeze3A_240 = vector.extract %slice3A_239[0] : i32 from vector<1xi32>
      %add3A_241 = arith.constant 10 : i32
      %add3A_242 = arith.addi %multiple_of3A, %add3A_241 : i32
      %dma_start3A_243 = arith.constant 0 : i32
      %dma_start3A_244 = tpu.memref_slice %arg6[%add3A_242, %dma_start3A_243] : memref<512x64xf32, #tpu.memory_space<vmem>> -> memref<1x64xf32, #tpu.memory_space<vmem>>
      %dma_start3A_245 = arith.constant 0 : i32
      %dma_start3A_246 = tpu.memref_slice %arg3[%squeeze3A_240, %dma_start3A_245] : memref<1000000x64xf32, #tpu.memory_space<hbm>> -> memref<1x64xf32, #tpu.memory_space<hbm>>
      %dma_start3A_247 = arith.constant 0 : i32
      %dma_start3A_248 = tpu.memref_slice %arg6[%add3A_242, %dma_start3A_247] : memref<512x64xf32, #tpu.memory_space<vmem>> -> memref<1x64xf32, #tpu.memory_space<vmem>>
      %dma_start3A_249 = arith.constant 0 : i32
      %dma_start3A_250 = tpu.memref_slice %arg3[%squeeze3A_240, %dma_start3A_249] : memref<1000000x64xf32, #tpu.memory_space<hbm>> -> memref<1x64xf32, #tpu.memory_space<hbm>>
      tpu.enqueue_dma source(%dma_start3A_250 : memref<1x64xf32, #tpu.memory_space<hbm>>) target(%dma_start3A_248 : memref<1x64xf32, #tpu.memory_space<vmem>>) target_semaphore(%arg7 : memref<!tpu.dma_semaphore, #tpu.memory_space<semaphore_mem>>)
      %slice3A_251 = vector.extract_strided_slice %get3A_121 {offsets = [11], sizes = [1], strides = [1]} : vector<16xi32> to vector<1xi32>
      %squeeze3A_252 = vector.extract %slice3A_251[0] : i32 from vector<1xi32>
      %add3A_253 = arith.constant 11 : i32
      %add3A_254 = arith.addi %multiple_of3A, %add3A_253 : i32
      %dma_start3A_255 = arith.constant 0 : i32
      %dma_start3A_256 = tpu.memref_slice %arg6[%add3A_254, %dma_start3A_255] : memref<512x64xf32, #tpu.memory_space<vmem>> -> memref<1x64xf32, #tpu.memory_space<vmem>>
      %dma_start3A_257 = arith.constant 0 : i32
      %dma_start3A_258 = tpu.memref_slice %arg3[%squeeze3A_252, %dma_start3A_257] : memref<1000000x64xf32, #tpu.memory_space<hbm>> -> memref<1x64xf32, #tpu.memory_space<hbm>>
      %dma_start3A_259 = arith.constant 0 : i32
      %dma_start3A_260 = tpu.memref_slice %arg6[%add3A_254, %dma_start3A_259] : memref<512x64xf32, #tpu.memory_space<vmem>> -> memref<1x64xf32, #tpu.memory_space<vmem>>
      %dma_start3A_261 = arith.constant 0 : i32
      %dma_start3A_262 = tpu.memref_slice %arg3[%squeeze3A_252, %dma_start3A_261] : memref<1000000x64xf32, #tpu.memory_space<hbm>> -> memref<1x64xf32, #tpu.memory_space<hbm>>
      tpu.enqueue_dma source(%dma_start3A_262 : memref<1x64xf32, #tpu.memory_space<hbm>>) target(%dma_start3A_260 : memref<1x64xf32, #tpu.memory_space<vmem>>) target_semaphore(%arg7 : memref<!tpu.dma_semaphore, #tpu.memory_space<semaphore_mem>>)
      %slice3A_263 = vector.extract_strided_slice %get3A_121 {offsets = [12], sizes = [1], strides = [1]} : vector<16xi32> to vector<1xi32>
      %squeeze3A_264 = vector.extract %slice3A_263[0] : i32 from vector<1xi32>
      %add3A_265 = arith.constant 12 : i32
      %add3A_266 = arith.addi %multiple_of3A, %add3A_265 : i32
      %dma_start3A_267 = arith.constant 0 : i32
      %dma_start3A_268 = tpu.memref_slice %arg6[%add3A_266, %dma_start3A_267] : memref<512x64xf32, #tpu.memory_space<vmem>> -> memref<1x64xf32, #tpu.memory_space<vmem>>
      %dma_start3A_269 = arith.constant 0 : i32
      %dma_start3A_270 = tpu.memref_slice %arg3[%squeeze3A_264, %dma_start3A_269] : memref<1000000x64xf32, #tpu.memory_space<hbm>> -> memref<1x64xf32, #tpu.memory_space<hbm>>
      %dma_start3A_271 = arith.constant 0 : i32
      %dma_start3A_272 = tpu.memref_slice %arg6[%add3A_266, %dma_start3A_271] : memref<512x64xf32, #tpu.memory_space<vmem>> -> memref<1x64xf32, #tpu.memory_space<vmem>>
      %dma_start3A_273 = arith.constant 0 : i32
      %dma_start3A_274 = tpu.memref_slice %arg3[%squeeze3A_264, %dma_start3A_273] : memref<1000000x64xf32, #tpu.memory_space<hbm>> -> memref<1x64xf32, #tpu.memory_space<hbm>>
      tpu.enqueue_dma source(%dma_start3A_274 : memref<1x64xf32, #tpu.memory_space<hbm>>) target(%dma_start3A_272 : memref<1x64xf32, #tpu.memory_space<vmem>>) target_semaphore(%arg7 : memref<!tpu.dma_semaphore, #tpu.memory_space<semaphore_mem>>)
      %slice3A_275 = vector.extract_strided_slice %get3A_121 {offsets = [13], sizes = [1], strides = [1]} : vector<16xi32> to vector<1xi32>
      %squeeze3A_276 = vector.extract %slice3A_275[0] : i32 from vector<1xi32>
      %add3A_277 = arith.constant 13 : i32
      %add3A_278 = arith.addi %multiple_of3A, %add3A_277 : i32
      %dma_start3A_279 = arith.constant 0 : i32
      %dma_start3A_280 = tpu.memref_slice %arg6[%add3A_278, %dma_start3A_279] : memref<512x64xf32, #tpu.memory_space<vmem>> -> memref<1x64xf32, #tpu.memory_space<vmem>>
      %dma_start3A_281 = arith.constant 0 : i32
      %dma_start3A_282 = tpu.memref_slice %arg3[%squeeze3A_276, %dma_start3A_281] : memref<1000000x64xf32, #tpu.memory_space<hbm>> -> memref<1x64xf32, #tpu.memory_space<hbm>>
      %dma_start3A_283 = arith.constant 0 : i32
      %dma_start3A_284 = tpu.memref_slice %arg6[%add3A_278, %dma_start3A_283] : memref<512x64xf32, #tpu.memory_space<vmem>> -> memref<1x64xf32, #tpu.memory_space<vmem>>
      %dma_start3A_285 = arith.constant 0 : i32
      %dma_start3A_286 = tpu.memref_slice %arg3[%squeeze3A_276, %dma_start3A_285] : memref<1000000x64xf32, #tpu.memory_space<hbm>> -> memref<1x64xf32, #tpu.memory_space<hbm>>
      tpu.enqueue_dma source(%dma_start3A_286 : memref<1x64xf32, #tpu.memory_space<hbm>>) target(%dma_start3A_284 : memref<1x64xf32, #tpu.memory_space<vmem>>) target_semaphore(%arg7 : memref<!tpu.dma_semaphore, #tpu.memory_space<semaphore_mem>>)
      %slice3A_287 = vector.extract_strided_slice %get3A_121 {offsets = [14], sizes = [1], strides = [1]} : vector<16xi32> to vector<1xi32>
      %squeeze3A_288 = vector.extract %slice3A_287[0] : i32 from vector<1xi32>
      %add3A_289 = arith.constant 14 : i32
      %add3A_290 = arith.addi %multiple_of3A, %add3A_289 : i32
      %dma_start3A_291 = arith.constant 0 : i32
      %dma_start3A_292 = tpu.memref_slice %arg6[%add3A_290, %dma_start3A_291] : memref<512x64xf32, #tpu.memory_space<vmem>> -> memref<1x64xf32, #tpu.memory_space<vmem>>
      %dma_start3A_293 = arith.constant 0 : i32
      %dma_start3A_294 = tpu.memref_slice %arg3[%squeeze3A_288, %dma_start3A_293] : memref<1000000x64xf32, #tpu.memory_space<hbm>> -> memref<1x64xf32, #tpu.memory_space<hbm>>
      %dma_start3A_295 = arith.constant 0 : i32
      %dma_start3A_296 = tpu.memref_slice %arg6[%add3A_290, %dma_start3A_295] : memref<512x64xf32, #tpu.memory_space<vmem>> -> memref<1x64xf32, #tpu.memory_space<vmem>>
      %dma_start3A_297 = arith.constant 0 : i32
      %dma_start3A_298 = tpu.memref_slice %arg3[%squeeze3A_288, %dma_start3A_297] : memref<1000000x64xf32, #tpu.memory_space<hbm>> -> memref<1x64xf32, #tpu.memory_space<hbm>>
      tpu.enqueue_dma source(%dma_start3A_298 : memref<1x64xf32, #tpu.memory_space<hbm>>) target(%dma_start3A_296 : memref<1x64xf32, #tpu.memory_space<vmem>>) target_semaphore(%arg7 : memref<!tpu.dma_semaphore, #tpu.memory_space<semaphore_mem>>)
      %slice3A_299 = vector.extract_strided_slice %get3A_121 {offsets = [15], sizes = [1], strides = [1]} : vector<16xi32> to vector<1xi32>
      %squeeze3A_300 = vector.extract %slice3A_299[0] : i32 from vector<1xi32>
      %add3A_301 = arith.constant 15 : i32
      %add3A_302 = arith.addi %multiple_of3A, %add3A_301 : i32
      %dma_start3A_303 = arith.constant 0 : i32
      %dma_start3A_304 = tpu.memref_slice %arg6[%add3A_302, %dma_start3A_303] : memref<512x64xf32, #tpu.memory_space<vmem>> -> memref<1x64xf32, #tpu.memory_space<vmem>>
      %dma_start3A_305 = arith.constant 0 : i32
      %dma_start3A_306 = tpu.memref_slice %arg3[%squeeze3A_300, %dma_start3A_305] : memref<1000000x64xf32, #tpu.memory_space<hbm>> -> memref<1x64xf32, #tpu.memory_space<hbm>>
      %dma_start3A_307 = arith.constant 0 : i32
      %dma_start3A_308 = tpu.memref_slice %arg6[%add3A_302, %dma_start3A_307] : memref<512x64xf32, #tpu.memory_space<vmem>> -> memref<1x64xf32, #tpu.memory_space<vmem>>
      %dma_start3A_309 = arith.constant 0 : i32
      %dma_start3A_310 = tpu.memref_slice %arg3[%squeeze3A_300, %dma_start3A_309] : memref<1000000x64xf32, #tpu.memory_space<hbm>> -> memref<1x64xf32, #tpu.memory_space<hbm>>
      tpu.enqueue_dma source(%dma_start3A_310 : memref<1x64xf32, #tpu.memory_space<hbm>>) target(%dma_start3A_308 : memref<1x64xf32, #tpu.memory_space<vmem>>) target_semaphore(%arg7 : memref<!tpu.dma_semaphore, #tpu.memory_space<semaphore_mem>>)
      %scan3A_311 = arith.constant 0 : i32
      scf.yield %scan3A_311 : i32
    }
    %scan3A_36 = arith.constant 4 : i32
    %scan3A_37 = arith.constant 0 : i32
    %scan3A_38 = arith.constant 0 : i32
    %scan3A_39 = arith.constant 64 : i32
    %scan3A_40 = arith.addi %scan3A_38, %scan3A_39 : i32
    %scan3A_41 = arith.constant 1 : i32
    %scan3A_42 = scf.for %scan3A_114 = %scan3A_38 to %scan3A_40 step %scan3A_41 iter_args(%scan3A_115 = %scan3A_37) -> (i32)  : i32 {
      %add3A_116 = arith.constant 128 : i32
      %add3A_117 = arith.addi %add3A_116, %scan3A_114 : i32
      %dma_wait3A = arith.constant 0 : i32
      %dma_wait3A_118 = tpu.memref_slice %arg6[%add3A_117, %dma_wait3A] : memref<512x64xf32, #tpu.memory_space<vmem>> -> memref<1x64xf32, #tpu.memory_space<vmem>>
      %dma_wait3A_119 = arith.constant 0 : i32
      %dma_wait3A_120 = arith.constant 0 : i32
      %dma_wait3A_121 = tpu.memref_slice %arg3[%dma_wait3A_119, %dma_wait3A_120] : memref<1000000x64xf32, #tpu.memory_space<hbm>> -> memref<1x64xf32, #tpu.memory_space<hbm>>
      %dma_wait3A_122 = arith.constant 0 : i32
      %dma_wait3A_123 = tpu.memref_slice %arg6[%add3A_117, %dma_wait3A_122] : memref<512x64xf32, #tpu.memory_space<vmem>> -> memref<1x64xf32, #tpu.memory_space<vmem>>
      %dma_wait3A_124 = arith.constant 0 : i32
      %dma_wait3A_125 = arith.constant 0 : i32
      %dma_wait3A_126 = tpu.memref_slice %arg3[%dma_wait3A_124, %dma_wait3A_125] : memref<1000000x64xf32, #tpu.memory_space<hbm>> -> memref<1x64xf32, #tpu.memory_space<hbm>>
      tpu.wait_dma2 semaphore(%arg7 : memref<!tpu.dma_semaphore, #tpu.memory_space<semaphore_mem>>) src(%dma_wait3A_126 : memref<1x64xf32, #tpu.memory_space<hbm>>) dst(%dma_wait3A_123 : memref<1x64xf32, #tpu.memory_space<vmem>>)
      %scan3A_127 = arith.constant 0 : i32
      scf.yield %scan3A_127 : i32
    }
    %scan3A_43 = arith.constant 64 : i32
    %scan3A_44 = arith.constant 0 : i32
    %scan3A_45 = arith.constant 0 : i32
    %scan3A_46 = arith.constant 4 : i32
    %scan3A_47 = arith.addi %scan3A_45, %scan3A_46 : i32
    %scan3A_48 = arith.constant 1 : i32
    %scan3A_49 = scf.for %scan3A_114 = %scan3A_45 to %scan3A_47 step %scan3A_48 iter_args(%scan3A_115 = %scan3A_44) -> (i32)  : i32 {
      %mul3A_116 = arith.constant 16 : i32
      %mul3A_117 = arith.muli %scan3A_114, %mul3A_116 : i32
      %add3A_118 = arith.constant 192 : i32
      %add3A_119 = arith.addi %add3A_118, %mul3A_117 : i32
      %multiple_of3A = tpu.assume_multiple %add3A_119, 16 : i32
      %get3A = arith.index_cast %multiple_of3A : i32 to index
      %get3A_120 = tpu.vector_load %arg5[%get3A] {strides = array<i32>} : memref<512xi32, #tpu.memory_space<vmem>>, vector<16xi32>,
      %get3A_121 = vector.shape_cast %get3A_120 : vector<16xi32> to vector<16xi32>
      %slice3A = vector.extract_strided_slice %get3A_121 {offsets = [0], sizes = [1], strides = [1]} : vector<16xi32> to vector<1xi32>
      %squeeze3A = vector.extract %slice3A[0] : i32 from vector<1xi32>
      %add3A_122 = arith.constant 0 : i32
      %add3A_123 = arith.addi %multiple_of3A, %add3A_122 : i32
      %dma_start3A = arith.constant 0 : i32
      %dma_start3A_124 = tpu.memref_slice %arg6[%add3A_123, %dma_start3A] : memref<512x64xf32, #tpu.memory_space<vmem>> -> memref<1x64xf32, #tpu.memory_space<vmem>>
      %dma_start3A_125 = arith.constant 0 : i32
      %dma_start3A_126 = tpu.memref_slice %arg3[%squeeze3A, %dma_start3A_125] : memref<1000000x64xf32, #tpu.memory_space<hbm>> -> memref<1x64xf32, #tpu.memory_space<hbm>>
      %dma_start3A_127 = arith.constant 0 : i32
      %dma_start3A_128 = tpu.memref_slice %arg6[%add3A_123, %dma_start3A_127] : memref<512x64xf32, #tpu.memory_space<vmem>> -> memref<1x64xf32, #tpu.memory_space<vmem>>
      %dma_start3A_129 = arith.constant 0 : i32
      %dma_start3A_130 = tpu.memref_slice %arg3[%squeeze3A, %dma_start3A_129] : memref<1000000x64xf32, #tpu.memory_space<hbm>> -> memref<1x64xf32, #tpu.memory_space<hbm>>
      tpu.enqueue_dma source(%dma_start3A_130 : memref<1x64xf32, #tpu.memory_space<hbm>>) target(%dma_start3A_128 : memref<1x64xf32, #tpu.memory_space<vmem>>) target_semaphore(%arg7 : memref<!tpu.dma_semaphore, #tpu.memory_space<semaphore_mem>>)
      %slice3A_131 = vector.extract_strided_slice %get3A_121 {offsets = [1], sizes = [1], strides = [1]} : vector<16xi32> to vector<1xi32>
      %squeeze3A_132 = vector.extract %slice3A_131[0] : i32 from vector<1xi32>
      %add3A_133 = arith.constant 1 : i32
      %add3A_134 = arith.addi %multiple_of3A, %add3A_133 : i32
      %dma_start3A_135 = arith.constant 0 : i32
      %dma_start3A_136 = tpu.memref_slice %arg6[%add3A_134, %dma_start3A_135] : memref<512x64xf32, #tpu.memory_space<vmem>> -> memref<1x64xf32, #tpu.memory_space<vmem>>
      %dma_start3A_137 = arith.constant 0 : i32
      %dma_start3A_138 = tpu.memref_slice %arg3[%squeeze3A_132, %dma_start3A_137] : memref<1000000x64xf32, #tpu.memory_space<hbm>> -> memref<1x64xf32, #tpu.memory_space<hbm>>
      %dma_start3A_139 = arith.constant 0 : i32
      %dma_start3A_140 = tpu.memref_slice %arg6[%add3A_134, %dma_start3A_139] : memref<512x64xf32, #tpu.memory_space<vmem>> -> memref<1x64xf32, #tpu.memory_space<vmem>>
      %dma_start3A_141 = arith.constant 0 : i32
      %dma_start3A_142 = tpu.memref_slice %arg3[%squeeze3A_132, %dma_start3A_141] : memref<1000000x64xf32, #tpu.memory_space<hbm>> -> memref<1x64xf32, #tpu.memory_space<hbm>>
      tpu.enqueue_dma source(%dma_start3A_142 : memref<1x64xf32, #tpu.memory_space<hbm>>) target(%dma_start3A_140 : memref<1x64xf32, #tpu.memory_space<vmem>>) target_semaphore(%arg7 : memref<!tpu.dma_semaphore, #tpu.memory_space<semaphore_mem>>)
      %slice3A_143 = vector.extract_strided_slice %get3A_121 {offsets = [2], sizes = [1], strides = [1]} : vector<16xi32> to vector<1xi32>
      %squeeze3A_144 = vector.extract %slice3A_143[0] : i32 from vector<1xi32>
      %add3A_145 = arith.constant 2 : i32
      %add3A_146 = arith.addi %multiple_of3A, %add3A_145 : i32
      %dma_start3A_147 = arith.constant 0 : i32
      %dma_start3A_148 = tpu.memref_slice %arg6[%add3A_146, %dma_start3A_147] : memref<512x64xf32, #tpu.memory_space<vmem>> -> memref<1x64xf32, #tpu.memory_space<vmem>>
      %dma_start3A_149 = arith.constant 0 : i32
      %dma_start3A_150 = tpu.memref_slice %arg3[%squeeze3A_144, %dma_start3A_149] : memref<1000000x64xf32, #tpu.memory_space<hbm>> -> memref<1x64xf32, #tpu.memory_space<hbm>>
      %dma_start3A_151 = arith.constant 0 : i32
      %dma_start3A_152 = tpu.memref_slice %arg6[%add3A_146, %dma_start3A_151] : memref<512x64xf32, #tpu.memory_space<vmem>> -> memref<1x64xf32, #tpu.memory_space<vmem>>
      %dma_start3A_153 = arith.constant 0 : i32
      %dma_start3A_154 = tpu.memref_slice %arg3[%squeeze3A_144, %dma_start3A_153] : memref<1000000x64xf32, #tpu.memory_space<hbm>> -> memref<1x64xf32, #tpu.memory_space<hbm>>
      tpu.enqueue_dma source(%dma_start3A_154 : memref<1x64xf32, #tpu.memory_space<hbm>>) target(%dma_start3A_152 : memref<1x64xf32, #tpu.memory_space<vmem>>) target_semaphore(%arg7 : memref<!tpu.dma_semaphore, #tpu.memory_space<semaphore_mem>>)
      %slice3A_155 = vector.extract_strided_slice %get3A_121 {offsets = [3], sizes = [1], strides = [1]} : vector<16xi32> to vector<1xi32>
      %squeeze3A_156 = vector.extract %slice3A_155[0] : i32 from vector<1xi32>
      %add3A_157 = arith.constant 3 : i32
      %add3A_158 = arith.addi %multiple_of3A, %add3A_157 : i32
      %dma_start3A_159 = arith.constant 0 : i32
      %dma_start3A_160 = tpu.memref_slice %arg6[%add3A_158, %dma_start3A_159] : memref<512x64xf32, #tpu.memory_space<vmem>> -> memref<1x64xf32, #tpu.memory_space<vmem>>
      %dma_start3A_161 = arith.constant 0 : i32
      %dma_start3A_162 = tpu.memref_slice %arg3[%squeeze3A_156, %dma_start3A_161] : memref<1000000x64xf32, #tpu.memory_space<hbm>> -> memref<1x64xf32, #tpu.memory_space<hbm>>
      %dma_start3A_163 = arith.constant 0 : i32
      %dma_start3A_164 = tpu.memref_slice %arg6[%add3A_158, %dma_start3A_163] : memref<512x64xf32, #tpu.memory_space<vmem>> -> memref<1x64xf32, #tpu.memory_space<vmem>>
      %dma_start3A_165 = arith.constant 0 : i32
      %dma_start3A_166 = tpu.memref_slice %arg3[%squeeze3A_156, %dma_start3A_165] : memref<1000000x64xf32, #tpu.memory_space<hbm>> -> memref<1x64xf32, #tpu.memory_space<hbm>>
      tpu.enqueue_dma source(%dma_start3A_166 : memref<1x64xf32, #tpu.memory_space<hbm>>) target(%dma_start3A_164 : memref<1x64xf32, #tpu.memory_space<vmem>>) target_semaphore(%arg7 : memref<!tpu.dma_semaphore, #tpu.memory_space<semaphore_mem>>)
      %slice3A_167 = vector.extract_strided_slice %get3A_121 {offsets = [4], sizes = [1], strides = [1]} : vector<16xi32> to vector<1xi32>
      %squeeze3A_168 = vector.extract %slice3A_167[0] : i32 from vector<1xi32>
      %add3A_169 = arith.constant 4 : i32
      %add3A_170 = arith.addi %multiple_of3A, %add3A_169 : i32
      %dma_start3A_171 = arith.constant 0 : i32
      %dma_start3A_172 = tpu.memref_slice %arg6[%add3A_170, %dma_start3A_171] : memref<512x64xf32, #tpu.memory_space<vmem>> -> memref<1x64xf32, #tpu.memory_space<vmem>>
      %dma_start3A_173 = arith.constant 0 : i32
      %dma_start3A_174 = tpu.memref_slice %arg3[%squeeze3A_168, %dma_start3A_173] : memref<1000000x64xf32, #tpu.memory_space<hbm>> -> memref<1x64xf32, #tpu.memory_space<hbm>>
      %dma_start3A_175 = arith.constant 0 : i32
      %dma_start3A_176 = tpu.memref_slice %arg6[%add3A_170, %dma_start3A_175] : memref<512x64xf32, #tpu.memory_space<vmem>> -> memref<1x64xf32, #tpu.memory_space<vmem>>
      %dma_start3A_177 = arith.constant 0 : i32
      %dma_start3A_178 = tpu.memref_slice %arg3[%squeeze3A_168, %dma_start3A_177] : memref<1000000x64xf32, #tpu.memory_space<hbm>> -> memref<1x64xf32, #tpu.memory_space<hbm>>
      tpu.enqueue_dma source(%dma_start3A_178 : memref<1x64xf32, #tpu.memory_space<hbm>>) target(%dma_start3A_176 : memref<1x64xf32, #tpu.memory_space<vmem>>) target_semaphore(%arg7 : memref<!tpu.dma_semaphore, #tpu.memory_space<semaphore_mem>>)
      %slice3A_179 = vector.extract_strided_slice %get3A_121 {offsets = [5], sizes = [1], strides = [1]} : vector<16xi32> to vector<1xi32>
      %squeeze3A_180 = vector.extract %slice3A_179[0] : i32 from vector<1xi32>
      %add3A_181 = arith.constant 5 : i32
      %add3A_182 = arith.addi %multiple_of3A, %add3A_181 : i32
      %dma_start3A_183 = arith.constant 0 : i32
      %dma_start3A_184 = tpu.memref_slice %arg6[%add3A_182, %dma_start3A_183] : memref<512x64xf32, #tpu.memory_space<vmem>> -> memref<1x64xf32, #tpu.memory_space<vmem>>
      %dma_start3A_185 = arith.constant 0 : i32
      %dma_start3A_186 = tpu.memref_slice %arg3[%squeeze3A_180, %dma_start3A_185] : memref<1000000x64xf32, #tpu.memory_space<hbm>> -> memref<1x64xf32, #tpu.memory_space<hbm>>
      %dma_start3A_187 = arith.constant 0 : i32
      %dma_start3A_188 = tpu.memref_slice %arg6[%add3A_182, %dma_start3A_187] : memref<512x64xf32, #tpu.memory_space<vmem>> -> memref<1x64xf32, #tpu.memory_space<vmem>>
      %dma_start3A_189 = arith.constant 0 : i32
      %dma_start3A_190 = tpu.memref_slice %arg3[%squeeze3A_180, %dma_start3A_189] : memref<1000000x64xf32, #tpu.memory_space<hbm>> -> memref<1x64xf32, #tpu.memory_space<hbm>>
      tpu.enqueue_dma source(%dma_start3A_190 : memref<1x64xf32, #tpu.memory_space<hbm>>) target(%dma_start3A_188 : memref<1x64xf32, #tpu.memory_space<vmem>>) target_semaphore(%arg7 : memref<!tpu.dma_semaphore, #tpu.memory_space<semaphore_mem>>)
      %slice3A_191 = vector.extract_strided_slice %get3A_121 {offsets = [6], sizes = [1], strides = [1]} : vector<16xi32> to vector<1xi32>
      %squeeze3A_192 = vector.extract %slice3A_191[0] : i32 from vector<1xi32>
      %add3A_193 = arith.constant 6 : i32
      %add3A_194 = arith.addi %multiple_of3A, %add3A_193 : i32
      %dma_start3A_195 = arith.constant 0 : i32
      %dma_start3A_196 = tpu.memref_slice %arg6[%add3A_194, %dma_start3A_195] : memref<512x64xf32, #tpu.memory_space<vmem>> -> memref<1x64xf32, #tpu.memory_space<vmem>>
      %dma_start3A_197 = arith.constant 0 : i32
      %dma_start3A_198 = tpu.memref_slice %arg3[%squeeze3A_192, %dma_start3A_197] : memref<1000000x64xf32, #tpu.memory_space<hbm>> -> memref<1x64xf32, #tpu.memory_space<hbm>>
      %dma_start3A_199 = arith.constant 0 : i32
      %dma_start3A_200 = tpu.memref_slice %arg6[%add3A_194, %dma_start3A_199] : memref<512x64xf32, #tpu.memory_space<vmem>> -> memref<1x64xf32, #tpu.memory_space<vmem>>
      %dma_start3A_201 = arith.constant 0 : i32
      %dma_start3A_202 = tpu.memref_slice %arg3[%squeeze3A_192, %dma_start3A_201] : memref<1000000x64xf32, #tpu.memory_space<hbm>> -> memref<1x64xf32, #tpu.memory_space<hbm>>
      tpu.enqueue_dma source(%dma_start3A_202 : memref<1x64xf32, #tpu.memory_space<hbm>>) target(%dma_start3A_200 : memref<1x64xf32, #tpu.memory_space<vmem>>) target_semaphore(%arg7 : memref<!tpu.dma_semaphore, #tpu.memory_space<semaphore_mem>>)
      %slice3A_203 = vector.extract_strided_slice %get3A_121 {offsets = [7], sizes = [1], strides = [1]} : vector<16xi32> to vector<1xi32>
      %squeeze3A_204 = vector.extract %slice3A_203[0] : i32 from vector<1xi32>
      %add3A_205 = arith.constant 7 : i32
      %add3A_206 = arith.addi %multiple_of3A, %add3A_205 : i32
      %dma_start3A_207 = arith.constant 0 : i32
      %dma_start3A_208 = tpu.memref_slice %arg6[%add3A_206, %dma_start3A_207] : memref<512x64xf32, #tpu.memory_space<vmem>> -> memref<1x64xf32, #tpu.memory_space<vmem>>
      %dma_start3A_209 = arith.constant 0 : i32
      %dma_start3A_210 = tpu.memref_slice %arg3[%squeeze3A_204, %dma_start3A_209] : memref<1000000x64xf32, #tpu.memory_space<hbm>> -> memref<1x64xf32, #tpu.memory_space<hbm>>
      %dma_start3A_211 = arith.constant 0 : i32
      %dma_start3A_212 = tpu.memref_slice %arg6[%add3A_206, %dma_start3A_211] : memref<512x64xf32, #tpu.memory_space<vmem>> -> memref<1x64xf32, #tpu.memory_space<vmem>>
      %dma_start3A_213 = arith.constant 0 : i32
      %dma_start3A_214 = tpu.memref_slice %arg3[%squeeze3A_204, %dma_start3A_213] : memref<1000000x64xf32, #tpu.memory_space<hbm>> -> memref<1x64xf32, #tpu.memory_space<hbm>>
      tpu.enqueue_dma source(%dma_start3A_214 : memref<1x64xf32, #tpu.memory_space<hbm>>) target(%dma_start3A_212 : memref<1x64xf32, #tpu.memory_space<vmem>>) target_semaphore(%arg7 : memref<!tpu.dma_semaphore, #tpu.memory_space<semaphore_mem>>)
      %slice3A_215 = vector.extract_strided_slice %get3A_121 {offsets = [8], sizes = [1], strides = [1]} : vector<16xi32> to vector<1xi32>
      %squeeze3A_216 = vector.extract %slice3A_215[0] : i32 from vector<1xi32>
      %add3A_217 = arith.constant 8 : i32
      %add3A_218 = arith.addi %multiple_of3A, %add3A_217 : i32
      %dma_start3A_219 = arith.constant 0 : i32
      %dma_start3A_220 = tpu.memref_slice %arg6[%add3A_218, %dma_start3A_219] : memref<512x64xf32, #tpu.memory_space<vmem>> -> memref<1x64xf32, #tpu.memory_space<vmem>>
      %dma_start3A_221 = arith.constant 0 : i32
      %dma_start3A_222 = tpu.memref_slice %arg3[%squeeze3A_216, %dma_start3A_221] : memref<1000000x64xf32, #tpu.memory_space<hbm>> -> memref<1x64xf32, #tpu.memory_space<hbm>>
      %dma_start3A_223 = arith.constant 0 : i32
      %dma_start3A_224 = tpu.memref_slice %arg6[%add3A_218, %dma_start3A_223] : memref<512x64xf32, #tpu.memory_space<vmem>> -> memref<1x64xf32, #tpu.memory_space<vmem>>
      %dma_start3A_225 = arith.constant 0 : i32
      %dma_start3A_226 = tpu.memref_slice %arg3[%squeeze3A_216, %dma_start3A_225] : memref<1000000x64xf32, #tpu.memory_space<hbm>> -> memref<1x64xf32, #tpu.memory_space<hbm>>
      tpu.enqueue_dma source(%dma_start3A_226 : memref<1x64xf32, #tpu.memory_space<hbm>>) target(%dma_start3A_224 : memref<1x64xf32, #tpu.memory_space<vmem>>) target_semaphore(%arg7 : memref<!tpu.dma_semaphore, #tpu.memory_space<semaphore_mem>>)
      %slice3A_227 = vector.extract_strided_slice %get3A_121 {offsets = [9], sizes = [1], strides = [1]} : vector<16xi32> to vector<1xi32>
      %squeeze3A_228 = vector.extract %slice3A_227[0] : i32 from vector<1xi32>
      %add3A_229 = arith.constant 9 : i32
      %add3A_230 = arith.addi %multiple_of3A, %add3A_229 : i32
      %dma_start3A_231 = arith.constant 0 : i32
      %dma_start3A_232 = tpu.memref_slice %arg6[%add3A_230, %dma_start3A_231] : memref<512x64xf32, #tpu.memory_space<vmem>> -> memref<1x64xf32, #tpu.memory_space<vmem>>
      %dma_start3A_233 = arith.constant 0 : i32
      %dma_start3A_234 = tpu.memref_slice %arg3[%squeeze3A_228, %dma_start3A_233] : memref<1000000x64xf32, #tpu.memory_space<hbm>> -> memref<1x64xf32, #tpu.memory_space<hbm>>
      %dma_start3A_235 = arith.constant 0 : i32
      %dma_start3A_236 = tpu.memref_slice %arg6[%add3A_230, %dma_start3A_235] : memref<512x64xf32, #tpu.memory_space<vmem>> -> memref<1x64xf32, #tpu.memory_space<vmem>>
      %dma_start3A_237 = arith.constant 0 : i32
      %dma_start3A_238 = tpu.memref_slice %arg3[%squeeze3A_228, %dma_start3A_237] : memref<1000000x64xf32, #tpu.memory_space<hbm>> -> memref<1x64xf32, #tpu.memory_space<hbm>>
      tpu.enqueue_dma source(%dma_start3A_238 : memref<1x64xf32, #tpu.memory_space<hbm>>) target(%dma_start3A_236 : memref<1x64xf32, #tpu.memory_space<vmem>>) target_semaphore(%arg7 : memref<!tpu.dma_semaphore, #tpu.memory_space<semaphore_mem>>)
      %slice3A_239 = vector.extract_strided_slice %get3A_121 {offsets = [10], sizes = [1], strides = [1]} : vector<16xi32> to vector<1xi32>
      %squeeze3A_240 = vector.extract %slice3A_239[0] : i32 from vector<1xi32>
      %add3A_241 = arith.constant 10 : i32
      %add3A_242 = arith.addi %multiple_of3A, %add3A_241 : i32
      %dma_start3A_243 = arith.constant 0 : i32
      %dma_start3A_244 = tpu.memref_slice %arg6[%add3A_242, %dma_start3A_243] : memref<512x64xf32, #tpu.memory_space<vmem>> -> memref<1x64xf32, #tpu.memory_space<vmem>>
      %dma_start3A_245 = arith.constant 0 : i32
      %dma_start3A_246 = tpu.memref_slice %arg3[%squeeze3A_240, %dma_start3A_245] : memref<1000000x64xf32, #tpu.memory_space<hbm>> -> memref<1x64xf32, #tpu.memory_space<hbm>>
      %dma_start3A_247 = arith.constant 0 : i32
      %dma_start3A_248 = tpu.memref_slice %arg6[%add3A_242, %dma_start3A_247] : memref<512x64xf32, #tpu.memory_space<vmem>> -> memref<1x64xf32, #tpu.memory_space<vmem>>
      %dma_start3A_249 = arith.constant 0 : i32
      %dma_start3A_250 = tpu.memref_slice %arg3[%squeeze3A_240, %dma_start3A_249] : memref<1000000x64xf32, #tpu.memory_space<hbm>> -> memref<1x64xf32, #tpu.memory_space<hbm>>
      tpu.enqueue_dma source(%dma_start3A_250 : memref<1x64xf32, #tpu.memory_space<hbm>>) target(%dma_start3A_248 : memref<1x64xf32, #tpu.memory_space<vmem>>) target_semaphore(%arg7 : memref<!tpu.dma_semaphore, #tpu.memory_space<semaphore_mem>>)
      %slice3A_251 = vector.extract_strided_slice %get3A_121 {offsets = [11], sizes = [1], strides = [1]} : vector<16xi32> to vector<1xi32>
      %squeeze3A_252 = vector.extract %slice3A_251[0] : i32 from vector<1xi32>
      %add3A_253 = arith.constant 11 : i32
      %add3A_254 = arith.addi %multiple_of3A, %add3A_253 : i32
      %dma_start3A_255 = arith.constant 0 : i32
      %dma_start3A_256 = tpu.memref_slice %arg6[%add3A_254, %dma_start3A_255] : memref<512x64xf32, #tpu.memory_space<vmem>> -> memref<1x64xf32, #tpu.memory_space<vmem>>
      %dma_start3A_257 = arith.constant 0 : i32
      %dma_start3A_258 = tpu.memref_slice %arg3[%squeeze3A_252, %dma_start3A_257] : memref<1000000x64xf32, #tpu.memory_space<hbm>> -> memref<1x64xf32, #tpu.memory_space<hbm>>
      %dma_start3A_259 = arith.constant 0 : i32
      %dma_start3A_260 = tpu.memref_slice %arg6[%add3A_254, %dma_start3A_259] : memref<512x64xf32, #tpu.memory_space<vmem>> -> memref<1x64xf32, #tpu.memory_space<vmem>>
      %dma_start3A_261 = arith.constant 0 : i32
      %dma_start3A_262 = tpu.memref_slice %arg3[%squeeze3A_252, %dma_start3A_261] : memref<1000000x64xf32, #tpu.memory_space<hbm>> -> memref<1x64xf32, #tpu.memory_space<hbm>>
      tpu.enqueue_dma source(%dma_start3A_262 : memref<1x64xf32, #tpu.memory_space<hbm>>) target(%dma_start3A_260 : memref<1x64xf32, #tpu.memory_space<vmem>>) target_semaphore(%arg7 : memref<!tpu.dma_semaphore, #tpu.memory_space<semaphore_mem>>)
      %slice3A_263 = vector.extract_strided_slice %get3A_121 {offsets = [12], sizes = [1], strides = [1]} : vector<16xi32> to vector<1xi32>
      %squeeze3A_264 = vector.extract %slice3A_263[0] : i32 from vector<1xi32>
      %add3A_265 = arith.constant 12 : i32
      %add3A_266 = arith.addi %multiple_of3A, %add3A_265 : i32
      %dma_start3A_267 = arith.constant 0 : i32
      %dma_start3A_268 = tpu.memref_slice %arg6[%add3A_266, %dma_start3A_267] : memref<512x64xf32, #tpu.memory_space<vmem>> -> memref<1x64xf32, #tpu.memory_space<vmem>>
      %dma_start3A_269 = arith.constant 0 : i32
      %dma_start3A_270 = tpu.memref_slice %arg3[%squeeze3A_264, %dma_start3A_269] : memref<1000000x64xf32, #tpu.memory_space<hbm>> -> memref<1x64xf32, #tpu.memory_space<hbm>>
      %dma_start3A_271 = arith.constant 0 : i32
      %dma_start3A_272 = tpu.memref_slice %arg6[%add3A_266, %dma_start3A_271] : memref<512x64xf32, #tpu.memory_space<vmem>> -> memref<1x64xf32, #tpu.memory_space<vmem>>
      %dma_start3A_273 = arith.constant 0 : i32
      %dma_start3A_274 = tpu.memref_slice %arg3[%squeeze3A_264, %dma_start3A_273] : memref<1000000x64xf32, #tpu.memory_space<hbm>> -> memref<1x64xf32, #tpu.memory_space<hbm>>
      tpu.enqueue_dma source(%dma_start3A_274 : memref<1x64xf32, #tpu.memory_space<hbm>>) target(%dma_start3A_272 : memref<1x64xf32, #tpu.memory_space<vmem>>) target_semaphore(%arg7 : memref<!tpu.dma_semaphore, #tpu.memory_space<semaphore_mem>>)
      %slice3A_275 = vector.extract_strided_slice %get3A_121 {offsets = [13], sizes = [1], strides = [1]} : vector<16xi32> to vector<1xi32>
      %squeeze3A_276 = vector.extract %slice3A_275[0] : i32 from vector<1xi32>
      %add3A_277 = arith.constant 13 : i32
      %add3A_278 = arith.addi %multiple_of3A, %add3A_277 : i32
      %dma_start3A_279 = arith.constant 0 : i32
      %dma_start3A_280 = tpu.memref_slice %arg6[%add3A_278, %dma_start3A_279] : memref<512x64xf32, #tpu.memory_space<vmem>> -> memref<1x64xf32, #tpu.memory_space<vmem>>
      %dma_start3A_281 = arith.constant 0 : i32
      %dma_start3A_282 = tpu.memref_slice %arg3[%squeeze3A_276, %dma_start3A_281] : memref<1000000x64xf32, #tpu.memory_space<hbm>> -> memref<1x64xf32, #tpu.memory_space<hbm>>
      %dma_start3A_283 = arith.constant 0 : i32
      %dma_start3A_284 = tpu.memref_slice %arg6[%add3A_278, %dma_start3A_283] : memref<512x64xf32, #tpu.memory_space<vmem>> -> memref<1x64xf32, #tpu.memory_space<vmem>>
      %dma_start3A_285 = arith.constant 0 : i32
      %dma_start3A_286 = tpu.memref_slice %arg3[%squeeze3A_276, %dma_start3A_285] : memref<1000000x64xf32, #tpu.memory_space<hbm>> -> memref<1x64xf32, #tpu.memory_space<hbm>>
      tpu.enqueue_dma source(%dma_start3A_286 : memref<1x64xf32, #tpu.memory_space<hbm>>) target(%dma_start3A_284 : memref<1x64xf32, #tpu.memory_space<vmem>>) target_semaphore(%arg7 : memref<!tpu.dma_semaphore, #tpu.memory_space<semaphore_mem>>)
      %slice3A_287 = vector.extract_strided_slice %get3A_121 {offsets = [14], sizes = [1], strides = [1]} : vector<16xi32> to vector<1xi32>
      %squeeze3A_288 = vector.extract %slice3A_287[0] : i32 from vector<1xi32>
      %add3A_289 = arith.constant 14 : i32
      %add3A_290 = arith.addi %multiple_of3A, %add3A_289 : i32
      %dma_start3A_291 = arith.constant 0 : i32
      %dma_start3A_292 = tpu.memref_slice %arg6[%add3A_290, %dma_start3A_291] : memref<512x64xf32, #tpu.memory_space<vmem>> -> memref<1x64xf32, #tpu.memory_space<vmem>>
      %dma_start3A_293 = arith.constant 0 : i32
      %dma_start3A_294 = tpu.memref_slice %arg3[%squeeze3A_288, %dma_start3A_293] : memref<1000000x64xf32, #tpu.memory_space<hbm>> -> memref<1x64xf32, #tpu.memory_space<hbm>>
      %dma_start3A_295 = arith.constant 0 : i32
      %dma_start3A_296 = tpu.memref_slice %arg6[%add3A_290, %dma_start3A_295] : memref<512x64xf32, #tpu.memory_space<vmem>> -> memref<1x64xf32, #tpu.memory_space<vmem>>
      %dma_start3A_297 = arith.constant 0 : i32
      %dma_start3A_298 = tpu.memref_slice %arg3[%squeeze3A_288, %dma_start3A_297] : memref<1000000x64xf32, #tpu.memory_space<hbm>> -> memref<1x64xf32, #tpu.memory_space<hbm>>
      tpu.enqueue_dma source(%dma_start3A_298 : memref<1x64xf32, #tpu.memory_space<hbm>>) target(%dma_start3A_296 : memref<1x64xf32, #tpu.memory_space<vmem>>) target_semaphore(%arg7 : memref<!tpu.dma_semaphore, #tpu.memory_space<semaphore_mem>>)
      %slice3A_299 = vector.extract_strided_slice %get3A_121 {offsets = [15], sizes = [1], strides = [1]} : vector<16xi32> to vector<1xi32>
      %squeeze3A_300 = vector.extract %slice3A_299[0] : i32 from vector<1xi32>
      %add3A_301 = arith.constant 15 : i32
      %add3A_302 = arith.addi %multiple_of3A, %add3A_301 : i32
      %dma_start3A_303 = arith.constant 0 : i32
      %dma_start3A_304 = tpu.memref_slice %arg6[%add3A_302, %dma_start3A_303] : memref<512x64xf32, #tpu.memory_space<vmem>> -> memref<1x64xf32, #tpu.memory_space<vmem>>
      %dma_start3A_305 = arith.constant 0 : i32
      %dma_start3A_306 = tpu.memref_slice %arg3[%squeeze3A_300, %dma_start3A_305] : memref<1000000x64xf32, #tpu.memory_space<hbm>> -> memref<1x64xf32, #tpu.memory_space<hbm>>
      %dma_start3A_307 = arith.constant 0 : i32
      %dma_start3A_308 = tpu.memref_slice %arg6[%add3A_302, %dma_start3A_307] : memref<512x64xf32, #tpu.memory_space<vmem>> -> memref<1x64xf32, #tpu.memory_space<vmem>>
      %dma_start3A_309 = arith.constant 0 : i32
      %dma_start3A_310 = tpu.memref_slice %arg3[%squeeze3A_300, %dma_start3A_309] : memref<1000000x64xf32, #tpu.memory_space<hbm>> -> memref<1x64xf32, #tpu.memory_space<hbm>>
      tpu.enqueue_dma source(%dma_start3A_310 : memref<1x64xf32, #tpu.memory_space<hbm>>) target(%dma_start3A_308 : memref<1x64xf32, #tpu.memory_space<vmem>>) target_semaphore(%arg7 : memref<!tpu.dma_semaphore, #tpu.memory_space<semaphore_mem>>)
      %scan3A_311 = arith.constant 0 : i32
      scf.yield %scan3A_311 : i32
    }
    %scan3A_50 = arith.constant 4 : i32
    %scan3A_51 = arith.constant 0 : i32
    %scan3A_52 = arith.constant 0 : i32
    %scan3A_53 = arith.constant 64 : i32
    %scan3A_54 = arith.addi %scan3A_52, %scan3A_53 : i32
    %scan3A_55 = arith.constant 1 : i32
    %scan3A_56 = scf.for %scan3A_114 = %scan3A_52 to %scan3A_54 step %scan3A_55 iter_args(%scan3A_115 = %scan3A_51) -> (i32)  : i32 {
      %add3A_116 = arith.constant 192 : i32
      %add3A_117 = arith.addi %add3A_116, %scan3A_114 : i32
      %dma_wait3A = arith.constant 0 : i32
      %dma_wait3A_118 = tpu.memref_slice %arg6[%add3A_117, %dma_wait3A] : memref<512x64xf32, #tpu.memory_space<vmem>> -> memref<1x64xf32, #tpu.memory_space<vmem>>
      %dma_wait3A_119 = arith.constant 0 : i32
      %dma_wait3A_120 = arith.constant 0 : i32
      %dma_wait3A_121 = tpu.memref_slice %arg3[%dma_wait3A_119, %dma_wait3A_120] : memref<1000000x64xf32, #tpu.memory_space<hbm>> -> memref<1x64xf32, #tpu.memory_space<hbm>>
      %dma_wait3A_122 = arith.constant 0 : i32
      %dma_wait3A_123 = tpu.memref_slice %arg6[%add3A_117, %dma_wait3A_122] : memref<512x64xf32, #tpu.memory_space<vmem>> -> memref<1x64xf32, #tpu.memory_space<vmem>>
      %dma_wait3A_124 = arith.constant 0 : i32
      %dma_wait3A_125 = arith.constant 0 : i32
      %dma_wait3A_126 = tpu.memref_slice %arg3[%dma_wait3A_124, %dma_wait3A_125] : memref<1000000x64xf32, #tpu.memory_space<hbm>> -> memref<1x64xf32, #tpu.memory_space<hbm>>
      tpu.wait_dma2 semaphore(%arg7 : memref<!tpu.dma_semaphore, #tpu.memory_space<semaphore_mem>>) src(%dma_wait3A_126 : memref<1x64xf32, #tpu.memory_space<hbm>>) dst(%dma_wait3A_123 : memref<1x64xf32, #tpu.memory_space<vmem>>)
      %scan3A_127 = arith.constant 0 : i32
      scf.yield %scan3A_127 : i32
    }
    %scan3A_57 = arith.constant 64 : i32
    %scan3A_58 = arith.constant 0 : i32
    %scan3A_59 = arith.constant 0 : i32
    %scan3A_60 = arith.constant 4 : i32
    %scan3A_61 = arith.addi %scan3A_59, %scan3A_60 : i32
    %scan3A_62 = arith.constant 1 : i32
    %scan3A_63 = scf.for %scan3A_114 = %scan3A_59 to %scan3A_61 step %scan3A_62 iter_args(%scan3A_115 = %scan3A_58) -> (i32)  : i32 {
      %mul3A_116 = arith.constant 16 : i32
      %mul3A_117 = arith.muli %scan3A_114, %mul3A_116 : i32
      %add3A_118 = arith.constant 256 : i32
      %add3A_119 = arith.addi %add3A_118, %mul3A_117 : i32
      %multiple_of3A = tpu.assume_multiple %add3A_119, 16 : i32
      %get3A = arith.index_cast %multiple_of3A : i32 to index
      %get3A_120 = tpu.vector_load %arg5[%get3A] {strides = array<i32>} : memref<512xi32, #tpu.memory_space<vmem>>, vector<16xi32>,
      %get3A_121 = vector.shape_cast %get3A_120 : vector<16xi32> to vector<16xi32>
      %slice3A = vector.extract_strided_slice %get3A_121 {offsets = [0], sizes = [1], strides = [1]} : vector<16xi32> to vector<1xi32>
      %squeeze3A = vector.extract %slice3A[0] : i32 from vector<1xi32>
      %add3A_122 = arith.constant 0 : i32
      %add3A_123 = arith.addi %multiple_of3A, %add3A_122 : i32
      %dma_start3A = arith.constant 0 : i32
      %dma_start3A_124 = tpu.memref_slice %arg6[%add3A_123, %dma_start3A] : memref<512x64xf32, #tpu.memory_space<vmem>> -> memref<1x64xf32, #tpu.memory_space<vmem>>
      %dma_start3A_125 = arith.constant 0 : i32
      %dma_start3A_126 = tpu.memref_slice %arg3[%squeeze3A, %dma_start3A_125] : memref<1000000x64xf32, #tpu.memory_space<hbm>> -> memref<1x64xf32, #tpu.memory_space<hbm>>
      %dma_start3A_127 = arith.constant 0 : i32
      %dma_start3A_128 = tpu.memref_slice %arg6[%add3A_123, %dma_start3A_127] : memref<512x64xf32, #tpu.memory_space<vmem>> -> memref<1x64xf32, #tpu.memory_space<vmem>>
      %dma_start3A_129 = arith.constant 0 : i32
      %dma_start3A_130 = tpu.memref_slice %arg3[%squeeze3A, %dma_start3A_129] : memref<1000000x64xf32, #tpu.memory_space<hbm>> -> memref<1x64xf32, #tpu.memory_space<hbm>>
      tpu.enqueue_dma source(%dma_start3A_130 : memref<1x64xf32, #tpu.memory_space<hbm>>) target(%dma_start3A_128 : memref<1x64xf32, #tpu.memory_space<vmem>>) target_semaphore(%arg7 : memref<!tpu.dma_semaphore, #tpu.memory_space<semaphore_mem>>)
      %slice3A_131 = vector.extract_strided_slice %get3A_121 {offsets = [1], sizes = [1], strides = [1]} : vector<16xi32> to vector<1xi32>
      %squeeze3A_132 = vector.extract %slice3A_131[0] : i32 from vector<1xi32>
      %add3A_133 = arith.constant 1 : i32
      %add3A_134 = arith.addi %multiple_of3A, %add3A_133 : i32
      %dma_start3A_135 = arith.constant 0 : i32
      %dma_start3A_136 = tpu.memref_slice %arg6[%add3A_134, %dma_start3A_135] : memref<512x64xf32, #tpu.memory_space<vmem>> -> memref<1x64xf32, #tpu.memory_space<vmem>>
      %dma_start3A_137 = arith.constant 0 : i32
      %dma_start3A_138 = tpu.memref_slice %arg3[%squeeze3A_132, %dma_start3A_137] : memref<1000000x64xf32, #tpu.memory_space<hbm>> -> memref<1x64xf32, #tpu.memory_space<hbm>>
      %dma_start3A_139 = arith.constant 0 : i32
      %dma_start3A_140 = tpu.memref_slice %arg6[%add3A_134, %dma_start3A_139] : memref<512x64xf32, #tpu.memory_space<vmem>> -> memref<1x64xf32, #tpu.memory_space<vmem>>
      %dma_start3A_141 = arith.constant 0 : i32
      %dma_start3A_142 = tpu.memref_slice %arg3[%squeeze3A_132, %dma_start3A_141] : memref<1000000x64xf32, #tpu.memory_space<hbm>> -> memref<1x64xf32, #tpu.memory_space<hbm>>
      tpu.enqueue_dma source(%dma_start3A_142 : memref<1x64xf32, #tpu.memory_space<hbm>>) target(%dma_start3A_140 : memref<1x64xf32, #tpu.memory_space<vmem>>) target_semaphore(%arg7 : memref<!tpu.dma_semaphore, #tpu.memory_space<semaphore_mem>>)
      %slice3A_143 = vector.extract_strided_slice %get3A_121 {offsets = [2], sizes = [1], strides = [1]} : vector<16xi32> to vector<1xi32>
      %squeeze3A_144 = vector.extract %slice3A_143[0] : i32 from vector<1xi32>
      %add3A_145 = arith.constant 2 : i32
      %add3A_146 = arith.addi %multiple_of3A, %add3A_145 : i32
      %dma_start3A_147 = arith.constant 0 : i32
      %dma_start3A_148 = tpu.memref_slice %arg6[%add3A_146, %dma_start3A_147] : memref<512x64xf32, #tpu.memory_space<vmem>> -> memref<1x64xf32, #tpu.memory_space<vmem>>
      %dma_start3A_149 = arith.constant 0 : i32
      %dma_start3A_150 = tpu.memref_slice %arg3[%squeeze3A_144, %dma_start3A_149] : memref<1000000x64xf32, #tpu.memory_space<hbm>> -> memref<1x64xf32, #tpu.memory_space<hbm>>
      %dma_start3A_151 = arith.constant 0 : i32
      %dma_start3A_152 = tpu.memref_slice %arg6[%add3A_146, %dma_start3A_151] : memref<512x64xf32, #tpu.memory_space<vmem>> -> memref<1x64xf32, #tpu.memory_space<vmem>>
      %dma_start3A_153 = arith.constant 0 : i32
      %dma_start3A_154 = tpu.memref_slice %arg3[%squeeze3A_144, %dma_start3A_153] : memref<1000000x64xf32, #tpu.memory_space<hbm>> -> memref<1x64xf32, #tpu.memory_space<hbm>>
      tpu.enqueue_dma source(%dma_start3A_154 : memref<1x64xf32, #tpu.memory_space<hbm>>) target(%dma_start3A_152 : memref<1x64xf32, #tpu.memory_space<vmem>>) target_semaphore(%arg7 : memref<!tpu.dma_semaphore, #tpu.memory_space<semaphore_mem>>)
      %slice3A_155 = vector.extract_strided_slice %get3A_121 {offsets = [3], sizes = [1], strides = [1]} : vector<16xi32> to vector<1xi32>
      %squeeze3A_156 = vector.extract %slice3A_155[0] : i32 from vector<1xi32>
      %add3A_157 = arith.constant 3 : i32
      %add3A_158 = arith.addi %multiple_of3A, %add3A_157 : i32
      %dma_start3A_159 = arith.constant 0 : i32
      %dma_start3A_160 = tpu.memref_slice %arg6[%add3A_158, %dma_start3A_159] : memref<512x64xf32, #tpu.memory_space<vmem>> -> memref<1x64xf32, #tpu.memory_space<vmem>>
      %dma_start3A_161 = arith.constant 0 : i32
      %dma_start3A_162 = tpu.memref_slice %arg3[%squeeze3A_156, %dma_start3A_161] : memref<1000000x64xf32, #tpu.memory_space<hbm>> -> memref<1x64xf32, #tpu.memory_space<hbm>>
      %dma_start3A_163 = arith.constant 0 : i32
      %dma_start3A_164 = tpu.memref_slice %arg6[%add3A_158, %dma_start3A_163] : memref<512x64xf32, #tpu.memory_space<vmem>> -> memref<1x64xf32, #tpu.memory_space<vmem>>
      %dma_start3A_165 = arith.constant 0 : i32
      %dma_start3A_166 = tpu.memref_slice %arg3[%squeeze3A_156, %dma_start3A_165] : memref<1000000x64xf32, #tpu.memory_space<hbm>> -> memref<1x64xf32, #tpu.memory_space<hbm>>
      tpu.enqueue_dma source(%dma_start3A_166 : memref<1x64xf32, #tpu.memory_space<hbm>>) target(%dma_start3A_164 : memref<1x64xf32, #tpu.memory_space<vmem>>) target_semaphore(%arg7 : memref<!tpu.dma_semaphore, #tpu.memory_space<semaphore_mem>>)
      %slice3A_167 = vector.extract_strided_slice %get3A_121 {offsets = [4], sizes = [1], strides = [1]} : vector<16xi32> to vector<1xi32>
      %squeeze3A_168 = vector.extract %slice3A_167[0] : i32 from vector<1xi32>
      %add3A_169 = arith.constant 4 : i32
      %add3A_170 = arith.addi %multiple_of3A, %add3A_169 : i32
      %dma_start3A_171 = arith.constant 0 : i32
      %dma_start3A_172 = tpu.memref_slice %arg6[%add3A_170, %dma_start3A_171] : memref<512x64xf32, #tpu.memory_space<vmem>> -> memref<1x64xf32, #tpu.memory_space<vmem>>
      %dma_start3A_173 = arith.constant 0 : i32
      %dma_start3A_174 = tpu.memref_slice %arg3[%squeeze3A_168, %dma_start3A_173] : memref<1000000x64xf32, #tpu.memory_space<hbm>> -> memref<1x64xf32, #tpu.memory_space<hbm>>
      %dma_start3A_175 = arith.constant 0 : i32
      %dma_start3A_176 = tpu.memref_slice %arg6[%add3A_170, %dma_start3A_175] : memref<512x64xf32, #tpu.memory_space<vmem>> -> memref<1x64xf32, #tpu.memory_space<vmem>>
      %dma_start3A_177 = arith.constant 0 : i32
      %dma_start3A_178 = tpu.memref_slice %arg3[%squeeze3A_168, %dma_start3A_177] : memref<1000000x64xf32, #tpu.memory_space<hbm>> -> memref<1x64xf32, #tpu.memory_space<hbm>>
      tpu.enqueue_dma source(%dma_start3A_178 : memref<1x64xf32, #tpu.memory_space<hbm>>) target(%dma_start3A_176 : memref<1x64xf32, #tpu.memory_space<vmem>>) target_semaphore(%arg7 : memref<!tpu.dma_semaphore, #tpu.memory_space<semaphore_mem>>)
      %slice3A_179 = vector.extract_strided_slice %get3A_121 {offsets = [5], sizes = [1], strides = [1]} : vector<16xi32> to vector<1xi32>
      %squeeze3A_180 = vector.extract %slice3A_179[0] : i32 from vector<1xi32>
      %add3A_181 = arith.constant 5 : i32
      %add3A_182 = arith.addi %multiple_of3A, %add3A_181 : i32
      %dma_start3A_183 = arith.constant 0 : i32
      %dma_start3A_184 = tpu.memref_slice %arg6[%add3A_182, %dma_start3A_183] : memref<512x64xf32, #tpu.memory_space<vmem>> -> memref<1x64xf32, #tpu.memory_space<vmem>>
      %dma_start3A_185 = arith.constant 0 : i32
      %dma_start3A_186 = tpu.memref_slice %arg3[%squeeze3A_180, %dma_start3A_185] : memref<1000000x64xf32, #tpu.memory_space<hbm>> -> memref<1x64xf32, #tpu.memory_space<hbm>>
      %dma_start3A_187 = arith.constant 0 : i32
      %dma_start3A_188 = tpu.memref_slice %arg6[%add3A_182, %dma_start3A_187] : memref<512x64xf32, #tpu.memory_space<vmem>> -> memref<1x64xf32, #tpu.memory_space<vmem>>
      %dma_start3A_189 = arith.constant 0 : i32
      %dma_start3A_190 = tpu.memref_slice %arg3[%squeeze3A_180, %dma_start3A_189] : memref<1000000x64xf32, #tpu.memory_space<hbm>> -> memref<1x64xf32, #tpu.memory_space<hbm>>
      tpu.enqueue_dma source(%dma_start3A_190 : memref<1x64xf32, #tpu.memory_space<hbm>>) target(%dma_start3A_188 : memref<1x64xf32, #tpu.memory_space<vmem>>) target_semaphore(%arg7 : memref<!tpu.dma_semaphore, #tpu.memory_space<semaphore_mem>>)
      %slice3A_191 = vector.extract_strided_slice %get3A_121 {offsets = [6], sizes = [1], strides = [1]} : vector<16xi32> to vector<1xi32>
      %squeeze3A_192 = vector.extract %slice3A_191[0] : i32 from vector<1xi32>
      %add3A_193 = arith.constant 6 : i32
      %add3A_194 = arith.addi %multiple_of3A, %add3A_193 : i32
      %dma_start3A_195 = arith.constant 0 : i32
      %dma_start3A_196 = tpu.memref_slice %arg6[%add3A_194, %dma_start3A_195] : memref<512x64xf32, #tpu.memory_space<vmem>> -> memref<1x64xf32, #tpu.memory_space<vmem>>
      %dma_start3A_197 = arith.constant 0 : i32
      %dma_start3A_198 = tpu.memref_slice %arg3[%squeeze3A_192, %dma_start3A_197] : memref<1000000x64xf32, #tpu.memory_space<hbm>> -> memref<1x64xf32, #tpu.memory_space<hbm>>
      %dma_start3A_199 = arith.constant 0 : i32
      %dma_start3A_200 = tpu.memref_slice %arg6[%add3A_194, %dma_start3A_199] : memref<512x64xf32, #tpu.memory_space<vmem>> -> memref<1x64xf32, #tpu.memory_space<vmem>>
      %dma_start3A_201 = arith.constant 0 : i32
      %dma_start3A_202 = tpu.memref_slice %arg3[%squeeze3A_192, %dma_start3A_201] : memref<1000000x64xf32, #tpu.memory_space<hbm>> -> memref<1x64xf32, #tpu.memory_space<hbm>>
      tpu.enqueue_dma source(%dma_start3A_202 : memref<1x64xf32, #tpu.memory_space<hbm>>) target(%dma_start3A_200 : memref<1x64xf32, #tpu.memory_space<vmem>>) target_semaphore(%arg7 : memref<!tpu.dma_semaphore, #tpu.memory_space<semaphore_mem>>)
      %slice3A_203 = vector.extract_strided_slice %get3A_121 {offsets = [7], sizes = [1], strides = [1]} : vector<16xi32> to vector<1xi32>
      %squeeze3A_204 = vector.extract %slice3A_203[0] : i32 from vector<1xi32>
      %add3A_205 = arith.constant 7 : i32
      %add3A_206 = arith.addi %multiple_of3A, %add3A_205 : i32
      %dma_start3A_207 = arith.constant 0 : i32
      %dma_start3A_208 = tpu.memref_slice %arg6[%add3A_206, %dma_start3A_207] : memref<512x64xf32, #tpu.memory_space<vmem>> -> memref<1x64xf32, #tpu.memory_space<vmem>>
      %dma_start3A_209 = arith.constant 0 : i32
      %dma_start3A_210 = tpu.memref_slice %arg3[%squeeze3A_204, %dma_start3A_209] : memref<1000000x64xf32, #tpu.memory_space<hbm>> -> memref<1x64xf32, #tpu.memory_space<hbm>>
      %dma_start3A_211 = arith.constant 0 : i32
      %dma_start3A_212 = tpu.memref_slice %arg6[%add3A_206, %dma_start3A_211] : memref<512x64xf32, #tpu.memory_space<vmem>> -> memref<1x64xf32, #tpu.memory_space<vmem>>
      %dma_start3A_213 = arith.constant 0 : i32
      %dma_start3A_214 = tpu.memref_slice %arg3[%squeeze3A_204, %dma_start3A_213] : memref<1000000x64xf32, #tpu.memory_space<hbm>> -> memref<1x64xf32, #tpu.memory_space<hbm>>
      tpu.enqueue_dma source(%dma_start3A_214 : memref<1x64xf32, #tpu.memory_space<hbm>>) target(%dma_start3A_212 : memref<1x64xf32, #tpu.memory_space<vmem>>) target_semaphore(%arg7 : memref<!tpu.dma_semaphore, #tpu.memory_space<semaphore_mem>>)
      %slice3A_215 = vector.extract_strided_slice %get3A_121 {offsets = [8], sizes = [1], strides = [1]} : vector<16xi32> to vector<1xi32>
      %squeeze3A_216 = vector.extract %slice3A_215[0] : i32 from vector<1xi32>
      %add3A_217 = arith.constant 8 : i32
      %add3A_218 = arith.addi %multiple_of3A, %add3A_217 : i32
      %dma_start3A_219 = arith.constant 0 : i32
      %dma_start3A_220 = tpu.memref_slice %arg6[%add3A_218, %dma_start3A_219] : memref<512x64xf32, #tpu.memory_space<vmem>> -> memref<1x64xf32, #tpu.memory_space<vmem>>
      %dma_start3A_221 = arith.constant 0 : i32
      %dma_start3A_222 = tpu.memref_slice %arg3[%squeeze3A_216, %dma_start3A_221] : memref<1000000x64xf32, #tpu.memory_space<hbm>> -> memref<1x64xf32, #tpu.memory_space<hbm>>
      %dma_start3A_223 = arith.constant 0 : i32
      %dma_start3A_224 = tpu.memref_slice %arg6[%add3A_218, %dma_start3A_223] : memref<512x64xf32, #tpu.memory_space<vmem>> -> memref<1x64xf32, #tpu.memory_space<vmem>>
      %dma_start3A_225 = arith.constant 0 : i32
      %dma_start3A_226 = tpu.memref_slice %arg3[%squeeze3A_216, %dma_start3A_225] : memref<1000000x64xf32, #tpu.memory_space<hbm>> -> memref<1x64xf32, #tpu.memory_space<hbm>>
      tpu.enqueue_dma source(%dma_start3A_226 : memref<1x64xf32, #tpu.memory_space<hbm>>) target(%dma_start3A_224 : memref<1x64xf32, #tpu.memory_space<vmem>>) target_semaphore(%arg7 : memref<!tpu.dma_semaphore, #tpu.memory_space<semaphore_mem>>)
      %slice3A_227 = vector.extract_strided_slice %get3A_121 {offsets = [9], sizes = [1], strides = [1]} : vector<16xi32> to vector<1xi32>
      %squeeze3A_228 = vector.extract %slice3A_227[0] : i32 from vector<1xi32>
      %add3A_229 = arith.constant 9 : i32
      %add3A_230 = arith.addi %multiple_of3A, %add3A_229 : i32
      %dma_start3A_231 = arith.constant 0 : i32
      %dma_start3A_232 = tpu.memref_slice %arg6[%add3A_230, %dma_start3A_231] : memref<512x64xf32, #tpu.memory_space<vmem>> -> memref<1x64xf32, #tpu.memory_space<vmem>>
      %dma_start3A_233 = arith.constant 0 : i32
      %dma_start3A_234 = tpu.memref_slice %arg3[%squeeze3A_228, %dma_start3A_233] : memref<1000000x64xf32, #tpu.memory_space<hbm>> -> memref<1x64xf32, #tpu.memory_space<hbm>>
      %dma_start3A_235 = arith.constant 0 : i32
      %dma_start3A_236 = tpu.memref_slice %arg6[%add3A_230, %dma_start3A_235] : memref<512x64xf32, #tpu.memory_space<vmem>> -> memref<1x64xf32, #tpu.memory_space<vmem>>
      %dma_start3A_237 = arith.constant 0 : i32
      %dma_start3A_238 = tpu.memref_slice %arg3[%squeeze3A_228, %dma_start3A_237] : memref<1000000x64xf32, #tpu.memory_space<hbm>> -> memref<1x64xf32, #tpu.memory_space<hbm>>
      tpu.enqueue_dma source(%dma_start3A_238 : memref<1x64xf32, #tpu.memory_space<hbm>>) target(%dma_start3A_236 : memref<1x64xf32, #tpu.memory_space<vmem>>) target_semaphore(%arg7 : memref<!tpu.dma_semaphore, #tpu.memory_space<semaphore_mem>>)
      %slice3A_239 = vector.extract_strided_slice %get3A_121 {offsets = [10], sizes = [1], strides = [1]} : vector<16xi32> to vector<1xi32>
      %squeeze3A_240 = vector.extract %slice3A_239[0] : i32 from vector<1xi32>
      %add3A_241 = arith.constant 10 : i32
      %add3A_242 = arith.addi %multiple_of3A, %add3A_241 : i32
      %dma_start3A_243 = arith.constant 0 : i32
      %dma_start3A_244 = tpu.memref_slice %arg6[%add3A_242, %dma_start3A_243] : memref<512x64xf32, #tpu.memory_space<vmem>> -> memref<1x64xf32, #tpu.memory_space<vmem>>
      %dma_start3A_245 = arith.constant 0 : i32
      %dma_start3A_246 = tpu.memref_slice %arg3[%squeeze3A_240, %dma_start3A_245] : memref<1000000x64xf32, #tpu.memory_space<hbm>> -> memref<1x64xf32, #tpu.memory_space<hbm>>
      %dma_start3A_247 = arith.constant 0 : i32
      %dma_start3A_248 = tpu.memref_slice %arg6[%add3A_242, %dma_start3A_247] : memref<512x64xf32, #tpu.memory_space<vmem>> -> memref<1x64xf32, #tpu.memory_space<vmem>>
      %dma_start3A_249 = arith.constant 0 : i32
      %dma_start3A_250 = tpu.memref_slice %arg3[%squeeze3A_240, %dma_start3A_249] : memref<1000000x64xf32, #tpu.memory_space<hbm>> -> memref<1x64xf32, #tpu.memory_space<hbm>>
      tpu.enqueue_dma source(%dma_start3A_250 : memref<1x64xf32, #tpu.memory_space<hbm>>) target(%dma_start3A_248 : memref<1x64xf32, #tpu.memory_space<vmem>>) target_semaphore(%arg7 : memref<!tpu.dma_semaphore, #tpu.memory_space<semaphore_mem>>)
      %slice3A_251 = vector.extract_strided_slice %get3A_121 {offsets = [11], sizes = [1], strides = [1]} : vector<16xi32> to vector<1xi32>
      %squeeze3A_252 = vector.extract %slice3A_251[0] : i32 from vector<1xi32>
      %add3A_253 = arith.constant 11 : i32
      %add3A_254 = arith.addi %multiple_of3A, %add3A_253 : i32
      %dma_start3A_255 = arith.constant 0 : i32
      %dma_start3A_256 = tpu.memref_slice %arg6[%add3A_254, %dma_start3A_255] : memref<512x64xf32, #tpu.memory_space<vmem>> -> memref<1x64xf32, #tpu.memory_space<vmem>>
      %dma_start3A_257 = arith.constant 0 : i32
      %dma_start3A_258 = tpu.memref_slice %arg3[%squeeze3A_252, %dma_start3A_257] : memref<1000000x64xf32, #tpu.memory_space<hbm>> -> memref<1x64xf32, #tpu.memory_space<hbm>>
      %dma_start3A_259 = arith.constant 0 : i32
      %dma_start3A_260 = tpu.memref_slice %arg6[%add3A_254, %dma_start3A_259] : memref<512x64xf32, #tpu.memory_space<vmem>> -> memref<1x64xf32, #tpu.memory_space<vmem>>
      %dma_start3A_261 = arith.constant 0 : i32
      %dma_start3A_262 = tpu.memref_slice %arg3[%squeeze3A_252, %dma_start3A_261] : memref<1000000x64xf32, #tpu.memory_space<hbm>> -> memref<1x64xf32, #tpu.memory_space<hbm>>
      tpu.enqueue_dma source(%dma_start3A_262 : memref<1x64xf32, #tpu.memory_space<hbm>>) target(%dma_start3A_260 : memref<1x64xf32, #tpu.memory_space<vmem>>) target_semaphore(%arg7 : memref<!tpu.dma_semaphore, #tpu.memory_space<semaphore_mem>>)
      %slice3A_263 = vector.extract_strided_slice %get3A_121 {offsets = [12], sizes = [1], strides = [1]} : vector<16xi32> to vector<1xi32>
      %squeeze3A_264 = vector.extract %slice3A_263[0] : i32 from vector<1xi32>
      %add3A_265 = arith.constant 12 : i32
      %add3A_266 = arith.addi %multiple_of3A, %add3A_265 : i32
      %dma_start3A_267 = arith.constant 0 : i32
      %dma_start3A_268 = tpu.memref_slice %arg6[%add3A_266, %dma_start3A_267] : memref<512x64xf32, #tpu.memory_space<vmem>> -> memref<1x64xf32, #tpu.memory_space<vmem>>
      %dma_start3A_269 = arith.constant 0 : i32
      %dma_start3A_270 = tpu.memref_slice %arg3[%squeeze3A_264, %dma_start3A_269] : memref<1000000x64xf32, #tpu.memory_space<hbm>> -> memref<1x64xf32, #tpu.memory_space<hbm>>
      %dma_start3A_271 = arith.constant 0 : i32
      %dma_start3A_272 = tpu.memref_slice %arg6[%add3A_266, %dma_start3A_271] : memref<512x64xf32, #tpu.memory_space<vmem>> -> memref<1x64xf32, #tpu.memory_space<vmem>>
      %dma_start3A_273 = arith.constant 0 : i32
      %dma_start3A_274 = tpu.memref_slice %arg3[%squeeze3A_264, %dma_start3A_273] : memref<1000000x64xf32, #tpu.memory_space<hbm>> -> memref<1x64xf32, #tpu.memory_space<hbm>>
      tpu.enqueue_dma source(%dma_start3A_274 : memref<1x64xf32, #tpu.memory_space<hbm>>) target(%dma_start3A_272 : memref<1x64xf32, #tpu.memory_space<vmem>>) target_semaphore(%arg7 : memref<!tpu.dma_semaphore, #tpu.memory_space<semaphore_mem>>)
      %slice3A_275 = vector.extract_strided_slice %get3A_121 {offsets = [13], sizes = [1], strides = [1]} : vector<16xi32> to vector<1xi32>
      %squeeze3A_276 = vector.extract %slice3A_275[0] : i32 from vector<1xi32>
      %add3A_277 = arith.constant 13 : i32
      %add3A_278 = arith.addi %multiple_of3A, %add3A_277 : i32
      %dma_start3A_279 = arith.constant 0 : i32
      %dma_start3A_280 = tpu.memref_slice %arg6[%add3A_278, %dma_start3A_279] : memref<512x64xf32, #tpu.memory_space<vmem>> -> memref<1x64xf32, #tpu.memory_space<vmem>>
      %dma_start3A_281 = arith.constant 0 : i32
      %dma_start3A_282 = tpu.memref_slice %arg3[%squeeze3A_276, %dma_start3A_281] : memref<1000000x64xf32, #tpu.memory_space<hbm>> -> memref<1x64xf32, #tpu.memory_space<hbm>>
      %dma_start3A_283 = arith.constant 0 : i32
      %dma_start3A_284 = tpu.memref_slice %arg6[%add3A_278, %dma_start3A_283] : memref<512x64xf32, #tpu.memory_space<vmem>> -> memref<1x64xf32, #tpu.memory_space<vmem>>
      %dma_start3A_285 = arith.constant 0 : i32
      %dma_start3A_286 = tpu.memref_slice %arg3[%squeeze3A_276, %dma_start3A_285] : memref<1000000x64xf32, #tpu.memory_space<hbm>> -> memref<1x64xf32, #tpu.memory_space<hbm>>
      tpu.enqueue_dma source(%dma_start3A_286 : memref<1x64xf32, #tpu.memory_space<hbm>>) target(%dma_start3A_284 : memref<1x64xf32, #tpu.memory_space<vmem>>) target_semaphore(%arg7 : memref<!tpu.dma_semaphore, #tpu.memory_space<semaphore_mem>>)
      %slice3A_287 = vector.extract_strided_slice %get3A_121 {offsets = [14], sizes = [1], strides = [1]} : vector<16xi32> to vector<1xi32>
      %squeeze3A_288 = vector.extract %slice3A_287[0] : i32 from vector<1xi32>
      %add3A_289 = arith.constant 14 : i32
      %add3A_290 = arith.addi %multiple_of3A, %add3A_289 : i32
      %dma_start3A_291 = arith.constant 0 : i32
      %dma_start3A_292 = tpu.memref_slice %arg6[%add3A_290, %dma_start3A_291] : memref<512x64xf32, #tpu.memory_space<vmem>> -> memref<1x64xf32, #tpu.memory_space<vmem>>
      %dma_start3A_293 = arith.constant 0 : i32
      %dma_start3A_294 = tpu.memref_slice %arg3[%squeeze3A_288, %dma_start3A_293] : memref<1000000x64xf32, #tpu.memory_space<hbm>> -> memref<1x64xf32, #tpu.memory_space<hbm>>
      %dma_start3A_295 = arith.constant 0 : i32
      %dma_start3A_296 = tpu.memref_slice %arg6[%add3A_290, %dma_start3A_295] : memref<512x64xf32, #tpu.memory_space<vmem>> -> memref<1x64xf32, #tpu.memory_space<vmem>>
      %dma_start3A_297 = arith.constant 0 : i32
      %dma_start3A_298 = tpu.memref_slice %arg3[%squeeze3A_288, %dma_start3A_297] : memref<1000000x64xf32, #tpu.memory_space<hbm>> -> memref<1x64xf32, #tpu.memory_space<hbm>>
      tpu.enqueue_dma source(%dma_start3A_298 : memref<1x64xf32, #tpu.memory_space<hbm>>) target(%dma_start3A_296 : memref<1x64xf32, #tpu.memory_space<vmem>>) target_semaphore(%arg7 : memref<!tpu.dma_semaphore, #tpu.memory_space<semaphore_mem>>)
      %slice3A_299 = vector.extract_strided_slice %get3A_121 {offsets = [15], sizes = [1], strides = [1]} : vector<16xi32> to vector<1xi32>
      %squeeze3A_300 = vector.extract %slice3A_299[0] : i32 from vector<1xi32>
      %add3A_301 = arith.constant 15 : i32
      %add3A_302 = arith.addi %multiple_of3A, %add3A_301 : i32
      %dma_start3A_303 = arith.constant 0 : i32
      %dma_start3A_304 = tpu.memref_slice %arg6[%add3A_302, %dma_start3A_303] : memref<512x64xf32, #tpu.memory_space<vmem>> -> memref<1x64xf32, #tpu.memory_space<vmem>>
      %dma_start3A_305 = arith.constant 0 : i32
      %dma_start3A_306 = tpu.memref_slice %arg3[%squeeze3A_300, %dma_start3A_305] : memref<1000000x64xf32, #tpu.memory_space<hbm>> -> memref<1x64xf32, #tpu.memory_space<hbm>>
      %dma_start3A_307 = arith.constant 0 : i32
      %dma_start3A_308 = tpu.memref_slice %arg6[%add3A_302, %dma_start3A_307] : memref<512x64xf32, #tpu.memory_space<vmem>> -> memref<1x64xf32, #tpu.memory_space<vmem>>
      %dma_start3A_309 = arith.constant 0 : i32
      %dma_start3A_310 = tpu.memref_slice %arg3[%squeeze3A_300, %dma_start3A_309] : memref<1000000x64xf32, #tpu.memory_space<hbm>> -> memref<1x64xf32, #tpu.memory_space<hbm>>
      tpu.enqueue_dma source(%dma_start3A_310 : memref<1x64xf32, #tpu.memory_space<hbm>>) target(%dma_start3A_308 : memref<1x64xf32, #tpu.memory_space<vmem>>) target_semaphore(%arg7 : memref<!tpu.dma_semaphore, #tpu.memory_space<semaphore_mem>>)
      %scan3A_311 = arith.constant 0 : i32
      scf.yield %scan3A_311 : i32
    }
    %scan3A_64 = arith.constant 4 : i32
    %scan3A_65 = arith.constant 0 : i32
    %scan3A_66 = arith.constant 0 : i32
    %scan3A_67 = arith.constant 64 : i32
    %scan3A_68 = arith.addi %scan3A_66, %scan3A_67 : i32
    %scan3A_69 = arith.constant 1 : i32
    %scan3A_70 = scf.for %scan3A_114 = %scan3A_66 to %scan3A_68 step %scan3A_69 iter_args(%scan3A_115 = %scan3A_65) -> (i32)  : i32 {
      %add3A_116 = arith.constant 256 : i32
      %add3A_117 = arith.addi %add3A_116, %scan3A_114 : i32
      %dma_wait3A = arith.constant 0 : i32
      %dma_wait3A_118 = tpu.memref_slice %arg6[%add3A_117, %dma_wait3A] : memref<512x64xf32, #tpu.memory_space<vmem>> -> memref<1x64xf32, #tpu.memory_space<vmem>>
      %dma_wait3A_119 = arith.constant 0 : i32
      %dma_wait3A_120 = arith.constant 0 : i32
      %dma_wait3A_121 = tpu.memref_slice %arg3[%dma_wait3A_119, %dma_wait3A_120] : memref<1000000x64xf32, #tpu.memory_space<hbm>> -> memref<1x64xf32, #tpu.memory_space<hbm>>
      %dma_wait3A_122 = arith.constant 0 : i32
      %dma_wait3A_123 = tpu.memref_slice %arg6[%add3A_117, %dma_wait3A_122] : memref<512x64xf32, #tpu.memory_space<vmem>> -> memref<1x64xf32, #tpu.memory_space<vmem>>
      %dma_wait3A_124 = arith.constant 0 : i32
      %dma_wait3A_125 = arith.constant 0 : i32
      %dma_wait3A_126 = tpu.memref_slice %arg3[%dma_wait3A_124, %dma_wait3A_125] : memref<1000000x64xf32, #tpu.memory_space<hbm>> -> memref<1x64xf32, #tpu.memory_space<hbm>>
      tpu.wait_dma2 semaphore(%arg7 : memref<!tpu.dma_semaphore, #tpu.memory_space<semaphore_mem>>) src(%dma_wait3A_126 : memref<1x64xf32, #tpu.memory_space<hbm>>) dst(%dma_wait3A_123 : memref<1x64xf32, #tpu.memory_space<vmem>>)
      %scan3A_127 = arith.constant 0 : i32
      scf.yield %scan3A_127 : i32
    }
    %scan3A_71 = arith.constant 64 : i32
    %scan3A_72 = arith.constant 0 : i32
    %scan3A_73 = arith.constant 0 : i32
    %scan3A_74 = arith.constant 4 : i32
    %scan3A_75 = arith.addi %scan3A_73, %scan3A_74 : i32
    %scan3A_76 = arith.constant 1 : i32
    %scan3A_77 = scf.for %scan3A_114 = %scan3A_73 to %scan3A_75 step %scan3A_76 iter_args(%scan3A_115 = %scan3A_72) -> (i32)  : i32 {
      %mul3A_116 = arith.constant 16 : i32
      %mul3A_117 = arith.muli %scan3A_114, %mul3A_116 : i32
      %add3A_118 = arith.constant 320 : i32
      %add3A_119 = arith.addi %add3A_118, %mul3A_117 : i32
      %multiple_of3A = tpu.assume_multiple %add3A_119, 16 : i32
      %get3A = arith.index_cast %multiple_of3A : i32 to index
      %get3A_120 = tpu.vector_load %arg5[%get3A] {strides = array<i32>} : memref<512xi32, #tpu.memory_space<vmem>>, vector<16xi32>,
      %get3A_121 = vector.shape_cast %get3A_120 : vector<16xi32> to vector<16xi32>
      %slice3A = vector.extract_strided_slice %get3A_121 {offsets = [0], sizes = [1], strides = [1]} : vector<16xi32> to vector<1xi32>
      %squeeze3A = vector.extract %slice3A[0] : i32 from vector<1xi32>
      %add3A_122 = arith.constant 0 : i32
      %add3A_123 = arith.addi %multiple_of3A, %add3A_122 : i32
      %dma_start3A = arith.constant 0 : i32
      %dma_start3A_124 = tpu.memref_slice %arg6[%add3A_123, %dma_start3A] : memref<512x64xf32, #tpu.memory_space<vmem>> -> memref<1x64xf32, #tpu.memory_space<vmem>>
      %dma_start3A_125 = arith.constant 0 : i32
      %dma_start3A_126 = tpu.memref_slice %arg3[%squeeze3A, %dma_start3A_125] : memref<1000000x64xf32, #tpu.memory_space<hbm>> -> memref<1x64xf32, #tpu.memory_space<hbm>>
      %dma_start3A_127 = arith.constant 0 : i32
      %dma_start3A_128 = tpu.memref_slice %arg6[%add3A_123, %dma_start3A_127] : memref<512x64xf32, #tpu.memory_space<vmem>> -> memref<1x64xf32, #tpu.memory_space<vmem>>
      %dma_start3A_129 = arith.constant 0 : i32
      %dma_start3A_130 = tpu.memref_slice %arg3[%squeeze3A, %dma_start3A_129] : memref<1000000x64xf32, #tpu.memory_space<hbm>> -> memref<1x64xf32, #tpu.memory_space<hbm>>
      tpu.enqueue_dma source(%dma_start3A_130 : memref<1x64xf32, #tpu.memory_space<hbm>>) target(%dma_start3A_128 : memref<1x64xf32, #tpu.memory_space<vmem>>) target_semaphore(%arg7 : memref<!tpu.dma_semaphore, #tpu.memory_space<semaphore_mem>>)
      %slice3A_131 = vector.extract_strided_slice %get3A_121 {offsets = [1], sizes = [1], strides = [1]} : vector<16xi32> to vector<1xi32>
      %squeeze3A_132 = vector.extract %slice3A_131[0] : i32 from vector<1xi32>
      %add3A_133 = arith.constant 1 : i32
      %add3A_134 = arith.addi %multiple_of3A, %add3A_133 : i32
      %dma_start3A_135 = arith.constant 0 : i32
      %dma_start3A_136 = tpu.memref_slice %arg6[%add3A_134, %dma_start3A_135] : memref<512x64xf32, #tpu.memory_space<vmem>> -> memref<1x64xf32, #tpu.memory_space<vmem>>
      %dma_start3A_137 = arith.constant 0 : i32
      %dma_start3A_138 = tpu.memref_slice %arg3[%squeeze3A_132, %dma_start3A_137] : memref<1000000x64xf32, #tpu.memory_space<hbm>> -> memref<1x64xf32, #tpu.memory_space<hbm>>
      %dma_start3A_139 = arith.constant 0 : i32
      %dma_start3A_140 = tpu.memref_slice %arg6[%add3A_134, %dma_start3A_139] : memref<512x64xf32, #tpu.memory_space<vmem>> -> memref<1x64xf32, #tpu.memory_space<vmem>>
      %dma_start3A_141 = arith.constant 0 : i32
      %dma_start3A_142 = tpu.memref_slice %arg3[%squeeze3A_132, %dma_start3A_141] : memref<1000000x64xf32, #tpu.memory_space<hbm>> -> memref<1x64xf32, #tpu.memory_space<hbm>>
      tpu.enqueue_dma source(%dma_start3A_142 : memref<1x64xf32, #tpu.memory_space<hbm>>) target(%dma_start3A_140 : memref<1x64xf32, #tpu.memory_space<vmem>>) target_semaphore(%arg7 : memref<!tpu.dma_semaphore, #tpu.memory_space<semaphore_mem>>)
      %slice3A_143 = vector.extract_strided_slice %get3A_121 {offsets = [2], sizes = [1], strides = [1]} : vector<16xi32> to vector<1xi32>
      %squeeze3A_144 = vector.extract %slice3A_143[0] : i32 from vector<1xi32>
      %add3A_145 = arith.constant 2 : i32
      %add3A_146 = arith.addi %multiple_of3A, %add3A_145 : i32
      %dma_start3A_147 = arith.constant 0 : i32
      %dma_start3A_148 = tpu.memref_slice %arg6[%add3A_146, %dma_start3A_147] : memref<512x64xf32, #tpu.memory_space<vmem>> -> memref<1x64xf32, #tpu.memory_space<vmem>>
      %dma_start3A_149 = arith.constant 0 : i32
      %dma_start3A_150 = tpu.memref_slice %arg3[%squeeze3A_144, %dma_start3A_149] : memref<1000000x64xf32, #tpu.memory_space<hbm>> -> memref<1x64xf32, #tpu.memory_space<hbm>>
      %dma_start3A_151 = arith.constant 0 : i32
      %dma_start3A_152 = tpu.memref_slice %arg6[%add3A_146, %dma_start3A_151] : memref<512x64xf32, #tpu.memory_space<vmem>> -> memref<1x64xf32, #tpu.memory_space<vmem>>
      %dma_start3A_153 = arith.constant 0 : i32
      %dma_start3A_154 = tpu.memref_slice %arg3[%squeeze3A_144, %dma_start3A_153] : memref<1000000x64xf32, #tpu.memory_space<hbm>> -> memref<1x64xf32, #tpu.memory_space<hbm>>
      tpu.enqueue_dma source(%dma_start3A_154 : memref<1x64xf32, #tpu.memory_space<hbm>>) target(%dma_start3A_152 : memref<1x64xf32, #tpu.memory_space<vmem>>) target_semaphore(%arg7 : memref<!tpu.dma_semaphore, #tpu.memory_space<semaphore_mem>>)
      %slice3A_155 = vector.extract_strided_slice %get3A_121 {offsets = [3], sizes = [1], strides = [1]} : vector<16xi32> to vector<1xi32>
      %squeeze3A_156 = vector.extract %slice3A_155[0] : i32 from vector<1xi32>
      %add3A_157 = arith.constant 3 : i32
      %add3A_158 = arith.addi %multiple_of3A, %add3A_157 : i32
      %dma_start3A_159 = arith.constant 0 : i32
      %dma_start3A_160 = tpu.memref_slice %arg6[%add3A_158, %dma_start3A_159] : memref<512x64xf32, #tpu.memory_space<vmem>> -> memref<1x64xf32, #tpu.memory_space<vmem>>
      %dma_start3A_161 = arith.constant 0 : i32
      %dma_start3A_162 = tpu.memref_slice %arg3[%squeeze3A_156, %dma_start3A_161] : memref<1000000x64xf32, #tpu.memory_space<hbm>> -> memref<1x64xf32, #tpu.memory_space<hbm>>
      %dma_start3A_163 = arith.constant 0 : i32
      %dma_start3A_164 = tpu.memref_slice %arg6[%add3A_158, %dma_start3A_163] : memref<512x64xf32, #tpu.memory_space<vmem>> -> memref<1x64xf32, #tpu.memory_space<vmem>>
      %dma_start3A_165 = arith.constant 0 : i32
      %dma_start3A_166 = tpu.memref_slice %arg3[%squeeze3A_156, %dma_start3A_165] : memref<1000000x64xf32, #tpu.memory_space<hbm>> -> memref<1x64xf32, #tpu.memory_space<hbm>>
      tpu.enqueue_dma source(%dma_start3A_166 : memref<1x64xf32, #tpu.memory_space<hbm>>) target(%dma_start3A_164 : memref<1x64xf32, #tpu.memory_space<vmem>>) target_semaphore(%arg7 : memref<!tpu.dma_semaphore, #tpu.memory_space<semaphore_mem>>)
      %slice3A_167 = vector.extract_strided_slice %get3A_121 {offsets = [4], sizes = [1], strides = [1]} : vector<16xi32> to vector<1xi32>
      %squeeze3A_168 = vector.extract %slice3A_167[0] : i32 from vector<1xi32>
      %add3A_169 = arith.constant 4 : i32
      %add3A_170 = arith.addi %multiple_of3A, %add3A_169 : i32
      %dma_start3A_171 = arith.constant 0 : i32
      %dma_start3A_172 = tpu.memref_slice %arg6[%add3A_170, %dma_start3A_171] : memref<512x64xf32, #tpu.memory_space<vmem>> -> memref<1x64xf32, #tpu.memory_space<vmem>>
      %dma_start3A_173 = arith.constant 0 : i32
      %dma_start3A_174 = tpu.memref_slice %arg3[%squeeze3A_168, %dma_start3A_173] : memref<1000000x64xf32, #tpu.memory_space<hbm>> -> memref<1x64xf32, #tpu.memory_space<hbm>>
      %dma_start3A_175 = arith.constant 0 : i32
      %dma_start3A_176 = tpu.memref_slice %arg6[%add3A_170, %dma_start3A_175] : memref<512x64xf32, #tpu.memory_space<vmem>> -> memref<1x64xf32, #tpu.memory_space<vmem>>
      %dma_start3A_177 = arith.constant 0 : i32
      %dma_start3A_178 = tpu.memref_slice %arg3[%squeeze3A_168, %dma_start3A_177] : memref<1000000x64xf32, #tpu.memory_space<hbm>> -> memref<1x64xf32, #tpu.memory_space<hbm>>
      tpu.enqueue_dma source(%dma_start3A_178 : memref<1x64xf32, #tpu.memory_space<hbm>>) target(%dma_start3A_176 : memref<1x64xf32, #tpu.memory_space<vmem>>) target_semaphore(%arg7 : memref<!tpu.dma_semaphore, #tpu.memory_space<semaphore_mem>>)
      %slice3A_179 = vector.extract_strided_slice %get3A_121 {offsets = [5], sizes = [1], strides = [1]} : vector<16xi32> to vector<1xi32>
      %squeeze3A_180 = vector.extract %slice3A_179[0] : i32 from vector<1xi32>
      %add3A_181 = arith.constant 5 : i32
      %add3A_182 = arith.addi %multiple_of3A, %add3A_181 : i32
      %dma_start3A_183 = arith.constant 0 : i32
      %dma_start3A_184 = tpu.memref_slice %arg6[%add3A_182, %dma_start3A_183] : memref<512x64xf32, #tpu.memory_space<vmem>> -> memref<1x64xf32, #tpu.memory_space<vmem>>
      %dma_start3A_185 = arith.constant 0 : i32
      %dma_start3A_186 = tpu.memref_slice %arg3[%squeeze3A_180, %dma_start3A_185] : memref<1000000x64xf32, #tpu.memory_space<hbm>> -> memref<1x64xf32, #tpu.memory_space<hbm>>
      %dma_start3A_187 = arith.constant 0 : i32
      %dma_start3A_188 = tpu.memref_slice %arg6[%add3A_182, %dma_start3A_187] : memref<512x64xf32, #tpu.memory_space<vmem>> -> memref<1x64xf32, #tpu.memory_space<vmem>>
      %dma_start3A_189 = arith.constant 0 : i32
      %dma_start3A_190 = tpu.memref_slice %arg3[%squeeze3A_180, %dma_start3A_189] : memref<1000000x64xf32, #tpu.memory_space<hbm>> -> memref<1x64xf32, #tpu.memory_space<hbm>>
      tpu.enqueue_dma source(%dma_start3A_190 : memref<1x64xf32, #tpu.memory_space<hbm>>) target(%dma_start3A_188 : memref<1x64xf32, #tpu.memory_space<vmem>>) target_semaphore(%arg7 : memref<!tpu.dma_semaphore, #tpu.memory_space<semaphore_mem>>)
      %slice3A_191 = vector.extract_strided_slice %get3A_121 {offsets = [6], sizes = [1], strides = [1]} : vector<16xi32> to vector<1xi32>
      %squeeze3A_192 = vector.extract %slice3A_191[0] : i32 from vector<1xi32>
      %add3A_193 = arith.constant 6 : i32
      %add3A_194 = arith.addi %multiple_of3A, %add3A_193 : i32
      %dma_start3A_195 = arith.constant 0 : i32
      %dma_start3A_196 = tpu.memref_slice %arg6[%add3A_194, %dma_start3A_195] : memref<512x64xf32, #tpu.memory_space<vmem>> -> memref<1x64xf32, #tpu.memory_space<vmem>>
      %dma_start3A_197 = arith.constant 0 : i32
      %dma_start3A_198 = tpu.memref_slice %arg3[%squeeze3A_192, %dma_start3A_197] : memref<1000000x64xf32, #tpu.memory_space<hbm>> -> memref<1x64xf32, #tpu.memory_space<hbm>>
      %dma_start3A_199 = arith.constant 0 : i32
      %dma_start3A_200 = tpu.memref_slice %arg6[%add3A_194, %dma_start3A_199] : memref<512x64xf32, #tpu.memory_space<vmem>> -> memref<1x64xf32, #tpu.memory_space<vmem>>
      %dma_start3A_201 = arith.constant 0 : i32
      %dma_start3A_202 = tpu.memref_slice %arg3[%squeeze3A_192, %dma_start3A_201] : memref<1000000x64xf32, #tpu.memory_space<hbm>> -> memref<1x64xf32, #tpu.memory_space<hbm>>
      tpu.enqueue_dma source(%dma_start3A_202 : memref<1x64xf32, #tpu.memory_space<hbm>>) target(%dma_start3A_200 : memref<1x64xf32, #tpu.memory_space<vmem>>) target_semaphore(%arg7 : memref<!tpu.dma_semaphore, #tpu.memory_space<semaphore_mem>>)
      %slice3A_203 = vector.extract_strided_slice %get3A_121 {offsets = [7], sizes = [1], strides = [1]} : vector<16xi32> to vector<1xi32>
      %squeeze3A_204 = vector.extract %slice3A_203[0] : i32 from vector<1xi32>
      %add3A_205 = arith.constant 7 : i32
      %add3A_206 = arith.addi %multiple_of3A, %add3A_205 : i32
      %dma_start3A_207 = arith.constant 0 : i32
      %dma_start3A_208 = tpu.memref_slice %arg6[%add3A_206, %dma_start3A_207] : memref<512x64xf32, #tpu.memory_space<vmem>> -> memref<1x64xf32, #tpu.memory_space<vmem>>
      %dma_start3A_209 = arith.constant 0 : i32
      %dma_start3A_210 = tpu.memref_slice %arg3[%squeeze3A_204, %dma_start3A_209] : memref<1000000x64xf32, #tpu.memory_space<hbm>> -> memref<1x64xf32, #tpu.memory_space<hbm>>
      %dma_start3A_211 = arith.constant 0 : i32
      %dma_start3A_212 = tpu.memref_slice %arg6[%add3A_206, %dma_start3A_211] : memref<512x64xf32, #tpu.memory_space<vmem>> -> memref<1x64xf32, #tpu.memory_space<vmem>>
      %dma_start3A_213 = arith.constant 0 : i32
      %dma_start3A_214 = tpu.memref_slice %arg3[%squeeze3A_204, %dma_start3A_213] : memref<1000000x64xf32, #tpu.memory_space<hbm>> -> memref<1x64xf32, #tpu.memory_space<hbm>>
      tpu.enqueue_dma source(%dma_start3A_214 : memref<1x64xf32, #tpu.memory_space<hbm>>) target(%dma_start3A_212 : memref<1x64xf32, #tpu.memory_space<vmem>>) target_semaphore(%arg7 : memref<!tpu.dma_semaphore, #tpu.memory_space<semaphore_mem>>)
      %slice3A_215 = vector.extract_strided_slice %get3A_121 {offsets = [8], sizes = [1], strides = [1]} : vector<16xi32> to vector<1xi32>
      %squeeze3A_216 = vector.extract %slice3A_215[0] : i32 from vector<1xi32>
      %add3A_217 = arith.constant 8 : i32
      %add3A_218 = arith.addi %multiple_of3A, %add3A_217 : i32
      %dma_start3A_219 = arith.constant 0 : i32
      %dma_start3A_220 = tpu.memref_slice %arg6[%add3A_218, %dma_start3A_219] : memref<512x64xf32, #tpu.memory_space<vmem>> -> memref<1x64xf32, #tpu.memory_space<vmem>>
      %dma_start3A_221 = arith.constant 0 : i32
      %dma_start3A_222 = tpu.memref_slice %arg3[%squeeze3A_216, %dma_start3A_221] : memref<1000000x64xf32, #tpu.memory_space<hbm>> -> memref<1x64xf32, #tpu.memory_space<hbm>>
      %dma_start3A_223 = arith.constant 0 : i32
      %dma_start3A_224 = tpu.memref_slice %arg6[%add3A_218, %dma_start3A_223] : memref<512x64xf32, #tpu.memory_space<vmem>> -> memref<1x64xf32, #tpu.memory_space<vmem>>
      %dma_start3A_225 = arith.constant 0 : i32
      %dma_start3A_226 = tpu.memref_slice %arg3[%squeeze3A_216, %dma_start3A_225] : memref<1000000x64xf32, #tpu.memory_space<hbm>> -> memref<1x64xf32, #tpu.memory_space<hbm>>
      tpu.enqueue_dma source(%dma_start3A_226 : memref<1x64xf32, #tpu.memory_space<hbm>>) target(%dma_start3A_224 : memref<1x64xf32, #tpu.memory_space<vmem>>) target_semaphore(%arg7 : memref<!tpu.dma_semaphore, #tpu.memory_space<semaphore_mem>>)
      %slice3A_227 = vector.extract_strided_slice %get3A_121 {offsets = [9], sizes = [1], strides = [1]} : vector<16xi32> to vector<1xi32>
      %squeeze3A_228 = vector.extract %slice3A_227[0] : i32 from vector<1xi32>
      %add3A_229 = arith.constant 9 : i32
      %add3A_230 = arith.addi %multiple_of3A, %add3A_229 : i32
      %dma_start3A_231 = arith.constant 0 : i32
      %dma_start3A_232 = tpu.memref_slice %arg6[%add3A_230, %dma_start3A_231] : memref<512x64xf32, #tpu.memory_space<vmem>> -> memref<1x64xf32, #tpu.memory_space<vmem>>
      %dma_start3A_233 = arith.constant 0 : i32
      %dma_start3A_234 = tpu.memref_slice %arg3[%squeeze3A_228, %dma_start3A_233] : memref<1000000x64xf32, #tpu.memory_space<hbm>> -> memref<1x64xf32, #tpu.memory_space<hbm>>
      %dma_start3A_235 = arith.constant 0 : i32
      %dma_start3A_236 = tpu.memref_slice %arg6[%add3A_230, %dma_start3A_235] : memref<512x64xf32, #tpu.memory_space<vmem>> -> memref<1x64xf32, #tpu.memory_space<vmem>>
      %dma_start3A_237 = arith.constant 0 : i32
      %dma_start3A_238 = tpu.memref_slice %arg3[%squeeze3A_228, %dma_start3A_237] : memref<1000000x64xf32, #tpu.memory_space<hbm>> -> memref<1x64xf32, #tpu.memory_space<hbm>>
      tpu.enqueue_dma source(%dma_start3A_238 : memref<1x64xf32, #tpu.memory_space<hbm>>) target(%dma_start3A_236 : memref<1x64xf32, #tpu.memory_space<vmem>>) target_semaphore(%arg7 : memref<!tpu.dma_semaphore, #tpu.memory_space<semaphore_mem>>)
      %slice3A_239 = vector.extract_strided_slice %get3A_121 {offsets = [10], sizes = [1], strides = [1]} : vector<16xi32> to vector<1xi32>
      %squeeze3A_240 = vector.extract %slice3A_239[0] : i32 from vector<1xi32>
      %add3A_241 = arith.constant 10 : i32
      %add3A_242 = arith.addi %multiple_of3A, %add3A_241 : i32
      %dma_start3A_243 = arith.constant 0 : i32
      %dma_start3A_244 = tpu.memref_slice %arg6[%add3A_242, %dma_start3A_243] : memref<512x64xf32, #tpu.memory_space<vmem>> -> memref<1x64xf32, #tpu.memory_space<vmem>>
      %dma_start3A_245 = arith.constant 0 : i32
      %dma_start3A_246 = tpu.memref_slice %arg3[%squeeze3A_240, %dma_start3A_245] : memref<1000000x64xf32, #tpu.memory_space<hbm>> -> memref<1x64xf32, #tpu.memory_space<hbm>>
      %dma_start3A_247 = arith.constant 0 : i32
      %dma_start3A_248 = tpu.memref_slice %arg6[%add3A_242, %dma_start3A_247] : memref<512x64xf32, #tpu.memory_space<vmem>> -> memref<1x64xf32, #tpu.memory_space<vmem>>
      %dma_start3A_249 = arith.constant 0 : i32
      %dma_start3A_250 = tpu.memref_slice %arg3[%squeeze3A_240, %dma_start3A_249] : memref<1000000x64xf32, #tpu.memory_space<hbm>> -> memref<1x64xf32, #tpu.memory_space<hbm>>
      tpu.enqueue_dma source(%dma_start3A_250 : memref<1x64xf32, #tpu.memory_space<hbm>>) target(%dma_start3A_248 : memref<1x64xf32, #tpu.memory_space<vmem>>) target_semaphore(%arg7 : memref<!tpu.dma_semaphore, #tpu.memory_space<semaphore_mem>>)
      %slice3A_251 = vector.extract_strided_slice %get3A_121 {offsets = [11], sizes = [1], strides = [1]} : vector<16xi32> to vector<1xi32>
      %squeeze3A_252 = vector.extract %slice3A_251[0] : i32 from vector<1xi32>
      %add3A_253 = arith.constant 11 : i32
      %add3A_254 = arith.addi %multiple_of3A, %add3A_253 : i32
      %dma_start3A_255 = arith.constant 0 : i32
      %dma_start3A_256 = tpu.memref_slice %arg6[%add3A_254, %dma_start3A_255] : memref<512x64xf32, #tpu.memory_space<vmem>> -> memref<1x64xf32, #tpu.memory_space<vmem>>
      %dma_start3A_257 = arith.constant 0 : i32
      %dma_start3A_258 = tpu.memref_slice %arg3[%squeeze3A_252, %dma_start3A_257] : memref<1000000x64xf32, #tpu.memory_space<hbm>> -> memref<1x64xf32, #tpu.memory_space<hbm>>
      %dma_start3A_259 = arith.constant 0 : i32
      %dma_start3A_260 = tpu.memref_slice %arg6[%add3A_254, %dma_start3A_259] : memref<512x64xf32, #tpu.memory_space<vmem>> -> memref<1x64xf32, #tpu.memory_space<vmem>>
      %dma_start3A_261 = arith.constant 0 : i32
      %dma_start3A_262 = tpu.memref_slice %arg3[%squeeze3A_252, %dma_start3A_261] : memref<1000000x64xf32, #tpu.memory_space<hbm>> -> memref<1x64xf32, #tpu.memory_space<hbm>>
      tpu.enqueue_dma source(%dma_start3A_262 : memref<1x64xf32, #tpu.memory_space<hbm>>) target(%dma_start3A_260 : memref<1x64xf32, #tpu.memory_space<vmem>>) target_semaphore(%arg7 : memref<!tpu.dma_semaphore, #tpu.memory_space<semaphore_mem>>)
      %slice3A_263 = vector.extract_strided_slice %get3A_121 {offsets = [12], sizes = [1], strides = [1]} : vector<16xi32> to vector<1xi32>
      %squeeze3A_264 = vector.extract %slice3A_263[0] : i32 from vector<1xi32>
      %add3A_265 = arith.constant 12 : i32
      %add3A_266 = arith.addi %multiple_of3A, %add3A_265 : i32
      %dma_start3A_267 = arith.constant 0 : i32
      %dma_start3A_268 = tpu.memref_slice %arg6[%add3A_266, %dma_start3A_267] : memref<512x64xf32, #tpu.memory_space<vmem>> -> memref<1x64xf32, #tpu.memory_space<vmem>>
      %dma_start3A_269 = arith.constant 0 : i32
      %dma_start3A_270 = tpu.memref_slice %arg3[%squeeze3A_264, %dma_start3A_269] : memref<1000000x64xf32, #tpu.memory_space<hbm>> -> memref<1x64xf32, #tpu.memory_space<hbm>>
      %dma_start3A_271 = arith.constant 0 : i32
      %dma_start3A_272 = tpu.memref_slice %arg6[%add3A_266, %dma_start3A_271] : memref<512x64xf32, #tpu.memory_space<vmem>> -> memref<1x64xf32, #tpu.memory_space<vmem>>
      %dma_start3A_273 = arith.constant 0 : i32
      %dma_start3A_274 = tpu.memref_slice %arg3[%squeeze3A_264, %dma_start3A_273] : memref<1000000x64xf32, #tpu.memory_space<hbm>> -> memref<1x64xf32, #tpu.memory_space<hbm>>
      tpu.enqueue_dma source(%dma_start3A_274 : memref<1x64xf32, #tpu.memory_space<hbm>>) target(%dma_start3A_272 : memref<1x64xf32, #tpu.memory_space<vmem>>) target_semaphore(%arg7 : memref<!tpu.dma_semaphore, #tpu.memory_space<semaphore_mem>>)
      %slice3A_275 = vector.extract_strided_slice %get3A_121 {offsets = [13], sizes = [1], strides = [1]} : vector<16xi32> to vector<1xi32>
      %squeeze3A_276 = vector.extract %slice3A_275[0] : i32 from vector<1xi32>
      %add3A_277 = arith.constant 13 : i32
      %add3A_278 = arith.addi %multiple_of3A, %add3A_277 : i32
      %dma_start3A_279 = arith.constant 0 : i32
      %dma_start3A_280 = tpu.memref_slice %arg6[%add3A_278, %dma_start3A_279] : memref<512x64xf32, #tpu.memory_space<vmem>> -> memref<1x64xf32, #tpu.memory_space<vmem>>
      %dma_start3A_281 = arith.constant 0 : i32
      %dma_start3A_282 = tpu.memref_slice %arg3[%squeeze3A_276, %dma_start3A_281] : memref<1000000x64xf32, #tpu.memory_space<hbm>> -> memref<1x64xf32, #tpu.memory_space<hbm>>
      %dma_start3A_283 = arith.constant 0 : i32
      %dma_start3A_284 = tpu.memref_slice %arg6[%add3A_278, %dma_start3A_283] : memref<512x64xf32, #tpu.memory_space<vmem>> -> memref<1x64xf32, #tpu.memory_space<vmem>>
      %dma_start3A_285 = arith.constant 0 : i32
      %dma_start3A_286 = tpu.memref_slice %arg3[%squeeze3A_276, %dma_start3A_285] : memref<1000000x64xf32, #tpu.memory_space<hbm>> -> memref<1x64xf32, #tpu.memory_space<hbm>>
      tpu.enqueue_dma source(%dma_start3A_286 : memref<1x64xf32, #tpu.memory_space<hbm>>) target(%dma_start3A_284 : memref<1x64xf32, #tpu.memory_space<vmem>>) target_semaphore(%arg7 : memref<!tpu.dma_semaphore, #tpu.memory_space<semaphore_mem>>)
      %slice3A_287 = vector.extract_strided_slice %get3A_121 {offsets = [14], sizes = [1], strides = [1]} : vector<16xi32> to vector<1xi32>
      %squeeze3A_288 = vector.extract %slice3A_287[0] : i32 from vector<1xi32>
      %add3A_289 = arith.constant 14 : i32
      %add3A_290 = arith.addi %multiple_of3A, %add3A_289 : i32
      %dma_start3A_291 = arith.constant 0 : i32
      %dma_start3A_292 = tpu.memref_slice %arg6[%add3A_290, %dma_start3A_291] : memref<512x64xf32, #tpu.memory_space<vmem>> -> memref<1x64xf32, #tpu.memory_space<vmem>>
      %dma_start3A_293 = arith.constant 0 : i32
      %dma_start3A_294 = tpu.memref_slice %arg3[%squeeze3A_288, %dma_start3A_293] : memref<1000000x64xf32, #tpu.memory_space<hbm>> -> memref<1x64xf32, #tpu.memory_space<hbm>>
      %dma_start3A_295 = arith.constant 0 : i32
      %dma_start3A_296 = tpu.memref_slice %arg6[%add3A_290, %dma_start3A_295] : memref<512x64xf32, #tpu.memory_space<vmem>> -> memref<1x64xf32, #tpu.memory_space<vmem>>
      %dma_start3A_297 = arith.constant 0 : i32
      %dma_start3A_298 = tpu.memref_slice %arg3[%squeeze3A_288, %dma_start3A_297] : memref<1000000x64xf32, #tpu.memory_space<hbm>> -> memref<1x64xf32, #tpu.memory_space<hbm>>
      tpu.enqueue_dma source(%dma_start3A_298 : memref<1x64xf32, #tpu.memory_space<hbm>>) target(%dma_start3A_296 : memref<1x64xf32, #tpu.memory_space<vmem>>) target_semaphore(%arg7 : memref<!tpu.dma_semaphore, #tpu.memory_space<semaphore_mem>>)
      %slice3A_299 = vector.extract_strided_slice %get3A_121 {offsets = [15], sizes = [1], strides = [1]} : vector<16xi32> to vector<1xi32>
      %squeeze3A_300 = vector.extract %slice3A_299[0] : i32 from vector<1xi32>
      %add3A_301 = arith.constant 15 : i32
      %add3A_302 = arith.addi %multiple_of3A, %add3A_301 : i32
      %dma_start3A_303 = arith.constant 0 : i32
      %dma_start3A_304 = tpu.memref_slice %arg6[%add3A_302, %dma_start3A_303] : memref<512x64xf32, #tpu.memory_space<vmem>> -> memref<1x64xf32, #tpu.memory_space<vmem>>
      %dma_start3A_305 = arith.constant 0 : i32
      %dma_start3A_306 = tpu.memref_slice %arg3[%squeeze3A_300, %dma_start3A_305] : memref<1000000x64xf32, #tpu.memory_space<hbm>> -> memref<1x64xf32, #tpu.memory_space<hbm>>
      %dma_start3A_307 = arith.constant 0 : i32
      %dma_start3A_308 = tpu.memref_slice %arg6[%add3A_302, %dma_start3A_307] : memref<512x64xf32, #tpu.memory_space<vmem>> -> memref<1x64xf32, #tpu.memory_space<vmem>>
      %dma_start3A_309 = arith.constant 0 : i32
      %dma_start3A_310 = tpu.memref_slice %arg3[%squeeze3A_300, %dma_start3A_309] : memref<1000000x64xf32, #tpu.memory_space<hbm>> -> memref<1x64xf32, #tpu.memory_space<hbm>>
      tpu.enqueue_dma source(%dma_start3A_310 : memref<1x64xf32, #tpu.memory_space<hbm>>) target(%dma_start3A_308 : memref<1x64xf32, #tpu.memory_space<vmem>>) target_semaphore(%arg7 : memref<!tpu.dma_semaphore, #tpu.memory_space<semaphore_mem>>)
      %scan3A_311 = arith.constant 0 : i32
      scf.yield %scan3A_311 : i32
    }
    %scan3A_78 = arith.constant 4 : i32
    %scan3A_79 = arith.constant 0 : i32
    %scan3A_80 = arith.constant 0 : i32
    %scan3A_81 = arith.constant 64 : i32
    %scan3A_82 = arith.addi %scan3A_80, %scan3A_81 : i32
    %scan3A_83 = arith.constant 1 : i32
    %scan3A_84 = scf.for %scan3A_114 = %scan3A_80 to %scan3A_82 step %scan3A_83 iter_args(%scan3A_115 = %scan3A_79) -> (i32)  : i32 {
      %add3A_116 = arith.constant 320 : i32
      %add3A_117 = arith.addi %add3A_116, %scan3A_114 : i32
      %dma_wait3A = arith.constant 0 : i32
      %dma_wait3A_118 = tpu.memref_slice %arg6[%add3A_117, %dma_wait3A] : memref<512x64xf32, #tpu.memory_space<vmem>> -> memref<1x64xf32, #tpu.memory_space<vmem>>
      %dma_wait3A_119 = arith.constant 0 : i32
      %dma_wait3A_120 = arith.constant 0 : i32
      %dma_wait3A_121 = tpu.memref_slice %arg3[%dma_wait3A_119, %dma_wait3A_120] : memref<1000000x64xf32, #tpu.memory_space<hbm>> -> memref<1x64xf32, #tpu.memory_space<hbm>>
      %dma_wait3A_122 = arith.constant 0 : i32
      %dma_wait3A_123 = tpu.memref_slice %arg6[%add3A_117, %dma_wait3A_122] : memref<512x64xf32, #tpu.memory_space<vmem>> -> memref<1x64xf32, #tpu.memory_space<vmem>>
      %dma_wait3A_124 = arith.constant 0 : i32
      %dma_wait3A_125 = arith.constant 0 : i32
      %dma_wait3A_126 = tpu.memref_slice %arg3[%dma_wait3A_124, %dma_wait3A_125] : memref<1000000x64xf32, #tpu.memory_space<hbm>> -> memref<1x64xf32, #tpu.memory_space<hbm>>
      tpu.wait_dma2 semaphore(%arg7 : memref<!tpu.dma_semaphore, #tpu.memory_space<semaphore_mem>>) src(%dma_wait3A_126 : memref<1x64xf32, #tpu.memory_space<hbm>>) dst(%dma_wait3A_123 : memref<1x64xf32, #tpu.memory_space<vmem>>)
      %scan3A_127 = arith.constant 0 : i32
      scf.yield %scan3A_127 : i32
    }
    %scan3A_85 = arith.constant 64 : i32
    %scan3A_86 = arith.constant 0 : i32
    %scan3A_87 = arith.constant 0 : i32
    %scan3A_88 = arith.constant 4 : i32
    %scan3A_89 = arith.addi %scan3A_87, %scan3A_88 : i32
    %scan3A_90 = arith.constant 1 : i32
    %scan3A_91 = scf.for %scan3A_114 = %scan3A_87 to %scan3A_89 step %scan3A_90 iter_args(%scan3A_115 = %scan3A_86) -> (i32)  : i32 {
      %mul3A_116 = arith.constant 16 : i32
      %mul3A_117 = arith.muli %scan3A_114, %mul3A_116 : i32
      %add3A_118 = arith.constant 384 : i32
      %add3A_119 = arith.addi %add3A_118, %mul3A_117 : i32
      %multiple_of3A = tpu.assume_multiple %add3A_119, 16 : i32
      %get3A = arith.index_cast %multiple_of3A : i32 to index
      %get3A_120 = tpu.vector_load %arg5[%get3A] {strides = array<i32>} : memref<512xi32, #tpu.memory_space<vmem>>, vector<16xi32>,
      %get3A_121 = vector.shape_cast %get3A_120 : vector<16xi32> to vector<16xi32>
      %slice3A = vector.extract_strided_slice %get3A_121 {offsets = [0], sizes = [1], strides = [1]} : vector<16xi32> to vector<1xi32>
      %squeeze3A = vector.extract %slice3A[0] : i32 from vector<1xi32>
      %add3A_122 = arith.constant 0 : i32
      %add3A_123 = arith.addi %multiple_of3A, %add3A_122 : i32
      %dma_start3A = arith.constant 0 : i32
      %dma_start3A_124 = tpu.memref_slice %arg6[%add3A_123, %dma_start3A] : memref<512x64xf32, #tpu.memory_space<vmem>> -> memref<1x64xf32, #tpu.memory_space<vmem>>
      %dma_start3A_125 = arith.constant 0 : i32
      %dma_start3A_126 = tpu.memref_slice %arg3[%squeeze3A, %dma_start3A_125] : memref<1000000x64xf32, #tpu.memory_space<hbm>> -> memref<1x64xf32, #tpu.memory_space<hbm>>
      %dma_start3A_127 = arith.constant 0 : i32
      %dma_start3A_128 = tpu.memref_slice %arg6[%add3A_123, %dma_start3A_127] : memref<512x64xf32, #tpu.memory_space<vmem>> -> memref<1x64xf32, #tpu.memory_space<vmem>>
      %dma_start3A_129 = arith.constant 0 : i32
      %dma_start3A_130 = tpu.memref_slice %arg3[%squeeze3A, %dma_start3A_129] : memref<1000000x64xf32, #tpu.memory_space<hbm>> -> memref<1x64xf32, #tpu.memory_space<hbm>>
      tpu.enqueue_dma source(%dma_start3A_130 : memref<1x64xf32, #tpu.memory_space<hbm>>) target(%dma_start3A_128 : memref<1x64xf32, #tpu.memory_space<vmem>>) target_semaphore(%arg7 : memref<!tpu.dma_semaphore, #tpu.memory_space<semaphore_mem>>)
      %slice3A_131 = vector.extract_strided_slice %get3A_121 {offsets = [1], sizes = [1], strides = [1]} : vector<16xi32> to vector<1xi32>
      %squeeze3A_132 = vector.extract %slice3A_131[0] : i32 from vector<1xi32>
      %add3A_133 = arith.constant 1 : i32
      %add3A_134 = arith.addi %multiple_of3A, %add3A_133 : i32
      %dma_start3A_135 = arith.constant 0 : i32
      %dma_start3A_136 = tpu.memref_slice %arg6[%add3A_134, %dma_start3A_135] : memref<512x64xf32, #tpu.memory_space<vmem>> -> memref<1x64xf32, #tpu.memory_space<vmem>>
      %dma_start3A_137 = arith.constant 0 : i32
      %dma_start3A_138 = tpu.memref_slice %arg3[%squeeze3A_132, %dma_start3A_137] : memref<1000000x64xf32, #tpu.memory_space<hbm>> -> memref<1x64xf32, #tpu.memory_space<hbm>>
      %dma_start3A_139 = arith.constant 0 : i32
      %dma_start3A_140 = tpu.memref_slice %arg6[%add3A_134, %dma_start3A_139] : memref<512x64xf32, #tpu.memory_space<vmem>> -> memref<1x64xf32, #tpu.memory_space<vmem>>
      %dma_start3A_141 = arith.constant 0 : i32
      %dma_start3A_142 = tpu.memref_slice %arg3[%squeeze3A_132, %dma_start3A_141] : memref<1000000x64xf32, #tpu.memory_space<hbm>> -> memref<1x64xf32, #tpu.memory_space<hbm>>
      tpu.enqueue_dma source(%dma_start3A_142 : memref<1x64xf32, #tpu.memory_space<hbm>>) target(%dma_start3A_140 : memref<1x64xf32, #tpu.memory_space<vmem>>) target_semaphore(%arg7 : memref<!tpu.dma_semaphore, #tpu.memory_space<semaphore_mem>>)
      %slice3A_143 = vector.extract_strided_slice %get3A_121 {offsets = [2], sizes = [1], strides = [1]} : vector<16xi32> to vector<1xi32>
      %squeeze3A_144 = vector.extract %slice3A_143[0] : i32 from vector<1xi32>
      %add3A_145 = arith.constant 2 : i32
      %add3A_146 = arith.addi %multiple_of3A, %add3A_145 : i32
      %dma_start3A_147 = arith.constant 0 : i32
      %dma_start3A_148 = tpu.memref_slice %arg6[%add3A_146, %dma_start3A_147] : memref<512x64xf32, #tpu.memory_space<vmem>> -> memref<1x64xf32, #tpu.memory_space<vmem>>
      %dma_start3A_149 = arith.constant 0 : i32
      %dma_start3A_150 = tpu.memref_slice %arg3[%squeeze3A_144, %dma_start3A_149] : memref<1000000x64xf32, #tpu.memory_space<hbm>> -> memref<1x64xf32, #tpu.memory_space<hbm>>
      %dma_start3A_151 = arith.constant 0 : i32
      %dma_start3A_152 = tpu.memref_slice %arg6[%add3A_146, %dma_start3A_151] : memref<512x64xf32, #tpu.memory_space<vmem>> -> memref<1x64xf32, #tpu.memory_space<vmem>>
      %dma_start3A_153 = arith.constant 0 : i32
      %dma_start3A_154 = tpu.memref_slice %arg3[%squeeze3A_144, %dma_start3A_153] : memref<1000000x64xf32, #tpu.memory_space<hbm>> -> memref<1x64xf32, #tpu.memory_space<hbm>>
      tpu.enqueue_dma source(%dma_start3A_154 : memref<1x64xf32, #tpu.memory_space<hbm>>) target(%dma_start3A_152 : memref<1x64xf32, #tpu.memory_space<vmem>>) target_semaphore(%arg7 : memref<!tpu.dma_semaphore, #tpu.memory_space<semaphore_mem>>)
      %slice3A_155 = vector.extract_strided_slice %get3A_121 {offsets = [3], sizes = [1], strides = [1]} : vector<16xi32> to vector<1xi32>
      %squeeze3A_156 = vector.extract %slice3A_155[0] : i32 from vector<1xi32>
      %add3A_157 = arith.constant 3 : i32
      %add3A_158 = arith.addi %multiple_of3A, %add3A_157 : i32
      %dma_start3A_159 = arith.constant 0 : i32
      %dma_start3A_160 = tpu.memref_slice %arg6[%add3A_158, %dma_start3A_159] : memref<512x64xf32, #tpu.memory_space<vmem>> -> memref<1x64xf32, #tpu.memory_space<vmem>>
      %dma_start3A_161 = arith.constant 0 : i32
      %dma_start3A_162 = tpu.memref_slice %arg3[%squeeze3A_156, %dma_start3A_161] : memref<1000000x64xf32, #tpu.memory_space<hbm>> -> memref<1x64xf32, #tpu.memory_space<hbm>>
      %dma_start3A_163 = arith.constant 0 : i32
      %dma_start3A_164 = tpu.memref_slice %arg6[%add3A_158, %dma_start3A_163] : memref<512x64xf32, #tpu.memory_space<vmem>> -> memref<1x64xf32, #tpu.memory_space<vmem>>
      %dma_start3A_165 = arith.constant 0 : i32
      %dma_start3A_166 = tpu.memref_slice %arg3[%squeeze3A_156, %dma_start3A_165] : memref<1000000x64xf32, #tpu.memory_space<hbm>> -> memref<1x64xf32, #tpu.memory_space<hbm>>
      tpu.enqueue_dma source(%dma_start3A_166 : memref<1x64xf32, #tpu.memory_space<hbm>>) target(%dma_start3A_164 : memref<1x64xf32, #tpu.memory_space<vmem>>) target_semaphore(%arg7 : memref<!tpu.dma_semaphore, #tpu.memory_space<semaphore_mem>>)
      %slice3A_167 = vector.extract_strided_slice %get3A_121 {offsets = [4], sizes = [1], strides = [1]} : vector<16xi32> to vector<1xi32>
      %squeeze3A_168 = vector.extract %slice3A_167[0] : i32 from vector<1xi32>
      %add3A_169 = arith.constant 4 : i32
      %add3A_170 = arith.addi %multiple_of3A, %add3A_169 : i32
      %dma_start3A_171 = arith.constant 0 : i32
      %dma_start3A_172 = tpu.memref_slice %arg6[%add3A_170, %dma_start3A_171] : memref<512x64xf32, #tpu.memory_space<vmem>> -> memref<1x64xf32, #tpu.memory_space<vmem>>
      %dma_start3A_173 = arith.constant 0 : i32
      %dma_start3A_174 = tpu.memref_slice %arg3[%squeeze3A_168, %dma_start3A_173] : memref<1000000x64xf32, #tpu.memory_space<hbm>> -> memref<1x64xf32, #tpu.memory_space<hbm>>
      %dma_start3A_175 = arith.constant 0 : i32
      %dma_start3A_176 = tpu.memref_slice %arg6[%add3A_170, %dma_start3A_175] : memref<512x64xf32, #tpu.memory_space<vmem>> -> memref<1x64xf32, #tpu.memory_space<vmem>>
      %dma_start3A_177 = arith.constant 0 : i32
      %dma_start3A_178 = tpu.memref_slice %arg3[%squeeze3A_168, %dma_start3A_177] : memref<1000000x64xf32, #tpu.memory_space<hbm>> -> memref<1x64xf32, #tpu.memory_space<hbm>>
      tpu.enqueue_dma source(%dma_start3A_178 : memref<1x64xf32, #tpu.memory_space<hbm>>) target(%dma_start3A_176 : memref<1x64xf32, #tpu.memory_space<vmem>>) target_semaphore(%arg7 : memref<!tpu.dma_semaphore, #tpu.memory_space<semaphore_mem>>)
      %slice3A_179 = vector.extract_strided_slice %get3A_121 {offsets = [5], sizes = [1], strides = [1]} : vector<16xi32> to vector<1xi32>
      %squeeze3A_180 = vector.extract %slice3A_179[0] : i32 from vector<1xi32>
      %add3A_181 = arith.constant 5 : i32
      %add3A_182 = arith.addi %multiple_of3A, %add3A_181 : i32
      %dma_start3A_183 = arith.constant 0 : i32
      %dma_start3A_184 = tpu.memref_slice %arg6[%add3A_182, %dma_start3A_183] : memref<512x64xf32, #tpu.memory_space<vmem>> -> memref<1x64xf32, #tpu.memory_space<vmem>>
      %dma_start3A_185 = arith.constant 0 : i32
      %dma_start3A_186 = tpu.memref_slice %arg3[%squeeze3A_180, %dma_start3A_185] : memref<1000000x64xf32, #tpu.memory_space<hbm>> -> memref<1x64xf32, #tpu.memory_space<hbm>>
      %dma_start3A_187 = arith.constant 0 : i32
      %dma_start3A_188 = tpu.memref_slice %arg6[%add3A_182, %dma_start3A_187] : memref<512x64xf32, #tpu.memory_space<vmem>> -> memref<1x64xf32, #tpu.memory_space<vmem>>
      %dma_start3A_189 = arith.constant 0 : i32
      %dma_start3A_190 = tpu.memref_slice %arg3[%squeeze3A_180, %dma_start3A_189] : memref<1000000x64xf32, #tpu.memory_space<hbm>> -> memref<1x64xf32, #tpu.memory_space<hbm>>
      tpu.enqueue_dma source(%dma_start3A_190 : memref<1x64xf32, #tpu.memory_space<hbm>>) target(%dma_start3A_188 : memref<1x64xf32, #tpu.memory_space<vmem>>) target_semaphore(%arg7 : memref<!tpu.dma_semaphore, #tpu.memory_space<semaphore_mem>>)
      %slice3A_191 = vector.extract_strided_slice %get3A_121 {offsets = [6], sizes = [1], strides = [1]} : vector<16xi32> to vector<1xi32>
      %squeeze3A_192 = vector.extract %slice3A_191[0] : i32 from vector<1xi32>
      %add3A_193 = arith.constant 6 : i32
      %add3A_194 = arith.addi %multiple_of3A, %add3A_193 : i32
      %dma_start3A_195 = arith.constant 0 : i32
      %dma_start3A_196 = tpu.memref_slice %arg6[%add3A_194, %dma_start3A_195] : memref<512x64xf32, #tpu.memory_space<vmem>> -> memref<1x64xf32, #tpu.memory_space<vmem>>
      %dma_start3A_197 = arith.constant 0 : i32
      %dma_start3A_198 = tpu.memref_slice %arg3[%squeeze3A_192, %dma_start3A_197] : memref<1000000x64xf32, #tpu.memory_space<hbm>> -> memref<1x64xf32, #tpu.memory_space<hbm>>
      %dma_start3A_199 = arith.constant 0 : i32
      %dma_start3A_200 = tpu.memref_slice %arg6[%add3A_194, %dma_start3A_199] : memref<512x64xf32, #tpu.memory_space<vmem>> -> memref<1x64xf32, #tpu.memory_space<vmem>>
      %dma_start3A_201 = arith.constant 0 : i32
      %dma_start3A_202 = tpu.memref_slice %arg3[%squeeze3A_192, %dma_start3A_201] : memref<1000000x64xf32, #tpu.memory_space<hbm>> -> memref<1x64xf32, #tpu.memory_space<hbm>>
      tpu.enqueue_dma source(%dma_start3A_202 : memref<1x64xf32, #tpu.memory_space<hbm>>) target(%dma_start3A_200 : memref<1x64xf32, #tpu.memory_space<vmem>>) target_semaphore(%arg7 : memref<!tpu.dma_semaphore, #tpu.memory_space<semaphore_mem>>)
      %slice3A_203 = vector.extract_strided_slice %get3A_121 {offsets = [7], sizes = [1], strides = [1]} : vector<16xi32> to vector<1xi32>
      %squeeze3A_204 = vector.extract %slice3A_203[0] : i32 from vector<1xi32>
      %add3A_205 = arith.constant 7 : i32
      %add3A_206 = arith.addi %multiple_of3A, %add3A_205 : i32
      %dma_start3A_207 = arith.constant 0 : i32
      %dma_start3A_208 = tpu.memref_slice %arg6[%add3A_206, %dma_start3A_207] : memref<512x64xf32, #tpu.memory_space<vmem>> -> memref<1x64xf32, #tpu.memory_space<vmem>>
      %dma_start3A_209 = arith.constant 0 : i32
      %dma_start3A_210 = tpu.memref_slice %arg3[%squeeze3A_204, %dma_start3A_209] : memref<1000000x64xf32, #tpu.memory_space<hbm>> -> memref<1x64xf32, #tpu.memory_space<hbm>>
      %dma_start3A_211 = arith.constant 0 : i32
      %dma_start3A_212 = tpu.memref_slice %arg6[%add3A_206, %dma_start3A_211] : memref<512x64xf32, #tpu.memory_space<vmem>> -> memref<1x64xf32, #tpu.memory_space<vmem>>
      %dma_start3A_213 = arith.constant 0 : i32
      %dma_start3A_214 = tpu.memref_slice %arg3[%squeeze3A_204, %dma_start3A_213] : memref<1000000x64xf32, #tpu.memory_space<hbm>> -> memref<1x64xf32, #tpu.memory_space<hbm>>
      tpu.enqueue_dma source(%dma_start3A_214 : memref<1x64xf32, #tpu.memory_space<hbm>>) target(%dma_start3A_212 : memref<1x64xf32, #tpu.memory_space<vmem>>) target_semaphore(%arg7 : memref<!tpu.dma_semaphore, #tpu.memory_space<semaphore_mem>>)
      %slice3A_215 = vector.extract_strided_slice %get3A_121 {offsets = [8], sizes = [1], strides = [1]} : vector<16xi32> to vector<1xi32>
      %squeeze3A_216 = vector.extract %slice3A_215[0] : i32 from vector<1xi32>
      %add3A_217 = arith.constant 8 : i32
      %add3A_218 = arith.addi %multiple_of3A, %add3A_217 : i32
      %dma_start3A_219 = arith.constant 0 : i32
      %dma_start3A_220 = tpu.memref_slice %arg6[%add3A_218, %dma_start3A_219] : memref<512x64xf32, #tpu.memory_space<vmem>> -> memref<1x64xf32, #tpu.memory_space<vmem>>
      %dma_start3A_221 = arith.constant 0 : i32
      %dma_start3A_222 = tpu.memref_slice %arg3[%squeeze3A_216, %dma_start3A_221] : memref<1000000x64xf32, #tpu.memory_space<hbm>> -> memref<1x64xf32, #tpu.memory_space<hbm>>
      %dma_start3A_223 = arith.constant 0 : i32
      %dma_start3A_224 = tpu.memref_slice %arg6[%add3A_218, %dma_start3A_223] : memref<512x64xf32, #tpu.memory_space<vmem>> -> memref<1x64xf32, #tpu.memory_space<vmem>>
      %dma_start3A_225 = arith.constant 0 : i32
      %dma_start3A_226 = tpu.memref_slice %arg3[%squeeze3A_216, %dma_start3A_225] : memref<1000000x64xf32, #tpu.memory_space<hbm>> -> memref<1x64xf32, #tpu.memory_space<hbm>>
      tpu.enqueue_dma source(%dma_start3A_226 : memref<1x64xf32, #tpu.memory_space<hbm>>) target(%dma_start3A_224 : memref<1x64xf32, #tpu.memory_space<vmem>>) target_semaphore(%arg7 : memref<!tpu.dma_semaphore, #tpu.memory_space<semaphore_mem>>)
      %slice3A_227 = vector.extract_strided_slice %get3A_121 {offsets = [9], sizes = [1], strides = [1]} : vector<16xi32> to vector<1xi32>
      %squeeze3A_228 = vector.extract %slice3A_227[0] : i32 from vector<1xi32>
      %add3A_229 = arith.constant 9 : i32
      %add3A_230 = arith.addi %multiple_of3A, %add3A_229 : i32
      %dma_start3A_231 = arith.constant 0 : i32
      %dma_start3A_232 = tpu.memref_slice %arg6[%add3A_230, %dma_start3A_231] : memref<512x64xf32, #tpu.memory_space<vmem>> -> memref<1x64xf32, #tpu.memory_space<vmem>>
      %dma_start3A_233 = arith.constant 0 : i32
      %dma_start3A_234 = tpu.memref_slice %arg3[%squeeze3A_228, %dma_start3A_233] : memref<1000000x64xf32, #tpu.memory_space<hbm>> -> memref<1x64xf32, #tpu.memory_space<hbm>>
      %dma_start3A_235 = arith.constant 0 : i32
      %dma_start3A_236 = tpu.memref_slice %arg6[%add3A_230, %dma_start3A_235] : memref<512x64xf32, #tpu.memory_space<vmem>> -> memref<1x64xf32, #tpu.memory_space<vmem>>
      %dma_start3A_237 = arith.constant 0 : i32
      %dma_start3A_238 = tpu.memref_slice %arg3[%squeeze3A_228, %dma_start3A_237] : memref<1000000x64xf32, #tpu.memory_space<hbm>> -> memref<1x64xf32, #tpu.memory_space<hbm>>
      tpu.enqueue_dma source(%dma_start3A_238 : memref<1x64xf32, #tpu.memory_space<hbm>>) target(%dma_start3A_236 : memref<1x64xf32, #tpu.memory_space<vmem>>) target_semaphore(%arg7 : memref<!tpu.dma_semaphore, #tpu.memory_space<semaphore_mem>>)
      %slice3A_239 = vector.extract_strided_slice %get3A_121 {offsets = [10], sizes = [1], strides = [1]} : vector<16xi32> to vector<1xi32>
      %squeeze3A_240 = vector.extract %slice3A_239[0] : i32 from vector<1xi32>
      %add3A_241 = arith.constant 10 : i32
      %add3A_242 = arith.addi %multiple_of3A, %add3A_241 : i32
      %dma_start3A_243 = arith.constant 0 : i32
      %dma_start3A_244 = tpu.memref_slice %arg6[%add3A_242, %dma_start3A_243] : memref<512x64xf32, #tpu.memory_space<vmem>> -> memref<1x64xf32, #tpu.memory_space<vmem>>
      %dma_start3A_245 = arith.constant 0 : i32
      %dma_start3A_246 = tpu.memref_slice %arg3[%squeeze3A_240, %dma_start3A_245] : memref<1000000x64xf32, #tpu.memory_space<hbm>> -> memref<1x64xf32, #tpu.memory_space<hbm>>
      %dma_start3A_247 = arith.constant 0 : i32
      %dma_start3A_248 = tpu.memref_slice %arg6[%add3A_242, %dma_start3A_247] : memref<512x64xf32, #tpu.memory_space<vmem>> -> memref<1x64xf32, #tpu.memory_space<vmem>>
      %dma_start3A_249 = arith.constant 0 : i32
      %dma_start3A_250 = tpu.memref_slice %arg3[%squeeze3A_240, %dma_start3A_249] : memref<1000000x64xf32, #tpu.memory_space<hbm>> -> memref<1x64xf32, #tpu.memory_space<hbm>>
      tpu.enqueue_dma source(%dma_start3A_250 : memref<1x64xf32, #tpu.memory_space<hbm>>) target(%dma_start3A_248 : memref<1x64xf32, #tpu.memory_space<vmem>>) target_semaphore(%arg7 : memref<!tpu.dma_semaphore, #tpu.memory_space<semaphore_mem>>)
      %slice3A_251 = vector.extract_strided_slice %get3A_121 {offsets = [11], sizes = [1], strides = [1]} : vector<16xi32> to vector<1xi32>
      %squeeze3A_252 = vector.extract %slice3A_251[0] : i32 from vector<1xi32>
      %add3A_253 = arith.constant 11 : i32
      %add3A_254 = arith.addi %multiple_of3A, %add3A_253 : i32
      %dma_start3A_255 = arith.constant 0 : i32
      %dma_start3A_256 = tpu.memref_slice %arg6[%add3A_254, %dma_start3A_255] : memref<512x64xf32, #tpu.memory_space<vmem>> -> memref<1x64xf32, #tpu.memory_space<vmem>>
      %dma_start3A_257 = arith.constant 0 : i32
      %dma_start3A_258 = tpu.memref_slice %arg3[%squeeze3A_252, %dma_start3A_257] : memref<1000000x64xf32, #tpu.memory_space<hbm>> -> memref<1x64xf32, #tpu.memory_space<hbm>>
      %dma_start3A_259 = arith.constant 0 : i32
      %dma_start3A_260 = tpu.memref_slice %arg6[%add3A_254, %dma_start3A_259] : memref<512x64xf32, #tpu.memory_space<vmem>> -> memref<1x64xf32, #tpu.memory_space<vmem>>
      %dma_start3A_261 = arith.constant 0 : i32
      %dma_start3A_262 = tpu.memref_slice %arg3[%squeeze3A_252, %dma_start3A_261] : memref<1000000x64xf32, #tpu.memory_space<hbm>> -> memref<1x64xf32, #tpu.memory_space<hbm>>
      tpu.enqueue_dma source(%dma_start3A_262 : memref<1x64xf32, #tpu.memory_space<hbm>>) target(%dma_start3A_260 : memref<1x64xf32, #tpu.memory_space<vmem>>) target_semaphore(%arg7 : memref<!tpu.dma_semaphore, #tpu.memory_space<semaphore_mem>>)
      %slice3A_263 = vector.extract_strided_slice %get3A_121 {offsets = [12], sizes = [1], strides = [1]} : vector<16xi32> to vector<1xi32>
      %squeeze3A_264 = vector.extract %slice3A_263[0] : i32 from vector<1xi32>
      %add3A_265 = arith.constant 12 : i32
      %add3A_266 = arith.addi %multiple_of3A, %add3A_265 : i32
      %dma_start3A_267 = arith.constant 0 : i32
      %dma_start3A_268 = tpu.memref_slice %arg6[%add3A_266, %dma_start3A_267] : memref<512x64xf32, #tpu.memory_space<vmem>> -> memref<1x64xf32, #tpu.memory_space<vmem>>
      %dma_start3A_269 = arith.constant 0 : i32
      %dma_start3A_270 = tpu.memref_slice %arg3[%squeeze3A_264, %dma_start3A_269] : memref<1000000x64xf32, #tpu.memory_space<hbm>> -> memref<1x64xf32, #tpu.memory_space<hbm>>
      %dma_start3A_271 = arith.constant 0 : i32
      %dma_start3A_272 = tpu.memref_slice %arg6[%add3A_266, %dma_start3A_271] : memref<512x64xf32, #tpu.memory_space<vmem>> -> memref<1x64xf32, #tpu.memory_space<vmem>>
      %dma_start3A_273 = arith.constant 0 : i32
      %dma_start3A_274 = tpu.memref_slice %arg3[%squeeze3A_264, %dma_start3A_273] : memref<1000000x64xf32, #tpu.memory_space<hbm>> -> memref<1x64xf32, #tpu.memory_space<hbm>>
      tpu.enqueue_dma source(%dma_start3A_274 : memref<1x64xf32, #tpu.memory_space<hbm>>) target(%dma_start3A_272 : memref<1x64xf32, #tpu.memory_space<vmem>>) target_semaphore(%arg7 : memref<!tpu.dma_semaphore, #tpu.memory_space<semaphore_mem>>)
      %slice3A_275 = vector.extract_strided_slice %get3A_121 {offsets = [13], sizes = [1], strides = [1]} : vector<16xi32> to vector<1xi32>
      %squeeze3A_276 = vector.extract %slice3A_275[0] : i32 from vector<1xi32>
      %add3A_277 = arith.constant 13 : i32
      %add3A_278 = arith.addi %multiple_of3A, %add3A_277 : i32
      %dma_start3A_279 = arith.constant 0 : i32
      %dma_start3A_280 = tpu.memref_slice %arg6[%add3A_278, %dma_start3A_279] : memref<512x64xf32, #tpu.memory_space<vmem>> -> memref<1x64xf32, #tpu.memory_space<vmem>>
      %dma_start3A_281 = arith.constant 0 : i32
      %dma_start3A_282 = tpu.memref_slice %arg3[%squeeze3A_276, %dma_start3A_281] : memref<1000000x64xf32, #tpu.memory_space<hbm>> -> memref<1x64xf32, #tpu.memory_space<hbm>>
      %dma_start3A_283 = arith.constant 0 : i32
      %dma_start3A_284 = tpu.memref_slice %arg6[%add3A_278, %dma_start3A_283] : memref<512x64xf32, #tpu.memory_space<vmem>> -> memref<1x64xf32, #tpu.memory_space<vmem>>
      %dma_start3A_285 = arith.constant 0 : i32
      %dma_start3A_286 = tpu.memref_slice %arg3[%squeeze3A_276, %dma_start3A_285] : memref<1000000x64xf32, #tpu.memory_space<hbm>> -> memref<1x64xf32, #tpu.memory_space<hbm>>
      tpu.enqueue_dma source(%dma_start3A_286 : memref<1x64xf32, #tpu.memory_space<hbm>>) target(%dma_start3A_284 : memref<1x64xf32, #tpu.memory_space<vmem>>) target_semaphore(%arg7 : memref<!tpu.dma_semaphore, #tpu.memory_space<semaphore_mem>>)
      %slice3A_287 = vector.extract_strided_slice %get3A_121 {offsets = [14], sizes = [1], strides = [1]} : vector<16xi32> to vector<1xi32>
      %squeeze3A_288 = vector.extract %slice3A_287[0] : i32 from vector<1xi32>
      %add3A_289 = arith.constant 14 : i32
      %add3A_290 = arith.addi %multiple_of3A, %add3A_289 : i32
      %dma_start3A_291 = arith.constant 0 : i32
      %dma_start3A_292 = tpu.memref_slice %arg6[%add3A_290, %dma_start3A_291] : memref<512x64xf32, #tpu.memory_space<vmem>> -> memref<1x64xf32, #tpu.memory_space<vmem>>
      %dma_start3A_293 = arith.constant 0 : i32
      %dma_start3A_294 = tpu.memref_slice %arg3[%squeeze3A_288, %dma_start3A_293] : memref<1000000x64xf32, #tpu.memory_space<hbm>> -> memref<1x64xf32, #tpu.memory_space<hbm>>
      %dma_start3A_295 = arith.constant 0 : i32
      %dma_start3A_296 = tpu.memref_slice %arg6[%add3A_290, %dma_start3A_295] : memref<512x64xf32, #tpu.memory_space<vmem>> -> memref<1x64xf32, #tpu.memory_space<vmem>>
      %dma_start3A_297 = arith.constant 0 : i32
      %dma_start3A_298 = tpu.memref_slice %arg3[%squeeze3A_288, %dma_start3A_297] : memref<1000000x64xf32, #tpu.memory_space<hbm>> -> memref<1x64xf32, #tpu.memory_space<hbm>>
      tpu.enqueue_dma source(%dma_start3A_298 : memref<1x64xf32, #tpu.memory_space<hbm>>) target(%dma_start3A_296 : memref<1x64xf32, #tpu.memory_space<vmem>>) target_semaphore(%arg7 : memref<!tpu.dma_semaphore, #tpu.memory_space<semaphore_mem>>)
      %slice3A_299 = vector.extract_strided_slice %get3A_121 {offsets = [15], sizes = [1], strides = [1]} : vector<16xi32> to vector<1xi32>
      %squeeze3A_300 = vector.extract %slice3A_299[0] : i32 from vector<1xi32>
      %add3A_301 = arith.constant 15 : i32
      %add3A_302 = arith.addi %multiple_of3A, %add3A_301 : i32
      %dma_start3A_303 = arith.constant 0 : i32
      %dma_start3A_304 = tpu.memref_slice %arg6[%add3A_302, %dma_start3A_303] : memref<512x64xf32, #tpu.memory_space<vmem>> -> memref<1x64xf32, #tpu.memory_space<vmem>>
      %dma_start3A_305 = arith.constant 0 : i32
      %dma_start3A_306 = tpu.memref_slice %arg3[%squeeze3A_300, %dma_start3A_305] : memref<1000000x64xf32, #tpu.memory_space<hbm>> -> memref<1x64xf32, #tpu.memory_space<hbm>>
      %dma_start3A_307 = arith.constant 0 : i32
      %dma_start3A_308 = tpu.memref_slice %arg6[%add3A_302, %dma_start3A_307] : memref<512x64xf32, #tpu.memory_space<vmem>> -> memref<1x64xf32, #tpu.memory_space<vmem>>
      %dma_start3A_309 = arith.constant 0 : i32
      %dma_start3A_310 = tpu.memref_slice %arg3[%squeeze3A_300, %dma_start3A_309] : memref<1000000x64xf32, #tpu.memory_space<hbm>> -> memref<1x64xf32, #tpu.memory_space<hbm>>
      tpu.enqueue_dma source(%dma_start3A_310 : memref<1x64xf32, #tpu.memory_space<hbm>>) target(%dma_start3A_308 : memref<1x64xf32, #tpu.memory_space<vmem>>) target_semaphore(%arg7 : memref<!tpu.dma_semaphore, #tpu.memory_space<semaphore_mem>>)
      %scan3A_311 = arith.constant 0 : i32
      scf.yield %scan3A_311 : i32
    }
    %scan3A_92 = arith.constant 4 : i32
    %scan3A_93 = arith.constant 0 : i32
    %scan3A_94 = arith.constant 0 : i32
    %scan3A_95 = arith.constant 64 : i32
    %scan3A_96 = arith.addi %scan3A_94, %scan3A_95 : i32
    %scan3A_97 = arith.constant 1 : i32
    %scan3A_98 = scf.for %scan3A_114 = %scan3A_94 to %scan3A_96 step %scan3A_97 iter_args(%scan3A_115 = %scan3A_93) -> (i32)  : i32 {
      %add3A_116 = arith.constant 384 : i32
      %add3A_117 = arith.addi %add3A_116, %scan3A_114 : i32
      %dma_wait3A = arith.constant 0 : i32
      %dma_wait3A_118 = tpu.memref_slice %arg6[%add3A_117, %dma_wait3A] : memref<512x64xf32, #tpu.memory_space<vmem>> -> memref<1x64xf32, #tpu.memory_space<vmem>>
      %dma_wait3A_119 = arith.constant 0 : i32
      %dma_wait3A_120 = arith.constant 0 : i32
      %dma_wait3A_121 = tpu.memref_slice %arg3[%dma_wait3A_119, %dma_wait3A_120] : memref<1000000x64xf32, #tpu.memory_space<hbm>> -> memref<1x64xf32, #tpu.memory_space<hbm>>
      %dma_wait3A_122 = arith.constant 0 : i32
      %dma_wait3A_123 = tpu.memref_slice %arg6[%add3A_117, %dma_wait3A_122] : memref<512x64xf32, #tpu.memory_space<vmem>> -> memref<1x64xf32, #tpu.memory_space<vmem>>
      %dma_wait3A_124 = arith.constant 0 : i32
      %dma_wait3A_125 = arith.constant 0 : i32
      %dma_wait3A_126 = tpu.memref_slice %arg3[%dma_wait3A_124, %dma_wait3A_125] : memref<1000000x64xf32, #tpu.memory_space<hbm>> -> memref<1x64xf32, #tpu.memory_space<hbm>>
      tpu.wait_dma2 semaphore(%arg7 : memref<!tpu.dma_semaphore, #tpu.memory_space<semaphore_mem>>) src(%dma_wait3A_126 : memref<1x64xf32, #tpu.memory_space<hbm>>) dst(%dma_wait3A_123 : memref<1x64xf32, #tpu.memory_space<vmem>>)
      %scan3A_127 = arith.constant 0 : i32
      scf.yield %scan3A_127 : i32
    }
    %scan3A_99 = arith.constant 64 : i32
    %scan3A_100 = arith.constant 0 : i32
    %scan3A_101 = arith.constant 0 : i32
    %scan3A_102 = arith.constant 4 : i32
    %scan3A_103 = arith.addi %scan3A_101, %scan3A_102 : i32
    %scan3A_104 = arith.constant 1 : i32
    %scan3A_105 = scf.for %scan3A_114 = %scan3A_101 to %scan3A_103 step %scan3A_104 iter_args(%scan3A_115 = %scan3A_100) -> (i32)  : i32 {
      %mul3A_116 = arith.constant 16 : i32
      %mul3A_117 = arith.muli %scan3A_114, %mul3A_116 : i32
      %add3A_118 = arith.constant 448 : i32
      %add3A_119 = arith.addi %add3A_118, %mul3A_117 : i32
      %multiple_of3A = tpu.assume_multiple %add3A_119, 16 : i32
      %get3A = arith.index_cast %multiple_of3A : i32 to index
      %get3A_120 = tpu.vector_load %arg5[%get3A] {strides = array<i32>} : memref<512xi32, #tpu.memory_space<vmem>>, vector<16xi32>,
      %get3A_121 = vector.shape_cast %get3A_120 : vector<16xi32> to vector<16xi32>
      %slice3A = vector.extract_strided_slice %get3A_121 {offsets = [0], sizes = [1], strides = [1]} : vector<16xi32> to vector<1xi32>
      %squeeze3A = vector.extract %slice3A[0] : i32 from vector<1xi32>
      %add3A_122 = arith.constant 0 : i32
      %add3A_123 = arith.addi %multiple_of3A, %add3A_122 : i32
      %dma_start3A = arith.constant 0 : i32
      %dma_start3A_124 = tpu.memref_slice %arg6[%add3A_123, %dma_start3A] : memref<512x64xf32, #tpu.memory_space<vmem>> -> memref<1x64xf32, #tpu.memory_space<vmem>>
      %dma_start3A_125 = arith.constant 0 : i32
      %dma_start3A_126 = tpu.memref_slice %arg3[%squeeze3A, %dma_start3A_125] : memref<1000000x64xf32, #tpu.memory_space<hbm>> -> memref<1x64xf32, #tpu.memory_space<hbm>>
      %dma_start3A_127 = arith.constant 0 : i32
      %dma_start3A_128 = tpu.memref_slice %arg6[%add3A_123, %dma_start3A_127] : memref<512x64xf32, #tpu.memory_space<vmem>> -> memref<1x64xf32, #tpu.memory_space<vmem>>
      %dma_start3A_129 = arith.constant 0 : i32
      %dma_start3A_130 = tpu.memref_slice %arg3[%squeeze3A, %dma_start3A_129] : memref<1000000x64xf32, #tpu.memory_space<hbm>> -> memref<1x64xf32, #tpu.memory_space<hbm>>
      tpu.enqueue_dma source(%dma_start3A_130 : memref<1x64xf32, #tpu.memory_space<hbm>>) target(%dma_start3A_128 : memref<1x64xf32, #tpu.memory_space<vmem>>) target_semaphore(%arg7 : memref<!tpu.dma_semaphore, #tpu.memory_space<semaphore_mem>>)
      %slice3A_131 = vector.extract_strided_slice %get3A_121 {offsets = [1], sizes = [1], strides = [1]} : vector<16xi32> to vector<1xi32>
      %squeeze3A_132 = vector.extract %slice3A_131[0] : i32 from vector<1xi32>
      %add3A_133 = arith.constant 1 : i32
      %add3A_134 = arith.addi %multiple_of3A, %add3A_133 : i32
      %dma_start3A_135 = arith.constant 0 : i32
      %dma_start3A_136 = tpu.memref_slice %arg6[%add3A_134, %dma_start3A_135] : memref<512x64xf32, #tpu.memory_space<vmem>> -> memref<1x64xf32, #tpu.memory_space<vmem>>
      %dma_start3A_137 = arith.constant 0 : i32
      %dma_start3A_138 = tpu.memref_slice %arg3[%squeeze3A_132, %dma_start3A_137] : memref<1000000x64xf32, #tpu.memory_space<hbm>> -> memref<1x64xf32, #tpu.memory_space<hbm>>
      %dma_start3A_139 = arith.constant 0 : i32
      %dma_start3A_140 = tpu.memref_slice %arg6[%add3A_134, %dma_start3A_139] : memref<512x64xf32, #tpu.memory_space<vmem>> -> memref<1x64xf32, #tpu.memory_space<vmem>>
      %dma_start3A_141 = arith.constant 0 : i32
      %dma_start3A_142 = tpu.memref_slice %arg3[%squeeze3A_132, %dma_start3A_141] : memref<1000000x64xf32, #tpu.memory_space<hbm>> -> memref<1x64xf32, #tpu.memory_space<hbm>>
      tpu.enqueue_dma source(%dma_start3A_142 : memref<1x64xf32, #tpu.memory_space<hbm>>) target(%dma_start3A_140 : memref<1x64xf32, #tpu.memory_space<vmem>>) target_semaphore(%arg7 : memref<!tpu.dma_semaphore, #tpu.memory_space<semaphore_mem>>)
      %slice3A_143 = vector.extract_strided_slice %get3A_121 {offsets = [2], sizes = [1], strides = [1]} : vector<16xi32> to vector<1xi32>
      %squeeze3A_144 = vector.extract %slice3A_143[0] : i32 from vector<1xi32>
      %add3A_145 = arith.constant 2 : i32
      %add3A_146 = arith.addi %multiple_of3A, %add3A_145 : i32
      %dma_start3A_147 = arith.constant 0 : i32
      %dma_start3A_148 = tpu.memref_slice %arg6[%add3A_146, %dma_start3A_147] : memref<512x64xf32, #tpu.memory_space<vmem>> -> memref<1x64xf32, #tpu.memory_space<vmem>>
      %dma_start3A_149 = arith.constant 0 : i32
      %dma_start3A_150 = tpu.memref_slice %arg3[%squeeze3A_144, %dma_start3A_149] : memref<1000000x64xf32, #tpu.memory_space<hbm>> -> memref<1x64xf32, #tpu.memory_space<hbm>>
      %dma_start3A_151 = arith.constant 0 : i32
      %dma_start3A_152 = tpu.memref_slice %arg6[%add3A_146, %dma_start3A_151] : memref<512x64xf32, #tpu.memory_space<vmem>> -> memref<1x64xf32, #tpu.memory_space<vmem>>
      %dma_start3A_153 = arith.constant 0 : i32
      %dma_start3A_154 = tpu.memref_slice %arg3[%squeeze3A_144, %dma_start3A_153] : memref<1000000x64xf32, #tpu.memory_space<hbm>> -> memref<1x64xf32, #tpu.memory_space<hbm>>
      tpu.enqueue_dma source(%dma_start3A_154 : memref<1x64xf32, #tpu.memory_space<hbm>>) target(%dma_start3A_152 : memref<1x64xf32, #tpu.memory_space<vmem>>) target_semaphore(%arg7 : memref<!tpu.dma_semaphore, #tpu.memory_space<semaphore_mem>>)
      %slice3A_155 = vector.extract_strided_slice %get3A_121 {offsets = [3], sizes = [1], strides = [1]} : vector<16xi32> to vector<1xi32>
      %squeeze3A_156 = vector.extract %slice3A_155[0] : i32 from vector<1xi32>
      %add3A_157 = arith.constant 3 : i32
      %add3A_158 = arith.addi %multiple_of3A, %add3A_157 : i32
      %dma_start3A_159 = arith.constant 0 : i32
      %dma_start3A_160 = tpu.memref_slice %arg6[%add3A_158, %dma_start3A_159] : memref<512x64xf32, #tpu.memory_space<vmem>> -> memref<1x64xf32, #tpu.memory_space<vmem>>
      %dma_start3A_161 = arith.constant 0 : i32
      %dma_start3A_162 = tpu.memref_slice %arg3[%squeeze3A_156, %dma_start3A_161] : memref<1000000x64xf32, #tpu.memory_space<hbm>> -> memref<1x64xf32, #tpu.memory_space<hbm>>
      %dma_start3A_163 = arith.constant 0 : i32
      %dma_start3A_164 = tpu.memref_slice %arg6[%add3A_158, %dma_start3A_163] : memref<512x64xf32, #tpu.memory_space<vmem>> -> memref<1x64xf32, #tpu.memory_space<vmem>>
      %dma_start3A_165 = arith.constant 0 : i32
      %dma_start3A_166 = tpu.memref_slice %arg3[%squeeze3A_156, %dma_start3A_165] : memref<1000000x64xf32, #tpu.memory_space<hbm>> -> memref<1x64xf32, #tpu.memory_space<hbm>>
      tpu.enqueue_dma source(%dma_start3A_166 : memref<1x64xf32, #tpu.memory_space<hbm>>) target(%dma_start3A_164 : memref<1x64xf32, #tpu.memory_space<vmem>>) target_semaphore(%arg7 : memref<!tpu.dma_semaphore, #tpu.memory_space<semaphore_mem>>)
      %slice3A_167 = vector.extract_strided_slice %get3A_121 {offsets = [4], sizes = [1], strides = [1]} : vector<16xi32> to vector<1xi32>
      %squeeze3A_168 = vector.extract %slice3A_167[0] : i32 from vector<1xi32>
      %add3A_169 = arith.constant 4 : i32
      %add3A_170 = arith.addi %multiple_of3A, %add3A_169 : i32
      %dma_start3A_171 = arith.constant 0 : i32
      %dma_start3A_172 = tpu.memref_slice %arg6[%add3A_170, %dma_start3A_171] : memref<512x64xf32, #tpu.memory_space<vmem>> -> memref<1x64xf32, #tpu.memory_space<vmem>>
      %dma_start3A_173 = arith.constant 0 : i32
      %dma_start3A_174 = tpu.memref_slice %arg3[%squeeze3A_168, %dma_start3A_173] : memref<1000000x64xf32, #tpu.memory_space<hbm>> -> memref<1x64xf32, #tpu.memory_space<hbm>>
      %dma_start3A_175 = arith.constant 0 : i32
      %dma_start3A_176 = tpu.memref_slice %arg6[%add3A_170, %dma_start3A_175] : memref<512x64xf32, #tpu.memory_space<vmem>> -> memref<1x64xf32, #tpu.memory_space<vmem>>
      %dma_start3A_177 = arith.constant 0 : i32
      %dma_start3A_178 = tpu.memref_slice %arg3[%squeeze3A_168, %dma_start3A_177] : memref<1000000x64xf32, #tpu.memory_space<hbm>> -> memref<1x64xf32, #tpu.memory_space<hbm>>
      tpu.enqueue_dma source(%dma_start3A_178 : memref<1x64xf32, #tpu.memory_space<hbm>>) target(%dma_start3A_176 : memref<1x64xf32, #tpu.memory_space<vmem>>) target_semaphore(%arg7 : memref<!tpu.dma_semaphore, #tpu.memory_space<semaphore_mem>>)
      %slice3A_179 = vector.extract_strided_slice %get3A_121 {offsets = [5], sizes = [1], strides = [1]} : vector<16xi32> to vector<1xi32>
      %squeeze3A_180 = vector.extract %slice3A_179[0] : i32 from vector<1xi32>
      %add3A_181 = arith.constant 5 : i32
      %add3A_182 = arith.addi %multiple_of3A, %add3A_181 : i32
      %dma_start3A_183 = arith.constant 0 : i32
      %dma_start3A_184 = tpu.memref_slice %arg6[%add3A_182, %dma_start3A_183] : memref<512x64xf32, #tpu.memory_space<vmem>> -> memref<1x64xf32, #tpu.memory_space<vmem>>
      %dma_start3A_185 = arith.constant 0 : i32
      %dma_start3A_186 = tpu.memref_slice %arg3[%squeeze3A_180, %dma_start3A_185] : memref<1000000x64xf32, #tpu.memory_space<hbm>> -> memref<1x64xf32, #tpu.memory_space<hbm>>
      %dma_start3A_187 = arith.constant 0 : i32
      %dma_start3A_188 = tpu.memref_slice %arg6[%add3A_182, %dma_start3A_187] : memref<512x64xf32, #tpu.memory_space<vmem>> -> memref<1x64xf32, #tpu.memory_space<vmem>>
      %dma_start3A_189 = arith.constant 0 : i32
      %dma_start3A_190 = tpu.memref_slice %arg3[%squeeze3A_180, %dma_start3A_189] : memref<1000000x64xf32, #tpu.memory_space<hbm>> -> memref<1x64xf32, #tpu.memory_space<hbm>>
      tpu.enqueue_dma source(%dma_start3A_190 : memref<1x64xf32, #tpu.memory_space<hbm>>) target(%dma_start3A_188 : memref<1x64xf32, #tpu.memory_space<vmem>>) target_semaphore(%arg7 : memref<!tpu.dma_semaphore, #tpu.memory_space<semaphore_mem>>)
      %slice3A_191 = vector.extract_strided_slice %get3A_121 {offsets = [6], sizes = [1], strides = [1]} : vector<16xi32> to vector<1xi32>
      %squeeze3A_192 = vector.extract %slice3A_191[0] : i32 from vector<1xi32>
      %add3A_193 = arith.constant 6 : i32
      %add3A_194 = arith.addi %multiple_of3A, %add3A_193 : i32
      %dma_start3A_195 = arith.constant 0 : i32
      %dma_start3A_196 = tpu.memref_slice %arg6[%add3A_194, %dma_start3A_195] : memref<512x64xf32, #tpu.memory_space<vmem>> -> memref<1x64xf32, #tpu.memory_space<vmem>>
      %dma_start3A_197 = arith.constant 0 : i32
      %dma_start3A_198 = tpu.memref_slice %arg3[%squeeze3A_192, %dma_start3A_197] : memref<1000000x64xf32, #tpu.memory_space<hbm>> -> memref<1x64xf32, #tpu.memory_space<hbm>>
      %dma_start3A_199 = arith.constant 0 : i32
      %dma_start3A_200 = tpu.memref_slice %arg6[%add3A_194, %dma_start3A_199] : memref<512x64xf32, #tpu.memory_space<vmem>> -> memref<1x64xf32, #tpu.memory_space<vmem>>
      %dma_start3A_201 = arith.constant 0 : i32
      %dma_start3A_202 = tpu.memref_slice %arg3[%squeeze3A_192, %dma_start3A_201] : memref<1000000x64xf32, #tpu.memory_space<hbm>> -> memref<1x64xf32, #tpu.memory_space<hbm>>
      tpu.enqueue_dma source(%dma_start3A_202 : memref<1x64xf32, #tpu.memory_space<hbm>>) target(%dma_start3A_200 : memref<1x64xf32, #tpu.memory_space<vmem>>) target_semaphore(%arg7 : memref<!tpu.dma_semaphore, #tpu.memory_space<semaphore_mem>>)
      %slice3A_203 = vector.extract_strided_slice %get3A_121 {offsets = [7], sizes = [1], strides = [1]} : vector<16xi32> to vector<1xi32>
      %squeeze3A_204 = vector.extract %slice3A_203[0] : i32 from vector<1xi32>
      %add3A_205 = arith.constant 7 : i32
      %add3A_206 = arith.addi %multiple_of3A, %add3A_205 : i32
      %dma_start3A_207 = arith.constant 0 : i32
      %dma_start3A_208 = tpu.memref_slice %arg6[%add3A_206, %dma_start3A_207] : memref<512x64xf32, #tpu.memory_space<vmem>> -> memref<1x64xf32, #tpu.memory_space<vmem>>
      %dma_start3A_209 = arith.constant 0 : i32
      %dma_start3A_210 = tpu.memref_slice %arg3[%squeeze3A_204, %dma_start3A_209] : memref<1000000x64xf32, #tpu.memory_space<hbm>> -> memref<1x64xf32, #tpu.memory_space<hbm>>
      %dma_start3A_211 = arith.constant 0 : i32
      %dma_start3A_212 = tpu.memref_slice %arg6[%add3A_206, %dma_start3A_211] : memref<512x64xf32, #tpu.memory_space<vmem>> -> memref<1x64xf32, #tpu.memory_space<vmem>>
      %dma_start3A_213 = arith.constant 0 : i32
      %dma_start3A_214 = tpu.memref_slice %arg3[%squeeze3A_204, %dma_start3A_213] : memref<1000000x64xf32, #tpu.memory_space<hbm>> -> memref<1x64xf32, #tpu.memory_space<hbm>>
      tpu.enqueue_dma source(%dma_start3A_214 : memref<1x64xf32, #tpu.memory_space<hbm>>) target(%dma_start3A_212 : memref<1x64xf32, #tpu.memory_space<vmem>>) target_semaphore(%arg7 : memref<!tpu.dma_semaphore, #tpu.memory_space<semaphore_mem>>)
      %slice3A_215 = vector.extract_strided_slice %get3A_121 {offsets = [8], sizes = [1], strides = [1]} : vector<16xi32> to vector<1xi32>
      %squeeze3A_216 = vector.extract %slice3A_215[0] : i32 from vector<1xi32>
      %add3A_217 = arith.constant 8 : i32
      %add3A_218 = arith.addi %multiple_of3A, %add3A_217 : i32
      %dma_start3A_219 = arith.constant 0 : i32
      %dma_start3A_220 = tpu.memref_slice %arg6[%add3A_218, %dma_start3A_219] : memref<512x64xf32, #tpu.memory_space<vmem>> -> memref<1x64xf32, #tpu.memory_space<vmem>>
      %dma_start3A_221 = arith.constant 0 : i32
      %dma_start3A_222 = tpu.memref_slice %arg3[%squeeze3A_216, %dma_start3A_221] : memref<1000000x64xf32, #tpu.memory_space<hbm>> -> memref<1x64xf32, #tpu.memory_space<hbm>>
      %dma_start3A_223 = arith.constant 0 : i32
      %dma_start3A_224 = tpu.memref_slice %arg6[%add3A_218, %dma_start3A_223] : memref<512x64xf32, #tpu.memory_space<vmem>> -> memref<1x64xf32, #tpu.memory_space<vmem>>
      %dma_start3A_225 = arith.constant 0 : i32
      %dma_start3A_226 = tpu.memref_slice %arg3[%squeeze3A_216, %dma_start3A_225] : memref<1000000x64xf32, #tpu.memory_space<hbm>> -> memref<1x64xf32, #tpu.memory_space<hbm>>
      tpu.enqueue_dma source(%dma_start3A_226 : memref<1x64xf32, #tpu.memory_space<hbm>>) target(%dma_start3A_224 : memref<1x64xf32, #tpu.memory_space<vmem>>) target_semaphore(%arg7 : memref<!tpu.dma_semaphore, #tpu.memory_space<semaphore_mem>>)
      %slice3A_227 = vector.extract_strided_slice %get3A_121 {offsets = [9], sizes = [1], strides = [1]} : vector<16xi32> to vector<1xi32>
      %squeeze3A_228 = vector.extract %slice3A_227[0] : i32 from vector<1xi32>
      %add3A_229 = arith.constant 9 : i32
      %add3A_230 = arith.addi %multiple_of3A, %add3A_229 : i32
      %dma_start3A_231 = arith.constant 0 : i32
      %dma_start3A_232 = tpu.memref_slice %arg6[%add3A_230, %dma_start3A_231] : memref<512x64xf32, #tpu.memory_space<vmem>> -> memref<1x64xf32, #tpu.memory_space<vmem>>
      %dma_start3A_233 = arith.constant 0 : i32
      %dma_start3A_234 = tpu.memref_slice %arg3[%squeeze3A_228, %dma_start3A_233] : memref<1000000x64xf32, #tpu.memory_space<hbm>> -> memref<1x64xf32, #tpu.memory_space<hbm>>
      %dma_start3A_235 = arith.constant 0 : i32
      %dma_start3A_236 = tpu.memref_slice %arg6[%add3A_230, %dma_start3A_235] : memref<512x64xf32, #tpu.memory_space<vmem>> -> memref<1x64xf32, #tpu.memory_space<vmem>>
      %dma_start3A_237 = arith.constant 0 : i32
      %dma_start3A_238 = tpu.memref_slice %arg3[%squeeze3A_228, %dma_start3A_237] : memref<1000000x64xf32, #tpu.memory_space<hbm>> -> memref<1x64xf32, #tpu.memory_space<hbm>>
      tpu.enqueue_dma source(%dma_start3A_238 : memref<1x64xf32, #tpu.memory_space<hbm>>) target(%dma_start3A_236 : memref<1x64xf32, #tpu.memory_space<vmem>>) target_semaphore(%arg7 : memref<!tpu.dma_semaphore, #tpu.memory_space<semaphore_mem>>)
      %slice3A_239 = vector.extract_strided_slice %get3A_121 {offsets = [10], sizes = [1], strides = [1]} : vector<16xi32> to vector<1xi32>
      %squeeze3A_240 = vector.extract %slice3A_239[0] : i32 from vector<1xi32>
      %add3A_241 = arith.constant 10 : i32
      %add3A_242 = arith.addi %multiple_of3A, %add3A_241 : i32
      %dma_start3A_243 = arith.constant 0 : i32
      %dma_start3A_244 = tpu.memref_slice %arg6[%add3A_242, %dma_start3A_243] : memref<512x64xf32, #tpu.memory_space<vmem>> -> memref<1x64xf32, #tpu.memory_space<vmem>>
      %dma_start3A_245 = arith.constant 0 : i32
      %dma_start3A_246 = tpu.memref_slice %arg3[%squeeze3A_240, %dma_start3A_245] : memref<1000000x64xf32, #tpu.memory_space<hbm>> -> memref<1x64xf32, #tpu.memory_space<hbm>>
      %dma_start3A_247 = arith.constant 0 : i32
      %dma_start3A_248 = tpu.memref_slice %arg6[%add3A_242, %dma_start3A_247] : memref<512x64xf32, #tpu.memory_space<vmem>> -> memref<1x64xf32, #tpu.memory_space<vmem>>
      %dma_start3A_249 = arith.constant 0 : i32
      %dma_start3A_250 = tpu.memref_slice %arg3[%squeeze3A_240, %dma_start3A_249] : memref<1000000x64xf32, #tpu.memory_space<hbm>> -> memref<1x64xf32, #tpu.memory_space<hbm>>
      tpu.enqueue_dma source(%dma_start3A_250 : memref<1x64xf32, #tpu.memory_space<hbm>>) target(%dma_start3A_248 : memref<1x64xf32, #tpu.memory_space<vmem>>) target_semaphore(%arg7 : memref<!tpu.dma_semaphore, #tpu.memory_space<semaphore_mem>>)
      %slice3A_251 = vector.extract_strided_slice %get3A_121 {offsets = [11], sizes = [1], strides = [1]} : vector<16xi32> to vector<1xi32>
      %squeeze3A_252 = vector.extract %slice3A_251[0] : i32 from vector<1xi32>
      %add3A_253 = arith.constant 11 : i32
      %add3A_254 = arith.addi %multiple_of3A, %add3A_253 : i32
      %dma_start3A_255 = arith.constant 0 : i32
      %dma_start3A_256 = tpu.memref_slice %arg6[%add3A_254, %dma_start3A_255] : memref<512x64xf32, #tpu.memory_space<vmem>> -> memref<1x64xf32, #tpu.memory_space<vmem>>
      %dma_start3A_257 = arith.constant 0 : i32
      %dma_start3A_258 = tpu.memref_slice %arg3[%squeeze3A_252, %dma_start3A_257] : memref<1000000x64xf32, #tpu.memory_space<hbm>> -> memref<1x64xf32, #tpu.memory_space<hbm>>
      %dma_start3A_259 = arith.constant 0 : i32
      %dma_start3A_260 = tpu.memref_slice %arg6[%add3A_254, %dma_start3A_259] : memref<512x64xf32, #tpu.memory_space<vmem>> -> memref<1x64xf32, #tpu.memory_space<vmem>>
      %dma_start3A_261 = arith.constant 0 : i32
      %dma_start3A_262 = tpu.memref_slice %arg3[%squeeze3A_252, %dma_start3A_261] : memref<1000000x64xf32, #tpu.memory_space<hbm>> -> memref<1x64xf32, #tpu.memory_space<hbm>>
      tpu.enqueue_dma source(%dma_start3A_262 : memref<1x64xf32, #tpu.memory_space<hbm>>) target(%dma_start3A_260 : memref<1x64xf32, #tpu.memory_space<vmem>>) target_semaphore(%arg7 : memref<!tpu.dma_semaphore, #tpu.memory_space<semaphore_mem>>)
      %slice3A_263 = vector.extract_strided_slice %get3A_121 {offsets = [12], sizes = [1], strides = [1]} : vector<16xi32> to vector<1xi32>
      %squeeze3A_264 = vector.extract %slice3A_263[0] : i32 from vector<1xi32>
      %add3A_265 = arith.constant 12 : i32
      %add3A_266 = arith.addi %multiple_of3A, %add3A_265 : i32
      %dma_start3A_267 = arith.constant 0 : i32
      %dma_start3A_268 = tpu.memref_slice %arg6[%add3A_266, %dma_start3A_267] : memref<512x64xf32, #tpu.memory_space<vmem>> -> memref<1x64xf32, #tpu.memory_space<vmem>>
      %dma_start3A_269 = arith.constant 0 : i32
      %dma_start3A_270 = tpu.memref_slice %arg3[%squeeze3A_264, %dma_start3A_269] : memref<1000000x64xf32, #tpu.memory_space<hbm>> -> memref<1x64xf32, #tpu.memory_space<hbm>>
      %dma_start3A_271 = arith.constant 0 : i32
      %dma_start3A_272 = tpu.memref_slice %arg6[%add3A_266, %dma_start3A_271] : memref<512x64xf32, #tpu.memory_space<vmem>> -> memref<1x64xf32, #tpu.memory_space<vmem>>
      %dma_start3A_273 = arith.constant 0 : i32
      %dma_start3A_274 = tpu.memref_slice %arg3[%squeeze3A_264, %dma_start3A_273] : memref<1000000x64xf32, #tpu.memory_space<hbm>> -> memref<1x64xf32, #tpu.memory_space<hbm>>
      tpu.enqueue_dma source(%dma_start3A_274 : memref<1x64xf32, #tpu.memory_space<hbm>>) target(%dma_start3A_272 : memref<1x64xf32, #tpu.memory_space<vmem>>) target_semaphore(%arg7 : memref<!tpu.dma_semaphore, #tpu.memory_space<semaphore_mem>>)
      %slice3A_275 = vector.extract_strided_slice %get3A_121 {offsets = [13], sizes = [1], strides = [1]} : vector<16xi32> to vector<1xi32>
      %squeeze3A_276 = vector.extract %slice3A_275[0] : i32 from vector<1xi32>
      %add3A_277 = arith.constant 13 : i32
      %add3A_278 = arith.addi %multiple_of3A, %add3A_277 : i32
      %dma_start3A_279 = arith.constant 0 : i32
      %dma_start3A_280 = tpu.memref_slice %arg6[%add3A_278, %dma_start3A_279] : memref<512x64xf32, #tpu.memory_space<vmem>> -> memref<1x64xf32, #tpu.memory_space<vmem>>
      %dma_start3A_281 = arith.constant 0 : i32
      %dma_start3A_282 = tpu.memref_slice %arg3[%squeeze3A_276, %dma_start3A_281] : memref<1000000x64xf32, #tpu.memory_space<hbm>> -> memref<1x64xf32, #tpu.memory_space<hbm>>
      %dma_start3A_283 = arith.constant 0 : i32
      %dma_start3A_284 = tpu.memref_slice %arg6[%add3A_278, %dma_start3A_283] : memref<512x64xf32, #tpu.memory_space<vmem>> -> memref<1x64xf32, #tpu.memory_space<vmem>>
      %dma_start3A_285 = arith.constant 0 : i32
      %dma_start3A_286 = tpu.memref_slice %arg3[%squeeze3A_276, %dma_start3A_285] : memref<1000000x64xf32, #tpu.memory_space<hbm>> -> memref<1x64xf32, #tpu.memory_space<hbm>>
      tpu.enqueue_dma source(%dma_start3A_286 : memref<1x64xf32, #tpu.memory_space<hbm>>) target(%dma_start3A_284 : memref<1x64xf32, #tpu.memory_space<vmem>>) target_semaphore(%arg7 : memref<!tpu.dma_semaphore, #tpu.memory_space<semaphore_mem>>)
      %slice3A_287 = vector.extract_strided_slice %get3A_121 {offsets = [14], sizes = [1], strides = [1]} : vector<16xi32> to vector<1xi32>
      %squeeze3A_288 = vector.extract %slice3A_287[0] : i32 from vector<1xi32>
      %add3A_289 = arith.constant 14 : i32
      %add3A_290 = arith.addi %multiple_of3A, %add3A_289 : i32
      %dma_start3A_291 = arith.constant 0 : i32
      %dma_start3A_292 = tpu.memref_slice %arg6[%add3A_290, %dma_start3A_291] : memref<512x64xf32, #tpu.memory_space<vmem>> -> memref<1x64xf32, #tpu.memory_space<vmem>>
      %dma_start3A_293 = arith.constant 0 : i32
      %dma_start3A_294 = tpu.memref_slice %arg3[%squeeze3A_288, %dma_start3A_293] : memref<1000000x64xf32, #tpu.memory_space<hbm>> -> memref<1x64xf32, #tpu.memory_space<hbm>>
      %dma_start3A_295 = arith.constant 0 : i32
      %dma_start3A_296 = tpu.memref_slice %arg6[%add3A_290, %dma_start3A_295] : memref<512x64xf32, #tpu.memory_space<vmem>> -> memref<1x64xf32, #tpu.memory_space<vmem>>
      %dma_start3A_297 = arith.constant 0 : i32
      %dma_start3A_298 = tpu.memref_slice %arg3[%squeeze3A_288, %dma_start3A_297] : memref<1000000x64xf32, #tpu.memory_space<hbm>> -> memref<1x64xf32, #tpu.memory_space<hbm>>
      tpu.enqueue_dma source(%dma_start3A_298 : memref<1x64xf32, #tpu.memory_space<hbm>>) target(%dma_start3A_296 : memref<1x64xf32, #tpu.memory_space<vmem>>) target_semaphore(%arg7 : memref<!tpu.dma_semaphore, #tpu.memory_space<semaphore_mem>>)
      %slice3A_299 = vector.extract_strided_slice %get3A_121 {offsets = [15], sizes = [1], strides = [1]} : vector<16xi32> to vector<1xi32>
      %squeeze3A_300 = vector.extract %slice3A_299[0] : i32 from vector<1xi32>
      %add3A_301 = arith.constant 15 : i32
      %add3A_302 = arith.addi %multiple_of3A, %add3A_301 : i32
      %dma_start3A_303 = arith.constant 0 : i32
      %dma_start3A_304 = tpu.memref_slice %arg6[%add3A_302, %dma_start3A_303] : memref<512x64xf32, #tpu.memory_space<vmem>> -> memref<1x64xf32, #tpu.memory_space<vmem>>
      %dma_start3A_305 = arith.constant 0 : i32
      %dma_start3A_306 = tpu.memref_slice %arg3[%squeeze3A_300, %dma_start3A_305] : memref<1000000x64xf32, #tpu.memory_space<hbm>> -> memref<1x64xf32, #tpu.memory_space<hbm>>
      %dma_start3A_307 = arith.constant 0 : i32
      %dma_start3A_308 = tpu.memref_slice %arg6[%add3A_302, %dma_start3A_307] : memref<512x64xf32, #tpu.memory_space<vmem>> -> memref<1x64xf32, #tpu.memory_space<vmem>>
      %dma_start3A_309 = arith.constant 0 : i32
      %dma_start3A_310 = tpu.memref_slice %arg3[%squeeze3A_300, %dma_start3A_309] : memref<1000000x64xf32, #tpu.memory_space<hbm>> -> memref<1x64xf32, #tpu.memory_space<hbm>>
      tpu.enqueue_dma source(%dma_start3A_310 : memref<1x64xf32, #tpu.memory_space<hbm>>) target(%dma_start3A_308 : memref<1x64xf32, #tpu.memory_space<vmem>>) target_semaphore(%arg7 : memref<!tpu.dma_semaphore, #tpu.memory_space<semaphore_mem>>)
      %scan3A_311 = arith.constant 0 : i32
      scf.yield %scan3A_311 : i32
    }
    %scan3A_106 = arith.constant 4 : i32
    %scan3A_107 = arith.constant 0 : i32
    %scan3A_108 = arith.constant 0 : i32
    %scan3A_109 = arith.constant 64 : i32
    %scan3A_110 = arith.addi %scan3A_108, %scan3A_109 : i32
    %scan3A_111 = arith.constant 1 : i32
    %scan3A_112 = scf.for %scan3A_114 = %scan3A_108 to %scan3A_110 step %scan3A_111 iter_args(%scan3A_115 = %scan3A_107) -> (i32)  : i32 {
      %add3A_116 = arith.constant 448 : i32
      %add3A_117 = arith.addi %add3A_116, %scan3A_114 : i32
      %dma_wait3A = arith.constant 0 : i32
      %dma_wait3A_118 = tpu.memref_slice %arg6[%add3A_117, %dma_wait3A] : memref<512x64xf32, #tpu.memory_space<vmem>> -> memref<1x64xf32, #tpu.memory_space<vmem>>
      %dma_wait3A_119 = arith.constant 0 : i32
      %dma_wait3A_120 = arith.constant 0 : i32
      %dma_wait3A_121 = tpu.memref_slice %arg3[%dma_wait3A_119, %dma_wait3A_120] : memref<1000000x64xf32, #tpu.memory_space<hbm>> -> memref<1x64xf32, #tpu.memory_space<hbm>>
      %dma_wait3A_122 = arith.constant 0 : i32
      %dma_wait3A_123 = tpu.memref_slice %arg6[%add3A_117, %dma_wait3A_122] : memref<512x64xf32, #tpu.memory_space<vmem>> -> memref<1x64xf32, #tpu.memory_space<vmem>>
      %dma_wait3A_124 = arith.constant 0 : i32
      %dma_wait3A_125 = arith.constant 0 : i32
      %dma_wait3A_126 = tpu.memref_slice %arg3[%dma_wait3A_124, %dma_wait3A_125] : memref<1000000x64xf32, #tpu.memory_space<hbm>> -> memref<1x64xf32, #tpu.memory_space<hbm>>
      tpu.wait_dma2 semaphore(%arg7 : memref<!tpu.dma_semaphore, #tpu.memory_space<semaphore_mem>>) src(%dma_wait3A_126 : memref<1x64xf32, #tpu.memory_space<hbm>>) dst(%dma_wait3A_123 : memref<1x64xf32, #tpu.memory_space<vmem>>)
      %scan3A_127 = arith.constant 0 : i32
      scf.yield %scan3A_127 : i32
    }
    %scan3A_113 = arith.constant 64 : i32
    "tpu.region"() ({
      %run_scoped3A = tpu.sem_alloc : memref<!tpu.dma_semaphore, #tpu.memory_space<semaphore_mem>>
      %dma_start3A = arith.constant 0 : i32
      %dma_start3A_114 = tpu.memref_slice %arg4[%mul3A_2, %dma_start3A] : memref<16384x64xf32, #tpu.memory_space<hbm>> -> memref<512x64xf32, #tpu.memory_space<hbm>>
      %dma_start3A_115 = arith.constant 0 : i32
      %dma_start3A_116 = tpu.memref_slice %arg4[%mul3A_2, %dma_start3A_115] : memref<16384x64xf32, #tpu.memory_space<hbm>> -> memref<512x64xf32, #tpu.memory_space<hbm>>
      tpu.enqueue_dma source(%arg6 : memref<512x64xf32, #tpu.memory_space<vmem>>) target(%dma_start3A_116 : memref<512x64xf32, #tpu.memory_space<hbm>>) target_semaphore(%run_scoped3A : memref<!tpu.dma_semaphore, #tpu.memory_space<semaphore_mem>>)
      %dma_wait3A = arith.constant 0 : i32
      %dma_wait3A_117 = tpu.memref_slice %arg4[%mul3A_2, %dma_wait3A] : memref<16384x64xf32, #tpu.memory_space<hbm>> -> memref<512x64xf32, #tpu.memory_space<hbm>>
      %dma_wait3A_118 = arith.constant 0 : i32
      %dma_wait3A_119 = tpu.memref_slice %arg4[%mul3A_2, %dma_wait3A_118] : memref<16384x64xf32, #tpu.memory_space<hbm>> -> memref<512x64xf32, #tpu.memory_space<hbm>>
      tpu.wait_dma2 semaphore(%run_scoped3A : memref<!tpu.dma_semaphore, #tpu.memory_space<semaphore_mem>>) src(%arg6 : memref<512x64xf32, #tpu.memory_space<vmem>>) dst(%dma_wait3A_119 : memref<512x64xf32, #tpu.memory_space<hbm>>)
      tpu.yield
    }) : () -> ()
    return
  }
}

#map = affine_map<(d0, d1) -> (0)>
module attributes {stable_mosaic.version = 14 : i64} {
  func.func @_b_kernel(%arg0: i32, %arg1: i32, %arg2: memref<16384xi32, #tpu.memory_space<hbm>>, %arg3: memref<1000000xf32, #tpu.memory_space<hbm>>, %arg4: memref<16384xf32, #tpu.memory_space<hbm>>, %arg5: memref<512xi32, #tpu.memory_space<vmem>>, %arg6: memref<512xf32, #tpu.memory_space<vmem>>, %arg7: memref<!tpu.dma_semaphore, #tpu.memory_space<semaphore_mem>>) attributes {dimension_semantics = [#tpu.dimension_semantics<core_parallel>, #tpu.dimension_semantics<subcore_parallel>], iteration_bounds = array<i64: 2, 16>, scalar_prefetch = 0 : i64, scratch_operands = 3 : i64, tpu.core_type = #tpu.core_type<sc_vector_subcore>, window_params = [{transform_indices = #map}, {transform_indices = #map}, {transform_indices = #map}]} {
    %mul3A = arith.constant 2 : i32
    %mul3A_0 = arith.muli %arg1, %mul3A : i32
    %add3A = arith.addi %mul3A_0, %arg0 : i32
    %mul3A_1 = arith.constant 512 : i32
    %mul3A_2 = arith.muli %add3A, %mul3A_1 : i32
    "tpu.region"() ({
      %run_scoped3A = tpu.sem_alloc : memref<!tpu.dma_semaphore, #tpu.memory_space<semaphore_mem>>
      %dma_start3A_49 = tpu.memref_slice %arg2[%mul3A_2] : memref<16384xi32, #tpu.memory_space<hbm>> -> memref<512xi32, #tpu.memory_space<hbm>>
      %dma_start3A_50 = tpu.memref_slice %arg2[%mul3A_2] : memref<16384xi32, #tpu.memory_space<hbm>> -> memref<512xi32, #tpu.memory_space<hbm>>
      tpu.enqueue_dma source(%dma_start3A_50 : memref<512xi32, #tpu.memory_space<hbm>>) target(%arg5 : memref<512xi32, #tpu.memory_space<vmem>>) target_semaphore(%run_scoped3A : memref<!tpu.dma_semaphore, #tpu.memory_space<semaphore_mem>>)
      %dma_wait3A_51 = tpu.memref_slice %arg2[%mul3A_2] : memref<16384xi32, #tpu.memory_space<hbm>> -> memref<512xi32, #tpu.memory_space<hbm>>
      %dma_wait3A_52 = tpu.memref_slice %arg2[%mul3A_2] : memref<16384xi32, #tpu.memory_space<hbm>> -> memref<512xi32, #tpu.memory_space<hbm>>
      tpu.wait_dma2 semaphore(%run_scoped3A : memref<!tpu.dma_semaphore, #tpu.memory_space<semaphore_mem>>) src(%dma_wait3A_52 : memref<512xi32, #tpu.memory_space<hbm>>) dst(%arg5 : memref<512xi32, #tpu.memory_space<vmem>>)
      tpu.yield
    }) : () -> ()
    %dma_start3A = arith.constant 0 : i32
    %dma_start3A_3 = tpu.memref_slice %arg6[%dma_start3A] : memref<512xf32, #tpu.memory_space<vmem>> -> memref<128xf32, #tpu.memory_space<vmem>>
    %dma_start3A_4 = arith.constant 0 : i32
    %dma_start3A_5 = tpu.memref_slice %arg5[%dma_start3A_4] : memref<512xi32, #tpu.memory_space<vmem>> -> memref<128xi32, #tpu.memory_space<vmem>>
    %dma_start3A_6 = arith.constant 0 : i32
    %dma_start3A_7 = tpu.memref_slice %arg3[%dma_start3A_6] : memref<1000000xf32, #tpu.memory_space<hbm>> -> memref<1000000xf32, #tpu.memory_space<hbm>>
    tpu.enqueue_indirect_dma source(%dma_start3A_7 : memref<1000000xf32, #tpu.memory_space<hbm>>) target(%dma_start3A_3 : memref<128xf32, #tpu.memory_space<vmem>>) offsets(%dma_start3A_5 : memref<128xi32, #tpu.memory_space<vmem>>) semaphore(%arg7 : memref<!tpu.dma_semaphore, #tpu.memory_space<semaphore_mem>>)
    %dma_start3A_8 = arith.constant 128 : i32
    %dma_start3A_9 = tpu.memref_slice %arg6[%dma_start3A_8] : memref<512xf32, #tpu.memory_space<vmem>> -> memref<128xf32, #tpu.memory_space<vmem>>
    %dma_start3A_10 = arith.constant 128 : i32
    %dma_start3A_11 = tpu.memref_slice %arg5[%dma_start3A_10] : memref<512xi32, #tpu.memory_space<vmem>> -> memref<128xi32, #tpu.memory_space<vmem>>
    %dma_start3A_12 = arith.constant 0 : i32
    %dma_start3A_13 = tpu.memref_slice %arg3[%dma_start3A_12] : memref<1000000xf32, #tpu.memory_space<hbm>> -> memref<1000000xf32, #tpu.memory_space<hbm>>
    tpu.enqueue_indirect_dma source(%dma_start3A_13 : memref<1000000xf32, #tpu.memory_space<hbm>>) target(%dma_start3A_9 : memref<128xf32, #tpu.memory_space<vmem>>) offsets(%dma_start3A_11 : memref<128xi32, #tpu.memory_space<vmem>>) semaphore(%arg7 : memref<!tpu.dma_semaphore, #tpu.memory_space<semaphore_mem>>)
    %dma_start3A_14 = arith.constant 256 : i32
    %dma_start3A_15 = tpu.memref_slice %arg6[%dma_start3A_14] : memref<512xf32, #tpu.memory_space<vmem>> -> memref<128xf32, #tpu.memory_space<vmem>>
    %dma_start3A_16 = arith.constant 256 : i32
    %dma_start3A_17 = tpu.memref_slice %arg5[%dma_start3A_16] : memref<512xi32, #tpu.memory_space<vmem>> -> memref<128xi32, #tpu.memory_space<vmem>>
    %dma_start3A_18 = arith.constant 0 : i32
    %dma_start3A_19 = tpu.memref_slice %arg3[%dma_start3A_18] : memref<1000000xf32, #tpu.memory_space<hbm>> -> memref<1000000xf32, #tpu.memory_space<hbm>>
    tpu.enqueue_indirect_dma source(%dma_start3A_19 : memref<1000000xf32, #tpu.memory_space<hbm>>) target(%dma_start3A_15 : memref<128xf32, #tpu.memory_space<vmem>>) offsets(%dma_start3A_17 : memref<128xi32, #tpu.memory_space<vmem>>) semaphore(%arg7 : memref<!tpu.dma_semaphore, #tpu.memory_space<semaphore_mem>>)
    %dma_start3A_20 = arith.constant 384 : i32
    %dma_start3A_21 = tpu.memref_slice %arg6[%dma_start3A_20] : memref<512xf32, #tpu.memory_space<vmem>> -> memref<128xf32, #tpu.memory_space<vmem>>
    %dma_start3A_22 = arith.constant 384 : i32
    %dma_start3A_23 = tpu.memref_slice %arg5[%dma_start3A_22] : memref<512xi32, #tpu.memory_space<vmem>> -> memref<128xi32, #tpu.memory_space<vmem>>
    %dma_start3A_24 = arith.constant 0 : i32
    %dma_start3A_25 = tpu.memref_slice %arg3[%dma_start3A_24] : memref<1000000xf32, #tpu.memory_space<hbm>> -> memref<1000000xf32, #tpu.memory_space<hbm>>
    tpu.enqueue_indirect_dma source(%dma_start3A_25 : memref<1000000xf32, #tpu.memory_space<hbm>>) target(%dma_start3A_21 : memref<128xf32, #tpu.memory_space<vmem>>) offsets(%dma_start3A_23 : memref<128xi32, #tpu.memory_space<vmem>>) semaphore(%arg7 : memref<!tpu.dma_semaphore, #tpu.memory_space<semaphore_mem>>)
    %dma_wait3A = arith.constant 0 : i32
    %dma_wait3A_26 = tpu.memref_slice %arg6[%dma_wait3A] : memref<512xf32, #tpu.memory_space<vmem>> -> memref<128xf32, #tpu.memory_space<vmem>>
    %dma_wait3A_27 = arith.constant 0 : i32
    %dma_wait3A_28 = tpu.memref_slice %arg5[%dma_wait3A_27] : memref<512xi32, #tpu.memory_space<vmem>> -> memref<128xi32, #tpu.memory_space<vmem>>
    %dma_wait3A_29 = arith.constant 0 : i32
    %dma_wait3A_30 = tpu.memref_slice %arg3[%dma_wait3A_29] : memref<1000000xf32, #tpu.memory_space<hbm>> -> memref<1000000xf32, #tpu.memory_space<hbm>>
    tpu.wait_indirect_dma semaphore(%arg7 : memref<!tpu.dma_semaphore, #tpu.memory_space<semaphore_mem>>) src(%dma_wait3A_30 : memref<1000000xf32, #tpu.memory_space<hbm>>) dst(%dma_wait3A_26 : memref<128xf32, #tpu.memory_space<vmem>>)
    %dma_wait3A_31 = arith.constant 128 : i32
    %dma_wait3A_32 = tpu.memref_slice %arg6[%dma_wait3A_31] : memref<512xf32, #tpu.memory_space<vmem>> -> memref<128xf32, #tpu.memory_space<vmem>>
    %dma_wait3A_33 = arith.constant 128 : i32
    %dma_wait3A_34 = tpu.memref_slice %arg5[%dma_wait3A_33] : memref<512xi32, #tpu.memory_space<vmem>> -> memref<128xi32, #tpu.memory_space<vmem>>
    %dma_wait3A_35 = arith.constant 0 : i32
    %dma_wait3A_36 = tpu.memref_slice %arg3[%dma_wait3A_35] : memref<1000000xf32, #tpu.memory_space<hbm>> -> memref<1000000xf32, #tpu.memory_space<hbm>>
    tpu.wait_indirect_dma semaphore(%arg7 : memref<!tpu.dma_semaphore, #tpu.memory_space<semaphore_mem>>) src(%dma_wait3A_36 : memref<1000000xf32, #tpu.memory_space<hbm>>) dst(%dma_wait3A_32 : memref<128xf32, #tpu.memory_space<vmem>>)
    %dma_wait3A_37 = arith.constant 256 : i32
    %dma_wait3A_38 = tpu.memref_slice %arg6[%dma_wait3A_37] : memref<512xf32, #tpu.memory_space<vmem>> -> memref<128xf32, #tpu.memory_space<vmem>>
    %dma_wait3A_39 = arith.constant 256 : i32
    %dma_wait3A_40 = tpu.memref_slice %arg5[%dma_wait3A_39] : memref<512xi32, #tpu.memory_space<vmem>> -> memref<128xi32, #tpu.memory_space<vmem>>
    %dma_wait3A_41 = arith.constant 0 : i32
    %dma_wait3A_42 = tpu.memref_slice %arg3[%dma_wait3A_41] : memref<1000000xf32, #tpu.memory_space<hbm>> -> memref<1000000xf32, #tpu.memory_space<hbm>>
    tpu.wait_indirect_dma semaphore(%arg7 : memref<!tpu.dma_semaphore, #tpu.memory_space<semaphore_mem>>) src(%dma_wait3A_42 : memref<1000000xf32, #tpu.memory_space<hbm>>) dst(%dma_wait3A_38 : memref<128xf32, #tpu.memory_space<vmem>>)
    %dma_wait3A_43 = arith.constant 384 : i32
    %dma_wait3A_44 = tpu.memref_slice %arg6[%dma_wait3A_43] : memref<512xf32, #tpu.memory_space<vmem>> -> memref<128xf32, #tpu.memory_space<vmem>>
    %dma_wait3A_45 = arith.constant 384 : i32
    %dma_wait3A_46 = tpu.memref_slice %arg5[%dma_wait3A_45] : memref<512xi32, #tpu.memory_space<vmem>> -> memref<128xi32, #tpu.memory_space<vmem>>
    %dma_wait3A_47 = arith.constant 0 : i32
    %dma_wait3A_48 = tpu.memref_slice %arg3[%dma_wait3A_47] : memref<1000000xf32, #tpu.memory_space<hbm>> -> memref<1000000xf32, #tpu.memory_space<hbm>>
    tpu.wait_indirect_dma semaphore(%arg7 : memref<!tpu.dma_semaphore, #tpu.memory_space<semaphore_mem>>) src(%dma_wait3A_48 : memref<1000000xf32, #tpu.memory_space<hbm>>) dst(%dma_wait3A_44 : memref<128xf32, #tpu.memory_space<vmem>>)
    "tpu.region"() ({
      %run_scoped3A = tpu.sem_alloc : memref<!tpu.dma_semaphore, #tpu.memory_space<semaphore_mem>>
      %dma_start3A_49 = tpu.memref_slice %arg4[%mul3A_2] : memref<16384xf32, #tpu.memory_space<hbm>> -> memref<512xf32, #tpu.memory_space<hbm>>
      %dma_start3A_50 = tpu.memref_slice %arg4[%mul3A_2] : memref<16384xf32, #tpu.memory_space<hbm>> -> memref<512xf32, #tpu.memory_space<hbm>>
      tpu.enqueue_dma source(%arg6 : memref<512xf32, #tpu.memory_space<vmem>>) target(%dma_start3A_50 : memref<512xf32, #tpu.memory_space<hbm>>) target_semaphore(%run_scoped3A : memref<!tpu.dma_semaphore, #tpu.memory_space<semaphore_mem>>)
      %dma_wait3A_51 = tpu.memref_slice %arg4[%mul3A_2] : memref<16384xf32, #tpu.memory_space<hbm>> -> memref<512xf32, #tpu.memory_space<hbm>>
      %dma_wait3A_52 = tpu.memref_slice %arg4[%mul3A_2] : memref<16384xf32, #tpu.memory_space<hbm>> -> memref<512xf32, #tpu.memory_space<hbm>>
      tpu.wait_dma2 semaphore(%run_scoped3A : memref<!tpu.dma_semaphore, #tpu.memory_space<semaphore_mem>>) src(%arg6 : memref<512xf32, #tpu.memory_space<vmem>>) dst(%dma_wait3A_52 : memref<512xf32, #tpu.memory_space<hbm>>)
      tpu.yield
    }) : () -> ()
    return
  }
}

</mosaic_0001>

<sc_bundles>
// kernel: kernel.4.cloned.1.call-start
scs
__scs_entry_jumppad:
0x0: {  	(pc) =	sbr.rel $0x88, $3  }
0x1: {  	(tag) =	ssettag $0x0;
	lr =	simm.s32 $0x1  }
0x2: {  	[smem:$0x3F9E] =	sst lr;
	_ =	strace $0xD0000000  }
0x3: {  	_ = 	snop  }
0x4: {  	_ = 	snop  }
0x5: {  	_ = 	snop  }
0x6: {  	_ = 	snop  }
0x7: {  	_ = 	snop  }
__scs_overlays_trampoline_lowered:
0x8: {  	[smem:$0x3FAD] =	sst s0  }
0x9: {  	[smem:$0x3FAE] =	sst s1  }
0xa: {  	[smem:$0x3FAF] =	sst s2  }
0xb: {  	[smem:$0x3FB0] =	sst s3  }
0xc: {  	[smem:$0x3FB1] =	sst s4  }
0xd: {  	[smem:$0x3FB2] =	sst s5  }
0xe: {  	[smem:$0x3FB3] =	sst s6  }
0xf: {  	[smem:$0x3FB4] =	sst s7  }
0x10: {  	[smem:$0x3FB5] =	sst s8  }
0x11: {  	[smem:$0x3FB6] =	sst s9;
	s0 =	simm.s32 @!p0 $0x0  }
0x12: {  	s1 =	sld [smem:$0x3F9C];
	s0 =	simm.s32 @p0 $0x1  }
0x13: {  	[smem:$0x3FB7] =	sst s0;
	s0 =	simm.s32 @!p1 $0x0  }
0x14: {  	s2 =	sld [smem:$0x3F9B];
	s0 =	simm.s32 @p1 $0x1  }
0x15: {  	[smem:$0x3FB8] =	sst s0;
	s0 =	simm.s32 @!p2 $0x0  }
0x16: {  	s3 =	sld [smem:$0x3FDB];
	s0 =	simm.s32 @p2 $0x1  }
0x17: {  	s4 =	simm.s32 $0x1BF5;
	[smem:$0x3FBA] =	sst s0  }
0x18: {  	s0 =	sld [smem:$0x3F9D];
	_ =	swait.ge [sflag:s4], $0x0  }
0x19: {  	s7 =	sld [smem:$0x3F9E]  }
0x1a: {  	s8 =	sadd.s32 $0xFFFFE003, lr  }
0x1b: {  	s9 =	sadd.s32 $0xFFFFFEF7, lr;
	s5 =	simm.s32 $0xFFFFFFFF;
	p2 =	slt.u32 s8, $0xFFFFF086  }
0x1c: {  	p1 =	slt.u32 s9, $0xF7A;
	s5 =	simm.s32 @!p2 $0x0  }
0x1d: {  	s5 =	simm.s32 @p1 $0x1;
	p0 =	seq.s32 s7, s2  }
0x1e: {  	s7 =	smul.u32 @!p0 $0xF7A, s2;
	p2 =	seq.s32 @!p0 s5, $0x0  }
0x1f: {  	s9 =	smul.u32 $0xF7A, s1;
	s8 =	simm.s32 @!p0 $0x1BF5;
	p2 =	por !p2, p0  }
0x20: {  	[sflag:s8] =	ssyncset.s32 @!p0 $0xFFFFF086;
	s6 =	sadd.s32 @!p0 s3, s7;
	s7 =	simm.s32 @!p0 $0x108  }
0x21: {  	s3 =	sadd.s32 s3, s9;
	s6 =	sadd.s32 @!p0 $0x88, s6;
	s7 =	simm.s32 @p2 $0x1082  }
0x22: {  	[simem:s7], [sflag:s8] =	dma.local @!p0 [hbm:s6], $0xF7A  }
0x23: {  	s9 =	sor.u32 $0xD0000000, s2;
	s6 =	simm.s32 $0x108;
	_ =	swait.ge @!p0 [sflag:s8], $0x0  }
0x24: {  	s3 =	sadd.s32 $0x88, s3;
	s6 =	simm.s32 @!p1 $0x1082;
	[sflag:s4] =	ssyncset.s32 $0xFFFFF086  }
0x25: {  	[simem:s6], [sflag:s4] =	dma.local [hbm:s3], $0xF7A  }
0x26: {  	[smem:$0x3F9E] =	sst s1;
	(tag) =	ssettag s2;
	_ =	strace s9  }
0x27: {  	s1 =	sld [smem:$0x3FAE]  }
0x28: {  	s2 =	sld [smem:$0x3FAF]  }
0x29: {  	s4 =	sld [smem:$0x3FB1]  }
0x2a: {  	p0 =	seq.s32 s5, $0x0;
	s5 =	sld [smem:$0x3FB2]  }
0x2b: {  	s6 =	sld [smem:$0x3FB3]  }
0x2c: {  	s7 =	sld [smem:$0x3FB4]  }
0x2d: {  	s3 =	simm.s32 $0x108;
	s8 =	sld [smem:$0x3FB5]  }
0x2e: {  	s3 =	simm.s32 @!p0 $0x1082;
	s9 =	sld [smem:$0x3FB6]  }
0x2f: {  	lr =	sadd.s32 s0, s3;
	s0 =	sld [smem:$0x3FAD]  }
0x30: {  	s3 =	sld [smem:$0x3FB0]  }
0x31: {  	[smem:$0x3FB9] =	sst s10  }
0x32: {  	s10 =	sld [smem:$0x3FB7];
	_ =	sdelay $0x3  }
0x33: {  	p0 =	seq.s32 s10, $0x1;
	s10 =	sld [smem:$0x3FB9];
	_ =	sdelay $0x3  }
0x34: {  	[smem:$0x3FB9] =	sst s10  }
0x35: {  	s10 =	sld [smem:$0x3FB8];
	_ =	sdelay $0x3  }
0x36: {  	p1 =	seq.s32 s10, $0x1;
	s10 =	sld [smem:$0x3FB9];
	_ =	sdelay $0x3  }
0x37: {  	[smem:$0x3FB9] =	sst s10  }
0x38: {  	s10 =	sld [smem:$0x3FBA]  }
0x39: {  	_ = 	snop;
	(pc) =	sbr.ind lr, $3  }
0x3a: {  	_ = 	snop  }
0x3b: {  	_ = 	snop  }
0x3c: {  	p2 =	seq.s32 s10, $0x1;
	s10 =	sld [smem:$0x3FB9]  }
0x3d: {  	_ =	shalt  }
0x3e: {  	_ =	shalt  }
0x3f: {  	_ =	shalt  }
0x40: {  	_ =	shalt  }
0x41: {  	_ =	shalt  }
0x42: {  	_ =	shalt  }
0x43: {  	_ =	shalt  }
0x44: {  	_ =	shalt  }
0x45: {  	_ =	shalt  }
0x46: {  	_ =	shalt  }
0x47: {  	_ =	shalt  }
0x48: {  	_ =	shalt  }
0x49: {  	_ =	shalt  }
0x4a: {  	_ =	shalt  }
0x4b: {  	_ =	shalt  }
0x4c: {  	_ =	shalt  }
0x4d: {  	_ =	shalt  }
0x4e: {  	_ =	shalt  }
0x4f: {  	_ =	shalt  }
0x50: {  	_ =	shalt  }
0x51: {  	_ =	shalt  }
0x52: {  	_ =	shalt  }
0x53: {  	_ =	shalt  }
0x54: {  	_ =	shalt  }
0x55: {  	_ =	shalt  }
0x56: {  	_ =	shalt  }
0x57: {  	_ =	shalt  }
0x58: {  	_ =	shalt  }
0x59: {  	_ =	shalt  }
0x5a: {  	_ =	shalt  }
0x5b: {  	_ =	shalt  }
0x5c: {  	_ =	shalt  }
0x5d: {  	_ =	shalt  }
0x5e: {  	_ =	shalt  }
0x5f: {  	_ =	shalt  }
0x60: {  	_ =	shalt  }
0x61: {  	_ =	shalt  }
0x62: {  	_ =	shalt  }
0x63: {  	_ =	shalt  }
0x64: {  	_ =	shalt  }
0x65: {  	_ =	shalt  }
0x66: {  	_ =	shalt  }
0x67: {  	_ =	shalt  }
0x68: {  	_ =	shalt  }
0x69: {  	_ =	shalt  }
0x6a: {  	_ =	shalt  }
0x6b: {  	_ =	shalt  }
0x6c: {  	_ =	shalt  }
0x6d: {  	_ =	shalt  }
0x6e: {  	_ =	shalt  }
0x6f: {  	_ =	shalt  }
0x70: {  	_ =	shalt  }
0x71: {  	_ =	shalt  }
0x72: {  	_ =	shalt  }
0x73: {  	_ =	shalt  }
0x74: {  	_ =	shalt  }
0x75: {  	_ =	shalt  }
0x76: {  	_ =	shalt  }
0x77: {  	_ =	shalt  }
0x78: {  	_ =	shalt  }
0x79: {  	_ =	shalt  }
0x7a: {  	_ =	shalt  }
0x7b: {  	_ =	shalt  }
0x7c: {  	_ =	shalt  }
0x7d: {  	_ =	shalt  }
0x7e: {  	_ =	shalt  }
0x7f: {  	_ =	shalt  }
0x80: {  	_ =	shalt  }
0x81: {  	_ =	shalt  }
0x82: {  	_ =	shalt  }
0x83: {  	_ =	shalt  }
0x84: {  	_ =	shalt  }
0x85: {  	_ =	shalt  }
0x86: {  	_ =	shalt  }
0x87: {  	_ =	shalt  }
.Lfunc_end0:
.L_simem_size_0:
called_computation_lowered:
.L_overlay_start_0:
0x88: {  	s2 =	sld [smem:$0x3FD9]  }
0x89: {  	s3 =	sld [smem:$0x3FFE];
	_ =	sdelay $0x1  }
0x8a: {  	s1 =	srdreg.scid  }
0x8b: {  	s0 =	sand.u32 $0x1, s1  }
0x8c: {  	s15 =	sshll.u32 s0, $0xA;
	s2 =	sadd.s32 s3, s2  }
0x8d: {  	s2 =	sadd.s32 s2, s15  }
0x8e: {  	[smem:$0x3FC5] =	sst s2  }
0x8f: {  	_ = 	snop  }
0x90: {  	s16 =	sld [smem:$0x3FD0];
	_ =	sdelay $0x2  }
0x91: {  	s4 =	simm.s32 $0xB;
	s5 =	simm.s32 $0x10;
	s2 =	sld [smem:$0x3FC9]  }
0x92: {  	[smem:s5], [sflag:s4] =	dma.local [hbm:s16], $0x1  }
0x93: {  	_ =	swait.eq [sflag:s4], $0x1  }
0x94: {  	[sflag:s4] =	ssyncset.done $0x0  }
0x95: {  	[sflag:s4] =	ssyncadd.s32 $0xFFFFFFFF  }
0x96: {  	s17 =	sld [smem:$0x11];
	(tm) =	ssettm $0x1  }
0x97: {  	s18 =	sld [smem:$0x3FFB];
	_ =	sdelay $0x3  }
0x98: {  	_ =	strace s18  }
0x99: {  	s3 =	sld [smem:$0x3FFC];
	_ =	sdelay $0x3  }
0x9a: {  	_ =	strace s3  }
0x9b: {  	s3 =	sld [smem:$0x3FFD];
	_ =	sdelay $0x3  }
0x9c: {  	_ =	strace s3  }
0x9d: {  	_ =	strace $0x8FFFFFFF  }
0x9e: {  	s19 =	sld [smem:$0x3FDB];
	_ =	sdelay $0x1  }
0x9f: {  	s20 =	simm.s32 $_scs_section_size  }
0xa0: {  	s6 =	simm.s32 $_size__tile_overlayer_lowered;
	s7 =	simm.s32 $_tile_overlayer_lowered  }
0xa1: {  	s8 =	simm.s32 $0x1BFF;
	s21 =	sshll.u32 s7, $0x1;
	s5 =	sadd.s32 s20, s19  }
0xa2: {  	s22 =	simm.s32 $0x0;
	s6 =	sshll.u32 s6, $0x1;
	s7 =	sadd.s32 s21, s5  }
0xa3: {  	[timem:s22], [sflag:s8] =	dma.local [hbm:s7], s6  }
0xa4: {  	_ =	swait.ge [sflag:s8], s6  }
0xa5: {  	s6 =	ssub.s32 $0x0, s6;
	[sflag:s8] =	ssyncset.done $0x0  }
0xa6: {  	[sflag:s8] =	ssyncadd.s32 s6;
	_ =	sdelay $0x1  }
0xa7: {  	s23 =	simm.s32 $0x1B8B  }
0xa8: {  	_ =	swait.ge [sflag:s23], $0x1  }
0xa9: {  	[sflag:s23] =	ssyncset.done $0x0  }
0xaa: {  	[sflag:s23] =	ssyncadd.s32 $0xFFFFFFFF  }
0xab: {  	s6 =	sld [smem:$0x0]  }
0xac: {  	s7 =	sand.u32 $0xFFFFFFFE, s1  }
0xad: {  	p0 =	sne.s32 s1, s7  }
0xae: {  	s7 =	sshll.u32 @p0 s7, $0xE  }
0xaf: {  	s7 =	sadd.s32 @p0 $0x11B8D, s7;
	s8 =	sshll.u32 @p0 s6, $0x11  }
0xb0: {  	s7 =	sor.u32 @p0 s8, s7  }
0xb1: {  	[sflag:s7] =	ssyncadd.remote.s32 @p0 $0x1;
	_ =	sdelay $0x1  }
0xb2: {  	s7 =	simm.s32 @p0 $0x1B8D  }
0xb3: {  	_ =	swait.eq @p0 [sflag:s7], $0x1  }
0xb4: {  	[sflag:s7] =	ssyncadd.s32 @p0 $0xFFFFFFFF  }
0xb5: {  	s8 =	sshll.u32 @!p0 s1, $0xE  }
0xb6: {  	s8 =	sor.u32 @!p0 $0x4000, s8;
	s7 =	simm.s32 @!p0 $0x1B8D  }
0xb7: {  	s6 =	sshll.u32 @!p0 s6, $0x11;
	s8 =	sadd.s32 @!p0 $0x11B8D, s8;
	_ =	swait.eq @!p0 [sflag:s7], $0x1  }
0xb8: {  	s6 =	sor.u32 @!p0 s6, s8;
	[sflag:s7] =	ssyncadd.s32 @!p0 $0xFFFFFFFF  }
0xb9: {  	s25 =	simm.s32 $0x1B8E;
	s24 =	sld [smem:$0x3FFE];
	[sflag:s6] =	ssyncadd.remote.s32 @!p0 $0x1  }
0xba: {  	s26 =	simm.s32 $execute0_lowered;
	[smem:$0x3FD2] =	sst s25  }
0xbb: {  	s7 =	sshll.u32 s26, $0x1;
	_ =	strace $0x80000049;
	[dreg:$0x1] =	wrdreg $0xFFFFFFFF  }
0xbc: {  	s28 =	simm.s32 $_size_execute0_lowered;
	s5 =	sadd.s32 s5, s7;
	[dreg:$0x0] =	wrdreg $0x0  }
0xbd: {  	s7 =	sshll.u32 s28, $0x1;
	[dreg:$0x2] =	wrdreg s5  }
0xbe: {  	[dreg:$0x3] =	wrdreg s7  }
0xbf: {  	[dreg:$0x4] =	wrdreg $0xC0  }
0xc0: {  	_ =	task [dreg:s22], $0x5FFFF  }
0xc1: {  	[dreg:$0x1] =	wrdreg $0xFFFFFFFF  }
0xc2: {  	[dreg:$0x0] =	wrdreg $0x60  }
0xc3: {  	[dreg:$0x2] =	wrdreg s2  }
0xc4: {  	[dreg:$0x3] =	wrdreg s24  }
0xc5: {  	[dreg:$0x4] =	wrdreg s17  }
0xc6: {  	[dreg:$0x5] =	wrdreg $0x9  }
0xc7: {  	_ =	task.clear_ibuf [dreg:s22], $0x6FFFF;
	_ =	strace $0x90000049  }
0xc8: {  	s29 =	simm.s32 $0x9;
	_ =	strace $0x8000004B  }
0xc9: {  	_ =	swait.ge [sflag:s29], $0x1  }
0xca: {  	[sflag:s29] =	ssyncadd.s32 $0xFFFFFFFF  }
0xcb: {  	_ =	strace $0x9000004B  }
0xcc: {  	_ =	sfence  }
0xcd: {  	s30 =	sld [smem:$0x0];
	_ =	sdelay $0x2  }
0xce: {  	s31 =	sshll.u32 s1, $0xD;
	s1 =	sshrl.u32 s1, $0x2  }
0xcf: {  	s4 =	sand.u32 $0x4000, s31;
	s1 =	sadd.s32 s1, s30  }
0xd0: {  	s0 =	sor.u32 s4, s0;
	s1 =	sshll.u32 s1, $0x11  }
0xd1: {  	s0 =	sor.u32 s1, s0  }
0xd2: {  	s0 =	sadd.s32 $0x8F2B, s0  }
0xd3: {  	[sflag:s0] =	ssyncadd.remote.s32 $0x1  }
0xd4: {  	_ =	sfence.sel $0xFFFF  }
0xd5: {  	[dreg:$0x0] =	wrdreg $0xFFFFFFFF;
	(pc) =	sbr.abs _section_cstart, $3  }
0xd6: {  	[dreg:$0x1] =	wrdreg $0xFFFFFFFF  }
0xd7: {  	_ =	task.clear_ibuf [dreg:s22], $0x2FFFF;
	_ =	strace $0x9FFFFFFF  }
0xd8: {  	(tm) =	ssettm $0x7FFFFFFF  }
0xd9: {  	_ =	shalt  }
tec
execute0_lowered:
.L_overlay_start_1:
0x0: {  	(tag) =	ssettag $0x1  }
0x1: {  	s3 =	rddreg [dreg:$0x0]  }
0x2: {  	s5 =	rddreg [dreg:$0x1]  }
0x3: {  	s14 =	rddreg [dreg:$0x2];
	s2 =	srdreg.scid  }
0x4: {  	s0 =	rddreg [dreg:$0x3];
	s1 =	stileid.u32;
	s15 =	sand.u32 $0x1, s2  }
0x5: {  	s2 =	simm.s32 $0x0;
	s4 =	sshll.u32 s1, $0x7;
	s6 =	sshll.u32 s15, $0x6  }
0x6: {  	[smem:$0x7FF] =	sst s2;
	s16 =	sor.u32 s6, s4  }
0x7: {  	_ =	strace $0x8000004A;
	s4 =	sadd.s32 s3, s16;
	s3 =	simm.s32 $0x2  }
0x8: {  	[tilespmem:s2], [sflag:$0x2] =	stream.linear.gather [hbm4b:s4+s2], $0x200, $0x38;
	[tilespmem:$0x400] =	vst v63  }
0x9: {  	_ =	swait.ge [sflag:s3], $0x200  }
0xa: {  	s7 =	simm.s32 $0x200;
	[sflag:s3] =	ssyncset.done $0x0  }
0xb: {  	s5 =	sadd.s32 $0xF82A00, s5;
	s6 =	simm.s32 $0x80;
	[sflag:s3] =	ssyncadd.s32 $0xFFFFFE00  }
0xc: {  	[tilespmem:s7], [sflag:$0x1] =	stream.indirect.gather [hbm4b:s5+s6], $0x1, s2, s6, $0xb8;
	[tilespmem:$0x400] =	vst v63  }
0xd: {  	s8 =	simm.s32 $0x280  }
0xe: {  	[tilespmem:s8], [sflag:$0x1] =	stream.indirect.gather [hbm4b:s5+s6], $0x1, s6, s6, $0xb8;
	[tilespmem:$0x400] =	vst v63  }
0xf: {  	s9 =	simm.s32 $0x100;
	s10 =	simm.s32 $0x300  }
0x10: {  	[tilespmem:s10], [sflag:$0x1] =	stream.indirect.gather [hbm4b:s5+s6], $0x1, s9, s6, $0xb8;
	[tilespmem:$0x400] =	vst v63  }
0x11: {  	s11 =	simm.s32 $0x180;
	s12 =	simm.s32 $0x380;
	s13 =	simm.s32 $0x1  }
0x12: {  	[tilespmem:s12], [sflag:$0x1] =	stream.indirect.gather [hbm4b:s5+s6], $0x1, s11, s6, $0xb8;
	[tilespmem:$0x400] =	vst v63  }
0x13: {  	_ =	swait.ge [sflag:s13], $0x80  }
0x14: {  	[sflag:s13] =	ssyncset.done $0x0  }
0x15: {  	[sflag:s13] =	ssyncadd.s32 $0xFFFFFF80  }
0x16: {  	_ =	swait.ge [sflag:s13], $0x80  }
0x17: {  	[sflag:s13] =	ssyncset.done $0x0  }
0x18: {  	s15 =	ssub.s32 $0x2, s15;
	[sflag:s13] =	ssyncadd.s32 $0xFFFFFF80  }
0x19: {  	s17 =	sshrl.u32 s15, $0x1;
	_ =	swait.ge [sflag:s13], $0x80  }
0x1a: {  	s15 =	ssub.s32 s15, s17;
	[sflag:s13] =	ssyncset.done $0x0  }
0x1b: {  	s15 =	smax.u32 s15, $0x1;
	[sflag:s13] =	ssyncadd.s32 $0xFFFFFF80  }
0x1c: {  	p0 =	sne.s32 s15, $0x1;
	_ =	swait.ge [sflag:s13], $0x80  }
.Ltmp0:
0x1d: {  	[sflag:s13] =	ssyncset.done $0x0;
	(pc) =	sbr.rel @!p0 .LBB2_2-.Ltmp0, $4  }
0x1e: {  	s14 =	sadd.s32 s14, s16;
	[sflag:s13] =	ssyncadd.s32 $0xFFFFFF80  }
0x1f: {  	[hbm4b:s14+s2] =	stream.linear.scatter [tilespmem:s7], [sflag:$0x2], $0x200, $0x38;
	[tilespmem:$0x400] =	vst v63  }
0x20: {  	_ =	swait.ge [sflag:s3], $0x200  }
0x21: {  	s15 =	sadd.s32 $0xFFFFFFFF, s15;
	[sflag:s3] =	ssyncset.done $0x0  }
.LBB2_1:
0x22: {  	p0 =	sne.s32 s15, $0x1;
	s15 =	sadd.s32 $0xFFFFFFFF, s15;
	[sflag:s3] =	ssyncadd.s32 $0xFFFFFE00  }
0x23: {  	[tilespmem:s2], [sflag:$0x2] =	stream.linear.gather [hbm4b:s4+s2], $0x200, $0x38;
	[tilespmem:$0x400] =	vst v63  }
0x24: {  	_ =	swait.ge [sflag:s3], $0x200  }
0x25: {  	[sflag:s3] =	ssyncset.done $0x0  }
0x26: {  	[sflag:s3] =	ssyncadd.s32 $0xFFFFFE00  }
0x27: {  	[tilespmem:s7], [sflag:$0x1] =	stream.indirect.gather [hbm4b:s5+s6], $0x1, s2, s6, $0xb8;
	[tilespmem:$0x400] =	vst v63  }
0x28: {  	_ = 	snop  }
0x29: {  	[tilespmem:s8], [sflag:$0x1] =	stream.indirect.gather [hbm4b:s5+s6], $0x1, s6, s6, $0xb8;
	[tilespmem:$0x400] =	vst v63  }
0x2a: {  	_ = 	snop  }
0x2b: {  	[tilespmem:s10], [sflag:$0x1] =	stream.indirect.gather [hbm4b:s5+s6], $0x1, s9, s6, $0xb8;
	[tilespmem:$0x400] =	vst v63  }
0x2c: {  	_ = 	snop  }
0x2d: {  	[tilespmem:s12], [sflag:$0x1] =	stream.indirect.gather [hbm4b:s5+s6], $0x1, s11, s6, $0xb8;
	[tilespmem:$0x400] =	vst v63  }
0x2e: {  	_ =	swait.ge [sflag:s13], $0x80  }
0x2f: {  	[sflag:s13] =	ssyncset.done $0x0  }
0x30: {  	[sflag:s13] =	ssyncadd.s32 $0xFFFFFF80  }
0x31: {  	_ =	swait.ge [sflag:s13], $0x80  }
0x32: {  	[sflag:s13] =	ssyncset.done $0x0  }
0x33: {  	[sflag:s13] =	ssyncadd.s32 $0xFFFFFF80  }
0x34: {  	_ =	swait.ge [sflag:s13], $0x80  }
0x35: {  	[sflag:s13] =	ssyncset.done $0x0  }
0x36: {  	[sflag:s13] =	ssyncadd.s32 $0xFFFFFF80  }
0x37: {  	_ =	swait.ge [sflag:s13], $0x80  }
.Ltmp1:
0x38: {  	[sflag:s13] =	ssyncset.done $0x0;
	(pc) =	sbr.rel @p0 .LBB2_1-.Ltmp1, $4  }
0x39: {  	[sflag:s13] =	ssyncadd.s32 $0xFFFFFF80  }
0x3a: {  	[hbm4b:s14+s2] =	stream.linear.scatter [tilespmem:s7], [sflag:$0x2], $0x200, $0x38;
	[tilespmem:$0x400] =	vst v63  }
0x3b: {  	_ =	swait.ge [sflag:s3], $0x200  }
0x3c: {  	[sflag:s3] =	ssyncset.done $0x0  }
.LBB2_2:
0x3d: {  	[sflag:s3] =	ssyncadd.s32 $0xFFFFFE00  }
0x3e: {  	_ =	sfence.sel $0x180000  }
0x3f: {  	[bflag:$0x0] =	sbarrier.arrive $0xFFFF  }
0x40: {  	p0 =	sne.s32 s1, $0x0;
	_ =	strace $0x9000004A  }
0x41: {  	s0 =	sadd.s32 @!p0 $0x100000, s0;
	[bflag:$0x2] =	sbarrier.arrive $0xFFFF  }
0x42: {  	[sflag:s0] =	ssyncadd.tile.s32 @!p0 $0x1;
	_ =	shalt  }
.Lfunc_end2:
_tile_overlayer_lowered:
.L_overlay_start_2:
0x43: {  	(tag) =	ssettag $0x2  }
0x44: {  	s0 =	rddreg [dreg:$0x0];
	s2 =	stileid.u32  }
0x45: {  	s1 =	rddreg [dreg:$0x1];
	p0 =	sne.s32 s2, $0x0  }
0x46: {  	s3 =	rddreg [dreg:$0x2];
	[bflag:$0x3] =	sbarrier.arrive $0xFFFF;
	s2 =	simm.s32 @!p0 $0x1C02  }
0x47: {  	[timem:s3], [sflag:s2] =	dma.local @!p0 [hbm:s0], s1  }
0x48: {  	s0 =	simm.s32 @!p0 $0x2  }
0x49: {  	_ =	swait.ge @!p0 [sflag:s0], s1  }
0x4a: {  	s1 =	ssub.s32 @!p0 $0x0, s1;
	[sflag:s0] =	ssyncset.done @!p0 $0x0  }
0x4b: {  	[sflag:s0] =	ssyncadd.s32 @!p0 s1  }
0x4c: {  	[bflag:$0x3] =	sbarrier.arrive $0xFFFF  }
0x4d: {  	_ =	shalt  }

// kernel: kernel.7.cloned.1.call-start
scs
__scs_entry_jumppad:
0x0: {  	(pc) =	sbr.rel $0x88, $3  }
0x1: {  	(tag) =	ssettag $0x0;
	lr =	simm.s32 $0x1  }
0x2: {  	[smem:$0x3F9E] =	sst lr;
	_ =	strace $0xD0000000  }
0x3: {  	_ = 	snop  }
0x4: {  	_ = 	snop  }
0x5: {  	_ = 	snop  }
0x6: {  	_ = 	snop  }
0x7: {  	_ = 	snop  }
__scs_overlays_trampoline_lowered:
0x8: {  	[smem:$0x3FAD] =	sst s0  }
0x9: {  	[smem:$0x3FAE] =	sst s1  }
0xa: {  	[smem:$0x3FAF] =	sst s2  }
0xb: {  	[smem:$0x3FB0] =	sst s3  }
0xc: {  	[smem:$0x3FB1] =	sst s4  }
0xd: {  	[smem:$0x3FB2] =	sst s5  }
0xe: {  	[smem:$0x3FB3] =	sst s6  }
0xf: {  	[smem:$0x3FB4] =	sst s7  }
0x10: {  	[smem:$0x3FB5] =	sst s8  }
0x11: {  	[smem:$0x3FB6] =	sst s9;
	s0 =	simm.s32 @!p0 $0x0  }
0x12: {  	s1 =	sld [smem:$0x3F9C];
	s0 =	simm.s32 @p0 $0x1  }
0x13: {  	[smem:$0x3FB7] =	sst s0;
	s0 =	simm.s32 @!p1 $0x0  }
0x14: {  	s2 =	sld [smem:$0x3F9B];
	s0 =	simm.s32 @p1 $0x1  }
0x15: {  	[smem:$0x3FB8] =	sst s0;
	s0 =	simm.s32 @!p2 $0x0  }
0x16: {  	s3 =	sld [smem:$0x3FDB];
	s0 =	simm.s32 @p2 $0x1  }
0x17: {  	s4 =	simm.s32 $0x1BF5;
	[smem:$0x3FBA] =	sst s0  }
0x18: {  	s0 =	sld [smem:$0x3F9D];
	_ =	swait.ge [sflag:s4], $0x0  }
0x19: {  	s7 =	sld [smem:$0x3F9E]  }
0x1a: {  	s8 =	sadd.s32 $0xFFFFE003, lr  }
0x1b: {  	s9 =	sadd.s32 $0xFFFFFEF7, lr;
	s5 =	simm.s32 $0xFFFFFFFF;
	p2 =	slt.u32 s8, $0xFFFFF086  }
0x1c: {  	p1 =	slt.u32 s9, $0xF7A;
	s5 =	simm.s32 @!p2 $0x0  }
0x1d: {  	s5 =	simm.s32 @p1 $0x1;
	p0 =	seq.s32 s7, s2  }
0x1e: {  	s7 =	smul.u32 @!p0 $0xF7A, s2;
	p2 =	seq.s32 @!p0 s5, $0x0  }
0x1f: {  	s9 =	smul.u32 $0xF7A, s1;
	s8 =	simm.s32 @!p0 $0x1BF5;
	p2 =	por !p2, p0  }
0x20: {  	[sflag:s8] =	ssyncset.s32 @!p0 $0xFFFFF086;
	s6 =	sadd.s32 @!p0 s3, s7;
	s7 =	simm.s32 @!p0 $0x108  }
0x21: {  	s3 =	sadd.s32 s3, s9;
	s6 =	sadd.s32 @!p0 $0x88, s6;
	s7 =	simm.s32 @p2 $0x1082  }
0x22: {  	[simem:s7], [sflag:s8] =	dma.local @!p0 [hbm:s6], $0xF7A  }
0x23: {  	s9 =	sor.u32 $0xD0000000, s2;
	s6 =	simm.s32 $0x108;
	_ =	swait.ge @!p0 [sflag:s8], $0x0  }
0x24: {  	s3 =	sadd.s32 $0x88, s3;
	s6 =	simm.s32 @!p1 $0x1082;
	[sflag:s4] =	ssyncset.s32 $0xFFFFF086  }
0x25: {  	[simem:s6], [sflag:s4] =	dma.local [hbm:s3], $0xF7A  }
0x26: {  	[smem:$0x3F9E] =	sst s1;
	(tag) =	ssettag s2;
	_ =	strace s9  }
0x27: {  	s1 =	sld [smem:$0x3FAE]  }
0x28: {  	s2 =	sld [smem:$0x3FAF]  }
0x29: {  	s4 =	sld [smem:$0x3FB1]  }
0x2a: {  	p0 =	seq.s32 s5, $0x0;
	s5 =	sld [smem:$0x3FB2]  }
0x2b: {  	s6 =	sld [smem:$0x3FB3]  }
0x2c: {  	s7 =	sld [smem:$0x3FB4]  }
0x2d: {  	s3 =	simm.s32 $0x108;
	s8 =	sld [smem:$0x3FB5]  }
0x2e: {  	s3 =	simm.s32 @!p0 $0x1082;
	s9 =	sld [smem:$0x3FB6]  }
0x2f: {  	lr =	sadd.s32 s0, s3;
	s0 =	sld [smem:$0x3FAD]  }
0x30: {  	s3 =	sld [smem:$0x3FB0]  }
0x31: {  	[smem:$0x3FB9] =	sst s10  }
0x32: {  	s10 =	sld [smem:$0x3FB7];
	_ =	sdelay $0x3  }
0x33: {  	p0 =	seq.s32 s10, $0x1;
	s10 =	sld [smem:$0x3FB9];
	_ =	sdelay $0x3  }
0x34: {  	[smem:$0x3FB9] =	sst s10  }
0x35: {  	s10 =	sld [smem:$0x3FB8];
	_ =	sdelay $0x3  }
0x36: {  	p1 =	seq.s32 s10, $0x1;
	s10 =	sld [smem:$0x3FB9];
	_ =	sdelay $0x3  }
0x37: {  	[smem:$0x3FB9] =	sst s10  }
0x38: {  	s10 =	sld [smem:$0x3FBA]  }
0x39: {  	_ = 	snop;
	(pc) =	sbr.ind lr, $3  }
0x3a: {  	_ = 	snop  }
0x3b: {  	_ = 	snop  }
0x3c: {  	p2 =	seq.s32 s10, $0x1;
	s10 =	sld [smem:$0x3FB9]  }
0x3d: {  	_ =	shalt  }
0x3e: {  	_ =	shalt  }
0x3f: {  	_ =	shalt  }
0x40: {  	_ =	shalt  }
0x41: {  	_ =	shalt  }
0x42: {  	_ =	shalt  }
0x43: {  	_ =	shalt  }
0x44: {  	_ =	shalt  }
0x45: {  	_ =	shalt  }
0x46: {  	_ =	shalt  }
0x47: {  	_ =	shalt  }
0x48: {  	_ =	shalt  }
0x49: {  	_ =	shalt  }
0x4a: {  	_ =	shalt  }
0x4b: {  	_ =	shalt  }
0x4c: {  	_ =	shalt  }
0x4d: {  	_ =	shalt  }
0x4e: {  	_ =	shalt  }
0x4f: {  	_ =	shalt  }
0x50: {  	_ =	shalt  }
0x51: {  	_ =	shalt  }
0x52: {  	_ =	shalt  }
0x53: {  	_ =	shalt  }
0x54: {  	_ =	shalt  }
0x55: {  	_ =	shalt  }
0x56: {  	_ =	shalt  }
0x57: {  	_ =	shalt  }
0x58: {  	_ =	shalt  }
0x59: {  	_ =	shalt  }
0x5a: {  	_ =	shalt  }
0x5b: {  	_ =	shalt  }
0x5c: {  	_ =	shalt  }
0x5d: {  	_ =	shalt  }
0x5e: {  	_ =	shalt  }
0x5f: {  	_ =	shalt  }
0x60: {  	_ =	shalt  }
0x61: {  	_ =	shalt  }
0x62: {  	_ =	shalt  }
0x63: {  	_ =	shalt  }
0x64: {  	_ =	shalt  }
0x65: {  	_ =	shalt  }
0x66: {  	_ =	shalt  }
0x67: {  	_ =	shalt  }
0x68: {  	_ =	shalt  }
0x69: {  	_ =	shalt  }
0x6a: {  	_ =	shalt  }
0x6b: {  	_ =	shalt  }
0x6c: {  	_ =	shalt  }
0x6d: {  	_ =	shalt  }
0x6e: {  	_ =	shalt  }
0x6f: {  	_ =	shalt  }
0x70: {  	_ =	shalt  }
0x71: {  	_ =	shalt  }
0x72: {  	_ =	shalt  }
0x73: {  	_ =	shalt  }
0x74: {  	_ =	shalt  }
0x75: {  	_ =	shalt  }
0x76: {  	_ =	shalt  }
0x77: {  	_ =	shalt  }
0x78: {  	_ =	shalt  }
0x79: {  	_ =	shalt  }
0x7a: {  	_ =	shalt  }
0x7b: {  	_ =	shalt  }
0x7c: {  	_ =	shalt  }
0x7d: {  	_ =	shalt  }
0x7e: {  	_ =	shalt  }
0x7f: {  	_ =	shalt  }
0x80: {  	_ =	shalt  }
0x81: {  	_ =	shalt  }
0x82: {  	_ =	shalt  }
0x83: {  	_ =	shalt  }
0x84: {  	_ =	shalt  }
0x85: {  	_ =	shalt  }
0x86: {  	_ =	shalt  }
0x87: {  	_ =	shalt  }
.Lfunc_end0:
.L_simem_size_0:
called_computation.1_lowered:
.L_overlay_start_0:
0x88: {  	s2 =	sld [smem:$0x3FD9]  }
0x89: {  	s3 =	sld [smem:$0x3FFE];
	_ =	sdelay $0x1  }
0x8a: {  	s1 =	srdreg.scid  }
0x8b: {  	s0 =	sand.u32 $0x1, s1  }
0x8c: {  	s17 =	sshll.u32 s0, $0xA;
	s2 =	sadd.s32 s3, s2  }
0x8d: {  	s2 =	sadd.s32 s2, s17  }
0x8e: {  	[smem:$0x3FC5] =	sst s2  }
0x8f: {  	_ = 	snop  }
0x90: {  	s2 =	sld [smem:$0x3FC9];
	(tm) =	ssettm $0x1  }
0x91: {  	s18 =	sld [smem:$0x3FFB];
	_ =	sdelay $0x3  }
0x92: {  	_ =	strace s18  }
0x93: {  	s3 =	sld [smem:$0x3FFC];
	_ =	sdelay $0x3  }
0x94: {  	_ =	strace s3  }
0x95: {  	s3 =	sld [smem:$0x3FFD];
	_ =	sdelay $0x3  }
0x96: {  	_ =	strace s3  }
0x97: {  	_ =	strace $0x8FFFFFFF  }
0x98: {  	s19 =	sld [smem:$0x3FDB];
	_ =	sdelay $0x1  }
0x99: {  	s4 =	simm.s32 $_scs_section_size  }
0x9a: {  	s5 =	simm.s32 $_size__tile_overlayer_lowered;
	s6 =	simm.s32 $_tile_overlayer_lowered  }
0x9b: {  	s22 =	simm.s32 $0x1BFF;
	s21 =	sshll.u32 s6, $0x1;
	s3 =	sadd.s32 s4, s19  }
0x9c: {  	s7 =	simm.s32 $0x0;
	s20 =	sshll.u32 s5, $0x1;
	s5 =	sadd.s32 s21, s3  }
0x9d: {  	[timem:s7], [sflag:s22] =	dma.local [hbm:s5], s20  }
0x9e: {  	_ =	swait.ge [sflag:s22], s20  }
0x9f: {  	s4 =	ssub.s32 $0x0, s20;
	[sflag:s22] =	ssyncset.done $0x0  }
0xa0: {  	[sflag:s22] =	ssyncadd.s32 s4;
	_ =	sdelay $0x1  }
0xa1: {  	s23 =	simm.s32 $0x1B8B  }
0xa2: {  	_ =	swait.ge [sflag:s23], $0x1  }
0xa3: {  	[sflag:s23] =	ssyncset.done $0x0  }
0xa4: {  	s25 =	simm.s32 $0x1B8E;
	s24 =	sld [smem:$0x3FFE];
	[sflag:s23] =	ssyncadd.s32 $0xFFFFFFFF  }
0xa5: {  	s26 =	simm.s32 $execute0_lowered;
	[smem:$0x3FD2] =	sst s25  }
0xa6: {  	s5 =	sshll.u32 s26, $0x1;
	_ =	strace $0x80000046;
	[dreg:$0x1] =	wrdreg $0xFFFFFFFF  }
0xa7: {  	s28 =	simm.s32 $_size_execute0_lowered;
	s3 =	sadd.s32 s3, s5;
	[dreg:$0x0] =	wrdreg $0x0  }
0xa8: {  	s5 =	sshll.u32 s28, $0x1;
	[dreg:$0x2] =	wrdreg s3  }
0xa9: {  	[dreg:$0x3] =	wrdreg s5  }
0xaa: {  	[dreg:$0x4] =	wrdreg $0xC0  }
0xab: {  	_ =	task [dreg:s7], $0x5FFFF  }
0xac: {  	[dreg:$0x1] =	wrdreg $0xFFFFFFFF  }
0xad: {  	[dreg:$0x0] =	wrdreg $0x60  }
0xae: {  	[dreg:$0x2] =	wrdreg s2  }
0xaf: {  	[dreg:$0x3] =	wrdreg s24  }
0xb0: {  	[dreg:$0x4] =	wrdreg $0xA  }
0xb1: {  	_ =	task.clear_ibuf [dreg:s7], $0x5FFFF;
	_ =	strace $0x90000046  }
0xb2: {  	s29 =	simm.s32 $0xA;
	_ =	strace $0x80000048  }
0xb3: {  	_ =	swait.ge [sflag:s29], $0x1  }
0xb4: {  	[sflag:s29] =	ssyncadd.s32 $0xFFFFFFFF  }
0xb5: {  	_ =	strace $0x90000048  }
0xb6: {  	_ =	sfence  }
0xb7: {  	s30 =	sld [smem:$0x0];
	_ =	sdelay $0x2  }
0xb8: {  	s31 =	sshll.u32 s1, $0xD;
	s1 =	sshrl.u32 s1, $0x2  }
0xb9: {  	s3 =	sand.u32 $0x4000, s31;
	s1 =	sadd.s32 s1, s30  }
0xba: {  	s0 =	sor.u32 s3, s0;
	s1 =	sshll.u32 s1, $0x11  }
0xbb: {  	s0 =	sor.u32 s1, s0  }
0xbc: {  	s0 =	sadd.s32 $0x8F2B, s0  }
0xbd: {  	[sflag:s0] =	ssyncadd.remote.s32 $0x1  }
0xbe: {  	_ =	sfence.sel $0xFFFF  }
0xbf: {  	[dreg:$0x0] =	wrdreg $0xFFFFFFFF;
	(pc) =	sbr.abs _section_cstart, $3  }
0xc0: {  	[dreg:$0x1] =	wrdreg $0xFFFFFFFF  }
0xc1: {  	_ =	task.clear_ibuf [dreg:s7], $0x2FFFF;
	_ =	strace $0x9FFFFFFF  }
0xc2: {  	(tm) =	ssettm $0x7FFFFFFF  }
0xc3: {  	_ =	shalt  }
tec
execute0_lowered:
.L_overlay_start_1:
0x0: {  	(tag) =	ssettag $0x1  }
0x1: {  	s4 =	rddreg [dreg:$0x0]  }
0x2: {  	s5 =	rddreg [dreg:$0x1];
	s2 =	simm.s32 $0x0;
	s3 =	srdreg.scid  }
0x3: {  	s1 =	stileid.u32;
	s10 =	simm.s32 $0x0;
	s6 =	sand.u32 $0x1, s3  }
0x4: {  	[smem:$0x7FF] =	sst s2;
	s7 =	sshll.u32 s1, $0xA;
	s8 =	sshll.u32 s6, $0x9  }
0x5: {  	s3 =	sadd.s32 $0x600, s5;
	s6 =	ssub.s32 $0x2, s6;
	s7 =	sor.u32 s8, s7  }
0x6: {  	_ =	strace $0x80000047;
	s9 =	sshrl.u32 s6, $0x1;
	s8 =	sshll.u32 s7, $0x4  }
0x7: {  	s7 =	sshrl.u32 s7, $0x3;
	s6 =	ssub.s32 s6, s9;
	s9 =	simm.s32 $0x200  }
0x8: {  	s5 =	sadd.s32 s8, s5;
	s4 =	sadd.s32 s4, s7;
	s6 =	smax.u32 s6, $0x1  }
0x9: {  	s7 =	simm.s32 $0x2;
	s8 =	simm.s32 $0x1;
	s5 =	sadd.s32 $0xF42A00, s5  }
.LBB2_1:
0xa: {  	[tilespmem:s2], [sflag:$0x2] =	stream.linear.gather [hbm4b:s4+s2], $0x200, $0x38;
	[tilespmem:$0x10200] =	vst v63  }
0xb: {  	_ =	swait.ge [sflag:s7], $0x200  }
0xc: {  	[sflag:s7] =	ssyncset.done $0x0  }
0xd: {  	[sflag:s7] =	ssyncadd.s32 $0xFFFFFE00  }
0xe: {  	v0 =	vld [tilespmem:s2+$0x0];
	_ =	sdelay $0x4  }
0xf: {  	v0 =	vshll.u32 v0, $0x4  }
0x10: {  	(v2sf) =	vpush v0, $0x0  }
0x11: {  	(v2sf) =	vpush v0, $0x1  }
0x12: {  	(v2sf) =	vpush v0, $0x2;
	_ =	sdelay $0x1  }
0x13: {  	(v2sf) =	vpush v0, $0x4;
	_ =	sdelay $0x1  }
0x14: {  	(v2sf) =	vpush v0, $0x3  }
0x15: {  	s13 =	simm.s32 $0x2000;
	(v2sf) =	vpush v0, $0x5  }
0x16: {  	s12 =	simm.s32 $0x0;
	s11 =	simm.s32 $0x40;
	s14 =	simm.s32 $0x0;
	(v2sf) =	vpush v0, $0x6  }
.LBB2_2:
0x17: {  	p0 =	sne.s32 s13, $0x6000  }
0x18: {  	s24 =	sadd.s32 $0x280, s12;
	s18 =	sadd.s32 $0x780, s12;
	s15 =	smov.u32 s13  }
0x19: {  	s13 =	sadd.s32 $0x2000, s13;
	s21 =	sadd.s32 $0x580, s12;
	s16 =	sadd.s32 $0x800, s12;
	(v2sf) =	vpush v0, $0x7  }
0x1a: {  	s23 =	sadd.s32 $0x480, s12;
	s20 =	sadd.s32 $0x600, s12;
	s17 =	sadd.s32 $0x880, s12  }
0x1b: {  	s25 =	sadd.s32 $0x200, s12;
	s26 =	sadd.s32 $0x400, s12;
	(v2sf) =	vpush v0, $0x8  }
0x1c: {  	s28 =	sadd.s32 $0x500, s12;
	s14 =	sadd.s32 $0x10, s14  }
0x1d: {  	s29 =	sadd.s32 $0x300, s12;
	s19 =	sadd.s32 $0x700, s12;
	s22 =	spop (v2sf);
	(v2sf) =	vpush v0, $0x9  }
0x1e: {  	s30 =	sand.u32 $0x1FFFFFF0, s22;
	s22 =	sadd.s32 $0x680, s12;
	s31 =	spop (v2sf)  }
0x1f: {  	s30 =	sadd.s32 s3, s30;
	s31 =	sand.u32 $0x1FFFFFF0, s31;
	s0 =	spop (v2sf);
	(v2sf) =	vpush v0, $0xA  }
0x20: {  	[tilespmem:s25], [sflag:$0x1] =	stream.linear.gather [hbm4b:s30+s2], $0x80, $0x38;
	[tilespmem:$0x10200] =	vst v63  }
0x21: {  	s25 =	sadd.s32 s3, s31;
	s30 =	sadd.s32 $0x380, s12;
	s31 =	spop (v2sf);
	(v2sf) =	vpush v0, $0xB  }
0x22: {  	[tilespmem:s24], [sflag:$0x1] =	stream.linear.gather [hbm4b:s25+s2], $0x80, $0x38;
	[tilespmem:$0x10200] =	vst v63  }
0x23: {  	s0 =	sand.u32 $0x1FFFFFF0, s0;
	s24 =	sand.u32 $0x1FFFFFF0, s31;
	s25 =	spop (v2sf);
	(v2sf) =	vpush v0, $0xC  }
0x24: {  	s0 =	sadd.s32 s3, s0;
	s25 =	sand.u32 $0x1FFFFFF0, s25;
	s31 =	spop (v2sf)  }
0x25: {  	[tilespmem:s29], [sflag:$0x1] =	stream.linear.gather [hbm4b:s0+s2], $0x80, $0x38;
	(v2sf) =	vpush v0, $0xD;
	[tilespmem:$0x10200] =	vst v63  }
0x26: {  	s0 =	sadd.s32 s3, s25;
	s25 =	sand.u32 $0x1FFFFFF0, s31;
	s29 =	spop (v2sf)  }
0x27: {  	[tilespmem:s30], [sflag:$0x1] =	stream.linear.gather [hbm4b:s0+s2], $0x80, $0x38;
	(v2sf) =	vpush v0, $0xE;
	[tilespmem:$0x10200] =	vst v63  }
0x28: {  	s0 =	sadd.s32 s3, s24;
	s24 =	sand.u32 $0x1FFFFFF0, s29;
	s29 =	spop (v2sf)  }
0x29: {  	[tilespmem:s26], [sflag:$0x1] =	stream.linear.gather [hbm4b:s0+s2], $0x80, $0x38;
	(v2sf) =	vpush v0, $0xF;
	[tilespmem:$0x10200] =	vst v63  }
0x2a: {  	s0 =	sadd.s32 s3, s25;
	s25 =	sand.u32 $0x1FFFFFF0, s29;
	s26 =	spop (v2sf)  }
0x2b: {  	[tilespmem:s23], [sflag:$0x1] =	stream.linear.gather [hbm4b:s0+s2], $0x80, $0x38;
	[tilespmem:$0x10200] =	vst v63  }
0x2c: {  	s0 =	sadd.s32 s3, s24;
	s23 =	sand.u32 $0x1FFFFFF0, s26;
	s24 =	spop (v2sf)  }
0x2d: {  	[tilespmem:s28], [sflag:$0x1] =	stream.linear.gather [hbm4b:s0+s2], $0x80, $0x38;
	[tilespmem:$0x10200] =	vst v63  }
0x2e: {  	s0 =	sadd.s32 s3, s25;
	s24 =	sand.u32 $0x1FFFFFF0, s24;
	s25 =	spop (v2sf)  }
0x2f: {  	[tilespmem:s21], [sflag:$0x1] =	stream.linear.gather [hbm4b:s0+s2], $0x80, $0x38;
	[tilespmem:$0x10200] =	vst v63  }
0x30: {  	s0 =	sadd.s32 s3, s23;
	s21 =	sand.u32 $0x1FFFFFF0, s25;
	s23 =	spop (v2sf)  }
0x31: {  	[tilespmem:s20], [sflag:$0x1] =	stream.linear.gather [hbm4b:s0+s2], $0x80, $0x38;
	[tilespmem:$0x10200] =	vst v63  }
0x32: {  	s0 =	sadd.s32 s3, s24;
	s20 =	sand.u32 $0x1FFFFFF0, s23;
	s23 =	spop (v2sf)  }
0x33: {  	[tilespmem:s22], [sflag:$0x1] =	stream.linear.gather [hbm4b:s0+s2], $0x80, $0x38;
	[tilespmem:$0x10200] =	vst v63  }
0x34: {  	s0 =	sadd.s32 s3, s21;
	s21 =	sand.u32 $0x1FFFFFF0, s23;
	s22 =	spop (v2sf)  }
0x35: {  	[tilespmem:s19], [sflag:$0x1] =	stream.linear.gather [hbm4b:s0+s2], $0x80, $0x38;
	[tilespmem:$0x10200] =	vst v63  }
0x36: {  	s0 =	sadd.s32 s3, s20;
	s19 =	sand.u32 $0x1FFFFFF0, s22;
	s20 =	spop (v2sf)  }
0x37: {  	[tilespmem:s18], [sflag:$0x1] =	stream.linear.gather [hbm4b:s0+s2], $0x80, $0x38;
	[tilespmem:$0x10200] =	vst v63  }
0x38: {  	s0 =	sadd.s32 s3, s21;
	s18 =	sand.u32 $0x1FFFFFF0, s20;
	s20 =	spop (v2sf)  }
0x39: {  	[tilespmem:s16], [sflag:$0x1] =	stream.linear.gather [hbm4b:s0+s2], $0x80, $0x38;
	[tilespmem:$0x10200] =	vst v63  }
0x3a: {  	s0 =	sadd.s32 s3, s19;
	s16 =	sand.u32 $0x1FFFFFF0, s20  }
0x3b: {  	[tilespmem:s17], [sflag:$0x1] =	stream.linear.gather [hbm4b:s0+s2], $0x80, $0x38;
	[tilespmem:$0x10200] =	vst v63  }
0x3c: {  	s0 =	sadd.s32 $0x900, s12;
	s17 =	sadd.s32 s3, s18  }
0x3d: {  	[tilespmem:s0], [sflag:$0x1] =	stream.linear.gather [hbm4b:s17+s2], $0x80, $0x38;
	[tilespmem:$0x10200] =	vst v63  }
0x3e: {  	s0 =	sadd.s32 $0x980, s12;
	s12 =	sadd.s32 s3, s16  }
0x3f: {  	[tilespmem:s0], [sflag:$0x1] =	stream.linear.gather [hbm4b:s12+s2], $0x80, $0x38;
	[tilespmem:$0x10200] =	vst v63  }
0x40: {  	v0 =	vld [tilespmem:s14+$0x0];
	_ =	sdelay $0x4  }
0x41: {  	v0 =	vshll.u32 v0, $0x4  }
0x42: {  	(v2sf) =	vpush v0, $0x0  }
0x43: {  	(v2sf) =	vpush v0, $0x1  }
0x44: {  	(v2sf) =	vpush v0, $0x2;
	_ =	sdelay $0x1  }
0x45: {  	(v2sf) =	vpush v0, $0x4  }
.Ltmp0:
0x46: {  	(pc) =	sbr.rel @p0 .LBB2_2-.Ltmp0, $3  }
0x47: {  	(v2sf) =	vpush v0, $0x3  }
0x48: {  	(v2sf) =	vpush v0, $0x5;
	_ =	sdelay $0x1  }
0x49: {  	s12 =	sshra.s32 s15, $0x2;
	(v2sf) =	vpush v0, $0x6  }
0x4a: {  	_ =	sdelay $0x1  }
0x4b: {  	s0 =	sadd.s32 $0x280, s12;
	s15 =	sadd.s32 $0x780, s12  }
0x4c: {  	s16 =	sadd.s32 $0x580, s12;
	s13 =	sadd.s32 $0x800, s12;
	(v2sf) =	vpush v0, $0x7;
	s17 =	sadd.s32 $0x480, s12  }
0x4d: {  	s18 =	sadd.s32 $0x600, s12;
	s14 =	sadd.s32 $0x880, s12;
	s19 =	sadd.s32 $0x200, s12  }
0x4e: {  	s20 =	sadd.s32 $0x400, s12;
	s21 =	sadd.s32 $0x500, s12;
	(v2sf) =	vpush v0, $0x8;
	s22 =	spop (v2sf)  }
0x4f: {  	s23 =	sadd.s32 $0x300, s12;
	s22 =	sand.u32 $0x1FFFFFF0, s22;
	s24 =	spop (v2sf)  }
0x50: {  	(v2sf) =	vpush v0, $0x9;
	s22 =	sadd.s32 s3, s22;
	s24 =	sand.u32 $0x1FFFFFF0, s24;
	s25 =	spop (v2sf)  }
0x51: {  	[tilespmem:s19], [sflag:$0x1] =	stream.linear.gather [hbm4b:s22+s2], $0x80, $0x38;
	[tilespmem:$0x10200] =	vst v63  }
0x52: {  	(v2sf) =	vpush v0, $0xA;
	s26 =	sadd.s32 s3, s24;
	s29 =	sand.u32 $0x1FFFFFF0, s25;
	s28 =	spop (v2sf)  }
0x53: {  	[tilespmem:s0], [sflag:$0x1] =	stream.linear.gather [hbm4b:s26+s2], $0x80, $0x38;
	[tilespmem:$0x10200] =	vst v63  }
0x54: {  	s19 =	sadd.s32 $0x700, s12;
	(v2sf) =	vpush v0, $0xB;
	s22 =	sadd.s32 s3, s29;
	s30 =	spop (v2sf)  }
0x55: {  	s0 =	sadd.s32 $0x680, s12;
	s26 =	sadd.s32 $0x380, s12;
	s25 =	sand.u32 $0x1FFFFFF0, s30  }
0x56: {  	(v2sf) =	vpush v0, $0xC;
	[tilespmem:s23], [sflag:$0x1] =	stream.linear.gather [hbm4b:s22+s2], $0x80, $0x38;
	[tilespmem:$0x10200] =	vst v63  }
0x57: {  	s31 =	sand.u32 $0x1FFFFFF0, s28;
	s28 =	spop (v2sf);
	s29 =	sadd.s32 s3, s25  }
0x58: {  	(v2sf) =	vpush v0, $0xD;
	[tilespmem:s26], [sflag:$0x1] =	stream.linear.gather [hbm4b:s29+s2], $0x80, $0x38;
	[tilespmem:$0x10200] =	vst v63  }
0x59: {  	s22 =	sadd.s32 s3, s31;
	s23 =	sand.u32 $0x1FFFFFF0, s28;
	s30 =	spop (v2sf)  }
0x5a: {  	(v2sf) =	vpush v0, $0xE;
	[tilespmem:s20], [sflag:$0x1] =	stream.linear.gather [hbm4b:s22+s2], $0x80, $0x38;
	[tilespmem:$0x10200] =	vst v63  }
0x5b: {  	s23 =	sadd.s32 s3, s23;
	s31 =	sand.u32 $0x1FFFFFF0, s30;
	s24 =	spop (v2sf)  }
0x5c: {  	(v2sf) =	vpush v0, $0xF;
	[tilespmem:s17], [sflag:$0x1] =	stream.linear.gather [hbm4b:s23+s2], $0x80, $0x38;
	[tilespmem:$0x10200] =	vst v63  }
0x5d: {  	s25 =	sand.u32 $0x1FFFFFF0, s24;
	s26 =	spop (v2sf);
	s20 =	sadd.s32 s3, s31  }
0x5e: {  	[tilespmem:s21], [sflag:$0x1] =	stream.linear.gather [hbm4b:s20+s2], $0x80, $0x38;
	[tilespmem:$0x10200] =	vst v63  }
0x5f: {  	s28 =	sand.u32 $0x1FFFFFF0, s26;
	s17 =	sadd.s32 s3, s25;
	s29 =	spop (v2sf)  }
0x60: {  	[tilespmem:s16], [sflag:$0x1] =	stream.linear.gather [hbm4b:s17+s2], $0x80, $0x38;
	[tilespmem:$0x10200] =	vst v63  }
0x61: {  	s20 =	sadd.s32 s3, s28;
	s30 =	sand.u32 $0x1FFFFFF0, s29;
	s31 =	spop (v2sf)  }
0x62: {  	[tilespmem:s18], [sflag:$0x1] =	stream.linear.gather [hbm4b:s20+s2], $0x80, $0x38;
	[tilespmem:$0x10200] =	vst v63  }
0x63: {  	s17 =	sand.u32 $0x1FFFFFF0, s31;
	s16 =	sadd.s32 s3, s30;
	s20 =	spop (v2sf)  }
0x64: {  	[tilespmem:s0], [sflag:$0x1] =	stream.linear.gather [hbm4b:s16+s2], $0x80, $0x38;
	[tilespmem:$0x10200] =	vst v63  }
0x65: {  	s17 =	sadd.s32 s3, s17;
	s21 =	sand.u32 $0x1FFFFFF0, s20;
	s22 =	spop (v2sf)  }
0x66: {  	[tilespmem:s19], [sflag:$0x1] =	stream.linear.gather [hbm4b:s17+s2], $0x80, $0x38;
	[tilespmem:$0x10200] =	vst v63  }
0x67: {  	s0 =	sadd.s32 s3, s21;
	s16 =	sand.u32 $0x1FFFFFF0, s22;
	s23 =	spop (v2sf)  }
0x68: {  	[tilespmem:s15], [sflag:$0x1] =	stream.linear.gather [hbm4b:s0+s2], $0x80, $0x38;
	[tilespmem:$0x10200] =	vst v63  }
0x69: {  	s24 =	sand.u32 $0x1FFFFFF0, s23;
	s16 =	sadd.s32 s3, s16;
	s25 =	spop (v2sf)  }
0x6a: {  	[tilespmem:s13], [sflag:$0x1] =	stream.linear.gather [hbm4b:s16+s2], $0x80, $0x38;
	[tilespmem:$0x10200] =	vst v63  }
0x6b: {  	s26 =	sand.u32 $0x1FFFFFF0, s25;
	s28 =	spop (v2sf);
	s0 =	sadd.s32 s3, s24  }
0x6c: {  	[tilespmem:s14], [sflag:$0x1] =	stream.linear.gather [hbm4b:s0+s2], $0x80, $0x38;
	[tilespmem:$0x10200] =	vst v63  }
0x6d: {  	s30 =	sadd.s32 $0x900, s12;
	s29 =	sand.u32 $0x1FFFFFF0, s28;
	s13 =	sadd.s32 s3, s26  }
0x6e: {  	[tilespmem:s30], [sflag:$0x1] =	stream.linear.gather [hbm4b:s13+s2], $0x80, $0x38;
	[tilespmem:$0x10200] =	vst v63  }
0x6f: {  	s31 =	sadd.s32 $0x980, s12;
	s12 =	simm.s32 $0x40;
	s0 =	sadd.s32 s3, s29  }
0x70: {  	[tilespmem:s31], [sflag:$0x1] =	stream.linear.gather [hbm4b:s0+s2], $0x80, $0x38;
	[tilespmem:$0x10200] =	vst v63  }
.LBB2_4:
0x71: {  	p0 =	sne.s32 s12, $0x1  }
.Ltmp1:
0x72: {  	_ = 	snop;
	(pc) =	sbr.rel @p0 .LBB2_4-.Ltmp1, $4  }
0x73: {  	_ = 	snop  }
0x74: {  	_ =	swait.ge [sflag:s8], $0x80  }
0x75: {  	[sflag:s8] =	ssyncset.done $0x0  }
0x76: {  	s12 =	sadd.s32 $0xFFFFFFFF, s12;
	[sflag:s8] =	ssyncadd.s32 $0xFFFFFF80  }
0x77: {  	v0 =	vld [tilespmem:s11+$0x0];
	_ =	sdelay $0x4  }
0x78: {  	v0 =	vshll.u32 v0, $0x4  }
0x79: {  	(v2sf) =	vpush v0, $0x0  }
0x7a: {  	(v2sf) =	vpush v0, $0x1  }
0x7b: {  	(v2sf) =	vpush v0, $0x2;
	_ =	sdelay $0x1  }
0x7c: {  	(v2sf) =	vpush v0, $0x4;
	_ =	sdelay $0x1  }
0x7d: {  	(v2sf) =	vpush v0, $0x3  }
0x7e: {  	(v2sf) =	vpush v0, $0x5  }
0x7f: {  	s13 =	simm.s32 $0x2000;
	s12 =	simm.s32 $0x0;
	(v2sf) =	vpush v0, $0x6  }
.LBB2_6:
0x80: {  	p0 =	sne.s32 s13, $0x6000  }
0x81: {  	s0 =	sadd.s32 $0x2280, s12;
	s17 =	sadd.s32 $0x2780, s12;
	s14 =	smov.u32 s13  }
0x82: {  	s13 =	sadd.s32 $0x2000, s13;
	s20 =	sadd.s32 $0x2580, s12;
	s15 =	sadd.s32 $0x2800, s12;
	(v2sf) =	vpush v0, $0x7  }
0x83: {  	s22 =	sadd.s32 $0x2480, s12;
	s19 =	sadd.s32 $0x2600, s12;
	s16 =	sadd.s32 $0x2880, s12  }
0x84: {  	s23 =	sadd.s32 $0x2200, s12;
	s24 =	sadd.s32 $0x2400, s12;
	(v2sf) =	vpush v0, $0x8  }
0x85: {  	s25 =	sadd.s32 $0x2500, s12;
	s11 =	sadd.s32 $0x10, s11  }
0x86: {  	s26 =	sadd.s32 $0x2300, s12;
	s18 =	sadd.s32 $0x2700, s12;
	s21 =	spop (v2sf);
	(v2sf) =	vpush v0, $0x9  }
0x87: {  	s28 =	sand.u32 $0x1FFFFFF0, s21;
	s21 =	sadd.s32 $0x2680, s12;
	s29 =	spop (v2sf)  }
0x88: {  	s28 =	sadd.s32 s3, s28;
	s29 =	sand.u32 $0x1FFFFFF0, s29;
	s30 =	spop (v2sf);
	(v2sf) =	vpush v0, $0xA  }
0x89: {  	[tilespmem:s23], [sflag:$0x1] =	stream.linear.gather [hbm4b:s28+s2], $0x80, $0x38;
	[tilespmem:$0x10200] =	vst v63  }
0x8a: {  	s23 =	sadd.s32 s3, s29;
	s28 =	sadd.s32 $0x2380, s12;
	s29 =	spop (v2sf);
	(v2sf) =	vpush v0, $0xB  }
0x8b: {  	[tilespmem:s0], [sflag:$0x1] =	stream.linear.gather [hbm4b:s23+s2], $0x80, $0x38;
	[tilespmem:$0x10200] =	vst v63  }
0x8c: {  	s0 =	sand.u32 $0x1FFFFFF0, s30;
	s23 =	sand.u32 $0x1FFFFFF0, s29;
	s29 =	spop (v2sf);
	(v2sf) =	vpush v0, $0xC  }
0x8d: {  	s0 =	sadd.s32 s3, s0;
	s29 =	sand.u32 $0x1FFFFFF0, s29;
	s30 =	spop (v2sf)  }
0x8e: {  	[tilespmem:s26], [sflag:$0x1] =	stream.linear.gather [hbm4b:s0+s2], $0x80, $0x38;
	(v2sf) =	vpush v0, $0xD;
	[tilespmem:$0x10200] =	vst v63  }
0x8f: {  	s0 =	sadd.s32 s3, s29;
	s26 =	sand.u32 $0x1FFFFFF0, s30;
	s29 =	spop (v2sf)  }
0x90: {  	[tilespmem:s28], [sflag:$0x1] =	stream.linear.gather [hbm4b:s0+s2], $0x80, $0x38;
	(v2sf) =	vpush v0, $0xE;
	[tilespmem:$0x10200] =	vst v63  }
0x91: {  	s0 =	sadd.s32 s3, s23;
	s23 =	sand.u32 $0x1FFFFFF0, s29;
	s28 =	spop (v2sf)  }
0x92: {  	[tilespmem:s24], [sflag:$0x1] =	stream.linear.gather [hbm4b:s0+s2], $0x80, $0x38;
	(v2sf) =	vpush v0, $0xF;
	[tilespmem:$0x10200] =	vst v63  }
0x93: {  	s0 =	sadd.s32 s3, s26;
	s24 =	sand.u32 $0x1FFFFFF0, s28;
	s26 =	spop (v2sf)  }
0x94: {  	[tilespmem:s22], [sflag:$0x1] =	stream.linear.gather [hbm4b:s0+s2], $0x80, $0x38;
	[tilespmem:$0x10200] =	vst v63  }
0x95: {  	s0 =	sadd.s32 s3, s23;
	s22 =	sand.u32 $0x1FFFFFF0, s26;
	s23 =	spop (v2sf)  }
0x96: {  	[tilespmem:s25], [sflag:$0x1] =	stream.linear.gather [hbm4b:s0+s2], $0x80, $0x38;
	[tilespmem:$0x10200] =	vst v63  }
0x97: {  	s0 =	sadd.s32 s3, s24;
	s23 =	sand.u32 $0x1FFFFFF0, s23;
	s24 =	spop (v2sf)  }
0x98: {  	[tilespmem:s20], [sflag:$0x1] =	stream.linear.gather [hbm4b:s0+s2], $0x80, $0x38;
	[tilespmem:$0x10200] =	vst v63  }
0x99: {  	s0 =	sadd.s32 s3, s22;
	s20 =	sand.u32 $0x1FFFFFF0, s24;
	s22 =	spop (v2sf)  }
0x9a: {  	[tilespmem:s19], [sflag:$0x1] =	stream.linear.gather [hbm4b:s0+s2], $0x80, $0x38;
	[tilespmem:$0x10200] =	vst v63  }
0x9b: {  	s0 =	sadd.s32 s3, s23;
	s19 =	sand.u32 $0x1FFFFFF0, s22;
	s22 =	spop (v2sf)  }
0x9c: {  	[tilespmem:s21], [sflag:$0x1] =	stream.linear.gather [hbm4b:s0+s2], $0x80, $0x38;
	[tilespmem:$0x10200] =	vst v63  }
0x9d: {  	s0 =	sadd.s32 s3, s20;
	s20 =	sand.u32 $0x1FFFFFF0, s22;
	s21 =	spop (v2sf)  }
0x9e: {  	[tilespmem:s18], [sflag:$0x1] =	stream.linear.gather [hbm4b:s0+s2], $0x80, $0x38;
	[tilespmem:$0x10200] =	vst v63  }
0x9f: {  	s0 =	sadd.s32 s3, s19;
	s18 =	sand.u32 $0x1FFFFFF0, s21;
	s19 =	spop (v2sf)  }
0xa0: {  	[tilespmem:s17], [sflag:$0x1] =	stream.linear.gather [hbm4b:s0+s2], $0x80, $0x38;
	[tilespmem:$0x10200] =	vst v63  }
0xa1: {  	s0 =	sadd.s32 s3, s20;
	s17 =	sand.u32 $0x1FFFFFF0, s19;
	s19 =	spop (v2sf)  }
0xa2: {  	[tilespmem:s15], [sflag:$0x1] =	stream.linear.gather [hbm4b:s0+s2], $0x80, $0x38;
	[tilespmem:$0x10200] =	vst v63  }
0xa3: {  	s0 =	sadd.s32 s3, s18;
	s15 =	sand.u32 $0x1FFFFFF0, s19  }
0xa4: {  	[tilespmem:s16], [sflag:$0x1] =	stream.linear.gather [hbm4b:s0+s2], $0x80, $0x38;
	[tilespmem:$0x10200] =	vst v63  }
0xa5: {  	s0 =	sadd.s32 $0x2900, s12;
	s16 =	sadd.s32 s3, s17  }
0xa6: {  	[tilespmem:s0], [sflag:$0x1] =	stream.linear.gather [hbm4b:s16+s2], $0x80, $0x38;
	[tilespmem:$0x10200] =	vst v63  }
0xa7: {  	s0 =	sadd.s32 $0x2980, s12;
	s12 =	sadd.s32 s3, s15  }
0xa8: {  	[tilespmem:s0], [sflag:$0x1] =	stream.linear.gather [hbm4b:s12+s2], $0x80, $0x38;
	[tilespmem:$0x10200] =	vst v63  }
0xa9: {  	v0 =	vld [tilespmem:s11+$0x0];
	_ =	sdelay $0x4  }
0xaa: {  	v0 =	vshll.u32 v0, $0x4  }
0xab: {  	(v2sf) =	vpush v0, $0x0  }
0xac: {  	(v2sf) =	vpush v0, $0x1  }
0xad: {  	(v2sf) =	vpush v0, $0x2;
	_ =	sdelay $0x1  }
0xae: {  	(v2sf) =	vpush v0, $0x4  }
.Ltmp2:
0xaf: {  	(pc) =	sbr.rel @p0 .LBB2_6-.Ltmp2, $3  }
0xb0: {  	(v2sf) =	vpush v0, $0x3  }
0xb1: {  	(v2sf) =	vpush v0, $0x5;
	_ =	sdelay $0x1  }
0xb2: {  	s12 =	sshra.s32 s14, $0x2;
	(v2sf) =	vpush v0, $0x6  }
0xb3: {  	_ =	sdelay $0x1  }
0xb4: {  	s0 =	sadd.s32 $0x2280, s12;
	s14 =	sadd.s32 $0x2780, s12  }
0xb5: {  	s15 =	sadd.s32 $0x2580, s12;
	s11 =	sadd.s32 $0x2800, s12;
	(v2sf) =	vpush v0, $0x7;
	s16 =	sadd.s32 $0x2480, s12  }
0xb6: {  	s17 =	sadd.s32 $0x2600, s12;
	s13 =	sadd.s32 $0x2880, s12;
	s18 =	sadd.s32 $0x2200, s12  }
0xb7: {  	s19 =	sadd.s32 $0x2400, s12;
	s20 =	sadd.s32 $0x2500, s12;
	(v2sf) =	vpush v0, $0x8;
	s21 =	spop (v2sf)  }
0xb8: {  	s22 =	sadd.s32 $0x2300, s12;
	s21 =	sand.u32 $0x1FFFFFF0, s21;
	s23 =	spop (v2sf)  }
0xb9: {  	(v2sf) =	vpush v0, $0x9;
	s21 =	sadd.s32 s3, s21;
	s23 =	sand.u32 $0x1FFFFFF0, s23;
	s24 =	spop (v2sf)  }
0xba: {  	[tilespmem:s18], [sflag:$0x1] =	stream.linear.gather [hbm4b:s21+s2], $0x80, $0x38;
	[tilespmem:$0x10200] =	vst v63  }
0xbb: {  	s25 =	sadd.s32 $0x2380, s12;
	(v2sf) =	vpush v0, $0xA;
	s30 =	sadd.s32 s3, s23;
	s31 =	spop (v2sf)  }
0xbc: {  	[tilespmem:s0], [sflag:$0x1] =	stream.linear.gather [hbm4b:s30+s2], $0x80, $0x38;
	[tilespmem:$0x10200] =	vst v63  }
0xbd: {  	s18 =	sadd.s32 $0x2700, s12;
	s24 =	sand.u32 $0x1FFFFFF0, s24;
	(v2sf) =	vpush v0, $0xB;
	s26 =	spop (v2sf)  }
0xbe: {  	s21 =	sadd.s32 s3, s24;
	s0 =	sadd.s32 $0x2680, s12;
	s24 =	sand.u32 $0x1FFFFFF0, s26  }
0xbf: {  	(v2sf) =	vpush v0, $0xC;
	[tilespmem:s22], [sflag:$0x1] =	stream.linear.gather [hbm4b:s21+s2], $0x80, $0x38;
	[tilespmem:$0x10200] =	vst v63  }
0xc0: {  	s28 =	sand.u32 $0x1FFFFFF0, s31;
	s29 =	spop (v2sf);
	s30 =	sadd.s32 s3, s24  }
0xc1: {  	(v2sf) =	vpush v0, $0xD;
	[tilespmem:s25], [sflag:$0x1] =	stream.linear.gather [hbm4b:s30+s2], $0x80, $0x38;
	[tilespmem:$0x10200] =	vst v63  }
0xc2: {  	s21 =	sadd.s32 s3, s28;
	s22 =	sand.u32 $0x1FFFFFF0, s29;
	s31 =	spop (v2sf)  }
0xc3: {  	(v2sf) =	vpush v0, $0xE;
	[tilespmem:s19], [sflag:$0x1] =	stream.linear.gather [hbm4b:s21+s2], $0x80, $0x38;
	[tilespmem:$0x10200] =	vst v63  }
0xc4: {  	s22 =	sadd.s32 s3, s22;
	s23 =	sand.u32 $0x1FFFFFF0, s31;
	s24 =	spop (v2sf)  }
0xc5: {  	(v2sf) =	vpush v0, $0xF;
	[tilespmem:s16], [sflag:$0x1] =	stream.linear.gather [hbm4b:s22+s2], $0x80, $0x38;
	[tilespmem:$0x10200] =	vst v63  }
0xc6: {  	s25 =	sand.u32 $0x1FFFFFF0, s24;
	s26 =	spop (v2sf);
	s19 =	sadd.s32 s3, s23  }
0xc7: {  	[tilespmem:s20], [sflag:$0x1] =	stream.linear.gather [hbm4b:s19+s2], $0x80, $0x38;
	[tilespmem:$0x10200] =	vst v63  }
0xc8: {  	s28 =	sand.u32 $0x1FFFFFF0, s26;
	s16 =	sadd.s32 s3, s25;
	s29 =	spop (v2sf)  }
0xc9: {  	[tilespmem:s15], [sflag:$0x1] =	stream.linear.gather [hbm4b:s16+s2], $0x80, $0x38;
	[tilespmem:$0x10200] =	vst v63  }
0xca: {  	s19 =	sadd.s32 s3, s28;
	s30 =	sand.u32 $0x1FFFFFF0, s29;
	s31 =	spop (v2sf)  }
0xcb: {  	[tilespmem:s17], [sflag:$0x1] =	stream.linear.gather [hbm4b:s19+s2], $0x80, $0x38;
	[tilespmem:$0x10200] =	vst v63  }
0xcc: {  	s16 =	sand.u32 $0x1FFFFFF0, s31;
	s15 =	sadd.s32 s3, s30;
	s20 =	spop (v2sf)  }
0xcd: {  	[tilespmem:s0], [sflag:$0x1] =	stream.linear.gather [hbm4b:s15+s2], $0x80, $0x38;
	[tilespmem:$0x10200] =	vst v63  }
0xce: {  	s16 =	sadd.s32 s3, s16;
	s21 =	sand.u32 $0x1FFFFFF0, s20;
	s22 =	spop (v2sf)  }
0xcf: {  	[tilespmem:s18], [sflag:$0x1] =	stream.linear.gather [hbm4b:s16+s2], $0x80, $0x38;
	[tilespmem:$0x10200] =	vst v63  }
0xd0: {  	s0 =	sadd.s32 s3, s21;
	s15 =	sand.u32 $0x1FFFFFF0, s22;
	s23 =	spop (v2sf)  }
0xd1: {  	[tilespmem:s14], [sflag:$0x1] =	stream.linear.gather [hbm4b:s0+s2], $0x80, $0x38;
	[tilespmem:$0x10200] =	vst v63  }
0xd2: {  	s24 =	sand.u32 $0x1FFFFFF0, s23;
	s15 =	sadd.s32 s3, s15;
	s25 =	spop (v2sf)  }
0xd3: {  	[tilespmem:s11], [sflag:$0x1] =	stream.linear.gather [hbm4b:s15+s2], $0x80, $0x38;
	[tilespmem:$0x10200] =	vst v63  }
0xd4: {  	s26 =	sand.u32 $0x1FFFFFF0, s25;
	s28 =	spop (v2sf);
	s0 =	sadd.s32 s3, s24  }
0xd5: {  	[tilespmem:s13], [sflag:$0x1] =	stream.linear.gather [hbm4b:s0+s2], $0x80, $0x38;
	[tilespmem:$0x10200] =	vst v63  }
0xd6: {  	s30 =	sadd.s32 $0x2900, s12;
	s29 =	sand.u32 $0x1FFFFFF0, s28;
	s11 =	sadd.s32 s3, s26  }
0xd7: {  	[tilespmem:s30], [sflag:$0x1] =	stream.linear.gather [hbm4b:s11+s2], $0x80, $0x38;
	[tilespmem:$0x10200] =	vst v63  }
0xd8: {  	s31 =	sadd.s32 $0x2980, s12;
	s0 =	sadd.s32 s3, s29;
	s11 =	simm.s32 $0x40  }
0xd9: {  	[tilespmem:s31], [sflag:$0x1] =	stream.linear.gather [hbm4b:s0+s2], $0x80, $0x38;
	[tilespmem:$0x10200] =	vst v63  }
.LBB2_8:
0xda: {  	p0 =	sne.s32 s11, $0x1  }
.Ltmp3:
0xdb: {  	_ = 	snop;
	(pc) =	sbr.rel @p0 .LBB2_8-.Ltmp3, $4  }
0xdc: {  	_ = 	snop  }
0xdd: {  	_ =	swait.ge [sflag:s8], $0x80  }
0xde: {  	[sflag:s8] =	ssyncset.done $0x0  }
0xdf: {  	s11 =	sadd.s32 $0xFFFFFFFF, s11;
	[sflag:s8] =	ssyncadd.s32 $0xFFFFFF80  }
0xe0: {  	s12 =	simm.s32 $0x80  }
0xe1: {  	v0 =	vld [tilespmem:s12+$0x0];
	_ =	sdelay $0x4  }
0xe2: {  	v0 =	vshll.u32 v0, $0x4  }
0xe3: {  	(v2sf) =	vpush v0, $0x0  }
0xe4: {  	(v2sf) =	vpush v0, $0x1  }
0xe5: {  	(v2sf) =	vpush v0, $0x2;
	_ =	sdelay $0x1  }
0xe6: {  	(v2sf) =	vpush v0, $0x4;
	_ =	sdelay $0x1  }
0xe7: {  	(v2sf) =	vpush v0, $0x3  }
0xe8: {  	(v2sf) =	vpush v0, $0x5  }
0xe9: {  	s13 =	simm.s32 $0x2000;
	s11 =	simm.s32 $0x0;
	(v2sf) =	vpush v0, $0x6  }
.LBB2_10:
0xea: {  	p0 =	sne.s32 s13, $0x6000  }
0xeb: {  	s0 =	sadd.s32 $0x4280, s11;
	s17 =	sadd.s32 $0x4780, s11;
	s14 =	smov.u32 s13  }
0xec: {  	s13 =	sadd.s32 $0x2000, s13;
	s20 =	sadd.s32 $0x4580, s11;
	s15 =	sadd.s32 $0x4800, s11;
	(v2sf) =	vpush v0, $0x7  }
0xed: {  	s22 =	sadd.s32 $0x4480, s11;
	s19 =	sadd.s32 $0x4600, s11;
	s16 =	sadd.s32 $0x4880, s11  }
0xee: {  	s23 =	sadd.s32 $0x4200, s11;
	s24 =	sadd.s32 $0x4400, s11;
	(v2sf) =	vpush v0, $0x8  }
0xef: {  	s25 =	sadd.s32 $0x4500, s11;
	s12 =	sadd.s32 $0x10, s12  }
0xf0: {  	s26 =	sadd.s32 $0x4300, s11;
	s18 =	sadd.s32 $0x4700, s11;
	s21 =	spop (v2sf);
	(v2sf) =	vpush v0, $0x9  }
0xf1: {  	s28 =	sand.u32 $0x1FFFFFF0, s21;
	s21 =	sadd.s32 $0x4680, s11;
	s29 =	spop (v2sf)  }
0xf2: {  	s28 =	sadd.s32 s3, s28;
	s29 =	sand.u32 $0x1FFFFFF0, s29;
	s30 =	spop (v2sf);
	(v2sf) =	vpush v0, $0xA  }
0xf3: {  	[tilespmem:s23], [sflag:$0x1] =	stream.linear.gather [hbm4b:s28+s2], $0x80, $0x38;
	[tilespmem:$0x10200] =	vst v63  }
0xf4: {  	s23 =	sadd.s32 s3, s29;
	s28 =	sadd.s32 $0x4380, s11;
	s29 =	spop (v2sf);
	(v2sf) =	vpush v0, $0xB  }
0xf5: {  	[tilespmem:s0], [sflag:$0x1] =	stream.linear.gather [hbm4b:s23+s2], $0x80, $0x38;
	[tilespmem:$0x10200] =	vst v63  }
0xf6: {  	s0 =	sand.u32 $0x1FFFFFF0, s30;
	s23 =	sand.u32 $0x1FFFFFF0, s29;
	s29 =	spop (v2sf);
	(v2sf) =	vpush v0, $0xC  }
0xf7: {  	s0 =	sadd.s32 s3, s0;
	s29 =	sand.u32 $0x1FFFFFF0, s29;
	s30 =	spop (v2sf)  }
0xf8: {  	[tilespmem:s26], [sflag:$0x1] =	stream.linear.gather [hbm4b:s0+s2], $0x80, $0x38;
	(v2sf) =	vpush v0, $0xD;
	[tilespmem:$0x10200] =	vst v63  }
0xf9: {  	s0 =	sadd.s32 s3, s29;
	s26 =	sand.u32 $0x1FFFFFF0, s30;
	s29 =	spop (v2sf)  }
0xfa: {  	[tilespmem:s28], [sflag:$0x1] =	stream.linear.gather [hbm4b:s0+s2], $0x80, $0x38;
	(v2sf) =	vpush v0, $0xE;
	[tilespmem:$0x10200] =	vst v63  }
0xfb: {  	s0 =	sadd.s32 s3, s23;
	s23 =	sand.u32 $0x1FFFFFF0, s29;
	s28 =	spop (v2sf)  }
0xfc: {  	[tilespmem:s24], [sflag:$0x1] =	stream.linear.gather [hbm4b:s0+s2], $0x80, $0x38;
	(v2sf) =	vpush v0, $0xF;
	[tilespmem:$0x10200] =	vst v63  }
0xfd: {  	s0 =	sadd.s32 s3, s26;
	s24 =	sand.u32 $0x1FFFFFF0, s28;
	s26 =	spop (v2sf)  }
0xfe: {  	[tilespmem:s22], [sflag:$0x1] =	stream.linear.gather [hbm4b:s0+s2], $0x80, $0x38;
	[tilespmem:$0x10200] =	vst v63  }
0xff: {  	s0 =	sadd.s32 s3, s23;
	s22 =	sand.u32 $0x1FFFFFF0, s26;
	s23 =	spop (v2sf)  }
0x100: {  	[tilespmem:s25], [sflag:$0x1] =	stream.linear.gather [hbm4b:s0+s2], $0x80, $0x38;
	[tilespmem:$0x10200] =	vst v63  }
0x101: {  	s0 =	sadd.s32 s3, s24;
	s23 =	sand.u32 $0x1FFFFFF0, s23;
	s24 =	spop (v2sf)  }
0x102: {  	[tilespmem:s20], [sflag:$0x1] =	stream.linear.gather [hbm4b:s0+s2], $0x80, $0x38;
	[tilespmem:$0x10200] =	vst v63  }
0x103: {  	s0 =	sadd.s32 s3, s22;
	s20 =	sand.u32 $0x1FFFFFF0, s24;
	s22 =	spop (v2sf)  }
0x104: {  	[tilespmem:s19], [sflag:$0x1] =	stream.linear.gather [hbm4b:s0+s2], $0x80, $0x38;
	[tilespmem:$0x10200] =	vst v63  }
0x105: {  	s0 =	sadd.s32 s3, s23;
	s19 =	sand.u32 $0x1FFFFFF0, s22;
	s22 =	spop (v2sf)  }
0x106: {  	[tilespmem:s21], [sflag:$0x1] =	stream.linear.gather [hbm4b:s0+s2], $0x80, $0x38;
	[tilespmem:$0x10200] =	vst v63  }
0x107: {  	s0 =	sadd.s32 s3, s20;
	s20 =	sand.u32 $0x1FFFFFF0, s22;
	s21 =	spop (v2sf)  }
0x108: {  	[tilespmem:s18], [sflag:$0x1] =	stream.linear.gather [hbm4b:s0+s2], $0x80, $0x38;
	[tilespmem:$0x10200] =	vst v63  }
0x109: {  	s0 =	sadd.s32 s3, s19;
	s18 =	sand.u32 $0x1FFFFFF0, s21;
	s19 =	spop (v2sf)  }
0x10a: {  	[tilespmem:s17], [sflag:$0x1] =	stream.linear.gather [hbm4b:s0+s2], $0x80, $0x38;
	[tilespmem:$0x10200] =	vst v63  }
0x10b: {  	s0 =	sadd.s32 s3, s20;
	s17 =	sand.u32 $0x1FFFFFF0, s19;
	s19 =	spop (v2sf)  }
0x10c: {  	[tilespmem:s15], [sflag:$0x1] =	stream.linear.gather [hbm4b:s0+s2], $0x80, $0x38;
	[tilespmem:$0x10200] =	vst v63  }
0x10d: {  	s0 =	sadd.s32 s3, s18;
	s15 =	sand.u32 $0x1FFFFFF0, s19  }
0x10e: {  	[tilespmem:s16], [sflag:$0x1] =	stream.linear.gather [hbm4b:s0+s2], $0x80, $0x38;
	[tilespmem:$0x10200] =	vst v63  }
0x10f: {  	s0 =	sadd.s32 $0x4900, s11;
	s16 =	sadd.s32 s3, s17  }
0x110: {  	[tilespmem:s0], [sflag:$0x1] =	stream.linear.gather [hbm4b:s16+s2], $0x80, $0x38;
	[tilespmem:$0x10200] =	vst v63  }
0x111: {  	s0 =	sadd.s32 $0x4980, s11;
	s11 =	sadd.s32 s3, s15  }
0x112: {  	[tilespmem:s0], [sflag:$0x1] =	stream.linear.gather [hbm4b:s11+s2], $0x80, $0x38;
	[tilespmem:$0x10200] =	vst v63  }
0x113: {  	v0 =	vld [tilespmem:s12+$0x0];
	_ =	sdelay $0x4  }
0x114: {  	v0 =	vshll.u32 v0, $0x4  }
0x115: {  	(v2sf) =	vpush v0, $0x0  }
0x116: {  	(v2sf) =	vpush v0, $0x1  }
0x117: {  	(v2sf) =	vpush v0, $0x2;
	_ =	sdelay $0x1  }
0x118: {  	(v2sf) =	vpush v0, $0x4  }
.Ltmp4:
0x119: {  	(pc) =	sbr.rel @p0 .LBB2_10-.Ltmp4, $3  }
0x11a: {  	(v2sf) =	vpush v0, $0x3  }
0x11b: {  	(v2sf) =	vpush v0, $0x5;
	_ =	sdelay $0x1  }
0x11c: {  	s11 =	sshra.s32 s14, $0x2;
	(v2sf) =	vpush v0, $0x6  }
0x11d: {  	_ =	sdelay $0x1  }
0x11e: {  	s0 =	sadd.s32 $0x4280, s11;
	s14 =	sadd.s32 $0x4780, s11  }
0x11f: {  	s15 =	sadd.s32 $0x4580, s11;
	s12 =	sadd.s32 $0x4800, s11;
	(v2sf) =	vpush v0, $0x7;
	s16 =	sadd.s32 $0x4480, s11  }
0x120: {  	s17 =	sadd.s32 $0x4600, s11;
	s13 =	sadd.s32 $0x4880, s11;
	s18 =	sadd.s32 $0x4200, s11  }
0x121: {  	s19 =	sadd.s32 $0x4400, s11;
	s20 =	sadd.s32 $0x4500, s11;
	(v2sf) =	vpush v0, $0x8;
	s21 =	spop (v2sf)  }
0x122: {  	s22 =	sadd.s32 $0x4300, s11;
	s21 =	sand.u32 $0x1FFFFFF0, s21;
	s23 =	spop (v2sf)  }
0x123: {  	(v2sf) =	vpush v0, $0x9;
	s21 =	sadd.s32 s3, s21;
	s23 =	sand.u32 $0x1FFFFFF0, s23;
	s24 =	spop (v2sf)  }
0x124: {  	[tilespmem:s18], [sflag:$0x1] =	stream.linear.gather [hbm4b:s21+s2], $0x80, $0x38;
	[tilespmem:$0x10200] =	vst v63  }
0x125: {  	s25 =	sadd.s32 $0x4380, s11;
	(v2sf) =	vpush v0, $0xA;
	s30 =	sadd.s32 s3, s23;
	s31 =	spop (v2sf)  }
0x126: {  	[tilespmem:s0], [sflag:$0x1] =	stream.linear.gather [hbm4b:s30+s2], $0x80, $0x38;
	[tilespmem:$0x10200] =	vst v63  }
0x127: {  	s18 =	sadd.s32 $0x4700, s11;
	s24 =	sand.u32 $0x1FFFFFF0, s24;
	(v2sf) =	vpush v0, $0xB;
	s26 =	spop (v2sf)  }
0x128: {  	s21 =	sadd.s32 s3, s24;
	s0 =	sadd.s32 $0x4680, s11;
	s24 =	sand.u32 $0x1FFFFFF0, s26  }
0x129: {  	(v2sf) =	vpush v0, $0xC;
	[tilespmem:s22], [sflag:$0x1] =	stream.linear.gather [hbm4b:s21+s2], $0x80, $0x38;
	[tilespmem:$0x10200] =	vst v63  }
0x12a: {  	s28 =	sand.u32 $0x1FFFFFF0, s31;
	s29 =	spop (v2sf);
	s30 =	sadd.s32 s3, s24  }
0x12b: {  	(v2sf) =	vpush v0, $0xD;
	[tilespmem:s25], [sflag:$0x1] =	stream.linear.gather [hbm4b:s30+s2], $0x80, $0x38;
	[tilespmem:$0x10200] =	vst v63  }
0x12c: {  	s21 =	sadd.s32 s3, s28;
	s22 =	sand.u32 $0x1FFFFFF0, s29;
	s31 =	spop (v2sf)  }
0x12d: {  	(v2sf) =	vpush v0, $0xE;
	[tilespmem:s19], [sflag:$0x1] =	stream.linear.gather [hbm4b:s21+s2], $0x80, $0x38;
	[tilespmem:$0x10200] =	vst v63  }
0x12e: {  	s22 =	sadd.s32 s3, s22;
	s23 =	sand.u32 $0x1FFFFFF0, s31;
	s24 =	spop (v2sf)  }
0x12f: {  	(v2sf) =	vpush v0, $0xF;
	[tilespmem:s16], [sflag:$0x1] =	stream.linear.gather [hbm4b:s22+s2], $0x80, $0x38;
	[tilespmem:$0x10200] =	vst v63  }
0x130: {  	s25 =	sand.u32 $0x1FFFFFF0, s24;
	s26 =	spop (v2sf);
	s19 =	sadd.s32 s3, s23  }
0x131: {  	[tilespmem:s20], [sflag:$0x1] =	stream.linear.gather [hbm4b:s19+s2], $0x80, $0x38;
	[tilespmem:$0x10200] =	vst v63  }
0x132: {  	s28 =	sand.u32 $0x1FFFFFF0, s26;
	s16 =	sadd.s32 s3, s25;
	s29 =	spop (v2sf)  }
0x133: {  	[tilespmem:s15], [sflag:$0x1] =	stream.linear.gather [hbm4b:s16+s2], $0x80, $0x38;
	[tilespmem:$0x10200] =	vst v63  }
0x134: {  	s19 =	sadd.s32 s3, s28;
	s30 =	sand.u32 $0x1FFFFFF0, s29;
	s31 =	spop (v2sf)  }
0x135: {  	[tilespmem:s17], [sflag:$0x1] =	stream.linear.gather [hbm4b:s19+s2], $0x80, $0x38;
	[tilespmem:$0x10200] =	vst v63  }
0x136: {  	s16 =	sand.u32 $0x1FFFFFF0, s31;
	s15 =	sadd.s32 s3, s30;
	s20 =	spop (v2sf)  }
0x137: {  	[tilespmem:s0], [sflag:$0x1] =	stream.linear.gather [hbm4b:s15+s2], $0x80, $0x38;
	[tilespmem:$0x10200] =	vst v63  }
0x138: {  	s16 =	sadd.s32 s3, s16;
	s21 =	sand.u32 $0x1FFFFFF0, s20;
	s22 =	spop (v2sf)  }
0x139: {  	[tilespmem:s18], [sflag:$0x1] =	stream.linear.gather [hbm4b:s16+s2], $0x80, $0x38;
	[tilespmem:$0x10200] =	vst v63  }
0x13a: {  	s0 =	sadd.s32 s3, s21;
	s15 =	sand.u32 $0x1FFFFFF0, s22;
	s23 =	spop (v2sf)  }
0x13b: {  	[tilespmem:s14], [sflag:$0x1] =	stream.linear.gather [hbm4b:s0+s2], $0x80, $0x38;
	[tilespmem:$0x10200] =	vst v63  }
0x13c: {  	s24 =	sand.u32 $0x1FFFFFF0, s23;
	s15 =	sadd.s32 s3, s15;
	s25 =	spop (v2sf)  }
0x13d: {  	[tilespmem:s12], [sflag:$0x1] =	stream.linear.gather [hbm4b:s15+s2], $0x80, $0x38;
	[tilespmem:$0x10200] =	vst v63  }
0x13e: {  	s26 =	sand.u32 $0x1FFFFFF0, s25;
	s28 =	spop (v2sf);
	s0 =	sadd.s32 s3, s24  }
0x13f: {  	[tilespmem:s13], [sflag:$0x1] =	stream.linear.gather [hbm4b:s0+s2], $0x80, $0x38;
	[tilespmem:$0x10200] =	vst v63  }
0x140: {  	s30 =	sadd.s32 $0x4900, s11;
	s29 =	sand.u32 $0x1FFFFFF0, s28;
	s12 =	sadd.s32 s3, s26  }
0x141: {  	[tilespmem:s30], [sflag:$0x1] =	stream.linear.gather [hbm4b:s12+s2], $0x80, $0x38;
	[tilespmem:$0x10200] =	vst v63  }
0x142: {  	s31 =	sadd.s32 $0x4980, s11;
	s11 =	simm.s32 $0x40;
	s0 =	sadd.s32 s3, s29  }
0x143: {  	[tilespmem:s31], [sflag:$0x1] =	stream.linear.gather [hbm4b:s0+s2], $0x80, $0x38;
	[tilespmem:$0x10200] =	vst v63  }
.LBB2_12:
0x144: {  	p0 =	sne.s32 s11, $0x1  }
.Ltmp5:
0x145: {  	_ = 	snop;
	(pc) =	sbr.rel @p0 .LBB2_12-.Ltmp5, $4  }
0x146: {  	_ = 	snop  }
0x147: {  	_ =	swait.ge [sflag:s8], $0x80  }
0x148: {  	[sflag:s8] =	ssyncset.done $0x0  }
0x149: {  	s11 =	sadd.s32 $0xFFFFFFFF, s11;
	[sflag:s8] =	ssyncadd.s32 $0xFFFFFF80  }
0x14a: {  	s12 =	simm.s32 $0xC0  }
0x14b: {  	v0 =	vld [tilespmem:s12+$0x0];
	_ =	sdelay $0x4  }
0x14c: {  	v0 =	vshll.u32 v0, $0x4  }
0x14d: {  	(v2sf) =	vpush v0, $0x0  }
0x14e: {  	(v2sf) =	vpush v0, $0x1  }
0x14f: {  	(v2sf) =	vpush v0, $0x2;
	_ =	sdelay $0x1  }
0x150: {  	(v2sf) =	vpush v0, $0x4;
	_ =	sdelay $0x1  }
0x151: {  	(v2sf) =	vpush v0, $0x3  }
0x152: {  	(v2sf) =	vpush v0, $0x5  }
0x153: {  	s13 =	simm.s32 $0x2000;
	s11 =	simm.s32 $0x0;
	(v2sf) =	vpush v0, $0x6  }
.LBB2_14:
0x154: {  	p0 =	sne.s32 s13, $0x6000  }
0x155: {  	s0 =	sadd.s32 $0x6280, s11;
	s17 =	sadd.s32 $0x6780, s11;
	s14 =	smov.u32 s13  }
0x156: {  	s13 =	sadd.s32 $0x2000, s13;
	s20 =	sadd.s32 $0x6580, s11;
	s15 =	sadd.s32 $0x6800, s11;
	(v2sf) =	vpush v0, $0x7  }
0x157: {  	s22 =	sadd.s32 $0x6480, s11;
	s19 =	sadd.s32 $0x6600, s11;
	s16 =	sadd.s32 $0x6880, s11  }
0x158: {  	s23 =	sadd.s32 $0x6200, s11;
	s24 =	sadd.s32 $0x6400, s11;
	(v2sf) =	vpush v0, $0x8  }
0x159: {  	s25 =	sadd.s32 $0x6500, s11;
	s12 =	sadd.s32 $0x10, s12  }
0x15a: {  	s26 =	sadd.s32 $0x6300, s11;
	s18 =	sadd.s32 $0x6700, s11;
	s21 =	spop (v2sf);
	(v2sf) =	vpush v0, $0x9  }
0x15b: {  	s28 =	sand.u32 $0x1FFFFFF0, s21;
	s21 =	sadd.s32 $0x6680, s11;
	s29 =	spop (v2sf)  }
0x15c: {  	s28 =	sadd.s32 s3, s28;
	s29 =	sand.u32 $0x1FFFFFF0, s29;
	s30 =	spop (v2sf);
	(v2sf) =	vpush v0, $0xA  }
0x15d: {  	[tilespmem:s23], [sflag:$0x1] =	stream.linear.gather [hbm4b:s28+s2], $0x80, $0x38;
	[tilespmem:$0x10200] =	vst v63  }
0x15e: {  	s23 =	sadd.s32 s3, s29;
	s28 =	sadd.s32 $0x6380, s11;
	s29 =	spop (v2sf);
	(v2sf) =	vpush v0, $0xB  }
0x15f: {  	[tilespmem:s0], [sflag:$0x1] =	stream.linear.gather [hbm4b:s23+s2], $0x80, $0x38;
	[tilespmem:$0x10200] =	vst v63  }
0x160: {  	s0 =	sand.u32 $0x1FFFFFF0, s30;
	s23 =	sand.u32 $0x1FFFFFF0, s29;
	s29 =	spop (v2sf);
	(v2sf) =	vpush v0, $0xC  }
0x161: {  	s0 =	sadd.s32 s3, s0;
	s29 =	sand.u32 $0x1FFFFFF0, s29;
	s30 =	spop (v2sf)  }
0x162: {  	[tilespmem:s26], [sflag:$0x1] =	stream.linear.gather [hbm4b:s0+s2], $0x80, $0x38;
	(v2sf) =	vpush v0, $0xD;
	[tilespmem:$0x10200] =	vst v63  }
0x163: {  	s0 =	sadd.s32 s3, s29;
	s26 =	sand.u32 $0x1FFFFFF0, s30;
	s29 =	spop (v2sf)  }
0x164: {  	[tilespmem:s28], [sflag:$0x1] =	stream.linear.gather [hbm4b:s0+s2], $0x80, $0x38;
	(v2sf) =	vpush v0, $0xE;
	[tilespmem:$0x10200] =	vst v63  }
0x165: {  	s0 =	sadd.s32 s3, s23;
	s23 =	sand.u32 $0x1FFFFFF0, s29;
	s28 =	spop (v2sf)  }
0x166: {  	[tilespmem:s24], [sflag:$0x1] =	stream.linear.gather [hbm4b:s0+s2], $0x80, $0x38;
	(v2sf) =	vpush v0, $0xF;
	[tilespmem:$0x10200] =	vst v63  }
0x167: {  	s0 =	sadd.s32 s3, s26;
	s24 =	sand.u32 $0x1FFFFFF0, s28;
	s26 =	spop (v2sf)  }
0x168: {  	[tilespmem:s22], [sflag:$0x1] =	stream.linear.gather [hbm4b:s0+s2], $0x80, $0x38;
	[tilespmem:$0x10200] =	vst v63  }
0x169: {  	s0 =	sadd.s32 s3, s23;
	s22 =	sand.u32 $0x1FFFFFF0, s26;
	s23 =	spop (v2sf)  }
0x16a: {  	[tilespmem:s25], [sflag:$0x1] =	stream.linear.gather [hbm4b:s0+s2], $0x80, $0x38;
	[tilespmem:$0x10200] =	vst v63  }
0x16b: {  	s0 =	sadd.s32 s3, s24;
	s23 =	sand.u32 $0x1FFFFFF0, s23;
	s24 =	spop (v2sf)  }
0x16c: {  	[tilespmem:s20], [sflag:$0x1] =	stream.linear.gather [hbm4b:s0+s2], $0x80, $0x38;
	[tilespmem:$0x10200] =	vst v63  }
0x16d: {  	s0 =	sadd.s32 s3, s22;
	s20 =	sand.u32 $0x1FFFFFF0, s24;
	s22 =	spop (v2sf)  }
0x16e: {  	[tilespmem:s19], [sflag:$0x1] =	stream.linear.gather [hbm4b:s0+s2], $0x80, $0x38;
	[tilespmem:$0x10200] =	vst v63  }
0x16f: {  	s0 =	sadd.s32 s3, s23;
	s19 =	sand.u32 $0x1FFFFFF0, s22;
	s22 =	spop (v2sf)  }
0x170: {  	[tilespmem:s21], [sflag:$0x1] =	stream.linear.gather [hbm4b:s0+s2], $0x80, $0x38;
	[tilespmem:$0x10200] =	vst v63  }
0x171: {  	s0 =	sadd.s32 s3, s20;
	s20 =	sand.u32 $0x1FFFFFF0, s22;
	s21 =	spop (v2sf)  }
0x172: {  	[tilespmem:s18], [sflag:$0x1] =	stream.linear.gather [hbm4b:s0+s2], $0x80, $0x38;
	[tilespmem:$0x10200] =	vst v63  }
0x173: {  	s0 =	sadd.s32 s3, s19;
	s18 =	sand.u32 $0x1FFFFFF0, s21;
	s19 =	spop (v2sf)  }
0x174: {  	[tilespmem:s17], [sflag:$0x1] =	stream.linear.gather [hbm4b:s0+s2], $0x80, $0x38;
	[tilespmem:$0x10200] =	vst v63  }
0x175: {  	s0 =	sadd.s32 s3, s20;
	s17 =	sand.u32 $0x1FFFFFF0, s19;
	s19 =	spop (v2sf)  }
0x176: {  	[tilespmem:s15], [sflag:$0x1] =	stream.linear.gather [hbm4b:s0+s2], $0x80, $0x38;
	[tilespmem:$0x10200] =	vst v63  }
0x177: {  	s0 =	sadd.s32 s3, s18;
	s15 =	sand.u32 $0x1FFFFFF0, s19  }
0x178: {  	[tilespmem:s16], [sflag:$0x1] =	stream.linear.gather [hbm4b:s0+s2], $0x80, $0x38;
	[tilespmem:$0x10200] =	vst v63  }
0x179: {  	s0 =	sadd.s32 $0x6900, s11;
	s16 =	sadd.s32 s3, s17  }
0x17a: {  	[tilespmem:s0], [sflag:$0x1] =	stream.linear.gather [hbm4b:s16+s2], $0x80, $0x38;
	[tilespmem:$0x10200] =	vst v63  }
0x17b: {  	s0 =	sadd.s32 $0x6980, s11;
	s11 =	sadd.s32 s3, s15  }
0x17c: {  	[tilespmem:s0], [sflag:$0x1] =	stream.linear.gather [hbm4b:s11+s2], $0x80, $0x38;
	[tilespmem:$0x10200] =	vst v63  }
0x17d: {  	v0 =	vld [tilespmem:s12+$0x0];
	_ =	sdelay $0x4  }
0x17e: {  	v0 =	vshll.u32 v0, $0x4  }
0x17f: {  	(v2sf) =	vpush v0, $0x0  }
0x180: {  	(v2sf) =	vpush v0, $0x1  }
0x181: {  	(v2sf) =	vpush v0, $0x2;
	_ =	sdelay $0x1  }
0x182: {  	(v2sf) =	vpush v0, $0x4  }
.Ltmp6:
0x183: {  	(pc) =	sbr.rel @p0 .LBB2_14-.Ltmp6, $3  }
0x184: {  	(v2sf) =	vpush v0, $0x3  }
0x185: {  	(v2sf) =	vpush v0, $0x5;
	_ =	sdelay $0x1  }
0x186: {  	s11 =	sshra.s32 s14, $0x2;
	(v2sf) =	vpush v0, $0x6  }
0x187: {  	_ =	sdelay $0x1  }
0x188: {  	s0 =	sadd.s32 $0x6280, s11;
	s14 =	sadd.s32 $0x6780, s11  }
0x189: {  	s15 =	sadd.s32 $0x6580, s11;
	s12 =	sadd.s32 $0x6800, s11;
	(v2sf) =	vpush v0, $0x7;
	s16 =	sadd.s32 $0x6480, s11  }
0x18a: {  	s17 =	sadd.s32 $0x6600, s11;
	s13 =	sadd.s32 $0x6880, s11;
	s18 =	sadd.s32 $0x6200, s11  }
0x18b: {  	s19 =	sadd.s32 $0x6400, s11;
	s20 =	sadd.s32 $0x6500, s11;
	(v2sf) =	vpush v0, $0x8;
	s21 =	spop (v2sf)  }
0x18c: {  	s22 =	sadd.s32 $0x6300, s11;
	s21 =	sand.u32 $0x1FFFFFF0, s21;
	s23 =	spop (v2sf)  }
0x18d: {  	(v2sf) =	vpush v0, $0x9;
	s21 =	sadd.s32 s3, s21;
	s23 =	sand.u32 $0x1FFFFFF0, s23;
	s24 =	spop (v2sf)  }
0x18e: {  	[tilespmem:s18], [sflag:$0x1] =	stream.linear.gather [hbm4b:s21+s2], $0x80, $0x38;
	[tilespmem:$0x10200] =	vst v63  }
0x18f: {  	s25 =	sadd.s32 $0x6380, s11;
	(v2sf) =	vpush v0, $0xA;
	s30 =	sadd.s32 s3, s23;
	s31 =	spop (v2sf)  }
0x190: {  	[tilespmem:s0], [sflag:$0x1] =	stream.linear.gather [hbm4b:s30+s2], $0x80, $0x38;
	[tilespmem:$0x10200] =	vst v63  }
0x191: {  	s18 =	sadd.s32 $0x6700, s11;
	s24 =	sand.u32 $0x1FFFFFF0, s24;
	(v2sf) =	vpush v0, $0xB;
	s26 =	spop (v2sf)  }
0x192: {  	s21 =	sadd.s32 s3, s24;
	s0 =	sadd.s32 $0x6680, s11;
	s24 =	sand.u32 $0x1FFFFFF0, s26  }
0x193: {  	(v2sf) =	vpush v0, $0xC;
	[tilespmem:s22], [sflag:$0x1] =	stream.linear.gather [hbm4b:s21+s2], $0x80, $0x38;
	[tilespmem:$0x10200] =	vst v63  }
0x194: {  	s28 =	sand.u32 $0x1FFFFFF0, s31;
	s29 =	spop (v2sf);
	s30 =	sadd.s32 s3, s24  }
0x195: {  	(v2sf) =	vpush v0, $0xD;
	[tilespmem:s25], [sflag:$0x1] =	stream.linear.gather [hbm4b:s30+s2], $0x80, $0x38;
	[tilespmem:$0x10200] =	vst v63  }
0x196: {  	s21 =	sadd.s32 s3, s28;
	s22 =	sand.u32 $0x1FFFFFF0, s29;
	s31 =	spop (v2sf)  }
0x197: {  	(v2sf) =	vpush v0, $0xE;
	[tilespmem:s19], [sflag:$0x1] =	stream.linear.gather [hbm4b:s21+s2], $0x80, $0x38;
	[tilespmem:$0x10200] =	vst v63  }
0x198: {  	s22 =	sadd.s32 s3, s22;
	s23 =	sand.u32 $0x1FFFFFF0, s31;
	s24 =	spop (v2sf)  }
0x199: {  	(v2sf) =	vpush v0, $0xF;
	[tilespmem:s16], [sflag:$0x1] =	stream.linear.gather [hbm4b:s22+s2], $0x80, $0x38;
	[tilespmem:$0x10200] =	vst v63  }
0x19a: {  	s25 =	sand.u32 $0x1FFFFFF0, s24;
	s26 =	spop (v2sf);
	s19 =	sadd.s32 s3, s23  }
0x19b: {  	[tilespmem:s20], [sflag:$0x1] =	stream.linear.gather [hbm4b:s19+s2], $0x80, $0x38;
	[tilespmem:$0x10200] =	vst v63  }
0x19c: {  	s28 =	sand.u32 $0x1FFFFFF0, s26;
	s16 =	sadd.s32 s3, s25;
	s29 =	spop (v2sf)  }
0x19d: {  	[tilespmem:s15], [sflag:$0x1] =	stream.linear.gather [hbm4b:s16+s2], $0x80, $0x38;
	[tilespmem:$0x10200] =	vst v63  }
0x19e: {  	s19 =	sadd.s32 s3, s28;
	s30 =	sand.u32 $0x1FFFFFF0, s29;
	s31 =	spop (v2sf)  }
0x19f: {  	[tilespmem:s17], [sflag:$0x1] =	stream.linear.gather [hbm4b:s19+s2], $0x80, $0x38;
	[tilespmem:$0x10200] =	vst v63  }
0x1a0: {  	s16 =	sand.u32 $0x1FFFFFF0, s31;
	s15 =	sadd.s32 s3, s30;
	s20 =	spop (v2sf)  }
0x1a1: {  	[tilespmem:s0], [sflag:$0x1] =	stream.linear.gather [hbm4b:s15+s2], $0x80, $0x38;
	[tilespmem:$0x10200] =	vst v63  }
0x1a2: {  	s16 =	sadd.s32 s3, s16;
	s21 =	sand.u32 $0x1FFFFFF0, s20;
	s22 =	spop (v2sf)  }
0x1a3: {  	[tilespmem:s18], [sflag:$0x1] =	stream.linear.gather [hbm4b:s16+s2], $0x80, $0x38;
	[tilespmem:$0x10200] =	vst v63  }
0x1a4: {  	s0 =	sadd.s32 s3, s21;
	s15 =	sand.u32 $0x1FFFFFF0, s22;
	s23 =	spop (v2sf)  }
0x1a5: {  	[tilespmem:s14], [sflag:$0x1] =	stream.linear.gather [hbm4b:s0+s2], $0x80, $0x38;
	[tilespmem:$0x10200] =	vst v63  }
0x1a6: {  	s24 =	sand.u32 $0x1FFFFFF0, s23;
	s15 =	sadd.s32 s3, s15;
	s25 =	spop (v2sf)  }
0x1a7: {  	[tilespmem:s12], [sflag:$0x1] =	stream.linear.gather [hbm4b:s15+s2], $0x80, $0x38;
	[tilespmem:$0x10200] =	vst v63  }
0x1a8: {  	s26 =	sand.u32 $0x1FFFFFF0, s25;
	s28 =	spop (v2sf);
	s0 =	sadd.s32 s3, s24  }
0x1a9: {  	[tilespmem:s13], [sflag:$0x1] =	stream.linear.gather [hbm4b:s0+s2], $0x80, $0x38;
	[tilespmem:$0x10200] =	vst v63  }
0x1aa: {  	s30 =	sadd.s32 $0x6900, s11;
	s29 =	sand.u32 $0x1FFFFFF0, s28;
	s12 =	sadd.s32 s3, s26  }
0x1ab: {  	[tilespmem:s30], [sflag:$0x1] =	stream.linear.gather [hbm4b:s12+s2], $0x80, $0x38;
	[tilespmem:$0x10200] =	vst v63  }
0x1ac: {  	s31 =	sadd.s32 $0x6980, s11;
	s11 =	simm.s32 $0x40;
	s0 =	sadd.s32 s3, s29  }
0x1ad: {  	[tilespmem:s31], [sflag:$0x1] =	stream.linear.gather [hbm4b:s0+s2], $0x80, $0x38;
	[tilespmem:$0x10200] =	vst v63  }
.LBB2_16:
0x1ae: {  	p0 =	sne.s32 s11, $0x1  }
.Ltmp7:
0x1af: {  	_ = 	snop;
	(pc) =	sbr.rel @p0 .LBB2_16-.Ltmp7, $4  }
0x1b0: {  	_ = 	snop  }
0x1b1: {  	_ =	swait.ge [sflag:s8], $0x80  }
0x1b2: {  	[sflag:s8] =	ssyncset.done $0x0  }
0x1b3: {  	s11 =	sadd.s32 $0xFFFFFFFF, s11;
	[sflag:s8] =	ssyncadd.s32 $0xFFFFFF80  }
0x1b4: {  	s12 =	simm.s32 $0x100  }
0x1b5: {  	v0 =	vld [tilespmem:s12+$0x0];
	_ =	sdelay $0x4  }
0x1b6: {  	v0 =	vshll.u32 v0, $0x4  }
0x1b7: {  	(v2sf) =	vpush v0, $0x0  }
0x1b8: {  	(v2sf) =	vpush v0, $0x1  }
0x1b9: {  	(v2sf) =	vpush v0, $0x2;
	_ =	sdelay $0x1  }
0x1ba: {  	(v2sf) =	vpush v0, $0x4;
	_ =	sdelay $0x1  }
0x1bb: {  	(v2sf) =	vpush v0, $0x3  }
0x1bc: {  	(v2sf) =	vpush v0, $0x5  }
0x1bd: {  	s13 =	simm.s32 $0x2000;
	s11 =	simm.s32 $0x0;
	(v2sf) =	vpush v0, $0x6  }
.LBB2_18:
0x1be: {  	p0 =	sne.s32 s13, $0x6000  }
0x1bf: {  	s0 =	sadd.s32 $0x8280, s11;
	s17 =	sadd.s32 $0x8780, s11;
	s14 =	smov.u32 s13  }
0x1c0: {  	s13 =	sadd.s32 $0x2000, s13;
	s20 =	sadd.s32 $0x8580, s11;
	s15 =	sadd.s32 $0x8800, s11;
	(v2sf) =	vpush v0, $0x7  }
0x1c1: {  	s22 =	sadd.s32 $0x8480, s11;
	s19 =	sadd.s32 $0x8600, s11;
	s16 =	sadd.s32 $0x8880, s11  }
0x1c2: {  	s23 =	sadd.s32 $0x8200, s11;
	s24 =	sadd.s32 $0x8400, s11;
	(v2sf) =	vpush v0, $0x8  }
0x1c3: {  	s25 =	sadd.s32 $0x8500, s11;
	s12 =	sadd.s32 $0x10, s12  }
0x1c4: {  	s26 =	sadd.s32 $0x8300, s11;
	s18 =	sadd.s32 $0x8700, s11;
	s21 =	spop (v2sf);
	(v2sf) =	vpush v0, $0x9  }
0x1c5: {  	s28 =	sand.u32 $0x1FFFFFF0, s21;
	s21 =	sadd.s32 $0x8680, s11;
	s29 =	spop (v2sf)  }
0x1c6: {  	s28 =	sadd.s32 s3, s28;
	s29 =	sand.u32 $0x1FFFFFF0, s29;
	s30 =	spop (v2sf);
	(v2sf) =	vpush v0, $0xA  }
0x1c7: {  	[tilespmem:s23], [sflag:$0x1] =	stream.linear.gather [hbm4b:s28+s2], $0x80, $0x38;
	[tilespmem:$0x10200] =	vst v63  }
0x1c8: {  	s23 =	sadd.s32 s3, s29;
	s28 =	sadd.s32 $0x8380, s11;
	s29 =	spop (v2sf);
	(v2sf) =	vpush v0, $0xB  }
0x1c9: {  	[tilespmem:s0], [sflag:$0x1] =	stream.linear.gather [hbm4b:s23+s2], $0x80, $0x38;
	[tilespmem:$0x10200] =	vst v63  }
0x1ca: {  	s0 =	sand.u32 $0x1FFFFFF0, s30;
	s23 =	sand.u32 $0x1FFFFFF0, s29;
	s29 =	spop (v2sf);
	(v2sf) =	vpush v0, $0xC  }
0x1cb: {  	s0 =	sadd.s32 s3, s0;
	s29 =	sand.u32 $0x1FFFFFF0, s29;
	s30 =	spop (v2sf)  }
0x1cc: {  	[tilespmem:s26], [sflag:$0x1] =	stream.linear.gather [hbm4b:s0+s2], $0x80, $0x38;
	(v2sf) =	vpush v0, $0xD;
	[tilespmem:$0x10200] =	vst v63  }
0x1cd: {  	s0 =	sadd.s32 s3, s29;
	s26 =	sand.u32 $0x1FFFFFF0, s30;
	s29 =	spop (v2sf)  }
0x1ce: {  	[tilespmem:s28], [sflag:$0x1] =	stream.linear.gather [hbm4b:s0+s2], $0x80, $0x38;
	(v2sf) =	vpush v0, $0xE;
	[tilespmem:$0x10200] =	vst v63  }
0x1cf: {  	s0 =	sadd.s32 s3, s23;
	s23 =	sand.u32 $0x1FFFFFF0, s29;
	s28 =	spop (v2sf)  }
0x1d0: {  	[tilespmem:s24], [sflag:$0x1] =	stream.linear.gather [hbm4b:s0+s2], $0x80, $0x38;
	(v2sf) =	vpush v0, $0xF;
	[tilespmem:$0x10200] =	vst v63  }
0x1d1: {  	s0 =	sadd.s32 s3, s26;
	s24 =	sand.u32 $0x1FFFFFF0, s28;
	s26 =	spop (v2sf)  }
0x1d2: {  	[tilespmem:s22], [sflag:$0x1] =	stream.linear.gather [hbm4b:s0+s2], $0x80, $0x38;
	[tilespmem:$0x10200] =	vst v63  }
0x1d3: {  	s0 =	sadd.s32 s3, s23;
	s22 =	sand.u32 $0x1FFFFFF0, s26;
	s23 =	spop (v2sf)  }
0x1d4: {  	[tilespmem:s25], [sflag:$0x1] =	stream.linear.gather [hbm4b:s0+s2], $0x80, $0x38;
	[tilespmem:$0x10200] =	vst v63  }
0x1d5: {  	s0 =	sadd.s32 s3, s24;
	s23 =	sand.u32 $0x1FFFFFF0, s23;
	s24 =	spop (v2sf)  }
0x1d6: {  	[tilespmem:s20], [sflag:$0x1] =	stream.linear.gather [hbm4b:s0+s2], $0x80, $0x38;
	[tilespmem:$0x10200] =	vst v63  }
0x1d7: {  	s0 =	sadd.s32 s3, s22;
	s20 =	sand.u32 $0x1FFFFFF0, s24;
	s22 =	spop (v2sf)  }
0x1d8: {  	[tilespmem:s19], [sflag:$0x1] =	stream.linear.gather [hbm4b:s0+s2], $0x80, $0x38;
	[tilespmem:$0x10200] =	vst v63  }
0x1d9: {  	s0 =	sadd.s32 s3, s23;
	s19 =	sand.u32 $0x1FFFFFF0, s22;
	s22 =	spop (v2sf)  }
0x1da: {  	[tilespmem:s21], [sflag:$0x1] =	stream.linear.gather [hbm4b:s0+s2], $0x80, $0x38;
	[tilespmem:$0x10200] =	vst v63  }
0x1db: {  	s0 =	sadd.s32 s3, s20;
	s20 =	sand.u32 $0x1FFFFFF0, s22;
	s21 =	spop (v2sf)  }
0x1dc: {  	[tilespmem:s18], [sflag:$0x1] =	stream.linear.gather [hbm4b:s0+s2], $0x80, $0x38;
	[tilespmem:$0x10200] =	vst v63  }
0x1dd: {  	s0 =	sadd.s32 s3, s19;
	s18 =	sand.u32 $0x1FFFFFF0, s21;
	s19 =	spop (v2sf)  }
0x1de: {  	[tilespmem:s17], [sflag:$0x1] =	stream.linear.gather [hbm4b:s0+s2], $0x80, $0x38;
	[tilespmem:$0x10200] =	vst v63  }
0x1df: {  	s0 =	sadd.s32 s3, s20;
	s17 =	sand.u32 $0x1FFFFFF0, s19;
	s19 =	spop (v2sf)  }
0x1e0: {  	[tilespmem:s15], [sflag:$0x1] =	stream.linear.gather [hbm4b:s0+s2], $0x80, $0x38;
	[tilespmem:$0x10200] =	vst v63  }
0x1e1: {  	s0 =	sadd.s32 s3, s18;
	s15 =	sand.u32 $0x1FFFFFF0, s19  }
0x1e2: {  	[tilespmem:s16], [sflag:$0x1] =	stream.linear.gather [hbm4b:s0+s2], $0x80, $0x38;
	[tilespmem:$0x10200] =	vst v63  }
0x1e3: {  	s0 =	sadd.s32 $0x8900, s11;
	s16 =	sadd.s32 s3, s17  }
0x1e4: {  	[tilespmem:s0], [sflag:$0x1] =	stream.linear.gather [hbm4b:s16+s2], $0x80, $0x38;
	[tilespmem:$0x10200] =	vst v63  }
0x1e5: {  	s0 =	sadd.s32 $0x8980, s11;
	s11 =	sadd.s32 s3, s15  }
0x1e6: {  	[tilespmem:s0], [sflag:$0x1] =	stream.linear.gather [hbm4b:s11+s2], $0x80, $0x38;
	[tilespmem:$0x10200] =	vst v63  }
0x1e7: {  	v0 =	vld [tilespmem:s12+$0x0];
	_ =	sdelay $0x4  }
0x1e8: {  	v0 =	vshll.u32 v0, $0x4  }
0x1e9: {  	(v2sf) =	vpush v0, $0x0  }
0x1ea: {  	(v2sf) =	vpush v0, $0x1  }
0x1eb: {  	(v2sf) =	vpush v0, $0x2;
	_ =	sdelay $0x1  }
0x1ec: {  	(v2sf) =	vpush v0, $0x4  }
.Ltmp8:
0x1ed: {  	(pc) =	sbr.rel @p0 .LBB2_18-.Ltmp8, $3  }
0x1ee: {  	(v2sf) =	vpush v0, $0x3  }
0x1ef: {  	(v2sf) =	vpush v0, $0x5;
	_ =	sdelay $0x1  }
0x1f0: {  	s11 =	sshra.s32 s14, $0x2;
	(v2sf) =	vpush v0, $0x6  }
0x1f1: {  	_ =	sdelay $0x1  }
0x1f2: {  	s0 =	sadd.s32 $0x8280, s11;
	s14 =	sadd.s32 $0x8780, s11  }
0x1f3: {  	s15 =	sadd.s32 $0x8580, s11;
	s12 =	sadd.s32 $0x8800, s11;
	(v2sf) =	vpush v0, $0x7;
	s16 =	sadd.s32 $0x8480, s11  }
0x1f4: {  	s17 =	sadd.s32 $0x8600, s11;
	s13 =	sadd.s32 $0x8880, s11;
	s18 =	sadd.s32 $0x8200, s11  }
0x1f5: {  	s19 =	sadd.s32 $0x8400, s11;
	s20 =	sadd.s32 $0x8500, s11;
	(v2sf) =	vpush v0, $0x8;
	s21 =	spop (v2sf)  }
0x1f6: {  	s22 =	sadd.s32 $0x8300, s11;
	s21 =	sand.u32 $0x1FFFFFF0, s21;
	s23 =	spop (v2sf)  }
0x1f7: {  	(v2sf) =	vpush v0, $0x9;
	s21 =	sadd.s32 s3, s21;
	s23 =	sand.u32 $0x1FFFFFF0, s23;
	s24 =	spop (v2sf)  }
0x1f8: {  	[tilespmem:s18], [sflag:$0x1] =	stream.linear.gather [hbm4b:s21+s2], $0x80, $0x38;
	[tilespmem:$0x10200] =	vst v63  }
0x1f9: {  	s25 =	sadd.s32 $0x8380, s11;
	(v2sf) =	vpush v0, $0xA;
	s30 =	sadd.s32 s3, s23;
	s31 =	spop (v2sf)  }
0x1fa: {  	[tilespmem:s0], [sflag:$0x1] =	stream.linear.gather [hbm4b:s30+s2], $0x80, $0x38;
	[tilespmem:$0x10200] =	vst v63  }
0x1fb: {  	s18 =	sadd.s32 $0x8700, s11;
	s24 =	sand.u32 $0x1FFFFFF0, s24;
	(v2sf) =	vpush v0, $0xB;
	s26 =	spop (v2sf)  }
0x1fc: {  	s21 =	sadd.s32 s3, s24;
	s0 =	sadd.s32 $0x8680, s11;
	s24 =	sand.u32 $0x1FFFFFF0, s26  }
0x1fd: {  	(v2sf) =	vpush v0, $0xC;
	[tilespmem:s22], [sflag:$0x1] =	stream.linear.gather [hbm4b:s21+s2], $0x80, $0x38;
	[tilespmem:$0x10200] =	vst v63  }
0x1fe: {  	s28 =	sand.u32 $0x1FFFFFF0, s31;
	s29 =	spop (v2sf);
	s30 =	sadd.s32 s3, s24  }
0x1ff: {  	(v2sf) =	vpush v0, $0xD;
	[tilespmem:s25], [sflag:$0x1] =	stream.linear.gather [hbm4b:s30+s2], $0x80, $0x38;
	[tilespmem:$0x10200] =	vst v63  }
0x200: {  	s21 =	sadd.s32 s3, s28;
	s22 =	sand.u32 $0x1FFFFFF0, s29;
	s31 =	spop (v2sf)  }
0x201: {  	(v2sf) =	vpush v0, $0xE;
	[tilespmem:s19], [sflag:$0x1] =	stream.linear.gather [hbm4b:s21+s2], $0x80, $0x38;
	[tilespmem:$0x10200] =	vst v63  }
0x202: {  	s22 =	sadd.s32 s3, s22;
	s23 =	sand.u32 $0x1FFFFFF0, s31;
	s24 =	spop (v2sf)  }
0x203: {  	(v2sf) =	vpush v0, $0xF;
	[tilespmem:s16], [sflag:$0x1] =	stream.linear.gather [hbm4b:s22+s2], $0x80, $0x38;
	[tilespmem:$0x10200] =	vst v63  }
0x204: {  	s25 =	sand.u32 $0x1FFFFFF0, s24;
	s26 =	spop (v2sf);
	s19 =	sadd.s32 s3, s23  }
0x205: {  	[tilespmem:s20], [sflag:$0x1] =	stream.linear.gather [hbm4b:s19+s2], $0x80, $0x38;
	[tilespmem:$0x10200] =	vst v63  }
0x206: {  	s28 =	sand.u32 $0x1FFFFFF0, s26;
	s16 =	sadd.s32 s3, s25;
	s29 =	spop (v2sf)  }
0x207: {  	[tilespmem:s15], [sflag:$0x1] =	stream.linear.gather [hbm4b:s16+s2], $0x80, $0x38;
	[tilespmem:$0x10200] =	vst v63  }
0x208: {  	s19 =	sadd.s32 s3, s28;
	s30 =	sand.u32 $0x1FFFFFF0, s29;
	s31 =	spop (v2sf)  }
0x209: {  	[tilespmem:s17], [sflag:$0x1] =	stream.linear.gather [hbm4b:s19+s2], $0x80, $0x38;
	[tilespmem:$0x10200] =	vst v63  }
0x20a: {  	s16 =	sand.u32 $0x1FFFFFF0, s31;
	s15 =	sadd.s32 s3, s30;
	s20 =	spop (v2sf)  }
0x20b: {  	[tilespmem:s0], [sflag:$0x1] =	stream.linear.gather [hbm4b:s15+s2], $0x80, $0x38;
	[tilespmem:$0x10200] =	vst v63  }
0x20c: {  	s16 =	sadd.s32 s3, s16;
	s21 =	sand.u32 $0x1FFFFFF0, s20;
	s22 =	spop (v2sf)  }
0x20d: {  	[tilespmem:s18], [sflag:$0x1] =	stream.linear.gather [hbm4b:s16+s2], $0x80, $0x38;
	[tilespmem:$0x10200] =	vst v63  }
0x20e: {  	s0 =	sadd.s32 s3, s21;
	s15 =	sand.u32 $0x1FFFFFF0, s22;
	s23 =	spop (v2sf)  }
0x20f: {  	[tilespmem:s14], [sflag:$0x1] =	stream.linear.gather [hbm4b:s0+s2], $0x80, $0x38;
	[tilespmem:$0x10200] =	vst v63  }
0x210: {  	s24 =	sand.u32 $0x1FFFFFF0, s23;
	s15 =	sadd.s32 s3, s15;
	s25 =	spop (v2sf)  }
0x211: {  	[tilespmem:s12], [sflag:$0x1] =	stream.linear.gather [hbm4b:s15+s2], $0x80, $0x38;
	[tilespmem:$0x10200] =	vst v63  }
0x212: {  	s26 =	sand.u32 $0x1FFFFFF0, s25;
	s28 =	spop (v2sf);
	s0 =	sadd.s32 s3, s24  }
0x213: {  	[tilespmem:s13], [sflag:$0x1] =	stream.linear.gather [hbm4b:s0+s2], $0x80, $0x38;
	[tilespmem:$0x10200] =	vst v63  }
0x214: {  	s30 =	sadd.s32 $0x8900, s11;
	s29 =	sand.u32 $0x1FFFFFF0, s28;
	s12 =	sadd.s32 s3, s26  }
0x215: {  	[tilespmem:s30], [sflag:$0x1] =	stream.linear.gather [hbm4b:s12+s2], $0x80, $0x38;
	[tilespmem:$0x10200] =	vst v63  }
0x216: {  	s31 =	sadd.s32 $0x8980, s11;
	s11 =	simm.s32 $0x40;
	s0 =	sadd.s32 s3, s29  }
0x217: {  	[tilespmem:s31], [sflag:$0x1] =	stream.linear.gather [hbm4b:s0+s2], $0x80, $0x38;
	[tilespmem:$0x10200] =	vst v63  }
.LBB2_20:
0x218: {  	p0 =	sne.s32 s11, $0x1  }
.Ltmp9:
0x219: {  	_ = 	snop;
	(pc) =	sbr.rel @p0 .LBB2_20-.Ltmp9, $4  }
0x21a: {  	_ = 	snop  }
0x21b: {  	_ =	swait.ge [sflag:s8], $0x80  }
0x21c: {  	[sflag:s8] =	ssyncset.done $0x0  }
0x21d: {  	s11 =	sadd.s32 $0xFFFFFFFF, s11;
	[sflag:s8] =	ssyncadd.s32 $0xFFFFFF80  }
0x21e: {  	s12 =	simm.s32 $0x140  }
0x21f: {  	v0 =	vld [tilespmem:s12+$0x0];
	_ =	sdelay $0x4  }
0x220: {  	v0 =	vshll.u32 v0, $0x4  }
0x221: {  	(v2sf) =	vpush v0, $0x0  }
0x222: {  	(v2sf) =	vpush v0, $0x1  }
0x223: {  	(v2sf) =	vpush v0, $0x2;
	_ =	sdelay $0x1  }
0x224: {  	(v2sf) =	vpush v0, $0x4;
	_ =	sdelay $0x1  }
0x225: {  	(v2sf) =	vpush v0, $0x3  }
0x226: {  	(v2sf) =	vpush v0, $0x5  }
0x227: {  	s13 =	simm.s32 $0x2000;
	s11 =	simm.s32 $0x0;
	(v2sf) =	vpush v0, $0x6  }
.LBB2_22:
0x228: {  	p0 =	sne.s32 s13, $0x6000  }
0x229: {  	s0 =	sadd.s32 $0xA280, s11;
	s17 =	sadd.s32 $0xA780, s11;
	s14 =	smov.u32 s13  }
0x22a: {  	s13 =	sadd.s32 $0x2000, s13;
	s20 =	sadd.s32 $0xA580, s11;
	s15 =	sadd.s32 $0xA800, s11;
	(v2sf) =	vpush v0, $0x7  }
0x22b: {  	s22 =	sadd.s32 $0xA480, s11;
	s19 =	sadd.s32 $0xA600, s11;
	s16 =	sadd.s32 $0xA880, s11  }
0x22c: {  	s23 =	sadd.s32 $0xA200, s11;
	s24 =	sadd.s32 $0xA400, s11;
	(v2sf) =	vpush v0, $0x8  }
0x22d: {  	s25 =	sadd.s32 $0xA500, s11;
	s12 =	sadd.s32 $0x10, s12  }
0x22e: {  	s26 =	sadd.s32 $0xA300, s11;
	s18 =	sadd.s32 $0xA700, s11;
	s21 =	spop (v2sf);
	(v2sf) =	vpush v0, $0x9  }
0x22f: {  	s28 =	sand.u32 $0x1FFFFFF0, s21;
	s21 =	sadd.s32 $0xA680, s11;
	s29 =	spop (v2sf)  }
0x230: {  	s28 =	sadd.s32 s3, s28;
	s29 =	sand.u32 $0x1FFFFFF0, s29;
	s30 =	spop (v2sf);
	(v2sf) =	vpush v0, $0xA  }
0x231: {  	[tilespmem:s23], [sflag:$0x1] =	stream.linear.gather [hbm4b:s28+s2], $0x80, $0x38;
	[tilespmem:$0x10200] =	vst v63  }
0x232: {  	s23 =	sadd.s32 s3, s29;
	s28 =	sadd.s32 $0xA380, s11;
	s29 =	spop (v2sf);
	(v2sf) =	vpush v0, $0xB  }
0x233: {  	[tilespmem:s0], [sflag:$0x1] =	stream.linear.gather [hbm4b:s23+s2], $0x80, $0x38;
	[tilespmem:$0x10200] =	vst v63  }
0x234: {  	s0 =	sand.u32 $0x1FFFFFF0, s30;
	s23 =	sand.u32 $0x1FFFFFF0, s29;
	s29 =	spop (v2sf);
	(v2sf) =	vpush v0, $0xC  }
0x235: {  	s0 =	sadd.s32 s3, s0;
	s29 =	sand.u32 $0x1FFFFFF0, s29;
	s30 =	spop (v2sf)  }
0x236: {  	[tilespmem:s26], [sflag:$0x1] =	stream.linear.gather [hbm4b:s0+s2], $0x80, $0x38;
	(v2sf) =	vpush v0, $0xD;
	[tilespmem:$0x10200] =	vst v63  }
0x237: {  	s0 =	sadd.s32 s3, s29;
	s26 =	sand.u32 $0x1FFFFFF0, s30;
	s29 =	spop (v2sf)  }
0x238: {  	[tilespmem:s28], [sflag:$0x1] =	stream.linear.gather [hbm4b:s0+s2], $0x80, $0x38;
	(v2sf) =	vpush v0, $0xE;
	[tilespmem:$0x10200] =	vst v63  }
0x239: {  	s0 =	sadd.s32 s3, s23;
	s23 =	sand.u32 $0x1FFFFFF0, s29;
	s28 =	spop (v2sf)  }
0x23a: {  	[tilespmem:s24], [sflag:$0x1] =	stream.linear.gather [hbm4b:s0+s2], $0x80, $0x38;
	(v2sf) =	vpush v0, $0xF;
	[tilespmem:$0x10200] =	vst v63  }
0x23b: {  	s0 =	sadd.s32 s3, s26;
	s24 =	sand.u32 $0x1FFFFFF0, s28;
	s26 =	spop (v2sf)  }
0x23c: {  	[tilespmem:s22], [sflag:$0x1] =	stream.linear.gather [hbm4b:s0+s2], $0x80, $0x38;
	[tilespmem:$0x10200] =	vst v63  }
0x23d: {  	s0 =	sadd.s32 s3, s23;
	s22 =	sand.u32 $0x1FFFFFF0, s26;
	s23 =	spop (v2sf)  }
0x23e: {  	[tilespmem:s25], [sflag:$0x1] =	stream.linear.gather [hbm4b:s0+s2], $0x80, $0x38;
	[tilespmem:$0x10200] =	vst v63  }
0x23f: {  	s0 =	sadd.s32 s3, s24;
	s23 =	sand.u32 $0x1FFFFFF0, s23;
	s24 =	spop (v2sf)  }
0x240: {  	[tilespmem:s20], [sflag:$0x1] =	stream.linear.gather [hbm4b:s0+s2], $0x80, $0x38;
	[tilespmem:$0x10200] =	vst v63  }
0x241: {  	s0 =	sadd.s32 s3, s22;
	s20 =	sand.u32 $0x1FFFFFF0, s24;
	s22 =	spop (v2sf)  }
0x242: {  	[tilespmem:s19], [sflag:$0x1] =	stream.linear.gather [hbm4b:s0+s2], $0x80, $0x38;
	[tilespmem:$0x10200] =	vst v63  }
0x243: {  	s0 =	sadd.s32 s3, s23;
	s19 =	sand.u32 $0x1FFFFFF0, s22;
	s22 =	spop (v2sf)  }
0x244: {  	[tilespmem:s21], [sflag:$0x1] =	stream.linear.gather [hbm4b:s0+s2], $0x80, $0x38;
	[tilespmem:$0x10200] =	vst v63  }
0x245: {  	s0 =	sadd.s32 s3, s20;
	s20 =	sand.u32 $0x1FFFFFF0, s22;
	s21 =	spop (v2sf)  }
0x246: {  	[tilespmem:s18], [sflag:$0x1] =	stream.linear.gather [hbm4b:s0+s2], $0x80, $0x38;
	[tilespmem:$0x10200] =	vst v63  }
0x247: {  	s0 =	sadd.s32 s3, s19;
	s18 =	sand.u32 $0x1FFFFFF0, s21;
	s19 =	spop (v2sf)  }
0x248: {  	[tilespmem:s17], [sflag:$0x1] =	stream.linear.gather [hbm4b:s0+s2], $0x80, $0x38;
	[tilespmem:$0x10200] =	vst v63  }
0x249: {  	s0 =	sadd.s32 s3, s20;
	s17 =	sand.u32 $0x1FFFFFF0, s19;
	s19 =	spop (v2sf)  }
0x24a: {  	[tilespmem:s15], [sflag:$0x1] =	stream.linear.gather [hbm4b:s0+s2], $0x80, $0x38;
	[tilespmem:$0x10200] =	vst v63  }
0x24b: {  	s0 =	sadd.s32 s3, s18;
	s15 =	sand.u32 $0x1FFFFFF0, s19  }
0x24c: {  	[tilespmem:s16], [sflag:$0x1] =	stream.linear.gather [hbm4b:s0+s2], $0x80, $0x38;
	[tilespmem:$0x10200] =	vst v63  }
0x24d: {  	s0 =	sadd.s32 $0xA900, s11;
	s16 =	sadd.s32 s3, s17  }
0x24e: {  	[tilespmem:s0], [sflag:$0x1] =	stream.linear.gather [hbm4b:s16+s2], $0x80, $0x38;
	[tilespmem:$0x10200] =	vst v63  }
0x24f: {  	s0 =	sadd.s32 $0xA980, s11;
	s11 =	sadd.s32 s3, s15  }
0x250: {  	[tilespmem:s0], [sflag:$0x1] =	stream.linear.gather [hbm4b:s11+s2], $0x80, $0x38;
	[tilespmem:$0x10200] =	vst v63  }
0x251: {  	v0 =	vld [tilespmem:s12+$0x0];
	_ =	sdelay $0x4  }
0x252: {  	v0 =	vshll.u32 v0, $0x4  }
0x253: {  	(v2sf) =	vpush v0, $0x0  }
0x254: {  	(v2sf) =	vpush v0, $0x1  }
0x255: {  	(v2sf) =	vpush v0, $0x2;
	_ =	sdelay $0x1  }
0x256: {  	(v2sf) =	vpush v0, $0x4  }
.Ltmp10:
0x257: {  	(pc) =	sbr.rel @p0 .LBB2_22-.Ltmp10, $3  }
0x258: {  	(v2sf) =	vpush v0, $0x3  }
0x259: {  	(v2sf) =	vpush v0, $0x5;
	_ =	sdelay $0x1  }
0x25a: {  	s11 =	sshra.s32 s14, $0x2;
	(v2sf) =	vpush v0, $0x6  }
0x25b: {  	_ =	sdelay $0x1  }
0x25c: {  	s0 =	sadd.s32 $0xA280, s11;
	s14 =	sadd.s32 $0xA780, s11  }
0x25d: {  	s15 =	sadd.s32 $0xA580, s11;
	s12 =	sadd.s32 $0xA800, s11;
	(v2sf) =	vpush v0, $0x7;
	s16 =	sadd.s32 $0xA480, s11  }
0x25e: {  	s17 =	sadd.s32 $0xA600, s11;
	s13 =	sadd.s32 $0xA880, s11;
	s18 =	sadd.s32 $0xA200, s11  }
0x25f: {  	s19 =	sadd.s32 $0xA400, s11;
	s20 =	sadd.s32 $0xA500, s11;
	(v2sf) =	vpush v0, $0x8;
	s21 =	spop (v2sf)  }
0x260: {  	s22 =	sadd.s32 $0xA300, s11;
	s21 =	sand.u32 $0x1FFFFFF0, s21;
	s23 =	spop (v2sf)  }
0x261: {  	(v2sf) =	vpush v0, $0x9;
	s21 =	sadd.s32 s3, s21;
	s23 =	sand.u32 $0x1FFFFFF0, s23;
	s24 =	spop (v2sf)  }
0x262: {  	[tilespmem:s18], [sflag:$0x1] =	stream.linear.gather [hbm4b:s21+s2], $0x80, $0x38;
	[tilespmem:$0x10200] =	vst v63  }
0x263: {  	s25 =	sadd.s32 $0xA380, s11;
	(v2sf) =	vpush v0, $0xA;
	s30 =	sadd.s32 s3, s23;
	s31 =	spop (v2sf)  }
0x264: {  	[tilespmem:s0], [sflag:$0x1] =	stream.linear.gather [hbm4b:s30+s2], $0x80, $0x38;
	[tilespmem:$0x10200] =	vst v63  }
0x265: {  	s18 =	sadd.s32 $0xA700, s11;
	s24 =	sand.u32 $0x1FFFFFF0, s24;
	(v2sf) =	vpush v0, $0xB;
	s26 =	spop (v2sf)  }
0x266: {  	s21 =	sadd.s32 s3, s24;
	s0 =	sadd.s32 $0xA680, s11;
	s24 =	sand.u32 $0x1FFFFFF0, s26  }
0x267: {  	(v2sf) =	vpush v0, $0xC;
	[tilespmem:s22], [sflag:$0x1] =	stream.linear.gather [hbm4b:s21+s2], $0x80, $0x38;
	[tilespmem:$0x10200] =	vst v63  }
0x268: {  	s28 =	sand.u32 $0x1FFFFFF0, s31;
	s29 =	spop (v2sf);
	s30 =	sadd.s32 s3, s24  }
0x269: {  	(v2sf) =	vpush v0, $0xD;
	[tilespmem:s25], [sflag:$0x1] =	stream.linear.gather [hbm4b:s30+s2], $0x80, $0x38;
	[tilespmem:$0x10200] =	vst v63  }
0x26a: {  	s21 =	sadd.s32 s3, s28;
	s22 =	sand.u32 $0x1FFFFFF0, s29;
	s31 =	spop (v2sf)  }
0x26b: {  	(v2sf) =	vpush v0, $0xE;
	[tilespmem:s19], [sflag:$0x1] =	stream.linear.gather [hbm4b:s21+s2], $0x80, $0x38;
	[tilespmem:$0x10200] =	vst v63  }
0x26c: {  	s22 =	sadd.s32 s3, s22;
	s23 =	sand.u32 $0x1FFFFFF0, s31;
	s24 =	spop (v2sf)  }
0x26d: {  	(v2sf) =	vpush v0, $0xF;
	[tilespmem:s16], [sflag:$0x1] =	stream.linear.gather [hbm4b:s22+s2], $0x80, $0x38;
	[tilespmem:$0x10200] =	vst v63  }
0x26e: {  	s25 =	sand.u32 $0x1FFFFFF0, s24;
	s26 =	spop (v2sf);
	s19 =	sadd.s32 s3, s23  }
0x26f: {  	[tilespmem:s20], [sflag:$0x1] =	stream.linear.gather [hbm4b:s19+s2], $0x80, $0x38;
	[tilespmem:$0x10200] =	vst v63  }
0x270: {  	s28 =	sand.u32 $0x1FFFFFF0, s26;
	s16 =	sadd.s32 s3, s25;
	s29 =	spop (v2sf)  }
0x271: {  	[tilespmem:s15], [sflag:$0x1] =	stream.linear.gather [hbm4b:s16+s2], $0x80, $0x38;
	[tilespmem:$0x10200] =	vst v63  }
0x272: {  	s19 =	sadd.s32 s3, s28;
	s30 =	sand.u32 $0x1FFFFFF0, s29;
	s31 =	spop (v2sf)  }
0x273: {  	[tilespmem:s17], [sflag:$0x1] =	stream.linear.gather [hbm4b:s19+s2], $0x80, $0x38;
	[tilespmem:$0x10200] =	vst v63  }
0x274: {  	s16 =	sand.u32 $0x1FFFFFF0, s31;
	s15 =	sadd.s32 s3, s30;
	s20 =	spop (v2sf)  }
0x275: {  	[tilespmem:s0], [sflag:$0x1] =	stream.linear.gather [hbm4b:s15+s2], $0x80, $0x38;
	[tilespmem:$0x10200] =	vst v63  }
0x276: {  	s16 =	sadd.s32 s3, s16;
	s21 =	sand.u32 $0x1FFFFFF0, s20;
	s22 =	spop (v2sf)  }
0x277: {  	[tilespmem:s18], [sflag:$0x1] =	stream.linear.gather [hbm4b:s16+s2], $0x80, $0x38;
	[tilespmem:$0x10200] =	vst v63  }
0x278: {  	s0 =	sadd.s32 s3, s21;
	s15 =	sand.u32 $0x1FFFFFF0, s22;
	s23 =	spop (v2sf)  }
0x279: {  	[tilespmem:s14], [sflag:$0x1] =	stream.linear.gather [hbm4b:s0+s2], $0x80, $0x38;
	[tilespmem:$0x10200] =	vst v63  }
0x27a: {  	s24 =	sand.u32 $0x1FFFFFF0, s23;
	s15 =	sadd.s32 s3, s15;
	s25 =	spop (v2sf)  }
0x27b: {  	[tilespmem:s12], [sflag:$0x1] =	stream.linear.gather [hbm4b:s15+s2], $0x80, $0x38;
	[tilespmem:$0x10200] =	vst v63  }
0x27c: {  	s26 =	sand.u32 $0x1FFFFFF0, s25;
	s28 =	spop (v2sf);
	s0 =	sadd.s32 s3, s24  }
0x27d: {  	[tilespmem:s13], [sflag:$0x1] =	stream.linear.gather [hbm4b:s0+s2], $0x80, $0x38;
	[tilespmem:$0x10200] =	vst v63  }
0x27e: {  	s30 =	sadd.s32 $0xA900, s11;
	s29 =	sand.u32 $0x1FFFFFF0, s28;
	s12 =	sadd.s32 s3, s26  }
0x27f: {  	[tilespmem:s30], [sflag:$0x1] =	stream.linear.gather [hbm4b:s12+s2], $0x80, $0x38;
	[tilespmem:$0x10200] =	vst v63  }
0x280: {  	s31 =	sadd.s32 $0xA980, s11;
	s11 =	simm.s32 $0x40;
	s0 =	sadd.s32 s3, s29  }
0x281: {  	[tilespmem:s31], [sflag:$0x1] =	stream.linear.gather [hbm4b:s0+s2], $0x80, $0x38;
	[tilespmem:$0x10200] =	vst v63  }
.LBB2_24:
0x282: {  	p0 =	sne.s32 s11, $0x1  }
.Ltmp11:
0x283: {  	_ = 	snop;
	(pc) =	sbr.rel @p0 .LBB2_24-.Ltmp11, $4  }
0x284: {  	_ = 	snop  }
0x285: {  	_ =	swait.ge [sflag:s8], $0x80  }
0x286: {  	[sflag:s8] =	ssyncset.done $0x0  }
0x287: {  	s11 =	sadd.s32 $0xFFFFFFFF, s11;
	[sflag:s8] =	ssyncadd.s32 $0xFFFFFF80  }
0x288: {  	s12 =	simm.s32 $0x180  }
0x289: {  	v0 =	vld [tilespmem:s12+$0x0];
	_ =	sdelay $0x4  }
0x28a: {  	v0 =	vshll.u32 v0, $0x4  }
0x28b: {  	(v2sf) =	vpush v0, $0x0  }
0x28c: {  	(v2sf) =	vpush v0, $0x1  }
0x28d: {  	(v2sf) =	vpush v0, $0x2;
	_ =	sdelay $0x1  }
0x28e: {  	(v2sf) =	vpush v0, $0x4;
	_ =	sdelay $0x1  }
0x28f: {  	(v2sf) =	vpush v0, $0x3  }
0x290: {  	(v2sf) =	vpush v0, $0x5  }
0x291: {  	s13 =	simm.s32 $0x2000;
	s11 =	simm.s32 $0x0;
	(v2sf) =	vpush v0, $0x6  }
.LBB2_26:
0x292: {  	p0 =	sne.s32 s13, $0x6000  }
0x293: {  	s0 =	sadd.s32 $0xC280, s11;
	s17 =	sadd.s32 $0xC780, s11;
	s14 =	smov.u32 s13  }
0x294: {  	s13 =	sadd.s32 $0x2000, s13;
	s20 =	sadd.s32 $0xC580, s11;
	s15 =	sadd.s32 $0xC800, s11;
	(v2sf) =	vpush v0, $0x7  }
0x295: {  	s22 =	sadd.s32 $0xC480, s11;
	s19 =	sadd.s32 $0xC600, s11;
	s16 =	sadd.s32 $0xC880, s11  }
0x296: {  	s23 =	sadd.s32 $0xC200, s11;
	s24 =	sadd.s32 $0xC400, s11;
	(v2sf) =	vpush v0, $0x8  }
0x297: {  	s25 =	sadd.s32 $0xC500, s11;
	s12 =	sadd.s32 $0x10, s12  }
0x298: {  	s26 =	sadd.s32 $0xC300, s11;
	s18 =	sadd.s32 $0xC700, s11;
	s21 =	spop (v2sf);
	(v2sf) =	vpush v0, $0x9  }
0x299: {  	s28 =	sand.u32 $0x1FFFFFF0, s21;
	s21 =	sadd.s32 $0xC680, s11;
	s29 =	spop (v2sf)  }
0x29a: {  	s28 =	sadd.s32 s3, s28;
	s29 =	sand.u32 $0x1FFFFFF0, s29;
	s30 =	spop (v2sf);
	(v2sf) =	vpush v0, $0xA  }
0x29b: {  	[tilespmem:s23], [sflag:$0x1] =	stream.linear.gather [hbm4b:s28+s2], $0x80, $0x38;
	[tilespmem:$0x10200] =	vst v63  }
0x29c: {  	s23 =	sadd.s32 s3, s29;
	s28 =	sadd.s32 $0xC380, s11;
	s29 =	spop (v2sf);
	(v2sf) =	vpush v0, $0xB  }
0x29d: {  	[tilespmem:s0], [sflag:$0x1] =	stream.linear.gather [hbm4b:s23+s2], $0x80, $0x38;
	[tilespmem:$0x10200] =	vst v63  }
0x29e: {  	s0 =	sand.u32 $0x1FFFFFF0, s30;
	s23 =	sand.u32 $0x1FFFFFF0, s29;
	s29 =	spop (v2sf);
	(v2sf) =	vpush v0, $0xC  }
0x29f: {  	s0 =	sadd.s32 s3, s0;
	s29 =	sand.u32 $0x1FFFFFF0, s29;
	s30 =	spop (v2sf)  }
0x2a0: {  	[tilespmem:s26], [sflag:$0x1] =	stream.linear.gather [hbm4b:s0+s2], $0x80, $0x38;
	(v2sf) =	vpush v0, $0xD;
	[tilespmem:$0x10200] =	vst v63  }
0x2a1: {  	s0 =	sadd.s32 s3, s29;
	s26 =	sand.u32 $0x1FFFFFF0, s30;
	s29 =	spop (v2sf)  }
0x2a2: {  	[tilespmem:s28], [sflag:$0x1] =	stream.linear.gather [hbm4b:s0+s2], $0x80, $0x38;
	(v2sf) =	vpush v0, $0xE;
	[tilespmem:$0x10200] =	vst v63  }
0x2a3: {  	s0 =	sadd.s32 s3, s23;
	s23 =	sand.u32 $0x1FFFFFF0, s29;
	s28 =	spop (v2sf)  }
0x2a4: {  	[tilespmem:s24], [sflag:$0x1] =	stream.linear.gather [hbm4b:s0+s2], $0x80, $0x38;
	(v2sf) =	vpush v0, $0xF;
	[tilespmem:$0x10200] =	vst v63  }
0x2a5: {  	s0 =	sadd.s32 s3, s26;
	s24 =	sand.u32 $0x1FFFFFF0, s28;
	s26 =	spop (v2sf)  }
0x2a6: {  	[tilespmem:s22], [sflag:$0x1] =	stream.linear.gather [hbm4b:s0+s2], $0x80, $0x38;
	[tilespmem:$0x10200] =	vst v63  }
0x2a7: {  	s0 =	sadd.s32 s3, s23;
	s22 =	sand.u32 $0x1FFFFFF0, s26;
	s23 =	spop (v2sf)  }
0x2a8: {  	[tilespmem:s25], [sflag:$0x1] =	stream.linear.gather [hbm4b:s0+s2], $0x80, $0x38;
	[tilespmem:$0x10200] =	vst v63  }
0x2a9: {  	s0 =	sadd.s32 s3, s24;
	s23 =	sand.u32 $0x1FFFFFF0, s23;
	s24 =	spop (v2sf)  }
0x2aa: {  	[tilespmem:s20], [sflag:$0x1] =	stream.linear.gather [hbm4b:s0+s2], $0x80, $0x38;
	[tilespmem:$0x10200] =	vst v63  }
0x2ab: {  	s0 =	sadd.s32 s3, s22;
	s20 =	sand.u32 $0x1FFFFFF0, s24;
	s22 =	spop (v2sf)  }
0x2ac: {  	[tilespmem:s19], [sflag:$0x1] =	stream.linear.gather [hbm4b:s0+s2], $0x80, $0x38;
	[tilespmem:$0x10200] =	vst v63  }
0x2ad: {  	s0 =	sadd.s32 s3, s23;
	s19 =	sand.u32 $0x1FFFFFF0, s22;
	s22 =	spop (v2sf)  }
0x2ae: {  	[tilespmem:s21], [sflag:$0x1] =	stream.linear.gather [hbm4b:s0+s2], $0x80, $0x38;
	[tilespmem:$0x10200] =	vst v63  }
0x2af: {  	s0 =	sadd.s32 s3, s20;
	s20 =	sand.u32 $0x1FFFFFF0, s22;
	s21 =	spop (v2sf)  }
0x2b0: {  	[tilespmem:s18], [sflag:$0x1] =	stream.linear.gather [hbm4b:s0+s2], $0x80, $0x38;
	[tilespmem:$0x10200] =	vst v63  }
0x2b1: {  	s0 =	sadd.s32 s3, s19;
	s18 =	sand.u32 $0x1FFFFFF0, s21;
	s19 =	spop (v2sf)  }
0x2b2: {  	[tilespmem:s17], [sflag:$0x1] =	stream.linear.gather [hbm4b:s0+s2], $0x80, $0x38;
	[tilespmem:$0x10200] =	vst v63  }
0x2b3: {  	s0 =	sadd.s32 s3, s20;
	s17 =	sand.u32 $0x1FFFFFF0, s19;
	s19 =	spop (v2sf)  }
0x2b4: {  	[tilespmem:s15], [sflag:$0x1] =	stream.linear.gather [hbm4b:s0+s2], $0x80, $0x38;
	[tilespmem:$0x10200] =	vst v63  }
0x2b5: {  	s0 =	sadd.s32 s3, s18;
	s15 =	sand.u32 $0x1FFFFFF0, s19  }
0x2b6: {  	[tilespmem:s16], [sflag:$0x1] =	stream.linear.gather [hbm4b:s0+s2], $0x80, $0x38;
	[tilespmem:$0x10200] =	vst v63  }
0x2b7: {  	s0 =	sadd.s32 $0xC900, s11;
	s16 =	sadd.s32 s3, s17  }
0x2b8: {  	[tilespmem:s0], [sflag:$0x1] =	stream.linear.gather [hbm4b:s16+s2], $0x80, $0x38;
	[tilespmem:$0x10200] =	vst v63  }
0x2b9: {  	s0 =	sadd.s32 $0xC980, s11;
	s11 =	sadd.s32 s3, s15  }
0x2ba: {  	[tilespmem:s0], [sflag:$0x1] =	stream.linear.gather [hbm4b:s11+s2], $0x80, $0x38;
	[tilespmem:$0x10200] =	vst v63  }
0x2bb: {  	v0 =	vld [tilespmem:s12+$0x0];
	_ =	sdelay $0x4  }
0x2bc: {  	v0 =	vshll.u32 v0, $0x4  }
0x2bd: {  	(v2sf) =	vpush v0, $0x0  }
0x2be: {  	(v2sf) =	vpush v0, $0x1  }
0x2bf: {  	(v2sf) =	vpush v0, $0x2;
	_ =	sdelay $0x1  }
0x2c0: {  	(v2sf) =	vpush v0, $0x4  }
.Ltmp12:
0x2c1: {  	(pc) =	sbr.rel @p0 .LBB2_26-.Ltmp12, $3  }
0x2c2: {  	(v2sf) =	vpush v0, $0x3  }
0x2c3: {  	(v2sf) =	vpush v0, $0x5;
	_ =	sdelay $0x1  }
0x2c4: {  	s11 =	sshra.s32 s14, $0x2;
	(v2sf) =	vpush v0, $0x6  }
0x2c5: {  	_ =	sdelay $0x1  }
0x2c6: {  	s0 =	sadd.s32 $0xC280, s11;
	s14 =	sadd.s32 $0xC780, s11  }
0x2c7: {  	s15 =	sadd.s32 $0xC580, s11;
	s12 =	sadd.s32 $0xC800, s11;
	(v2sf) =	vpush v0, $0x7;
	s16 =	sadd.s32 $0xC480, s11  }
0x2c8: {  	s17 =	sadd.s32 $0xC600, s11;
	s13 =	sadd.s32 $0xC880, s11;
	s18 =	sadd.s32 $0xC200, s11  }
0x2c9: {  	s19 =	sadd.s32 $0xC400, s11;
	s20 =	sadd.s32 $0xC500, s11;
	(v2sf) =	vpush v0, $0x8;
	s21 =	spop (v2sf)  }
0x2ca: {  	s22 =	sadd.s32 $0xC300, s11;
	s21 =	sand.u32 $0x1FFFFFF0, s21;
	s23 =	spop (v2sf)  }
0x2cb: {  	(v2sf) =	vpush v0, $0x9;
	s21 =	sadd.s32 s3, s21;
	s23 =	sand.u32 $0x1FFFFFF0, s23;
	s24 =	spop (v2sf)  }
0x2cc: {  	[tilespmem:s18], [sflag:$0x1] =	stream.linear.gather [hbm4b:s21+s2], $0x80, $0x38;
	[tilespmem:$0x10200] =	vst v63  }
0x2cd: {  	s25 =	sadd.s32 $0xC380, s11;
	(v2sf) =	vpush v0, $0xA;
	s30 =	sadd.s32 s3, s23;
	s31 =	spop (v2sf)  }
0x2ce: {  	[tilespmem:s0], [sflag:$0x1] =	stream.linear.gather [hbm4b:s30+s2], $0x80, $0x38;
	[tilespmem:$0x10200] =	vst v63  }
0x2cf: {  	s18 =	sadd.s32 $0xC700, s11;
	s24 =	sand.u32 $0x1FFFFFF0, s24;
	(v2sf) =	vpush v0, $0xB;
	s26 =	spop (v2sf)  }
0x2d0: {  	s21 =	sadd.s32 s3, s24;
	s0 =	sadd.s32 $0xC680, s11;
	s24 =	sand.u32 $0x1FFFFFF0, s26  }
0x2d1: {  	(v2sf) =	vpush v0, $0xC;
	[tilespmem:s22], [sflag:$0x1] =	stream.linear.gather [hbm4b:s21+s2], $0x80, $0x38;
	[tilespmem:$0x10200] =	vst v63  }
0x2d2: {  	s28 =	sand.u32 $0x1FFFFFF0, s31;
	s29 =	spop (v2sf);
	s30 =	sadd.s32 s3, s24  }
0x2d3: {  	(v2sf) =	vpush v0, $0xD;
	[tilespmem:s25], [sflag:$0x1] =	stream.linear.gather [hbm4b:s30+s2], $0x80, $0x38;
	[tilespmem:$0x10200] =	vst v63  }
0x2d4: {  	s21 =	sadd.s32 s3, s28;
	s22 =	sand.u32 $0x1FFFFFF0, s29;
	s31 =	spop (v2sf)  }
0x2d5: {  	(v2sf) =	vpush v0, $0xE;
	[tilespmem:s19], [sflag:$0x1] =	stream.linear.gather [hbm4b:s21+s2], $0x80, $0x38;
	[tilespmem:$0x10200] =	vst v63  }
0x2d6: {  	s22 =	sadd.s32 s3, s22;
	s23 =	sand.u32 $0x1FFFFFF0, s31;
	s24 =	spop (v2sf)  }
0x2d7: {  	(v2sf) =	vpush v0, $0xF;
	[tilespmem:s16], [sflag:$0x1] =	stream.linear.gather [hbm4b:s22+s2], $0x80, $0x38;
	[tilespmem:$0x10200] =	vst v63  }
0x2d8: {  	s25 =	sand.u32 $0x1FFFFFF0, s24;
	s26 =	spop (v2sf);
	s19 =	sadd.s32 s3, s23  }
0x2d9: {  	[tilespmem:s20], [sflag:$0x1] =	stream.linear.gather [hbm4b:s19+s2], $0x80, $0x38;
	[tilespmem:$0x10200] =	vst v63  }
0x2da: {  	s28 =	sand.u32 $0x1FFFFFF0, s26;
	s16 =	sadd.s32 s3, s25;
	s29 =	spop (v2sf)  }
0x2db: {  	[tilespmem:s15], [sflag:$0x1] =	stream.linear.gather [hbm4b:s16+s2], $0x80, $0x38;
	[tilespmem:$0x10200] =	vst v63  }
0x2dc: {  	s19 =	sadd.s32 s3, s28;
	s30 =	sand.u32 $0x1FFFFFF0, s29;
	s31 =	spop (v2sf)  }
0x2dd: {  	[tilespmem:s17], [sflag:$0x1] =	stream.linear.gather [hbm4b:s19+s2], $0x80, $0x38;
	[tilespmem:$0x10200] =	vst v63  }
0x2de: {  	s16 =	sand.u32 $0x1FFFFFF0, s31;
	s15 =	sadd.s32 s3, s30;
	s20 =	spop (v2sf)  }
0x2df: {  	[tilespmem:s0], [sflag:$0x1] =	stream.linear.gather [hbm4b:s15+s2], $0x80, $0x38;
	[tilespmem:$0x10200] =	vst v63  }
0x2e0: {  	s16 =	sadd.s32 s3, s16;
	s21 =	sand.u32 $0x1FFFFFF0, s20;
	s22 =	spop (v2sf)  }
0x2e1: {  	[tilespmem:s18], [sflag:$0x1] =	stream.linear.gather [hbm4b:s16+s2], $0x80, $0x38;
	[tilespmem:$0x10200] =	vst v63  }
0x2e2: {  	s0 =	sadd.s32 s3, s21;
	s15 =	sand.u32 $0x1FFFFFF0, s22;
	s23 =	spop (v2sf)  }
0x2e3: {  	[tilespmem:s14], [sflag:$0x1] =	stream.linear.gather [hbm4b:s0+s2], $0x80, $0x38;
	[tilespmem:$0x10200] =	vst v63  }
0x2e4: {  	s24 =	sand.u32 $0x1FFFFFF0, s23;
	s15 =	sadd.s32 s3, s15;
	s25 =	spop (v2sf)  }
0x2e5: {  	[tilespmem:s12], [sflag:$0x1] =	stream.linear.gather [hbm4b:s15+s2], $0x80, $0x38;
	[tilespmem:$0x10200] =	vst v63  }
0x2e6: {  	s26 =	sand.u32 $0x1FFFFFF0, s25;
	s28 =	spop (v2sf);
	s0 =	sadd.s32 s3, s24  }
0x2e7: {  	[tilespmem:s13], [sflag:$0x1] =	stream.linear.gather [hbm4b:s0+s2], $0x80, $0x38;
	[tilespmem:$0x10200] =	vst v63  }
0x2e8: {  	s30 =	sadd.s32 $0xC900, s11;
	s29 =	sand.u32 $0x1FFFFFF0, s28;
	s12 =	sadd.s32 s3, s26  }
0x2e9: {  	[tilespmem:s30], [sflag:$0x1] =	stream.linear.gather [hbm4b:s12+s2], $0x80, $0x38;
	[tilespmem:$0x10200] =	vst v63  }
0x2ea: {  	s31 =	sadd.s32 $0xC980, s11;
	s11 =	simm.s32 $0x40;
	s0 =	sadd.s32 s3, s29  }
0x2eb: {  	[tilespmem:s31], [sflag:$0x1] =	stream.linear.gather [hbm4b:s0+s2], $0x80, $0x38;
	[tilespmem:$0x10200] =	vst v63  }
.LBB2_28:
0x2ec: {  	p0 =	sne.s32 s11, $0x1  }
.Ltmp13:
0x2ed: {  	_ = 	snop;
	(pc) =	sbr.rel @p0 .LBB2_28-.Ltmp13, $4  }
0x2ee: {  	_ = 	snop  }
0x2ef: {  	_ =	swait.ge [sflag:s8], $0x80  }
0x2f0: {  	[sflag:s8] =	ssyncset.done $0x0  }
0x2f1: {  	s11 =	sadd.s32 $0xFFFFFFFF, s11;
	[sflag:s8] =	ssyncadd.s32 $0xFFFFFF80  }
0x2f2: {  	s12 =	simm.s32 $0x1C0  }
0x2f3: {  	v0 =	vld [tilespmem:s12+$0x0];
	_ =	sdelay $0x4  }
0x2f4: {  	v0 =	vshll.u32 v0, $0x4  }
0x2f5: {  	(v2sf) =	vpush v0, $0x0  }
0x2f6: {  	(v2sf) =	vpush v0, $0x1  }
0x2f7: {  	(v2sf) =	vpush v0, $0x2;
	_ =	sdelay $0x1  }
0x2f8: {  	(v2sf) =	vpush v0, $0x4;
	_ =	sdelay $0x1  }
0x2f9: {  	(v2sf) =	vpush v0, $0x3  }
0x2fa: {  	(v2sf) =	vpush v0, $0x5  }
0x2fb: {  	s13 =	simm.s32 $0x2000;
	s11 =	simm.s32 $0x0;
	(v2sf) =	vpush v0, $0x6  }
.LBB2_30:
0x2fc: {  	p0 =	sne.s32 s13, $0x6000  }
0x2fd: {  	s0 =	sadd.s32 $0xE280, s11;
	s17 =	sadd.s32 $0xE780, s11;
	s14 =	smov.u32 s13  }
0x2fe: {  	s13 =	sadd.s32 $0x2000, s13;
	s20 =	sadd.s32 $0xE580, s11;
	s15 =	sadd.s32 $0xE800, s11;
	(v2sf) =	vpush v0, $0x7  }
0x2ff: {  	s22 =	sadd.s32 $0xE480, s11;
	s19 =	sadd.s32 $0xE600, s11;
	s16 =	sadd.s32 $0xE880, s11  }
0x300: {  	s23 =	sadd.s32 $0xE200, s11;
	s24 =	sadd.s32 $0xE400, s11;
	(v2sf) =	vpush v0, $0x8  }
0x301: {  	s25 =	sadd.s32 $0xE500, s11;
	s12 =	sadd.s32 $0x10, s12  }
0x302: {  	s26 =	sadd.s32 $0xE300, s11;
	s18 =	sadd.s32 $0xE700, s11;
	s21 =	spop (v2sf);
	(v2sf) =	vpush v0, $0x9  }
0x303: {  	s28 =	sand.u32 $0x1FFFFFF0, s21;
	s21 =	sadd.s32 $0xE680, s11;
	s29 =	spop (v2sf)  }
0x304: {  	s28 =	sadd.s32 s3, s28;
	s29 =	sand.u32 $0x1FFFFFF0, s29;
	s30 =	spop (v2sf);
	(v2sf) =	vpush v0, $0xA  }
0x305: {  	[tilespmem:s23], [sflag:$0x1] =	stream.linear.gather [hbm4b:s28+s2], $0x80, $0x38;
	[tilespmem:$0x10200] =	vst v63  }
0x306: {  	s23 =	sadd.s32 s3, s29;
	s28 =	sadd.s32 $0xE380, s11;
	s29 =	spop (v2sf);
	(v2sf) =	vpush v0, $0xB  }
0x307: {  	[tilespmem:s0], [sflag:$0x1] =	stream.linear.gather [hbm4b:s23+s2], $0x80, $0x38;
	[tilespmem:$0x10200] =	vst v63  }
0x308: {  	s0 =	sand.u32 $0x1FFFFFF0, s30;
	s23 =	sand.u32 $0x1FFFFFF0, s29;
	s29 =	spop (v2sf);
	(v2sf) =	vpush v0, $0xC  }
0x309: {  	s0 =	sadd.s32 s3, s0;
	s29 =	sand.u32 $0x1FFFFFF0, s29;
	s30 =	spop (v2sf)  }
0x30a: {  	[tilespmem:s26], [sflag:$0x1] =	stream.linear.gather [hbm4b:s0+s2], $0x80, $0x38;
	(v2sf) =	vpush v0, $0xD;
	[tilespmem:$0x10200] =	vst v63  }
0x30b: {  	s0 =	sadd.s32 s3, s29;
	s26 =	sand.u32 $0x1FFFFFF0, s30;
	s29 =	spop (v2sf)  }
0x30c: {  	[tilespmem:s28], [sflag:$0x1] =	stream.linear.gather [hbm4b:s0+s2], $0x80, $0x38;
	(v2sf) =	vpush v0, $0xE;
	[tilespmem:$0x10200] =	vst v63  }
0x30d: {  	s0 =	sadd.s32 s3, s23;
	s23 =	sand.u32 $0x1FFFFFF0, s29;
	s28 =	spop (v2sf)  }
0x30e: {  	[tilespmem:s24], [sflag:$0x1] =	stream.linear.gather [hbm4b:s0+s2], $0x80, $0x38;
	(v2sf) =	vpush v0, $0xF;
	[tilespmem:$0x10200] =	vst v63  }
0x30f: {  	s0 =	sadd.s32 s3, s26;
	s24 =	sand.u32 $0x1FFFFFF0, s28;
	s26 =	spop (v2sf)  }
0x310: {  	[tilespmem:s22], [sflag:$0x1] =	stream.linear.gather [hbm4b:s0+s2], $0x80, $0x38;
	[tilespmem:$0x10200] =	vst v63  }
0x311: {  	s0 =	sadd.s32 s3, s23;
	s22 =	sand.u32 $0x1FFFFFF0, s26;
	s23 =	spop (v2sf)  }
0x312: {  	[tilespmem:s25], [sflag:$0x1] =	stream.linear.gather [hbm4b:s0+s2], $0x80, $0x38;
	[tilespmem:$0x10200] =	vst v63  }
0x313: {  	s0 =	sadd.s32 s3, s24;
	s23 =	sand.u32 $0x1FFFFFF0, s23;
	s24 =	spop (v2sf)  }
0x314: {  	[tilespmem:s20], [sflag:$0x1] =	stream.linear.gather [hbm4b:s0+s2], $0x80, $0x38;
	[tilespmem:$0x10200] =	vst v63  }
0x315: {  	s0 =	sadd.s32 s3, s22;
	s20 =	sand.u32 $0x1FFFFFF0, s24;
	s22 =	spop (v2sf)  }
0x316: {  	[tilespmem:s19], [sflag:$0x1] =	stream.linear.gather [hbm4b:s0+s2], $0x80, $0x38;
	[tilespmem:$0x10200] =	vst v63  }
0x317: {  	s0 =	sadd.s32 s3, s23;
	s19 =	sand.u32 $0x1FFFFFF0, s22;
	s22 =	spop (v2sf)  }
0x318: {  	[tilespmem:s21], [sflag:$0x1] =	stream.linear.gather [hbm4b:s0+s2], $0x80, $0x38;
	[tilespmem:$0x10200] =	vst v63  }
0x319: {  	s0 =	sadd.s32 s3, s20;
	s20 =	sand.u32 $0x1FFFFFF0, s22;
	s21 =	spop (v2sf)  }
0x31a: {  	[tilespmem:s18], [sflag:$0x1] =	stream.linear.gather [hbm4b:s0+s2], $0x80, $0x38;
	[tilespmem:$0x10200] =	vst v63  }
0x31b: {  	s0 =	sadd.s32 s3, s19;
	s18 =	sand.u32 $0x1FFFFFF0, s21;
	s19 =	spop (v2sf)  }
0x31c: {  	[tilespmem:s17], [sflag:$0x1] =	stream.linear.gather [hbm4b:s0+s2], $0x80, $0x38;
	[tilespmem:$0x10200] =	vst v63  }
0x31d: {  	s0 =	sadd.s32 s3, s20;
	s17 =	sand.u32 $0x1FFFFFF0, s19;
	s19 =	spop (v2sf)  }
0x31e: {  	[tilespmem:s15], [sflag:$0x1] =	stream.linear.gather [hbm4b:s0+s2], $0x80, $0x38;
	[tilespmem:$0x10200] =	vst v63  }
0x31f: {  	s0 =	sadd.s32 s3, s18;
	s15 =	sand.u32 $0x1FFFFFF0, s19  }
0x320: {  	[tilespmem:s16], [sflag:$0x1] =	stream.linear.gather [hbm4b:s0+s2], $0x80, $0x38;
	[tilespmem:$0x10200] =	vst v63  }
0x321: {  	s0 =	sadd.s32 $0xE900, s11;
	s16 =	sadd.s32 s3, s17  }
0x322: {  	[tilespmem:s0], [sflag:$0x1] =	stream.linear.gather [hbm4b:s16+s2], $0x80, $0x38;
	[tilespmem:$0x10200] =	vst v63  }
0x323: {  	s0 =	sadd.s32 $0xE980, s11;
	s11 =	sadd.s32 s3, s15  }
0x324: {  	[tilespmem:s0], [sflag:$0x1] =	stream.linear.gather [hbm4b:s11+s2], $0x80, $0x38;
	[tilespmem:$0x10200] =	vst v63  }
0x325: {  	v0 =	vld [tilespmem:s12+$0x0];
	_ =	sdelay $0x4  }
0x326: {  	v0 =	vshll.u32 v0, $0x4  }
0x327: {  	(v2sf) =	vpush v0, $0x0  }
0x328: {  	(v2sf) =	vpush v0, $0x1  }
0x329: {  	(v2sf) =	vpush v0, $0x2;
	_ =	sdelay $0x1  }
0x32a: {  	(v2sf) =	vpush v0, $0x4  }
.Ltmp14:
0x32b: {  	(pc) =	sbr.rel @p0 .LBB2_30-.Ltmp14, $3  }
0x32c: {  	(v2sf) =	vpush v0, $0x3  }
0x32d: {  	(v2sf) =	vpush v0, $0x5;
	_ =	sdelay $0x1  }
0x32e: {  	s11 =	sshra.s32 s14, $0x2;
	(v2sf) =	vpush v0, $0x6  }
0x32f: {  	_ =	sdelay $0x1  }
0x330: {  	s0 =	sadd.s32 $0xE280, s11;
	s14 =	sadd.s32 $0xE780, s11  }
0x331: {  	s15 =	sadd.s32 $0xE580, s11;
	s12 =	sadd.s32 $0xE800, s11;
	(v2sf) =	vpush v0, $0x7;
	s16 =	sadd.s32 $0xE480, s11  }
0x332: {  	s17 =	sadd.s32 $0xE600, s11;
	s13 =	sadd.s32 $0xE880, s11;
	s18 =	sadd.s32 $0xE200, s11  }
0x333: {  	s19 =	sadd.s32 $0xE400, s11;
	s20 =	sadd.s32 $0xE500, s11;
	(v2sf) =	vpush v0, $0x8;
	s21 =	spop (v2sf)  }
0x334: {  	s22 =	sadd.s32 $0xE300, s11;
	s21 =	sand.u32 $0x1FFFFFF0, s21;
	s23 =	spop (v2sf)  }
0x335: {  	(v2sf) =	vpush v0, $0x9;
	s21 =	sadd.s32 s3, s21;
	s23 =	sand.u32 $0x1FFFFFF0, s23;
	s24 =	spop (v2sf)  }
0x336: {  	[tilespmem:s18], [sflag:$0x1] =	stream.linear.gather [hbm4b:s21+s2], $0x80, $0x38;
	[tilespmem:$0x10200] =	vst v63  }
0x337: {  	s25 =	sadd.s32 $0xE380, s11;
	(v2sf) =	vpush v0, $0xA;
	s30 =	sadd.s32 s3, s23;
	s31 =	spop (v2sf)  }
0x338: {  	[tilespmem:s0], [sflag:$0x1] =	stream.linear.gather [hbm4b:s30+s2], $0x80, $0x38;
	[tilespmem:$0x10200] =	vst v63  }
0x339: {  	s18 =	sadd.s32 $0xE700, s11;
	s24 =	sand.u32 $0x1FFFFFF0, s24;
	(v2sf) =	vpush v0, $0xB;
	s26 =	spop (v2sf)  }
0x33a: {  	s21 =	sadd.s32 s3, s24;
	s0 =	sadd.s32 $0xE680, s11;
	s24 =	sand.u32 $0x1FFFFFF0, s26  }
0x33b: {  	(v2sf) =	vpush v0, $0xC;
	[tilespmem:s22], [sflag:$0x1] =	stream.linear.gather [hbm4b:s21+s2], $0x80, $0x38;
	[tilespmem:$0x10200] =	vst v63  }
0x33c: {  	s28 =	sand.u32 $0x1FFFFFF0, s31;
	s29 =	spop (v2sf);
	s30 =	sadd.s32 s3, s24  }
0x33d: {  	(v2sf) =	vpush v0, $0xD;
	[tilespmem:s25], [sflag:$0x1] =	stream.linear.gather [hbm4b:s30+s2], $0x80, $0x38;
	[tilespmem:$0x10200] =	vst v63  }
0x33e: {  	s21 =	sadd.s32 s3, s28;
	s22 =	sand.u32 $0x1FFFFFF0, s29;
	s31 =	spop (v2sf)  }
0x33f: {  	(v2sf) =	vpush v0, $0xE;
	[tilespmem:s19], [sflag:$0x1] =	stream.linear.gather [hbm4b:s21+s2], $0x80, $0x38;
	[tilespmem:$0x10200] =	vst v63  }
0x340: {  	s22 =	sadd.s32 s3, s22;
	s23 =	sand.u32 $0x1FFFFFF0, s31;
	s24 =	spop (v2sf)  }
0x341: {  	(v2sf) =	vpush v0, $0xF;
	[tilespmem:s16], [sflag:$0x1] =	stream.linear.gather [hbm4b:s22+s2], $0x80, $0x38;
	[tilespmem:$0x10200] =	vst v63  }
0x342: {  	s25 =	sand.u32 $0x1FFFFFF0, s24;
	s26 =	spop (v2sf);
	s19 =	sadd.s32 s3, s23  }
0x343: {  	[tilespmem:s20], [sflag:$0x1] =	stream.linear.gather [hbm4b:s19+s2], $0x80, $0x38;
	[tilespmem:$0x10200] =	vst v63  }
0x344: {  	s28 =	sand.u32 $0x1FFFFFF0, s26;
	s16 =	sadd.s32 s3, s25;
	s29 =	spop (v2sf)  }
0x345: {  	[tilespmem:s15], [sflag:$0x1] =	stream.linear.gather [hbm4b:s16+s2], $0x80, $0x38;
	[tilespmem:$0x10200] =	vst v63  }
0x346: {  	s19 =	sadd.s32 s3, s28;
	s30 =	sand.u32 $0x1FFFFFF0, s29;
	s31 =	spop (v2sf)  }
0x347: {  	[tilespmem:s17], [sflag:$0x1] =	stream.linear.gather [hbm4b:s19+s2], $0x80, $0x38;
	[tilespmem:$0x10200] =	vst v63  }
0x348: {  	s16 =	sand.u32 $0x1FFFFFF0, s31;
	s15 =	sadd.s32 s3, s30;
	s20 =	spop (v2sf)  }
0x349: {  	[tilespmem:s0], [sflag:$0x1] =	stream.linear.gather [hbm4b:s15+s2], $0x80, $0x38;
	[tilespmem:$0x10200] =	vst v63  }
0x34a: {  	s16 =	sadd.s32 s3, s16;
	s21 =	sand.u32 $0x1FFFFFF0, s20;
	s22 =	spop (v2sf)  }
0x34b: {  	[tilespmem:s18], [sflag:$0x1] =	stream.linear.gather [hbm4b:s16+s2], $0x80, $0x38;
	[tilespmem:$0x10200] =	vst v63  }
0x34c: {  	s0 =	sadd.s32 s3, s21;
	s15 =	sand.u32 $0x1FFFFFF0, s22;
	s23 =	spop (v2sf)  }
0x34d: {  	[tilespmem:s14], [sflag:$0x1] =	stream.linear.gather [hbm4b:s0+s2], $0x80, $0x38;
	[tilespmem:$0x10200] =	vst v63  }
0x34e: {  	s24 =	sand.u32 $0x1FFFFFF0, s23;
	s15 =	sadd.s32 s3, s15;
	s25 =	spop (v2sf)  }
0x34f: {  	[tilespmem:s12], [sflag:$0x1] =	stream.linear.gather [hbm4b:s15+s2], $0x80, $0x38;
	[tilespmem:$0x10200] =	vst v63  }
0x350: {  	s26 =	sand.u32 $0x1FFFFFF0, s25;
	s28 =	spop (v2sf);
	s0 =	sadd.s32 s3, s24  }
0x351: {  	[tilespmem:s13], [sflag:$0x1] =	stream.linear.gather [hbm4b:s0+s2], $0x80, $0x38;
	[tilespmem:$0x10200] =	vst v63  }
0x352: {  	s30 =	sadd.s32 $0xE900, s11;
	s29 =	sand.u32 $0x1FFFFFF0, s28;
	s12 =	sadd.s32 s3, s26  }
0x353: {  	[tilespmem:s30], [sflag:$0x1] =	stream.linear.gather [hbm4b:s12+s2], $0x80, $0x38;
	[tilespmem:$0x10200] =	vst v63  }
0x354: {  	s31 =	sadd.s32 $0xE980, s11;
	s0 =	sadd.s32 s3, s29  }
0x355: {  	[tilespmem:s31], [sflag:$0x1] =	stream.linear.gather [hbm4b:s0+s2], $0x80, $0x38;
	[tilespmem:$0x10200] =	vst v63  }
0x356: {  	_ =	swait.ge [sflag:s8], $0x80  }
0x357: {  	s11 =	simm.s32 $0x3F;
	[sflag:s8] =	ssyncset.done $0x0  }
.LBB2_32:
0x358: {  	p0 =	sne.s32 s11, $0x1;
	s11 =	sadd.s32 $0xFFFFFFFF, s11;
	[sflag:s8] =	ssyncadd.s32 $0xFFFFFF80  }
.Ltmp15:
0x359: {  	(pc) =	sbr.rel @p0 .LBB2_32-.Ltmp15, $3  }
0x35a: {  	_ =	sdelay $0x1  }
0x35b: {  	_ =	swait.ge [sflag:s8], $0x80  }
0x35c: {  	[sflag:s8] =	ssyncset.done $0x0  }
0x35d: {  	s10 =	sadd.s32 $0x1, s10  }
0x35e: {  	p0 =	sne.s32 s10, s6  }
.Ltmp16:
0x35f: {  	[sflag:s8] =	ssyncadd.s32 $0xFFFFFF80;
	(pc) =	sbr.rel @p0 .LBB2_1-.Ltmp16, $4  }
0x360: {  	[hbm4b:s5+s2] =	stream.linear.scatter [tilespmem:s9], [sflag:$0x2], $0x10000, $0x38;
	[tilespmem:$0x10200] =	vst v63  }
0x361: {  	_ =	swait.ge [sflag:s7], $0x10000  }
0x362: {  	[sflag:s7] =	ssyncset.done $0x0  }
0x363: {  	[sflag:s7] =	ssyncadd.s32 $0xFFFF0000  }
0x364: {  	_ =	sfence.sel $0x180000  }
0x365: {  	[bflag:$0x0] =	sbarrier.arrive $0xFFFF  }
0x366: {  	_ =	strace $0x90000047  }
0x367: {  	[bflag:$0x2] =	sbarrier.arrive $0xFFFF  }
0x368: {  	p0 =	sne.s32 s1, $0x0;
	s0 =	rddreg [dreg:$0x2]  }
0x369: {  	s0 =	sadd.s32 @!p0 $0x100000, s0  }
0x36a: {  	[sflag:s0] =	ssyncadd.tile.s32 @!p0 $0x1;
	_ =	shalt  }
.Lfunc_end2:
_tile_overlayer_lowered:
.L_overlay_start_2:
0x36b: {  	(tag) =	ssettag $0x2  }
0x36c: {  	s0 =	rddreg [dreg:$0x0];
	s2 =	stileid.u32  }
0x36d: {  	s1 =	rddreg [dreg:$0x1];
	p0 =	sne.s32 s2, $0x0  }
0x36e: {  	s3 =	rddreg [dreg:$0x2];
	[bflag:$0x3] =	sbarrier.arrive $0xFFFF;
	s2 =	simm.s32 @!p0 $0x1C02  }
0x36f: {  	[timem:s3], [sflag:s2] =	dma.local @!p0 [hbm:s0], s1  }
0x370: {  	s0 =	simm.s32 @!p0 $0x2  }
0x371: {  	_ =	swait.ge @!p0 [sflag:s0], s1  }
0x372: {  	s1 =	ssub.s32 @!p0 $0x0, s1;
	[sflag:s0] =	ssyncset.done @!p0 $0x0  }
0x373: {  	[sflag:s0] =	ssyncadd.s32 @!p0 s1  }
0x374: {  	[bflag:$0x3] =	sbarrier.arrive $0xFFFF  }
0x375: {  	_ =	shalt  }

</sc_bundles>
